<compile_context>
chip_gen: v7x
topology: tpu7x:2x2x1
jax: 0.10.2.dev20260603
libtpu: 0.0.44.dev20260713+nightly
codegen_flags: <defaults>
</compile_context>

<pallas_src>
import functools

import numpy as np
import jax
import jax.numpy as jnp
from jax import lax
from jax.experimental import pallas as pl
from jax.experimental.pallas import tpu as pltpu
from jax.experimental.pallas import tpu_sc as plsc

NH = 8
NL = 4
NP = 4
DM = 256
HD = 32
LP = NL * NP
LVL_SHAPES = [(48, 48), (24, 24), (12, 12), (6, 6)]
LEN = sum(h * w for h, w in LVL_SHAPES)
LEN_P = 3072
BS = 4
QB = 768
NBLK = LEN_P // QB
QC = 32
NCH = LEN_P // QC

_l_of_col = (np.arange(NH * LP) // NP) % NL
_W_f = np.array([w for h, w in LVL_SHAPES], np.float32)
_H_f = np.array([h for h, w in LVL_SHAPES], np.float32)
_hw = np.array([h * w for h, w in LVL_SHAPES], np.int64)
_start = np.concatenate([[0], np.cumsum(_hw)[:-1]]).astype(np.int32)
_cf = np.zeros((8, NH * LP), np.float32)
_cf[_l_of_col, np.arange(NH * LP)] = 1.0
_cf[4] = _W_f[_l_of_col]
_cf[5] = _H_f[_l_of_col]
CONST_F = _cf
_ci = np.zeros((8, NH * LP), np.int32)
_ci[0] = _W_f[_l_of_col].astype(np.int32)
_ci[1] = _H_f[_l_of_col].astype(np.int32)
_ci[2] = _start[_l_of_col]
CONST_I = _ci


def _prep_body(q_ref, x_ref, rpx_ref, rpy_ref, wval_ref, bval_ref,
               wx_ref, bx_ref, wy_ref, by_ref, wa_ref, ba_ref,
               cf_ref, ci_ref, val_out, idx_out, w_out):
    f32 = jnp.float32
    cd = (((1,), (1,)), ((), ()))
    q = q_ref[0]
    x_in = x_ref[0]
    val_out[0] = (lax.dot_general(x_in, wval_ref[...], cd,
                                  preferred_element_type=f32,
                                  precision=lax.Precision.HIGHEST)
                  + bval_ref[...])
    offx = lax.dot_general(q, wx_ref[...], cd, preferred_element_type=f32, precision=lax.Precision.HIGHEST) + bx_ref[...]
    offy = lax.dot_general(q, wy_ref[...], cd, preferred_element_type=f32, precision=lax.Precision.HIGHEST) + by_ref[...]
    logits = lax.dot_general(q, wa_ref[...], cd, preferred_element_type=f32, precision=lax.Precision.HIGHEST) + ba_ref[...]
    l3 = logits.reshape(QB, NH, LP)
    l3 = l3 - jnp.max(l3, axis=2, keepdims=True)
    e = jnp.exp(l3)
    aw = (e / jnp.sum(e, axis=2, keepdims=True)).reshape(QB, NH * LP)

    sel = cf_ref[0:NL]
    col_w = cf_ref[4:5]
    col_h = cf_ref[5:6]
    col_wi = ci_ref[0:1]
    col_hi = ci_ref[1:2]
    col_start = ci_ref[2:3]
    cd0 = (((1,), (0,)), ((), ()))
    rx = lax.dot_general(rpx_ref[0], sel, cd0, preferred_element_type=f32, precision=lax.Precision.HIGHEST)
    ry = lax.dot_general(rpy_ref[0], sel, cd0, preferred_element_type=f32, precision=lax.Precision.HIGHEST)
    x = rx * col_w + offx - 0.5
    y = ry * col_h + offy - 0.5
    x0f = jnp.floor(x)
    y0f = jnp.floor(y)
    fx = x - x0f
    fy = y - y0f
    ix0 = x0f.astype(jnp.int32)
    iy0 = y0f.astype(jnp.int32)
    one = jnp.float32(1.0)
    vx0 = ((x0f >= 0) & (x0f <= col_w - 1)).astype(f32)
    vx1 = ((x0f + 1 >= 0) & (x0f + 1 <= col_w - 1)).astype(f32)
    vy0 = ((y0f >= 0) & (y0f <= col_h - 1)).astype(f32)
    vy1 = ((y0f + 1 >= 0) & (y0f + 1 <= col_h - 1)).astype(f32)
    cx0 = jnp.clip(ix0, 0, col_wi - 1)
    cx1 = jnp.clip(ix0 + 1, 0, col_wi - 1)
    cy0 = jnp.clip(iy0, 0, col_hi - 1)
    cy1 = jnp.clip(iy0 + 1, 0, col_hi - 1)
    r00 = (col_start + cy0 * col_wi + cx0) * HD
    r01 = (col_start + cy0 * col_wi + cx1) * HD
    r10 = (col_start + cy1 * col_wi + cx0) * HD
    r11 = (col_start + cy1 * col_wi + cx1) * HD
    w00 = (one - fx) * (one - fy) * vx0 * vy0 * aw
    w01 = fx * (one - fy) * vx1 * vy0 * aw
    w10 = (one - fx) * fy * vx0 * vy1 * aw
    w11 = fx * fy * vx1 * vy1 * aw
    idx_out[0, :, 0, :] = r00
    idx_out[0, :, 1, :] = r01
    idx_out[0, :, 2, :] = r10
    idx_out[0, :, 3, :] = r11
    w_out[0, :, 0, :] = w00
    w_out[0, :, 1, :] = w01
    w_out[0, :, 2, :] = w10
    w_out[0, :, 3, :] = w11


_prep_call = pl.pallas_call(
    _prep_body,
    grid=(BS, NBLK),
    in_specs=[
        pl.BlockSpec((1, QB, DM), lambda b, i: (b, i, 0)),
        pl.BlockSpec((1, QB, DM), lambda b, i: (b, i, 0)),
        pl.BlockSpec((1, QB, NL), lambda b, i: (b, i, 0)),
        pl.BlockSpec((1, QB, NL), lambda b, i: (b, i, 0)),
        pl.BlockSpec((DM, DM), lambda b, i: (0, 0)),
        pl.BlockSpec((1, DM), lambda b, i: (0, 0)),
        pl.BlockSpec((NH * LP, DM), lambda b, i: (0, 0)),
        pl.BlockSpec((1, NH * LP), lambda b, i: (0, 0)),
        pl.BlockSpec((NH * LP, DM), lambda b, i: (0, 0)),
        pl.BlockSpec((1, NH * LP), lambda b, i: (0, 0)),
        pl.BlockSpec((NH * LP, DM), lambda b, i: (0, 0)),
        pl.BlockSpec((1, NH * LP), lambda b, i: (0, 0)),
        pl.BlockSpec((8, NH * LP), lambda b, i: (0, 0)),
        pl.BlockSpec((8, NH * LP), lambda b, i: (0, 0)),
    ],
    out_specs=[
        pl.BlockSpec((1, QB, DM), lambda b, i: (b, i, 0)),
        pl.BlockSpec((1, QB, 4, NH * LP), lambda b, i: (b, i, 0, 0)),
        pl.BlockSpec((1, QB, 4, NH * LP), lambda b, i: (b, i, 0, 0)),
    ],
    out_shape=[
        jax.ShapeDtypeStruct((BS, LEN_P, DM), jnp.float32),
        jax.ShapeDtypeStruct((BS, LEN_P, 4, NH * LP), jnp.int32),
        jax.ShapeDtypeStruct((BS, LEN_P, 4, NH * LP), jnp.float32),
    ],
)


def _sc_body(value_hbm, idx_hbm, w_hbm, out_hbm,
             plane_v, idx_v, w_v, out_v, sem_pl, sem_in, sem_out):
    cid = lax.axis_index("c")
    sid = lax.axis_index("s")
    wid = sid * 2 + cid
    b = wid // NH
    h = wid % NH
    plane_words = LEN_P * HD
    pltpu.async_copy(
        value_hbm.at[pl.ds(wid * plane_words, plane_words)], plane_v, sem_pl
    ).wait()
    iota = lax.iota(jnp.int32, 16)
    iota_hi = iota + 16

    lane_consts = [jnp.full((16,), j, jnp.int32) for j in range(LP)]

    def fire_in(ci, sl):
        pltpu.async_copy(
            idx_hbm.at[b, h, pl.ds(ci * QC, QC)], idx_v.at[sl], sem_in)
        pltpu.async_copy(
            w_hbm.at[b, h, pl.ds(ci * QC, QC)], w_v.at[sl], sem_in)

    def drain_in(sl):
        pltpu.make_async_copy(
            idx_hbm.at[b, h, pl.ds(0, QC)], idx_v.at[sl], sem_in).wait()
        pltpu.make_async_copy(
            w_hbm.at[b, h, pl.ds(0, QC)], w_v.at[sl], sem_in).wait()

    def drain_out(sl):
        pltpu.make_async_copy(
            out_v.at[sl], out_hbm.at[b, h, pl.ds(0, QC)], sem_out).wait()

    fire_in(0, 0)
    fire_in(1, 1)

    def pair_body(pi, carry):
        for sl in range(2):
            ci = 2 * pi + sl
            drain_in(sl)

            @pl.when(pi >= 1)
            def _():
                drain_out(sl)

            @plsc.parallel_loop(0, QC, unroll=2)
            def q_body(qi):
                accs = [jnp.zeros((16,), jnp.float32) for _ in range(8)]
                for k in range(4):
                    ivec = idx_v[sl, qi, pl.ds(k * LP, LP)]
                    wvec = w_v[sl, qi, pl.ds(k * LP, LP)]
                    for j in range(LP):
                        rv = jnp.take_along_axis(
                            ivec, lane_consts[j], axis=0,
                            mode="promise_in_bounds")
                        wv = jnp.take_along_axis(
                            wvec, lane_consts[j], axis=0,
                            mode="promise_in_bounds")
                        g0 = plsc.load_gather(plane_v, [rv + iota])
                        g1 = plsc.load_gather(plane_v, [rv + iota_hi])
                        accs[2 * k] = accs[2 * k] + wv * g0
                        accs[2 * k + 1] = accs[2 * k + 1] + wv * g1
                out_v[sl, qi, pl.ds(0, 16)] = (
                    (accs[0] + accs[2]) + (accs[4] + accs[6]))
                out_v[sl, qi, pl.ds(16, 16)] = (
                    (accs[1] + accs[3]) + (accs[5] + accs[7]))

            pltpu.async_copy(
                out_v.at[sl], out_hbm.at[b, h, pl.ds(ci * QC, QC)], sem_out)

            @pl.when(pi < NCH // 2 - 1)
            def _():
                fire_in(ci + 2, sl)
        return carry

    lax.fori_loop(0, NCH // 2, pair_body, 0)
    drain_out(0)
    drain_out(1)


@functools.cache
def _get_sc_call():
    return pl.kernel(
        _sc_body,
        out_type=jax.ShapeDtypeStruct((BS, NH, LEN_P, HD), jnp.float32),
        mesh=plsc.VectorSubcoreMesh(core_axis_name="c", subcore_axis_name="s"),
        compiler_params=pltpu.CompilerParams(needs_layout_passes=False),
        scratch_types=[
            pltpu.VMEM((LEN_P * HD,), jnp.float32),
            pltpu.VMEM((2, QC, 4 * LP), jnp.int32),
            pltpu.VMEM((2, QC, 4 * LP), jnp.float32),
            pltpu.VMEM((2, QC, HD), jnp.float32),
            pltpu.SemaphoreType.DMA,
            pltpu.SemaphoreType.DMA,
            pltpu.SemaphoreType.DMA,
        ],
    )


def _out_body(a_ref, w_ref, b_ref, o_ref):
    cd = (((1,), (1,)), ((), ()))
    a = a_ref[0]
    acc = b_ref[...]
    w = w_ref[...]
    outs = []
    for h in range(NH):
        wh = w[:, h * HD:(h + 1) * HD]
        outs.append(lax.dot_general(a[h], wh, cd,
                                    preferred_element_type=jnp.float32, precision=lax.Precision.HIGHEST))
    o_ref[0] = ((outs[0] + outs[1]) + (outs[2] + outs[3])
                + (outs[4] + outs[5]) + (outs[6] + outs[7]) + acc)


_out_call = pl.pallas_call(
    _out_body,
    grid=(BS, NBLK),
    in_specs=[
        pl.BlockSpec((1, NH, QB, HD), lambda b, i: (b, 0, i, 0)),
        pl.BlockSpec((DM, DM), lambda b, i: (0, 0)),
        pl.BlockSpec((1, DM), lambda b, i: (0, 0)),
    ],
    out_specs=pl.BlockSpec((1, QB, DM), lambda b, i: (b, i, 0)),
    out_shape=jax.ShapeDtypeStruct((BS, LEN_P, DM), jnp.float32),
)


def kernel(query, reference_points, input_flatten, input_spatial_shapes,
           input_level_start_index, W_off, b_off, W_attn, b_attn,
           W_val, b_val, W_out, b_out):
    del input_spatial_shapes, input_level_start_index
    Wx = W_off[0::2]
    Wy = W_off[1::2]
    bx = b_off[0::2].reshape(1, NH * LP)
    by = b_off[1::2].reshape(1, NH * LP)
    pad = ((0, 0), (0, LEN_P - LEN), (0, 0))
    query_p = jnp.pad(query, pad)
    xf_p = jnp.pad(input_flatten, pad)
    rpx = jnp.pad(reference_points[..., 0], pad)
    rpy = jnp.pad(reference_points[..., 1], pad)
    value, idxs, ws = _prep_call(
        query_p, xf_p, rpx, rpy, W_val, b_val.reshape(1, DM),
        Wx, bx, Wy, by, W_attn, b_attn.reshape(1, NH * LP),
        jnp.asarray(CONST_F), jnp.asarray(CONST_I))
    value_sc = value.reshape(BS, LEN_P, NH, HD).transpose(0, 2, 1, 3).reshape(-1)
    idx_sc = (idxs.reshape(BS, LEN_P, 4, NH, LP)
              .transpose(0, 3, 1, 2, 4).reshape(BS, NH, LEN_P, 4 * LP))
    w_sc = (ws.reshape(BS, LEN_P, 4, NH, LP)
            .transpose(0, 3, 1, 2, 4).reshape(BS, NH, LEN_P, 4 * LP))
    attn = _get_sc_call()(value_sc, idx_sc, w_sc)
    return _out_call(attn, W_out, b_out.reshape(1, DM))[:, :LEN]

# --- scband reference (transcript-rebuilt; emitter-appended) ---
"""Pipeline reference for scband-msdeform-attention-38860864094565 (READ-ONLY COPY).

The authoritative reference and input builder live on the scoring server;
editing this copy changes nothing except your own understanding.
"""

import jax, jax.numpy as jnp
import numpy as np

N_HEADS = 8
N_LEVELS = 4
N_POINTS = 4
D_MODEL = 256
SHAPES = [(48, 48), (24, 24), (12, 12), (6, 6)]


def _grid_sample(im, grid):
    # im: (N, C, H, W); grid: (N, Hg, Wg, 2) in [-1, 1]
    # bilinear, padding_mode='zeros', align_corners=False
    N, C, H, W = im.shape
    Hg, Wg = grid.shape[1], grid.shape[2]
    x = (grid[..., 0] + 1.0) * (W * 0.5) - 0.5
    y = (grid[..., 1] + 1.0) * (H * 0.5) - 0.5
    x0 = jnp.floor(x); y0 = jnp.floor(y)
    x1 = x0 + 1.0; y1 = y0 + 1.0
    wx1 = x - x0; wx0 = 1.0 - wx1
    wy1 = y - y0; wy0 = 1.0 - wy1
    flat = im.reshape(N, C, H * W)
    def gather(ix, iy):
        valid = ((ix >= 0) & (ix <= W - 1) & (iy >= 0) & (iy <= H - 1)).astype(im.dtype)
        ixc = jnp.clip(ix, 0, W - 1).astype(jnp.int32)
        iyc = jnp.clip(iy, 0, H - 1).astype(jnp.int32)
        idx = (iyc * W + ixc).reshape(N, 1, Hg * Wg)
        idx = jnp.broadcast_to(idx, (N, C, Hg * Wg))
        g = jnp.take_along_axis(flat, idx, axis=2).reshape(N, C, Hg, Wg)
        return g * valid.reshape(N, 1, Hg, Wg)
    out = (gather(x0, y0) * (wx0 * wy0)[:, None]
           + gather(x1, y0) * (wx1 * wy0)[:, None]
           + gather(x0, y1) * (wx0 * wy1)[:, None]
           + gather(x1, y1) * (wx1 * wy1)[:, None])
    return out


def setup_inputs(seed: int = 0):
    key = jax.random.key(seed)
    ks = jax.random.split(key, 12)
    bs = 4
    len_in = sum(h * w for h, w in SHAPES)
    len_q = len_in
    query = jax.random.normal(ks[0], (bs, len_q, D_MODEL), dtype=jnp.float32)
    reference_points = jax.random.uniform(ks[1], (bs, len_q, N_LEVELS, 2), dtype=jnp.float32)
    input_flatten = jax.random.normal(ks[2], (bs, len_in, D_MODEL), dtype=jnp.float32)
    input_spatial_shapes = jnp.array(SHAPES, dtype=jnp.int32)
    hw = np.array([h * w for h, w in SHAPES])
    input_level_start_index = jnp.array(np.concatenate([[0], np.cumsum(hw)[:-1]]), dtype=jnp.int32)
    # parameters (faithful to _reset_parameters for sampling_offsets bias)
    thetas = jnp.arange(N_HEADS, dtype=jnp.float32) * (2.0 * np.pi / N_HEADS)
    grid_init = jnp.stack([jnp.cos(thetas), jnp.sin(thetas)], -1)
    grid_init = grid_init / jnp.max(jnp.abs(grid_init), axis=-1, keepdims=True)
    grid_init = jnp.tile(grid_init[:, None, None, :], (1, N_LEVELS, N_POINTS, 1))
    grid_init = grid_init * (jnp.arange(N_POINTS, dtype=jnp.float32) + 1.0)[None, None, :, None]
    b_off = grid_init.reshape(-1)
    W_off = jax.random.normal(ks[3], (N_HEADS * N_LEVELS * N_POINTS * 2, D_MODEL), dtype=jnp.float32) * 0.01
    W_attn = jax.random.normal(ks[4], (N_HEADS * N_LEVELS * N_POINTS, D_MODEL), dtype=jnp.float32) * 0.02
    b_attn = jnp.zeros((N_HEADS * N_LEVELS * N_POINTS,), dtype=jnp.float32)
    xav = 1.0 / np.sqrt(D_MODEL)
    W_val = jax.random.normal(ks[5], (D_MODEL, D_MODEL), dtype=jnp.float32) * xav
    b_val = jnp.zeros((D_MODEL,), dtype=jnp.float32)
    W_out = jax.random.normal(ks[6], (D_MODEL, D_MODEL), dtype=jnp.float32) * xav
    b_out = jnp.zeros((D_MODEL,), dtype=jnp.float32)
    return {"query": query, "reference_points": reference_points, "input_flatten": input_flatten,
            "input_spatial_shapes": input_spatial_shapes, "input_level_start_index": input_level_start_index,
            "W_off": W_off, "b_off": b_off, "W_attn": W_attn, "b_attn": b_attn,
            "W_val": W_val, "b_val": b_val, "W_out": W_out, "b_out": b_out}


def reference(query, reference_points, input_flatten, input_spatial_shapes, input_level_start_index,
              W_off, b_off, W_attn, b_attn, W_val, b_val, W_out, b_out):
    n, len_q, C = query.shape
    d = C // N_HEADS
    value = (input_flatten @ W_val.T + b_val).reshape(n, -1, N_HEADS, d)
    off = (query @ W_off.T + b_off).reshape(n, len_q, N_HEADS, N_LEVELS, N_POINTS, 2)
    aw = (query @ W_attn.T + b_attn).reshape(n, len_q, N_HEADS, N_LEVELS * N_POINTS)
    aw = jax.nn.softmax(aw, axis=-1).reshape(n, len_q, N_HEADS, N_LEVELS, N_POINTS)
    offset_normalizer = jnp.stack([input_spatial_shapes[:, 1], input_spatial_shapes[:, 0]], -1).astype(query.dtype)
    loc = reference_points[:, :, None, :, None, :] + off / offset_normalizer[None, None, None, :, None, :]
    grids = 2.0 * loc - 1.0
    shapes = SHAPES
    start = 0
    svals = []
    for lvl, (h, w) in enumerate(shapes):
        hw = h * w
        v_l = value[:, start:start + hw].transpose(0, 2, 3, 1).reshape(n * N_HEADS, d, h, w)
        start += hw
        g_l = grids[:, :, :, lvl].transpose(0, 2, 1, 3, 4).reshape(n * N_HEADS, len_q, N_POINTS, 2)
        svals.append(_grid_sample(v_l, g_l))
    aw2 = aw.transpose(0, 2, 1, 3, 4).reshape(n * N_HEADS, 1, len_q, N_LEVELS * N_POINTS)
    out = (jnp.stack(svals, axis=-2).reshape(n * N_HEADS, d, len_q, N_LEVELS * N_POINTS) * aw2).sum(-1)
    out = out.reshape(n, N_HEADS * d, len_q).transpose(0, 2, 1)
    return out @ W_out.T + b_out

if __name__ == "__main__":
    import jax
    _d = setup_inputs()
    print(jax.jit(kernel)(*tuple(_d.values())))

</pallas_src>

<mosaic_0001>
#map = affine_map<(d0, d1) -> (0)>
#map1 = affine_map<(d0, d1) -> (0, 0, 0, 0)>
module attributes {stable_mosaic.version = 14 : i64} {
  func.func @_sc_body(%arg0: i32, %arg1: i32, %arg2: memref<3145728xf32, #tpu.memory_space<hbm>>, %arg3: memref<4x8x3072x64xi32, #tpu.memory_space<hbm>>, %arg4: memref<4x8x3072x64xf32, #tpu.memory_space<hbm>>, %arg5: memref<4x8x3072x32xf32, #tpu.memory_space<hbm>>, %arg6: memref<98304xf32, #tpu.memory_space<vmem>>, %arg7: memref<2x32x64xi32, #tpu.memory_space<vmem>>, %arg8: memref<2x32x64xf32, #tpu.memory_space<vmem>>, %arg9: memref<2x32x32xf32, #tpu.memory_space<vmem>>, %arg10: memref<!tpu.dma_semaphore, #tpu.memory_space<semaphore_mem>>, %arg11: memref<!tpu.dma_semaphore, #tpu.memory_space<semaphore_mem>>, %arg12: memref<!tpu.dma_semaphore, #tpu.memory_space<semaphore_mem>>) attributes {dimension_semantics = [#tpu.dimension_semantics<core_parallel>, #tpu.dimension_semantics<subcore_parallel>], iteration_bounds = array<i64: 2, 16>, scalar_prefetch = 0 : i64, scratch_operands = 7 : i64, tpu.core_type = #tpu.core_type<sc_vector_subcore>, window_params = [{transform_indices = #map}, {transform_indices = #map1}, {transform_indices = #map1}, {transform_indices = #map1}]} {
    %mul3A = arith.constant 2 : i32
    %mul3A_0 = arith.muli %arg1, %mul3A : i32
    %add3A = arith.addi %mul3A_0, %arg0 : i32
    %jit3A = arith.constant 8 : i32
    %div3A = arith.divsi %add3A, %jit3A : i32
    %sign3A = arith.constant 0 : i32
    %sign3A_1 = arith.cmpi sgt, %add3A, %sign3A : i32
    %sign3A_2 = arith.extui %sign3A_1 : i1 to i32
    %sign3A_3 = arith.constant 0 : i32
    %sign3A_4 = arith.cmpi slt, %add3A, %sign3A_3 : i32
    %sign3A_5 = arith.extui %sign3A_4 : i1 to i32
    %sign3A_6 = arith.subi %sign3A_2, %sign3A_5 : i32
    %sign3A_7 = arith.constant 0 : i32
    %sign3A_8 = arith.cmpi sgt, %jit3A, %sign3A_7 : i32
    %sign3A_9 = arith.extui %sign3A_8 : i1 to i32
    %sign3A_10 = arith.constant 0 : i32
    %sign3A_11 = arith.cmpi slt, %jit3A, %sign3A_10 : i32
    %sign3A_12 = arith.extui %sign3A_11 : i1 to i32
    %sign3A_13 = arith.subi %sign3A_9, %sign3A_12 : i32
    %ne3A = arith.cmpi ne, %sign3A_6, %sign3A_13 : i32
    %rem3A = arith.remsi %add3A, %jit3A : i32
    %ne3A_14 = arith.constant 0 : i32
    %ne3A_15 = arith.cmpi ne, %rem3A, %ne3A_14 : i32
    %and3A = arith.andi %ne3A, %ne3A_15 : i1
    %sub3A = arith.constant 1 : i32
    %sub3A_16 = arith.subi %div3A, %sub3A : i32
    %select_n3A = arith.select %and3A, %sub3A_16, %div3A : i32
    %jit3A_17 = arith.constant 8 : i32
    %eq3A = arith.constant 0 : i32
    %eq3A_18 = arith.cmpi eq, %jit3A_17, %eq3A : i32
    %jit3A_19 = arith.constant 1 : i32
    %select_n3A_20 = arith.select %eq3A_18, %jit3A_19, %jit3A_17 : i32
    %rem3A_21 = arith.remsi %add3A, %select_n3A_20 : i32
    %ne3A_22 = arith.constant 0 : i32
    %ne3A_23 = arith.cmpi ne, %rem3A_21, %ne3A_22 : i32
    %lt3A = arith.constant 0 : i32
    %lt3A_24 = arith.cmpi slt, %rem3A_21, %lt3A : i32
    %lt3A_25 = arith.constant 0 : i32
    %lt3A_26 = arith.cmpi slt, %select_n3A_20, %lt3A_25 : i32
    %ne3A_27 = arith.xori %lt3A_24, %lt3A_26 : i1
    %and3A_28 = arith.andi %ne3A_27, %ne3A_23 : i1
    %add3A_29 = arith.addi %rem3A_21, %select_n3A_20 : i32
    %select_n3A_30 = arith.select %and3A_28, %add3A_29, %rem3A_21 : i32
    %mul3A_31 = arith.constant 98304 : i32
    %mul3A_32 = arith.muli %add3A, %mul3A_31 : i32
    %dma_start3A = tpu.memref_slice %arg2[%mul3A_32] : memref<3145728xf32, #tpu.memory_space<hbm>> -> memref<98304xf32, #tpu.memory_space<hbm>>
    %dma_start3A_33 = tpu.memref_slice %arg2[%mul3A_32] : memref<3145728xf32, #tpu.memory_space<hbm>> -> memref<98304xf32, #tpu.memory_space<hbm>>
    tpu.enqueue_dma source(%dma_start3A_33 : memref<98304xf32, #tpu.memory_space<hbm>>) target(%arg6 : memref<98304xf32, #tpu.memory_space<vmem>>) target_semaphore(%arg10 : memref<!tpu.dma_semaphore, #tpu.memory_space<semaphore_mem>>)
    %dma_wait3A = tpu.memref_slice %arg2[%mul3A_32] : memref<3145728xf32, #tpu.memory_space<hbm>> -> memref<98304xf32, #tpu.memory_space<hbm>>
    %dma_wait3A_34 = tpu.memref_slice %arg2[%mul3A_32] : memref<3145728xf32, #tpu.memory_space<hbm>> -> memref<98304xf32, #tpu.memory_space<hbm>>
    tpu.wait_dma2 semaphore(%arg10 : memref<!tpu.dma_semaphore, #tpu.memory_space<semaphore_mem>>) src(%dma_wait3A_34 : memref<98304xf32, #tpu.memory_space<hbm>>) dst(%arg6 : memref<98304xf32, #tpu.memory_space<vmem>>)
    %iota3A = tpu.iota {dimensions = array<i32: 0>} : vector<16xi32>
    %add3A_35 = arith.constant 16 : i32
    %add3A_36 = vector.broadcast %add3A_35 : i32 to vector<16xi32>
    %add3A_37 = arith.addi %iota3A, %add3A_36 : vector<16xi32>
    %broadcast_in_dim3A = arith.constant 0 : i32
    %broadcast_in_dim3A_38 = vector.broadcast %broadcast_in_dim3A : i32 to vector<16xi32>
    %broadcast_in_dim3A_39 = arith.constant 1 : i32
    %broadcast_in_dim3A_40 = vector.broadcast %broadcast_in_dim3A_39 : i32 to vector<16xi32>
    %broadcast_in_dim3A_41 = arith.constant 2 : i32
    %broadcast_in_dim3A_42 = vector.broadcast %broadcast_in_dim3A_41 : i32 to vector<16xi32>
    %broadcast_in_dim3A_43 = arith.constant 3 : i32
    %broadcast_in_dim3A_44 = vector.broadcast %broadcast_in_dim3A_43 : i32 to vector<16xi32>
    %broadcast_in_dim3A_45 = arith.constant 4 : i32
    %broadcast_in_dim3A_46 = vector.broadcast %broadcast_in_dim3A_45 : i32 to vector<16xi32>
    %broadcast_in_dim3A_47 = arith.constant 5 : i32
    %broadcast_in_dim3A_48 = vector.broadcast %broadcast_in_dim3A_47 : i32 to vector<16xi32>
    %broadcast_in_dim3A_49 = arith.constant 6 : i32
    %broadcast_in_dim3A_50 = vector.broadcast %broadcast_in_dim3A_49 : i32 to vector<16xi32>
    %broadcast_in_dim3A_51 = arith.constant 7 : i32
    %broadcast_in_dim3A_52 = vector.broadcast %broadcast_in_dim3A_51 : i32 to vector<16xi32>
    %broadcast_in_dim3A_53 = arith.constant 8 : i32
    %broadcast_in_dim3A_54 = vector.broadcast %broadcast_in_dim3A_53 : i32 to vector<16xi32>
    %broadcast_in_dim3A_55 = arith.constant 9 : i32
    %broadcast_in_dim3A_56 = vector.broadcast %broadcast_in_dim3A_55 : i32 to vector<16xi32>
    %broadcast_in_dim3A_57 = arith.constant 10 : i32
    %broadcast_in_dim3A_58 = vector.broadcast %broadcast_in_dim3A_57 : i32 to vector<16xi32>
    %broadcast_in_dim3A_59 = arith.constant 11 : i32
    %broadcast_in_dim3A_60 = vector.broadcast %broadcast_in_dim3A_59 : i32 to vector<16xi32>
    %broadcast_in_dim3A_61 = arith.constant 12 : i32
    %broadcast_in_dim3A_62 = vector.broadcast %broadcast_in_dim3A_61 : i32 to vector<16xi32>
    %broadcast_in_dim3A_63 = arith.constant 13 : i32
    %broadcast_in_dim3A_64 = vector.broadcast %broadcast_in_dim3A_63 : i32 to vector<16xi32>
    %broadcast_in_dim3A_65 = arith.constant 14 : i32
    %broadcast_in_dim3A_66 = vector.broadcast %broadcast_in_dim3A_65 : i32 to vector<16xi32>
    %broadcast_in_dim3A_67 = arith.constant 15 : i32
    %broadcast_in_dim3A_68 = vector.broadcast %broadcast_in_dim3A_67 : i32 to vector<16xi32>
    %dma_start3A_69 = arith.constant 0 : i32
    %dma_start3A_70 = arith.constant 0 : i32
    %dma_start3A_71 = arith.constant 0 : i32
    %dma_start3A_72 = tpu.memref_slice %arg7[%dma_start3A_69, %dma_start3A_70, %dma_start3A_71] : memref<2x32x64xi32, #tpu.memory_space<vmem>> -> memref<1x32x64xi32, #tpu.memory_space<vmem>>
    %dma_start3A_73 = tpu.memref_squeeze %dma_start3A_72 : memref<1x32x64xi32, #tpu.memory_space<vmem>> -> memref<32x64xi32, #tpu.memory_space<vmem>>
    %dma_start3A_74 = arith.constant 0 : i32
    %dma_start3A_75 = arith.constant 0 : i32
    %dma_start3A_76 = tpu.memref_slice %arg3[%select_n3A, %select_n3A_30, %dma_start3A_74, %dma_start3A_75] : memref<4x8x3072x64xi32, #tpu.memory_space<hbm>> -> memref<1x1x32x64xi32, #tpu.memory_space<hbm>>
    %dma_start3A_77 = tpu.memref_squeeze %dma_start3A_76 : memref<1x1x32x64xi32, #tpu.memory_space<hbm>> -> memref<32x64xi32, #tpu.memory_space<hbm>>
    %dma_start3A_78 = arith.constant 0 : i32
    %dma_start3A_79 = arith.constant 0 : i32
    %dma_start3A_80 = tpu.memref_slice %arg7[%dma_start3A_69, %dma_start3A_78, %dma_start3A_79] : memref<2x32x64xi32, #tpu.memory_space<vmem>> -> memref<1x32x64xi32, #tpu.memory_space<vmem>>
    %dma_start3A_81 = tpu.memref_squeeze %dma_start3A_80 : memref<1x32x64xi32, #tpu.memory_space<vmem>> -> memref<32x64xi32, #tpu.memory_space<vmem>>
    %dma_start3A_82 = arith.constant 0 : i32
    %dma_start3A_83 = arith.constant 0 : i32
    %dma_start3A_84 = tpu.memref_slice %arg3[%select_n3A, %select_n3A_30, %dma_start3A_82, %dma_start3A_83] : memref<4x8x3072x64xi32, #tpu.memory_space<hbm>> -> memref<1x1x32x64xi32, #tpu.memory_space<hbm>>
    %dma_start3A_85 = tpu.memref_squeeze %dma_start3A_84 : memref<1x1x32x64xi32, #tpu.memory_space<hbm>> -> memref<32x64xi32, #tpu.memory_space<hbm>>
    tpu.enqueue_dma source(%dma_start3A_85 : memref<32x64xi32, #tpu.memory_space<hbm>>) target(%dma_start3A_81 : memref<32x64xi32, #tpu.memory_space<vmem>>) target_semaphore(%arg11 : memref<!tpu.dma_semaphore, #tpu.memory_space<semaphore_mem>>)
    %dma_start3A_86 = arith.constant 0 : i32
    %dma_start3A_87 = arith.constant 0 : i32
    %dma_start3A_88 = arith.constant 0 : i32
    %dma_start3A_89 = tpu.memref_slice %arg8[%dma_start3A_86, %dma_start3A_87, %dma_start3A_88] : memref<2x32x64xf32, #tpu.memory_space<vmem>> -> memref<1x32x64xf32, #tpu.memory_space<vmem>>
    %dma_start3A_90 = tpu.memref_squeeze %dma_start3A_89 : memref<1x32x64xf32, #tpu.memory_space<vmem>> -> memref<32x64xf32, #tpu.memory_space<vmem>>
    %dma_start3A_91 = arith.constant 0 : i32
    %dma_start3A_92 = arith.constant 0 : i32
    %dma_start3A_93 = tpu.memref_slice %arg4[%select_n3A, %select_n3A_30, %dma_start3A_91, %dma_start3A_92] : memref<4x8x3072x64xf32, #tpu.memory_space<hbm>> -> memref<1x1x32x64xf32, #tpu.memory_space<hbm>>
    %dma_start3A_94 = tpu.memref_squeeze %dma_start3A_93 : memref<1x1x32x64xf32, #tpu.memory_space<hbm>> -> memref<32x64xf32, #tpu.memory_space<hbm>>
    %dma_start3A_95 = arith.constant 0 : i32
    %dma_start3A_96 = arith.constant 0 : i32
    %dma_start3A_97 = tpu.memref_slice %arg8[%dma_start3A_86, %dma_start3A_95, %dma_start3A_96] : memref<2x32x64xf32, #tpu.memory_space<vmem>> -> memref<1x32x64xf32, #tpu.memory_space<vmem>>
    %dma_start3A_98 = tpu.memref_squeeze %dma_start3A_97 : memref<1x32x64xf32, #tpu.memory_space<vmem>> -> memref<32x64xf32, #tpu.memory_space<vmem>>
    %dma_start3A_99 = arith.constant 0 : i32
    %dma_start3A_100 = arith.constant 0 : i32
    %dma_start3A_101 = tpu.memref_slice %arg4[%select_n3A, %select_n3A_30, %dma_start3A_99, %dma_start3A_100] : memref<4x8x3072x64xf32, #tpu.memory_space<hbm>> -> memref<1x1x32x64xf32, #tpu.memory_space<hbm>>
    %dma_start3A_102 = tpu.memref_squeeze %dma_start3A_101 : memref<1x1x32x64xf32, #tpu.memory_space<hbm>> -> memref<32x64xf32, #tpu.memory_space<hbm>>
    tpu.enqueue_dma source(%dma_start3A_102 : memref<32x64xf32, #tpu.memory_space<hbm>>) target(%dma_start3A_98 : memref<32x64xf32, #tpu.memory_space<vmem>>) target_semaphore(%arg11 : memref<!tpu.dma_semaphore, #tpu.memory_space<semaphore_mem>>)
    %dma_start3A_103 = arith.constant 1 : i32
    %dma_start3A_104 = arith.constant 0 : i32
    %dma_start3A_105 = arith.constant 0 : i32
    %dma_start3A_106 = tpu.memref_slice %arg7[%dma_start3A_103, %dma_start3A_104, %dma_start3A_105] : memref<2x32x64xi32, #tpu.memory_space<vmem>> -> memref<1x32x64xi32, #tpu.memory_space<vmem>>
    %dma_start3A_107 = tpu.memref_squeeze %dma_start3A_106 : memref<1x32x64xi32, #tpu.memory_space<vmem>> -> memref<32x64xi32, #tpu.memory_space<vmem>>
    %dma_start3A_108 = arith.constant 32 : i32
    %dma_start3A_109 = arith.constant 0 : i32
    %dma_start3A_110 = tpu.memref_slice %arg3[%select_n3A, %select_n3A_30, %dma_start3A_108, %dma_start3A_109] : memref<4x8x3072x64xi32, #tpu.memory_space<hbm>> -> memref<1x1x32x64xi32, #tpu.memory_space<hbm>>
    %dma_start3A_111 = tpu.memref_squeeze %dma_start3A_110 : memref<1x1x32x64xi32, #tpu.memory_space<hbm>> -> memref<32x64xi32, #tpu.memory_space<hbm>>
    %dma_start3A_112 = arith.constant 0 : i32
    %dma_start3A_113 = arith.constant 0 : i32
    %dma_start3A_114 = tpu.memref_slice %arg7[%dma_start3A_103, %dma_start3A_112, %dma_start3A_113] : memref<2x32x64xi32, #tpu.memory_space<vmem>> -> memref<1x32x64xi32, #tpu.memory_space<vmem>>
    %dma_start3A_115 = tpu.memref_squeeze %dma_start3A_114 : memref<1x32x64xi32, #tpu.memory_space<vmem>> -> memref<32x64xi32, #tpu.memory_space<vmem>>
    %dma_start3A_116 = arith.constant 32 : i32
    %dma_start3A_117 = arith.constant 0 : i32
    %dma_start3A_118 = tpu.memref_slice %arg3[%select_n3A, %select_n3A_30, %dma_start3A_116, %dma_start3A_117] : memref<4x8x3072x64xi32, #tpu.memory_space<hbm>> -> memref<1x1x32x64xi32, #tpu.memory_space<hbm>>
    %dma_start3A_119 = tpu.memref_squeeze %dma_start3A_118 : memref<1x1x32x64xi32, #tpu.memory_space<hbm>> -> memref<32x64xi32, #tpu.memory_space<hbm>>
    tpu.enqueue_dma source(%dma_start3A_119 : memref<32x64xi32, #tpu.memory_space<hbm>>) target(%dma_start3A_115 : memref<32x64xi32, #tpu.memory_space<vmem>>) target_semaphore(%arg11 : memref<!tpu.dma_semaphore, #tpu.memory_space<semaphore_mem>>)
    %dma_start3A_120 = arith.constant 1 : i32
    %dma_start3A_121 = arith.constant 0 : i32
    %dma_start3A_122 = arith.constant 0 : i32
    %dma_start3A_123 = tpu.memref_slice %arg8[%dma_start3A_120, %dma_start3A_121, %dma_start3A_122] : memref<2x32x64xf32, #tpu.memory_space<vmem>> -> memref<1x32x64xf32, #tpu.memory_space<vmem>>
    %dma_start3A_124 = tpu.memref_squeeze %dma_start3A_123 : memref<1x32x64xf32, #tpu.memory_space<vmem>> -> memref<32x64xf32, #tpu.memory_space<vmem>>
    %dma_start3A_125 = arith.constant 32 : i32
    %dma_start3A_126 = arith.constant 0 : i32
    %dma_start3A_127 = tpu.memref_slice %arg4[%select_n3A, %select_n3A_30, %dma_start3A_125, %dma_start3A_126] : memref<4x8x3072x64xf32, #tpu.memory_space<hbm>> -> memref<1x1x32x64xf32, #tpu.memory_space<hbm>>
    %dma_start3A_128 = tpu.memref_squeeze %dma_start3A_127 : memref<1x1x32x64xf32, #tpu.memory_space<hbm>> -> memref<32x64xf32, #tpu.memory_space<hbm>>
    %dma_start3A_129 = arith.constant 0 : i32
    %dma_start3A_130 = arith.constant 0 : i32
    %dma_start3A_131 = tpu.memref_slice %arg8[%dma_start3A_120, %dma_start3A_129, %dma_start3A_130] : memref<2x32x64xf32, #tpu.memory_space<vmem>> -> memref<1x32x64xf32, #tpu.memory_space<vmem>>
    %dma_start3A_132 = tpu.memref_squeeze %dma_start3A_131 : memref<1x32x64xf32, #tpu.memory_space<vmem>> -> memref<32x64xf32, #tpu.memory_space<vmem>>
    %dma_start3A_133 = arith.constant 32 : i32
    %dma_start3A_134 = arith.constant 0 : i32
    %dma_start3A_135 = tpu.memref_slice %arg4[%select_n3A, %select_n3A_30, %dma_start3A_133, %dma_start3A_134] : memref<4x8x3072x64xf32, #tpu.memory_space<hbm>> -> memref<1x1x32x64xf32, #tpu.memory_space<hbm>>
    %dma_start3A_136 = tpu.memref_squeeze %dma_start3A_135 : memref<1x1x32x64xf32, #tpu.memory_space<hbm>> -> memref<32x64xf32, #tpu.memory_space<hbm>>
    tpu.enqueue_dma source(%dma_start3A_136 : memref<32x64xf32, #tpu.memory_space<hbm>>) target(%dma_start3A_132 : memref<32x64xf32, #tpu.memory_space<vmem>>) target_semaphore(%arg11 : memref<!tpu.dma_semaphore, #tpu.memory_space<semaphore_mem>>)
    %scan3A = arith.constant 0 : i32
    %scan3A_137 = arith.constant 0 : i32
    %scan3A_138 = arith.constant 48 : i32
    %scan3A_139 = arith.addi %scan3A_137, %scan3A_138 : i32
    %scan3A_140 = arith.constant 1 : i32
    scf.for %scan3A_176 = %scan3A_137 to %scan3A_139 step %scan3A_140  : i32 {
      %mul3A_177 = arith.constant 2 : i32
      %mul3A_178 = arith.muli %mul3A_177, %scan3A_176 : i32
      %add3A_179 = arith.constant 0 : i32
      %add3A_180 = arith.addi %mul3A_178, %add3A_179 : i32
      %dma_wait3A_181 = arith.constant 0 : i32
      %dma_wait3A_182 = arith.constant 0 : i32
      %dma_wait3A_183 = arith.constant 0 : i32
      %dma_wait3A_184 = tpu.memref_slice %arg7[%dma_wait3A_181, %dma_wait3A_182, %dma_wait3A_183] : memref<2x32x64xi32, #tpu.memory_space<vmem>> -> memref<1x32x64xi32, #tpu.memory_space<vmem>>
      %dma_wait3A_185 = tpu.memref_squeeze %dma_wait3A_184 : memref<1x32x64xi32, #tpu.memory_space<vmem>> -> memref<32x64xi32, #tpu.memory_space<vmem>>
      %dma_wait3A_186 = arith.constant 0 : i32
      %dma_wait3A_187 = arith.constant 0 : i32
      %dma_wait3A_188 = tpu.memref_slice %arg3[%select_n3A, %select_n3A_30, %dma_wait3A_186, %dma_wait3A_187] : memref<4x8x3072x64xi32, #tpu.memory_space<hbm>> -> memref<1x1x32x64xi32, #tpu.memory_space<hbm>>
      %dma_wait3A_189 = tpu.memref_squeeze %dma_wait3A_188 : memref<1x1x32x64xi32, #tpu.memory_space<hbm>> -> memref<32x64xi32, #tpu.memory_space<hbm>>
      %dma_wait3A_190 = arith.constant 0 : i32
      %dma_wait3A_191 = arith.constant 0 : i32
      %dma_wait3A_192 = tpu.memref_slice %arg7[%dma_wait3A_181, %dma_wait3A_190, %dma_wait3A_191] : memref<2x32x64xi32, #tpu.memory_space<vmem>> -> memref<1x32x64xi32, #tpu.memory_space<vmem>>
      %dma_wait3A_193 = tpu.memref_squeeze %dma_wait3A_192 : memref<1x32x64xi32, #tpu.memory_space<vmem>> -> memref<32x64xi32, #tpu.memory_space<vmem>>
      %dma_wait3A_194 = arith.constant 0 : i32
      %dma_wait3A_195 = arith.constant 0 : i32
      %dma_wait3A_196 = tpu.memref_slice %arg3[%select_n3A, %select_n3A_30, %dma_wait3A_194, %dma_wait3A_195] : memref<4x8x3072x64xi32, #tpu.memory_space<hbm>> -> memref<1x1x32x64xi32, #tpu.memory_space<hbm>>
      %dma_wait3A_197 = tpu.memref_squeeze %dma_wait3A_196 : memref<1x1x32x64xi32, #tpu.memory_space<hbm>> -> memref<32x64xi32, #tpu.memory_space<hbm>>
      tpu.wait_dma2 semaphore(%arg11 : memref<!tpu.dma_semaphore, #tpu.memory_space<semaphore_mem>>) src(%dma_wait3A_197 : memref<32x64xi32, #tpu.memory_space<hbm>>) dst(%dma_wait3A_193 : memref<32x64xi32, #tpu.memory_space<vmem>>)
      %dma_wait3A_198 = arith.constant 0 : i32
      %dma_wait3A_199 = arith.constant 0 : i32
      %dma_wait3A_200 = arith.constant 0 : i32
      %dma_wait3A_201 = tpu.memref_slice %arg8[%dma_wait3A_198, %dma_wait3A_199, %dma_wait3A_200] : memref<2x32x64xf32, #tpu.memory_space<vmem>> -> memref<1x32x64xf32, #tpu.memory_space<vmem>>
      %dma_wait3A_202 = tpu.memref_squeeze %dma_wait3A_201 : memref<1x32x64xf32, #tpu.memory_space<vmem>> -> memref<32x64xf32, #tpu.memory_space<vmem>>
      %dma_wait3A_203 = arith.constant 0 : i32
      %dma_wait3A_204 = arith.constant 0 : i32
      %dma_wait3A_205 = tpu.memref_slice %arg4[%select_n3A, %select_n3A_30, %dma_wait3A_203, %dma_wait3A_204] : memref<4x8x3072x64xf32, #tpu.memory_space<hbm>> -> memref<1x1x32x64xf32, #tpu.memory_space<hbm>>
      %dma_wait3A_206 = tpu.memref_squeeze %dma_wait3A_205 : memref<1x1x32x64xf32, #tpu.memory_space<hbm>> -> memref<32x64xf32, #tpu.memory_space<hbm>>
      %dma_wait3A_207 = arith.constant 0 : i32
      %dma_wait3A_208 = arith.constant 0 : i32
      %dma_wait3A_209 = tpu.memref_slice %arg8[%dma_wait3A_198, %dma_wait3A_207, %dma_wait3A_208] : memref<2x32x64xf32, #tpu.memory_space<vmem>> -> memref<1x32x64xf32, #tpu.memory_space<vmem>>
      %dma_wait3A_210 = tpu.memref_squeeze %dma_wait3A_209 : memref<1x32x64xf32, #tpu.memory_space<vmem>> -> memref<32x64xf32, #tpu.memory_space<vmem>>
      %dma_wait3A_211 = arith.constant 0 : i32
      %dma_wait3A_212 = arith.constant 0 : i32
      %dma_wait3A_213 = tpu.memref_slice %arg4[%select_n3A, %select_n3A_30, %dma_wait3A_211, %dma_wait3A_212] : memref<4x8x3072x64xf32, #tpu.memory_space<hbm>> -> memref<1x1x32x64xf32, #tpu.memory_space<hbm>>
      %dma_wait3A_214 = tpu.memref_squeeze %dma_wait3A_213 : memref<1x1x32x64xf32, #tpu.memory_space<hbm>> -> memref<32x64xf32, #tpu.memory_space<hbm>>
      tpu.wait_dma2 semaphore(%arg11 : memref<!tpu.dma_semaphore, #tpu.memory_space<semaphore_mem>>) src(%dma_wait3A_214 : memref<32x64xf32, #tpu.memory_space<hbm>>) dst(%dma_wait3A_210 : memref<32x64xf32, #tpu.memory_space<vmem>>)
      %ge3A = arith.constant 1 : i32
      %ge3A_215 = arith.cmpi sge, %scan3A_176, %ge3A : i32
      %convert_element_type3A = arith.extui %ge3A_215 : i1 to i32
      %cond3A = arith.constant 0 : i32
      %cond3A_216 = arith.cmpi ne, %convert_element_type3A, %cond3A : i32
      scf.if %cond3A_216 {
        %dma_wait3A_309 = arith.constant 0 : i32
        %dma_wait3A_310 = arith.constant 0 : i32
        %dma_wait3A_311 = arith.constant 0 : i32
        %dma_wait3A_312 = tpu.memref_slice %arg9[%dma_wait3A_309, %dma_wait3A_310, %dma_wait3A_311] : memref<2x32x32xf32, #tpu.memory_space<vmem>> -> memref<1x32x32xf32, #tpu.memory_space<vmem>>
        %dma_wait3A_313 = tpu.memref_squeeze %dma_wait3A_312 : memref<1x32x32xf32, #tpu.memory_space<vmem>> -> memref<32x32xf32, #tpu.memory_space<vmem>>
        %dma_wait3A_314 = arith.constant 0 : i32
        %dma_wait3A_315 = arith.constant 0 : i32
        %dma_wait3A_316 = tpu.memref_slice %arg5[%select_n3A, %select_n3A_30, %dma_wait3A_314, %dma_wait3A_315] : memref<4x8x3072x32xf32, #tpu.memory_space<hbm>> -> memref<1x1x32x32xf32, #tpu.memory_space<hbm>>
        %dma_wait3A_317 = tpu.memref_squeeze %dma_wait3A_316 : memref<1x1x32x32xf32, #tpu.memory_space<hbm>> -> memref<32x32xf32, #tpu.memory_space<hbm>>
        %dma_wait3A_318 = arith.constant 0 : i32
        %dma_wait3A_319 = arith.constant 0 : i32
        %dma_wait3A_320 = tpu.memref_slice %arg5[%select_n3A, %select_n3A_30, %dma_wait3A_318, %dma_wait3A_319] : memref<4x8x3072x32xf32, #tpu.memory_space<hbm>> -> memref<1x1x32x32xf32, #tpu.memory_space<hbm>>
        %dma_wait3A_321 = tpu.memref_squeeze %dma_wait3A_320 : memref<1x1x32x32xf32, #tpu.memory_space<hbm>> -> memref<32x32xf32, #tpu.memory_space<hbm>>
        %dma_wait3A_322 = arith.constant 0 : i32
        %dma_wait3A_323 = arith.constant 0 : i32
        %dma_wait3A_324 = tpu.memref_slice %arg9[%dma_wait3A_309, %dma_wait3A_322, %dma_wait3A_323] : memref<2x32x32xf32, #tpu.memory_space<vmem>> -> memref<1x32x32xf32, #tpu.memory_space<vmem>>
        %dma_wait3A_325 = tpu.memref_squeeze %dma_wait3A_324 : memref<1x32x32xf32, #tpu.memory_space<vmem>> -> memref<32x32xf32, #tpu.memory_space<vmem>>
        tpu.wait_dma2 semaphore(%arg12 : memref<!tpu.dma_semaphore, #tpu.memory_space<semaphore_mem>>) src(%dma_wait3A_325 : memref<32x32xf32, #tpu.memory_space<vmem>>) dst(%dma_wait3A_321 : memref<32x32xf32, #tpu.memory_space<hbm>>)
      } else {
      }
      %parallel_loop3A = arith.constant 0 : i32
      %parallel_loop3A_217 = arith.constant 32 : i32
      %parallel_loop3A_218 = arith.constant 1 : i32
      scf.for %parallel_loop3A_309 = %parallel_loop3A to %parallel_loop3A_217 step %parallel_loop3A_218  : i32 {
        %parallel_loop3A_310 = arith.constant 0.000000e+00 : f32
        %parallel_loop3A_311 = vector.broadcast %parallel_loop3A_310 : f32 to vector<16xf32>
        %parallel_loop3A_312 = arith.constant 0.000000e+00 : f32
        %parallel_loop3A_313 = vector.broadcast %parallel_loop3A_312 : f32 to vector<16xf32>
        %parallel_loop3A_314 = arith.constant 0.000000e+00 : f32
        %parallel_loop3A_315 = vector.broadcast %parallel_loop3A_314 : f32 to vector<16xf32>
        %parallel_loop3A_316 = arith.constant 0.000000e+00 : f32
        %parallel_loop3A_317 = vector.broadcast %parallel_loop3A_316 : f32 to vector<16xf32>
        %parallel_loop3A_318 = arith.constant 0.000000e+00 : f32
        %parallel_loop3A_319 = vector.broadcast %parallel_loop3A_318 : f32 to vector<16xf32>
        %parallel_loop3A_320 = arith.constant 0.000000e+00 : f32
        %parallel_loop3A_321 = vector.broadcast %parallel_loop3A_320 : f32 to vector<16xf32>
        %parallel_loop3A_322 = arith.constant 0.000000e+00 : f32
        %parallel_loop3A_323 = vector.broadcast %parallel_loop3A_322 : f32 to vector<16xf32>
        %parallel_loop3A_324 = arith.constant 0.000000e+00 : f32
        %parallel_loop3A_325 = vector.broadcast %parallel_loop3A_324 : f32 to vector<16xf32>
        %parallel_loop3A_326 = arith.constant 0 : i32
        %parallel_loop3A_327 = arith.index_cast %parallel_loop3A_326 : i32 to index
        %parallel_loop3A_328 = arith.index_cast %parallel_loop3A_309 : i32 to index
        %parallel_loop3A_329 = arith.constant 0 : index
        %parallel_loop3A_330 = tpu.vector_load %arg7[%parallel_loop3A_327, %parallel_loop3A_328, %parallel_loop3A_329] {strides = array<i32>} : memref<2x32x64xi32, #tpu.memory_space<vmem>>, vector<16xi32>,
        %parallel_loop3A_331 = arith.constant 0 : i32
        %parallel_loop3A_332 = arith.index_cast %parallel_loop3A_331 : i32 to index
        %parallel_loop3A_333 = arith.index_cast %parallel_loop3A_309 : i32 to index
        %parallel_loop3A_334 = arith.constant 0 : index
        %parallel_loop3A_335 = tpu.vector_load %arg8[%parallel_loop3A_332, %parallel_loop3A_333, %parallel_loop3A_334] {strides = array<i32>} : memref<2x32x64xf32, #tpu.memory_space<vmem>>, vector<16xf32>,
        %parallel_loop3A_336 = vector.shape_cast %broadcast_in_dim3A_38 : vector<16xi32> to vector<16x1xi32>
        %parallel_loop3A_337 = vector.shape_cast %parallel_loop3A_336 : vector<16x1xi32> to vector<16xi32>
        %parallel_loop3A_338 = tpu.dynamic_gather %parallel_loop3A_330[%parallel_loop3A_337] in [0] : vector<16xi32>, vector<16xi32> -> vector<16xi32>
        %parallel_loop3A_339 = vector.shape_cast %broadcast_in_dim3A_38 : vector<16xi32> to vector<16x1xi32>
        %parallel_loop3A_340 = vector.shape_cast %parallel_loop3A_339 : vector<16x1xi32> to vector<16xi32>
        %parallel_loop3A_341 = tpu.dynamic_gather %parallel_loop3A_335[%parallel_loop3A_340] in [0] : vector<16xf32>, vector<16xi32> -> vector<16xf32>
        %parallel_loop3A_342 = arith.addi %parallel_loop3A_338, %iota3A : vector<16xi32>
        %parallel_loop3A_343 = tpu.vector_load_idx %arg6[%parallel_loop3A_342] : memref<98304xf32, #tpu.memory_space<vmem>>[vector<16xi32>], vector<16xf32>,
        %parallel_loop3A_344 = arith.addi %parallel_loop3A_338, %add3A_37 : vector<16xi32>
        %parallel_loop3A_345 = tpu.vector_load_idx %arg6[%parallel_loop3A_344] : memref<98304xf32, #tpu.memory_space<vmem>>[vector<16xi32>], vector<16xf32>,
        %parallel_loop3A_346 = arith.mulf %parallel_loop3A_341, %parallel_loop3A_343 : vector<16xf32>
        %parallel_loop3A_347 = arith.addf %parallel_loop3A_311, %parallel_loop3A_346 : vector<16xf32>
        %parallel_loop3A_348 = arith.mulf %parallel_loop3A_341, %parallel_loop3A_345 : vector<16xf32>
        %parallel_loop3A_349 = arith.addf %parallel_loop3A_313, %parallel_loop3A_348 : vector<16xf32>
        %parallel_loop3A_350 = vector.shape_cast %broadcast_in_dim3A_40 : vector<16xi32> to vector<16x1xi32>
        %parallel_loop3A_351 = vector.shape_cast %parallel_loop3A_350 : vector<16x1xi32> to vector<16xi32>
        %parallel_loop3A_352 = tpu.dynamic_gather %parallel_loop3A_330[%parallel_loop3A_351] in [0] : vector<16xi32>, vector<16xi32> -> vector<16xi32>
        %parallel_loop3A_353 = vector.shape_cast %broadcast_in_dim3A_40 : vector<16xi32> to vector<16x1xi32>
        %parallel_loop3A_354 = vector.shape_cast %parallel_loop3A_353 : vector<16x1xi32> to vector<16xi32>
        %parallel_loop3A_355 = tpu.dynamic_gather %parallel_loop3A_335[%parallel_loop3A_354] in [0] : vector<16xf32>, vector<16xi32> -> vector<16xf32>
        %parallel_loop3A_356 = arith.addi %parallel_loop3A_352, %iota3A : vector<16xi32>
        %parallel_loop3A_357 = tpu.vector_load_idx %arg6[%parallel_loop3A_356] : memref<98304xf32, #tpu.memory_space<vmem>>[vector<16xi32>], vector<16xf32>,
        %parallel_loop3A_358 = arith.addi %parallel_loop3A_352, %add3A_37 : vector<16xi32>
        %parallel_loop3A_359 = tpu.vector_load_idx %arg6[%parallel_loop3A_358] : memref<98304xf32, #tpu.memory_space<vmem>>[vector<16xi32>], vector<16xf32>,
        %parallel_loop3A_360 = arith.mulf %parallel_loop3A_355, %parallel_loop3A_357 : vector<16xf32>
        %parallel_loop3A_361 = arith.addf %parallel_loop3A_347, %parallel_loop3A_360 : vector<16xf32>
        %parallel_loop3A_362 = arith.mulf %parallel_loop3A_355, %parallel_loop3A_359 : vector<16xf32>
        %parallel_loop3A_363 = arith.addf %parallel_loop3A_349, %parallel_loop3A_362 : vector<16xf32>
        %parallel_loop3A_364 = vector.shape_cast %broadcast_in_dim3A_42 : vector<16xi32> to vector<16x1xi32>
        %parallel_loop3A_365 = vector.shape_cast %parallel_loop3A_364 : vector<16x1xi32> to vector<16xi32>
        %parallel_loop3A_366 = tpu.dynamic_gather %parallel_loop3A_330[%parallel_loop3A_365] in [0] : vector<16xi32>, vector<16xi32> -> vector<16xi32>
        %parallel_loop3A_367 = vector.shape_cast %broadcast_in_dim3A_42 : vector<16xi32> to vector<16x1xi32>
        %parallel_loop3A_368 = vector.shape_cast %parallel_loop3A_367 : vector<16x1xi32> to vector<16xi32>
        %parallel_loop3A_369 = tpu.dynamic_gather %parallel_loop3A_335[%parallel_loop3A_368] in [0] : vector<16xf32>, vector<16xi32> -> vector<16xf32>
        %parallel_loop3A_370 = arith.addi %parallel_loop3A_366, %iota3A : vector<16xi32>
        %parallel_loop3A_371 = tpu.vector_load_idx %arg6[%parallel_loop3A_370] : memref<98304xf32, #tpu.memory_space<vmem>>[vector<16xi32>], vector<16xf32>,
        %parallel_loop3A_372 = arith.addi %parallel_loop3A_366, %add3A_37 : vector<16xi32>
        %parallel_loop3A_373 = tpu.vector_load_idx %arg6[%parallel_loop3A_372] : memref<98304xf32, #tpu.memory_space<vmem>>[vector<16xi32>], vector<16xf32>,
        %parallel_loop3A_374 = arith.mulf %parallel_loop3A_369, %parallel_loop3A_371 : vector<16xf32>
        %parallel_loop3A_375 = arith.addf %parallel_loop3A_361, %parallel_loop3A_374 : vector<16xf32>
        %parallel_loop3A_376 = arith.mulf %parallel_loop3A_369, %parallel_loop3A_373 : vector<16xf32>
        %parallel_loop3A_377 = arith.addf %parallel_loop3A_363, %parallel_loop3A_376 : vector<16xf32>
        %parallel_loop3A_378 = vector.shape_cast %broadcast_in_dim3A_44 : vector<16xi32> to vector<16x1xi32>
        %parallel_loop3A_379 = vector.shape_cast %parallel_loop3A_378 : vector<16x1xi32> to vector<16xi32>
        %parallel_loop3A_380 = tpu.dynamic_gather %parallel_loop3A_330[%parallel_loop3A_379] in [0] : vector<16xi32>, vector<16xi32> -> vector<16xi32>
        %parallel_loop3A_381 = vector.shape_cast %broadcast_in_dim3A_44 : vector<16xi32> to vector<16x1xi32>
        %parallel_loop3A_382 = vector.shape_cast %parallel_loop3A_381 : vector<16x1xi32> to vector<16xi32>
        %parallel_loop3A_383 = tpu.dynamic_gather %parallel_loop3A_335[%parallel_loop3A_382] in [0] : vector<16xf32>, vector<16xi32> -> vector<16xf32>
        %parallel_loop3A_384 = arith.addi %parallel_loop3A_380, %iota3A : vector<16xi32>
        %parallel_loop3A_385 = tpu.vector_load_idx %arg6[%parallel_loop3A_384] : memref<98304xf32, #tpu.memory_space<vmem>>[vector<16xi32>], vector<16xf32>,
        %parallel_loop3A_386 = arith.addi %parallel_loop3A_380, %add3A_37 : vector<16xi32>
        %parallel_loop3A_387 = tpu.vector_load_idx %arg6[%parallel_loop3A_386] : memref<98304xf32, #tpu.memory_space<vmem>>[vector<16xi32>], vector<16xf32>,
        %parallel_loop3A_388 = arith.mulf %parallel_loop3A_383, %parallel_loop3A_385 : vector<16xf32>
        %parallel_loop3A_389 = arith.addf %parallel_loop3A_375, %parallel_loop3A_388 : vector<16xf32>
        %parallel_loop3A_390 = arith.mulf %parallel_loop3A_383, %parallel_loop3A_387 : vector<16xf32>
        %parallel_loop3A_391 = arith.addf %parallel_loop3A_377, %parallel_loop3A_390 : vector<16xf32>
        %parallel_loop3A_392 = vector.shape_cast %broadcast_in_dim3A_46 : vector<16xi32> to vector<16x1xi32>
        %parallel_loop3A_393 = vector.shape_cast %parallel_loop3A_392 : vector<16x1xi32> to vector<16xi32>
        %parallel_loop3A_394 = tpu.dynamic_gather %parallel_loop3A_330[%parallel_loop3A_393] in [0] : vector<16xi32>, vector<16xi32> -> vector<16xi32>
        %parallel_loop3A_395 = vector.shape_cast %broadcast_in_dim3A_46 : vector<16xi32> to vector<16x1xi32>
        %parallel_loop3A_396 = vector.shape_cast %parallel_loop3A_395 : vector<16x1xi32> to vector<16xi32>
        %parallel_loop3A_397 = tpu.dynamic_gather %parallel_loop3A_335[%parallel_loop3A_396] in [0] : vector<16xf32>, vector<16xi32> -> vector<16xf32>
        %parallel_loop3A_398 = arith.addi %parallel_loop3A_394, %iota3A : vector<16xi32>
        %parallel_loop3A_399 = tpu.vector_load_idx %arg6[%parallel_loop3A_398] : memref<98304xf32, #tpu.memory_space<vmem>>[vector<16xi32>], vector<16xf32>,
        %parallel_loop3A_400 = arith.addi %parallel_loop3A_394, %add3A_37 : vector<16xi32>
        %parallel_loop3A_401 = tpu.vector_load_idx %arg6[%parallel_loop3A_400] : memref<98304xf32, #tpu.memory_space<vmem>>[vector<16xi32>], vector<16xf32>,
        %parallel_loop3A_402 = arith.mulf %parallel_loop3A_397, %parallel_loop3A_399 : vector<16xf32>
        %parallel_loop3A_403 = arith.addf %parallel_loop3A_389, %parallel_loop3A_402 : vector<16xf32>
        %parallel_loop3A_404 = arith.mulf %parallel_loop3A_397, %parallel_loop3A_401 : vector<16xf32>
        %parallel_loop3A_405 = arith.addf %parallel_loop3A_391, %parallel_loop3A_404 : vector<16xf32>
        %parallel_loop3A_406 = vector.shape_cast %broadcast_in_dim3A_48 : vector<16xi32> to vector<16x1xi32>
        %parallel_loop3A_407 = vector.shape_cast %parallel_loop3A_406 : vector<16x1xi32> to vector<16xi32>
        %parallel_loop3A_408 = tpu.dynamic_gather %parallel_loop3A_330[%parallel_loop3A_407] in [0] : vector<16xi32>, vector<16xi32> -> vector<16xi32>
        %parallel_loop3A_409 = vector.shape_cast %broadcast_in_dim3A_48 : vector<16xi32> to vector<16x1xi32>
        %parallel_loop3A_410 = vector.shape_cast %parallel_loop3A_409 : vector<16x1xi32> to vector<16xi32>
        %parallel_loop3A_411 = tpu.dynamic_gather %parallel_loop3A_335[%parallel_loop3A_410] in [0] : vector<16xf32>, vector<16xi32> -> vector<16xf32>
        %parallel_loop3A_412 = arith.addi %parallel_loop3A_408, %iota3A : vector<16xi32>
        %parallel_loop3A_413 = tpu.vector_load_idx %arg6[%parallel_loop3A_412] : memref<98304xf32, #tpu.memory_space<vmem>>[vector<16xi32>], vector<16xf32>,
        %parallel_loop3A_414 = arith.addi %parallel_loop3A_408, %add3A_37 : vector<16xi32>
        %parallel_loop3A_415 = tpu.vector_load_idx %arg6[%parallel_loop3A_414] : memref<98304xf32, #tpu.memory_space<vmem>>[vector<16xi32>], vector<16xf32>,
        %parallel_loop3A_416 = arith.mulf %parallel_loop3A_411, %parallel_loop3A_413 : vector<16xf32>
        %parallel_loop3A_417 = arith.addf %parallel_loop3A_403, %parallel_loop3A_416 : vector<16xf32>
        %parallel_loop3A_418 = arith.mulf %parallel_loop3A_411, %parallel_loop3A_415 : vector<16xf32>
        %parallel_loop3A_419 = arith.addf %parallel_loop3A_405, %parallel_loop3A_418 : vector<16xf32>
        %parallel_loop3A_420 = vector.shape_cast %broadcast_in_dim3A_50 : vector<16xi32> to vector<16x1xi32>
        %parallel_loop3A_421 = vector.shape_cast %parallel_loop3A_420 : vector<16x1xi32> to vector<16xi32>
        %parallel_loop3A_422 = tpu.dynamic_gather %parallel_loop3A_330[%parallel_loop3A_421] in [0] : vector<16xi32>, vector<16xi32> -> vector<16xi32>
        %parallel_loop3A_423 = vector.shape_cast %broadcast_in_dim3A_50 : vector<16xi32> to vector<16x1xi32>
        %parallel_loop3A_424 = vector.shape_cast %parallel_loop3A_423 : vector<16x1xi32> to vector<16xi32>
        %parallel_loop3A_425 = tpu.dynamic_gather %parallel_loop3A_335[%parallel_loop3A_424] in [0] : vector<16xf32>, vector<16xi32> -> vector<16xf32>
        %parallel_loop3A_426 = arith.addi %parallel_loop3A_422, %iota3A : vector<16xi32>
        %parallel_loop3A_427 = tpu.vector_load_idx %arg6[%parallel_loop3A_426] : memref<98304xf32, #tpu.memory_space<vmem>>[vector<16xi32>], vector<16xf32>,
        %parallel_loop3A_428 = arith.addi %parallel_loop3A_422, %add3A_37 : vector<16xi32>
        %parallel_loop3A_429 = tpu.vector_load_idx %arg6[%parallel_loop3A_428] : memref<98304xf32, #tpu.memory_space<vmem>>[vector<16xi32>], vector<16xf32>,
        %parallel_loop3A_430 = arith.mulf %parallel_loop3A_425, %parallel_loop3A_427 : vector<16xf32>
        %parallel_loop3A_431 = arith.addf %parallel_loop3A_417, %parallel_loop3A_430 : vector<16xf32>
        %parallel_loop3A_432 = arith.mulf %parallel_loop3A_425, %parallel_loop3A_429 : vector<16xf32>
        %parallel_loop3A_433 = arith.addf %parallel_loop3A_419, %parallel_loop3A_432 : vector<16xf32>
        %parallel_loop3A_434 = vector.shape_cast %broadcast_in_dim3A_52 : vector<16xi32> to vector<16x1xi32>
        %parallel_loop3A_435 = vector.shape_cast %parallel_loop3A_434 : vector<16x1xi32> to vector<16xi32>
        %parallel_loop3A_436 = tpu.dynamic_gather %parallel_loop3A_330[%parallel_loop3A_435] in [0] : vector<16xi32>, vector<16xi32> -> vector<16xi32>
        %parallel_loop3A_437 = vector.shape_cast %broadcast_in_dim3A_52 : vector<16xi32> to vector<16x1xi32>
        %parallel_loop3A_438 = vector.shape_cast %parallel_loop3A_437 : vector<16x1xi32> to vector<16xi32>
        %parallel_loop3A_439 = tpu.dynamic_gather %parallel_loop3A_335[%parallel_loop3A_438] in [0] : vector<16xf32>, vector<16xi32> -> vector<16xf32>
        %parallel_loop3A_440 = arith.addi %parallel_loop3A_436, %iota3A : vector<16xi32>
        %parallel_loop3A_441 = tpu.vector_load_idx %arg6[%parallel_loop3A_440] : memref<98304xf32, #tpu.memory_space<vmem>>[vector<16xi32>], vector<16xf32>,
        %parallel_loop3A_442 = arith.addi %parallel_loop3A_436, %add3A_37 : vector<16xi32>
        %parallel_loop3A_443 = tpu.vector_load_idx %arg6[%parallel_loop3A_442] : memref<98304xf32, #tpu.memory_space<vmem>>[vector<16xi32>], vector<16xf32>,
        %parallel_loop3A_444 = arith.mulf %parallel_loop3A_439, %parallel_loop3A_441 : vector<16xf32>
        %parallel_loop3A_445 = arith.addf %parallel_loop3A_431, %parallel_loop3A_444 : vector<16xf32>
        %parallel_loop3A_446 = arith.mulf %parallel_loop3A_439, %parallel_loop3A_443 : vector<16xf32>
        %parallel_loop3A_447 = arith.addf %parallel_loop3A_433, %parallel_loop3A_446 : vector<16xf32>
        %parallel_loop3A_448 = vector.shape_cast %broadcast_in_dim3A_54 : vector<16xi32> to vector<16x1xi32>
        %parallel_loop3A_449 = vector.shape_cast %parallel_loop3A_448 : vector<16x1xi32> to vector<16xi32>
        %parallel_loop3A_450 = tpu.dynamic_gather %parallel_loop3A_330[%parallel_loop3A_449] in [0] : vector<16xi32>, vector<16xi32> -> vector<16xi32>
        %parallel_loop3A_451 = vector.shape_cast %broadcast_in_dim3A_54 : vector<16xi32> to vector<16x1xi32>
        %parallel_loop3A_452 = vector.shape_cast %parallel_loop3A_451 : vector<16x1xi32> to vector<16xi32>
        %parallel_loop3A_453 = tpu.dynamic_gather %parallel_loop3A_335[%parallel_loop3A_452] in [0] : vector<16xf32>, vector<16xi32> -> vector<16xf32>
        %parallel_loop3A_454 = arith.addi %parallel_loop3A_450, %iota3A : vector<16xi32>
        %parallel_loop3A_455 = tpu.vector_load_idx %arg6[%parallel_loop3A_454] : memref<98304xf32, #tpu.memory_space<vmem>>[vector<16xi32>], vector<16xf32>,
        %parallel_loop3A_456 = arith.addi %parallel_loop3A_450, %add3A_37 : vector<16xi32>
        %parallel_loop3A_457 = tpu.vector_load_idx %arg6[%parallel_loop3A_456] : memref<98304xf32, #tpu.memory_space<vmem>>[vector<16xi32>], vector<16xf32>,
        %parallel_loop3A_458 = arith.mulf %parallel_loop3A_453, %parallel_loop3A_455 : vector<16xf32>
        %parallel_loop3A_459 = arith.addf %parallel_loop3A_445, %parallel_loop3A_458 : vector<16xf32>
        %parallel_loop3A_460 = arith.mulf %parallel_loop3A_453, %parallel_loop3A_457 : vector<16xf32>
        %parallel_loop3A_461 = arith.addf %parallel_loop3A_447, %parallel_loop3A_460 : vector<16xf32>
        %parallel_loop3A_462 = vector.shape_cast %broadcast_in_dim3A_56 : vector<16xi32> to vector<16x1xi32>
        %parallel_loop3A_463 = vector.shape_cast %parallel_loop3A_462 : vector<16x1xi32> to vector<16xi32>
        %parallel_loop3A_464 = tpu.dynamic_gather %parallel_loop3A_330[%parallel_loop3A_463] in [0] : vector<16xi32>, vector<16xi32> -> vector<16xi32>
        %parallel_loop3A_465 = vector.shape_cast %broadcast_in_dim3A_56 : vector<16xi32> to vector<16x1xi32>
        %parallel_loop3A_466 = vector.shape_cast %parallel_loop3A_465 : vector<16x1xi32> to vector<16xi32>
        %parallel_loop3A_467 = tpu.dynamic_gather %parallel_loop3A_335[%parallel_loop3A_466] in [0] : vector<16xf32>, vector<16xi32> -> vector<16xf32>
        %parallel_loop3A_468 = arith.addi %parallel_loop3A_464, %iota3A : vector<16xi32>
        %parallel_loop3A_469 = tpu.vector_load_idx %arg6[%parallel_loop3A_468] : memref<98304xf32, #tpu.memory_space<vmem>>[vector<16xi32>], vector<16xf32>,
        %parallel_loop3A_470 = arith.addi %parallel_loop3A_464, %add3A_37 : vector<16xi32>
        %parallel_loop3A_471 = tpu.vector_load_idx %arg6[%parallel_loop3A_470] : memref<98304xf32, #tpu.memory_space<vmem>>[vector<16xi32>], vector<16xf32>,
        %parallel_loop3A_472 = arith.mulf %parallel_loop3A_467, %parallel_loop3A_469 : vector<16xf32>
        %parallel_loop3A_473 = arith.addf %parallel_loop3A_459, %parallel_loop3A_472 : vector<16xf32>
        %parallel_loop3A_474 = arith.mulf %parallel_loop3A_467, %parallel_loop3A_471 : vector<16xf32>
        %parallel_loop3A_475 = arith.addf %parallel_loop3A_461, %parallel_loop3A_474 : vector<16xf32>
        %parallel_loop3A_476 = vector.shape_cast %broadcast_in_dim3A_58 : vector<16xi32> to vector<16x1xi32>
        %parallel_loop3A_477 = vector.shape_cast %parallel_loop3A_476 : vector<16x1xi32> to vector<16xi32>
        %parallel_loop3A_478 = tpu.dynamic_gather %parallel_loop3A_330[%parallel_loop3A_477] in [0] : vector<16xi32>, vector<16xi32> -> vector<16xi32>
        %parallel_loop3A_479 = vector.shape_cast %broadcast_in_dim3A_58 : vector<16xi32> to vector<16x1xi32>
        %parallel_loop3A_480 = vector.shape_cast %parallel_loop3A_479 : vector<16x1xi32> to vector<16xi32>
        %parallel_loop3A_481 = tpu.dynamic_gather %parallel_loop3A_335[%parallel_loop3A_480] in [0] : vector<16xf32>, vector<16xi32> -> vector<16xf32>
        %parallel_loop3A_482 = arith.addi %parallel_loop3A_478, %iota3A : vector<16xi32>
        %parallel_loop3A_483 = tpu.vector_load_idx %arg6[%parallel_loop3A_482] : memref<98304xf32, #tpu.memory_space<vmem>>[vector<16xi32>], vector<16xf32>,
        %parallel_loop3A_484 = arith.addi %parallel_loop3A_478, %add3A_37 : vector<16xi32>
        %parallel_loop3A_485 = tpu.vector_load_idx %arg6[%parallel_loop3A_484] : memref<98304xf32, #tpu.memory_space<vmem>>[vector<16xi32>], vector<16xf32>,
        %parallel_loop3A_486 = arith.mulf %parallel_loop3A_481, %parallel_loop3A_483 : vector<16xf32>
        %parallel_loop3A_487 = arith.addf %parallel_loop3A_473, %parallel_loop3A_486 : vector<16xf32>
        %parallel_loop3A_488 = arith.mulf %parallel_loop3A_481, %parallel_loop3A_485 : vector<16xf32>
        %parallel_loop3A_489 = arith.addf %parallel_loop3A_475, %parallel_loop3A_488 : vector<16xf32>
        %parallel_loop3A_490 = vector.shape_cast %broadcast_in_dim3A_60 : vector<16xi32> to vector<16x1xi32>
        %parallel_loop3A_491 = vector.shape_cast %parallel_loop3A_490 : vector<16x1xi32> to vector<16xi32>
        %parallel_loop3A_492 = tpu.dynamic_gather %parallel_loop3A_330[%parallel_loop3A_491] in [0] : vector<16xi32>, vector<16xi32> -> vector<16xi32>
        %parallel_loop3A_493 = vector.shape_cast %broadcast_in_dim3A_60 : vector<16xi32> to vector<16x1xi32>
        %parallel_loop3A_494 = vector.shape_cast %parallel_loop3A_493 : vector<16x1xi32> to vector<16xi32>
        %parallel_loop3A_495 = tpu.dynamic_gather %parallel_loop3A_335[%parallel_loop3A_494] in [0] : vector<16xf32>, vector<16xi32> -> vector<16xf32>
        %parallel_loop3A_496 = arith.addi %parallel_loop3A_492, %iota3A : vector<16xi32>
        %parallel_loop3A_497 = tpu.vector_load_idx %arg6[%parallel_loop3A_496] : memref<98304xf32, #tpu.memory_space<vmem>>[vector<16xi32>], vector<16xf32>,
        %parallel_loop3A_498 = arith.addi %parallel_loop3A_492, %add3A_37 : vector<16xi32>
        %parallel_loop3A_499 = tpu.vector_load_idx %arg6[%parallel_loop3A_498] : memref<98304xf32, #tpu.memory_space<vmem>>[vector<16xi32>], vector<16xf32>,
        %parallel_loop3A_500 = arith.mulf %parallel_loop3A_495, %parallel_loop3A_497 : vector<16xf32>
        %parallel_loop3A_501 = arith.addf %parallel_loop3A_487, %parallel_loop3A_500 : vector<16xf32>
        %parallel_loop3A_502 = arith.mulf %parallel_loop3A_495, %parallel_loop3A_499 : vector<16xf32>
        %parallel_loop3A_503 = arith.addf %parallel_loop3A_489, %parallel_loop3A_502 : vector<16xf32>
        %parallel_loop3A_504 = vector.shape_cast %broadcast_in_dim3A_62 : vector<16xi32> to vector<16x1xi32>
        %parallel_loop3A_505 = vector.shape_cast %parallel_loop3A_504 : vector<16x1xi32> to vector<16xi32>
        %parallel_loop3A_506 = tpu.dynamic_gather %parallel_loop3A_330[%parallel_loop3A_505] in [0] : vector<16xi32>, vector<16xi32> -> vector<16xi32>
        %parallel_loop3A_507 = vector.shape_cast %broadcast_in_dim3A_62 : vector<16xi32> to vector<16x1xi32>
        %parallel_loop3A_508 = vector.shape_cast %parallel_loop3A_507 : vector<16x1xi32> to vector<16xi32>
        %parallel_loop3A_509 = tpu.dynamic_gather %parallel_loop3A_335[%parallel_loop3A_508] in [0] : vector<16xf32>, vector<16xi32> -> vector<16xf32>
        %parallel_loop3A_510 = arith.addi %parallel_loop3A_506, %iota3A : vector<16xi32>
        %parallel_loop3A_511 = tpu.vector_load_idx %arg6[%parallel_loop3A_510] : memref<98304xf32, #tpu.memory_space<vmem>>[vector<16xi32>], vector<16xf32>,
        %parallel_loop3A_512 = arith.addi %parallel_loop3A_506, %add3A_37 : vector<16xi32>
        %parallel_loop3A_513 = tpu.vector_load_idx %arg6[%parallel_loop3A_512] : memref<98304xf32, #tpu.memory_space<vmem>>[vector<16xi32>], vector<16xf32>,
        %parallel_loop3A_514 = arith.mulf %parallel_loop3A_509, %parallel_loop3A_511 : vector<16xf32>
        %parallel_loop3A_515 = arith.addf %parallel_loop3A_501, %parallel_loop3A_514 : vector<16xf32>
        %parallel_loop3A_516 = arith.mulf %parallel_loop3A_509, %parallel_loop3A_513 : vector<16xf32>
        %parallel_loop3A_517 = arith.addf %parallel_loop3A_503, %parallel_loop3A_516 : vector<16xf32>
        %parallel_loop3A_518 = vector.shape_cast %broadcast_in_dim3A_64 : vector<16xi32> to vector<16x1xi32>
        %parallel_loop3A_519 = vector.shape_cast %parallel_loop3A_518 : vector<16x1xi32> to vector<16xi32>
        %parallel_loop3A_520 = tpu.dynamic_gather %parallel_loop3A_330[%parallel_loop3A_519] in [0] : vector<16xi32>, vector<16xi32> -> vector<16xi32>
        %parallel_loop3A_521 = vector.shape_cast %broadcast_in_dim3A_64 : vector<16xi32> to vector<16x1xi32>
        %parallel_loop3A_522 = vector.shape_cast %parallel_loop3A_521 : vector<16x1xi32> to vector<16xi32>
        %parallel_loop3A_523 = tpu.dynamic_gather %parallel_loop3A_335[%parallel_loop3A_522] in [0] : vector<16xf32>, vector<16xi32> -> vector<16xf32>
        %parallel_loop3A_524 = arith.addi %parallel_loop3A_520, %iota3A : vector<16xi32>
        %parallel_loop3A_525 = tpu.vector_load_idx %arg6[%parallel_loop3A_524] : memref<98304xf32, #tpu.memory_space<vmem>>[vector<16xi32>], vector<16xf32>,
        %parallel_loop3A_526 = arith.addi %parallel_loop3A_520, %add3A_37 : vector<16xi32>
        %parallel_loop3A_527 = tpu.vector_load_idx %arg6[%parallel_loop3A_526] : memref<98304xf32, #tpu.memory_space<vmem>>[vector<16xi32>], vector<16xf32>,
        %parallel_loop3A_528 = arith.mulf %parallel_loop3A_523, %parallel_loop3A_525 : vector<16xf32>
        %parallel_loop3A_529 = arith.addf %parallel_loop3A_515, %parallel_loop3A_528 : vector<16xf32>
        %parallel_loop3A_530 = arith.mulf %parallel_loop3A_523, %parallel_loop3A_527 : vector<16xf32>
        %parallel_loop3A_531 = arith.addf %parallel_loop3A_517, %parallel_loop3A_530 : vector<16xf32>
        %parallel_loop3A_532 = vector.shape_cast %broadcast_in_dim3A_66 : vector<16xi32> to vector<16x1xi32>
        %parallel_loop3A_533 = vector.shape_cast %parallel_loop3A_532 : vector<16x1xi32> to vector<16xi32>
        %parallel_loop3A_534 = tpu.dynamic_gather %parallel_loop3A_330[%parallel_loop3A_533] in [0] : vector<16xi32>, vector<16xi32> -> vector<16xi32>
        %parallel_loop3A_535 = vector.shape_cast %broadcast_in_dim3A_66 : vector<16xi32> to vector<16x1xi32>
        %parallel_loop3A_536 = vector.shape_cast %parallel_loop3A_535 : vector<16x1xi32> to vector<16xi32>
        %parallel_loop3A_537 = tpu.dynamic_gather %parallel_loop3A_335[%parallel_loop3A_536] in [0] : vector<16xf32>, vector<16xi32> -> vector<16xf32>
        %parallel_loop3A_538 = arith.addi %parallel_loop3A_534, %iota3A : vector<16xi32>
        %parallel_loop3A_539 = tpu.vector_load_idx %arg6[%parallel_loop3A_538] : memref<98304xf32, #tpu.memory_space<vmem>>[vector<16xi32>], vector<16xf32>,
        %parallel_loop3A_540 = arith.addi %parallel_loop3A_534, %add3A_37 : vector<16xi32>
        %parallel_loop3A_541 = tpu.vector_load_idx %arg6[%parallel_loop3A_540] : memref<98304xf32, #tpu.memory_space<vmem>>[vector<16xi32>], vector<16xf32>,
        %parallel_loop3A_542 = arith.mulf %parallel_loop3A_537, %parallel_loop3A_539 : vector<16xf32>
        %parallel_loop3A_543 = arith.addf %parallel_loop3A_529, %parallel_loop3A_542 : vector<16xf32>
        %parallel_loop3A_544 = arith.mulf %parallel_loop3A_537, %parallel_loop3A_541 : vector<16xf32>
        %parallel_loop3A_545 = arith.addf %parallel_loop3A_531, %parallel_loop3A_544 : vector<16xf32>
        %parallel_loop3A_546 = vector.shape_cast %broadcast_in_dim3A_68 : vector<16xi32> to vector<16x1xi32>
        %parallel_loop3A_547 = vector.shape_cast %parallel_loop3A_546 : vector<16x1xi32> to vector<16xi32>
        %parallel_loop3A_548 = tpu.dynamic_gather %parallel_loop3A_330[%parallel_loop3A_547] in [0] : vector<16xi32>, vector<16xi32> -> vector<16xi32>
        %parallel_loop3A_549 = vector.shape_cast %broadcast_in_dim3A_68 : vector<16xi32> to vector<16x1xi32>
        %parallel_loop3A_550 = vector.shape_cast %parallel_loop3A_549 : vector<16x1xi32> to vector<16xi32>
        %parallel_loop3A_551 = tpu.dynamic_gather %parallel_loop3A_335[%parallel_loop3A_550] in [0] : vector<16xf32>, vector<16xi32> -> vector<16xf32>
        %parallel_loop3A_552 = arith.addi %parallel_loop3A_548, %iota3A : vector<16xi32>
        %parallel_loop3A_553 = tpu.vector_load_idx %arg6[%parallel_loop3A_552] : memref<98304xf32, #tpu.memory_space<vmem>>[vector<16xi32>], vector<16xf32>,
        %parallel_loop3A_554 = arith.addi %parallel_loop3A_548, %add3A_37 : vector<16xi32>
        %parallel_loop3A_555 = tpu.vector_load_idx %arg6[%parallel_loop3A_554] : memref<98304xf32, #tpu.memory_space<vmem>>[vector<16xi32>], vector<16xf32>,
        %parallel_loop3A_556 = arith.mulf %parallel_loop3A_551, %parallel_loop3A_553 : vector<16xf32>
        %parallel_loop3A_557 = arith.addf %parallel_loop3A_543, %parallel_loop3A_556 : vector<16xf32>
        %parallel_loop3A_558 = arith.mulf %parallel_loop3A_551, %parallel_loop3A_555 : vector<16xf32>
        %parallel_loop3A_559 = arith.addf %parallel_loop3A_545, %parallel_loop3A_558 : vector<16xf32>
        %parallel_loop3A_560 = arith.constant 0 : i32
        %parallel_loop3A_561 = arith.index_cast %parallel_loop3A_560 : i32 to index
        %parallel_loop3A_562 = arith.index_cast %parallel_loop3A_309 : i32 to index
        %parallel_loop3A_563 = arith.constant 16 : index
        %parallel_loop3A_564 = tpu.vector_load %arg7[%parallel_loop3A_561, %parallel_loop3A_562, %parallel_loop3A_563] {strides = array<i32>} : memref<2x32x64xi32, #tpu.memory_space<vmem>>, vector<16xi32>,
        %parallel_loop3A_565 = arith.constant 0 : i32
        %parallel_loop3A_566 = arith.index_cast %parallel_loop3A_565 : i32 to index
        %parallel_loop3A_567 = arith.index_cast %parallel_loop3A_309 : i32 to index
        %parallel_loop3A_568 = arith.constant 16 : index
        %parallel_loop3A_569 = tpu.vector_load %arg8[%parallel_loop3A_566, %parallel_loop3A_567, %parallel_loop3A_568] {strides = array<i32>} : memref<2x32x64xf32, #tpu.memory_space<vmem>>, vector<16xf32>,
        %parallel_loop3A_570 = vector.shape_cast %broadcast_in_dim3A_38 : vector<16xi32> to vector<16x1xi32>
        %parallel_loop3A_571 = vector.shape_cast %parallel_loop3A_570 : vector<16x1xi32> to vector<16xi32>
        %parallel_loop3A_572 = tpu.dynamic_gather %parallel_loop3A_564[%parallel_loop3A_571] in [0] : vector<16xi32>, vector<16xi32> -> vector<16xi32>
        %parallel_loop3A_573 = vector.shape_cast %broadcast_in_dim3A_38 : vector<16xi32> to vector<16x1xi32>
        %parallel_loop3A_574 = vector.shape_cast %parallel_loop3A_573 : vector<16x1xi32> to vector<16xi32>
        %parallel_loop3A_575 = tpu.dynamic_gather %parallel_loop3A_569[%parallel_loop3A_574] in [0] : vector<16xf32>, vector<16xi32> -> vector<16xf32>
        %parallel_loop3A_576 = arith.addi %parallel_loop3A_572, %iota3A : vector<16xi32>
        %parallel_loop3A_577 = tpu.vector_load_idx %arg6[%parallel_loop3A_576] : memref<98304xf32, #tpu.memory_space<vmem>>[vector<16xi32>], vector<16xf32>,
        %parallel_loop3A_578 = arith.addi %parallel_loop3A_572, %add3A_37 : vector<16xi32>
        %parallel_loop3A_579 = tpu.vector_load_idx %arg6[%parallel_loop3A_578] : memref<98304xf32, #tpu.memory_space<vmem>>[vector<16xi32>], vector<16xf32>,
        %parallel_loop3A_580 = arith.mulf %parallel_loop3A_575, %parallel_loop3A_577 : vector<16xf32>
        %parallel_loop3A_581 = arith.addf %parallel_loop3A_315, %parallel_loop3A_580 : vector<16xf32>
        %parallel_loop3A_582 = arith.mulf %parallel_loop3A_575, %parallel_loop3A_579 : vector<16xf32>
        %parallel_loop3A_583 = arith.addf %parallel_loop3A_317, %parallel_loop3A_582 : vector<16xf32>
        %parallel_loop3A_584 = vector.shape_cast %broadcast_in_dim3A_40 : vector<16xi32> to vector<16x1xi32>
        %parallel_loop3A_585 = vector.shape_cast %parallel_loop3A_584 : vector<16x1xi32> to vector<16xi32>
        %parallel_loop3A_586 = tpu.dynamic_gather %parallel_loop3A_564[%parallel_loop3A_585] in [0] : vector<16xi32>, vector<16xi32> -> vector<16xi32>
        %parallel_loop3A_587 = vector.shape_cast %broadcast_in_dim3A_40 : vector<16xi32> to vector<16x1xi32>
        %parallel_loop3A_588 = vector.shape_cast %parallel_loop3A_587 : vector<16x1xi32> to vector<16xi32>
        %parallel_loop3A_589 = tpu.dynamic_gather %parallel_loop3A_569[%parallel_loop3A_588] in [0] : vector<16xf32>, vector<16xi32> -> vector<16xf32>
        %parallel_loop3A_590 = arith.addi %parallel_loop3A_586, %iota3A : vector<16xi32>
        %parallel_loop3A_591 = tpu.vector_load_idx %arg6[%parallel_loop3A_590] : memref<98304xf32, #tpu.memory_space<vmem>>[vector<16xi32>], vector<16xf32>,
        %parallel_loop3A_592 = arith.addi %parallel_loop3A_586, %add3A_37 : vector<16xi32>
        %parallel_loop3A_593 = tpu.vector_load_idx %arg6[%parallel_loop3A_592] : memref<98304xf32, #tpu.memory_space<vmem>>[vector<16xi32>], vector<16xf32>,
        %parallel_loop3A_594 = arith.mulf %parallel_loop3A_589, %parallel_loop3A_591 : vector<16xf32>
        %parallel_loop3A_595 = arith.addf %parallel_loop3A_581, %parallel_loop3A_594 : vector<16xf32>
        %parallel_loop3A_596 = arith.mulf %parallel_loop3A_589, %parallel_loop3A_593 : vector<16xf32>
        %parallel_loop3A_597 = arith.addf %parallel_loop3A_583, %parallel_loop3A_596 : vector<16xf32>
        %parallel_loop3A_598 = vector.shape_cast %broadcast_in_dim3A_42 : vector<16xi32> to vector<16x1xi32>
        %parallel_loop3A_599 = vector.shape_cast %parallel_loop3A_598 : vector<16x1xi32> to vector<16xi32>
        %parallel_loop3A_600 = tpu.dynamic_gather %parallel_loop3A_564[%parallel_loop3A_599] in [0] : vector<16xi32>, vector<16xi32> -> vector<16xi32>
        %parallel_loop3A_601 = vector.shape_cast %broadcast_in_dim3A_42 : vector<16xi32> to vector<16x1xi32>
        %parallel_loop3A_602 = vector.shape_cast %parallel_loop3A_601 : vector<16x1xi32> to vector<16xi32>
        %parallel_loop3A_603 = tpu.dynamic_gather %parallel_loop3A_569[%parallel_loop3A_602] in [0] : vector<16xf32>, vector<16xi32> -> vector<16xf32>
        %parallel_loop3A_604 = arith.addi %parallel_loop3A_600, %iota3A : vector<16xi32>
        %parallel_loop3A_605 = tpu.vector_load_idx %arg6[%parallel_loop3A_604] : memref<98304xf32, #tpu.memory_space<vmem>>[vector<16xi32>], vector<16xf32>,
        %parallel_loop3A_606 = arith.addi %parallel_loop3A_600, %add3A_37 : vector<16xi32>
        %parallel_loop3A_607 = tpu.vector_load_idx %arg6[%parallel_loop3A_606] : memref<98304xf32, #tpu.memory_space<vmem>>[vector<16xi32>], vector<16xf32>,
        %parallel_loop3A_608 = arith.mulf %parallel_loop3A_603, %parallel_loop3A_605 : vector<16xf32>
        %parallel_loop3A_609 = arith.addf %parallel_loop3A_595, %parallel_loop3A_608 : vector<16xf32>
        %parallel_loop3A_610 = arith.mulf %parallel_loop3A_603, %parallel_loop3A_607 : vector<16xf32>
        %parallel_loop3A_611 = arith.addf %parallel_loop3A_597, %parallel_loop3A_610 : vector<16xf32>
        %parallel_loop3A_612 = vector.shape_cast %broadcast_in_dim3A_44 : vector<16xi32> to vector<16x1xi32>
        %parallel_loop3A_613 = vector.shape_cast %parallel_loop3A_612 : vector<16x1xi32> to vector<16xi32>
        %parallel_loop3A_614 = tpu.dynamic_gather %parallel_loop3A_564[%parallel_loop3A_613] in [0] : vector<16xi32>, vector<16xi32> -> vector<16xi32>
        %parallel_loop3A_615 = vector.shape_cast %broadcast_in_dim3A_44 : vector<16xi32> to vector<16x1xi32>
        %parallel_loop3A_616 = vector.shape_cast %parallel_loop3A_615 : vector<16x1xi32> to vector<16xi32>
        %parallel_loop3A_617 = tpu.dynamic_gather %parallel_loop3A_569[%parallel_loop3A_616] in [0] : vector<16xf32>, vector<16xi32> -> vector<16xf32>
        %parallel_loop3A_618 = arith.addi %parallel_loop3A_614, %iota3A : vector<16xi32>
        %parallel_loop3A_619 = tpu.vector_load_idx %arg6[%parallel_loop3A_618] : memref<98304xf32, #tpu.memory_space<vmem>>[vector<16xi32>], vector<16xf32>,
        %parallel_loop3A_620 = arith.addi %parallel_loop3A_614, %add3A_37 : vector<16xi32>
        %parallel_loop3A_621 = tpu.vector_load_idx %arg6[%parallel_loop3A_620] : memref<98304xf32, #tpu.memory_space<vmem>>[vector<16xi32>], vector<16xf32>,
        %parallel_loop3A_622 = arith.mulf %parallel_loop3A_617, %parallel_loop3A_619 : vector<16xf32>
        %parallel_loop3A_623 = arith.addf %parallel_loop3A_609, %parallel_loop3A_622 : vector<16xf32>
        %parallel_loop3A_624 = arith.mulf %parallel_loop3A_617, %parallel_loop3A_621 : vector<16xf32>
        %parallel_loop3A_625 = arith.addf %parallel_loop3A_611, %parallel_loop3A_624 : vector<16xf32>
        %parallel_loop3A_626 = vector.shape_cast %broadcast_in_dim3A_46 : vector<16xi32> to vector<16x1xi32>
        %parallel_loop3A_627 = vector.shape_cast %parallel_loop3A_626 : vector<16x1xi32> to vector<16xi32>
        %parallel_loop3A_628 = tpu.dynamic_gather %parallel_loop3A_564[%parallel_loop3A_627] in [0] : vector<16xi32>, vector<16xi32> -> vector<16xi32>
        %parallel_loop3A_629 = vector.shape_cast %broadcast_in_dim3A_46 : vector<16xi32> to vector<16x1xi32>
        %parallel_loop3A_630 = vector.shape_cast %parallel_loop3A_629 : vector<16x1xi32> to vector<16xi32>
        %parallel_loop3A_631 = tpu.dynamic_gather %parallel_loop3A_569[%parallel_loop3A_630] in [0] : vector<16xf32>, vector<16xi32> -> vector<16xf32>
        %parallel_loop3A_632 = arith.addi %parallel_loop3A_628, %iota3A : vector<16xi32>
        %parallel_loop3A_633 = tpu.vector_load_idx %arg6[%parallel_loop3A_632] : memref<98304xf32, #tpu.memory_space<vmem>>[vector<16xi32>], vector<16xf32>,
        %parallel_loop3A_634 = arith.addi %parallel_loop3A_628, %add3A_37 : vector<16xi32>
        %parallel_loop3A_635 = tpu.vector_load_idx %arg6[%parallel_loop3A_634] : memref<98304xf32, #tpu.memory_space<vmem>>[vector<16xi32>], vector<16xf32>,
        %parallel_loop3A_636 = arith.mulf %parallel_loop3A_631, %parallel_loop3A_633 : vector<16xf32>
        %parallel_loop3A_637 = arith.addf %parallel_loop3A_623, %parallel_loop3A_636 : vector<16xf32>
        %parallel_loop3A_638 = arith.mulf %parallel_loop3A_631, %parallel_loop3A_635 : vector<16xf32>
        %parallel_loop3A_639 = arith.addf %parallel_loop3A_625, %parallel_loop3A_638 : vector<16xf32>
        %parallel_loop3A_640 = vector.shape_cast %broadcast_in_dim3A_48 : vector<16xi32> to vector<16x1xi32>
        %parallel_loop3A_641 = vector.shape_cast %parallel_loop3A_640 : vector<16x1xi32> to vector<16xi32>
        %parallel_loop3A_642 = tpu.dynamic_gather %parallel_loop3A_564[%parallel_loop3A_641] in [0] : vector<16xi32>, vector<16xi32> -> vector<16xi32>
        %parallel_loop3A_643 = vector.shape_cast %broadcast_in_dim3A_48 : vector<16xi32> to vector<16x1xi32>
        %parallel_loop3A_644 = vector.shape_cast %parallel_loop3A_643 : vector<16x1xi32> to vector<16xi32>
        %parallel_loop3A_645 = tpu.dynamic_gather %parallel_loop3A_569[%parallel_loop3A_644] in [0] : vector<16xf32>, vector<16xi32> -> vector<16xf32>
        %parallel_loop3A_646 = arith.addi %parallel_loop3A_642, %iota3A : vector<16xi32>
        %parallel_loop3A_647 = tpu.vector_load_idx %arg6[%parallel_loop3A_646] : memref<98304xf32, #tpu.memory_space<vmem>>[vector<16xi32>], vector<16xf32>,
        %parallel_loop3A_648 = arith.addi %parallel_loop3A_642, %add3A_37 : vector<16xi32>
        %parallel_loop3A_649 = tpu.vector_load_idx %arg6[%parallel_loop3A_648] : memref<98304xf32, #tpu.memory_space<vmem>>[vector<16xi32>], vector<16xf32>,
        %parallel_loop3A_650 = arith.mulf %parallel_loop3A_645, %parallel_loop3A_647 : vector<16xf32>
        %parallel_loop3A_651 = arith.addf %parallel_loop3A_637, %parallel_loop3A_650 : vector<16xf32>
        %parallel_loop3A_652 = arith.mulf %parallel_loop3A_645, %parallel_loop3A_649 : vector<16xf32>
        %parallel_loop3A_653 = arith.addf %parallel_loop3A_639, %parallel_loop3A_652 : vector<16xf32>
        %parallel_loop3A_654 = vector.shape_cast %broadcast_in_dim3A_50 : vector<16xi32> to vector<16x1xi32>
        %parallel_loop3A_655 = vector.shape_cast %parallel_loop3A_654 : vector<16x1xi32> to vector<16xi32>
        %parallel_loop3A_656 = tpu.dynamic_gather %parallel_loop3A_564[%parallel_loop3A_655] in [0] : vector<16xi32>, vector<16xi32> -> vector<16xi32>
        %parallel_loop3A_657 = vector.shape_cast %broadcast_in_dim3A_50 : vector<16xi32> to vector<16x1xi32>
        %parallel_loop3A_658 = vector.shape_cast %parallel_loop3A_657 : vector<16x1xi32> to vector<16xi32>
        %parallel_loop3A_659 = tpu.dynamic_gather %parallel_loop3A_569[%parallel_loop3A_658] in [0] : vector<16xf32>, vector<16xi32> -> vector<16xf32>
        %parallel_loop3A_660 = arith.addi %parallel_loop3A_656, %iota3A : vector<16xi32>
        %parallel_loop3A_661 = tpu.vector_load_idx %arg6[%parallel_loop3A_660] : memref<98304xf32, #tpu.memory_space<vmem>>[vector<16xi32>], vector<16xf32>,
        %parallel_loop3A_662 = arith.addi %parallel_loop3A_656, %add3A_37 : vector<16xi32>
        %parallel_loop3A_663 = tpu.vector_load_idx %arg6[%parallel_loop3A_662] : memref<98304xf32, #tpu.memory_space<vmem>>[vector<16xi32>], vector<16xf32>,
        %parallel_loop3A_664 = arith.mulf %parallel_loop3A_659, %parallel_loop3A_661 : vector<16xf32>
        %parallel_loop3A_665 = arith.addf %parallel_loop3A_651, %parallel_loop3A_664 : vector<16xf32>
        %parallel_loop3A_666 = arith.mulf %parallel_loop3A_659, %parallel_loop3A_663 : vector<16xf32>
        %parallel_loop3A_667 = arith.addf %parallel_loop3A_653, %parallel_loop3A_666 : vector<16xf32>
        %parallel_loop3A_668 = vector.shape_cast %broadcast_in_dim3A_52 : vector<16xi32> to vector<16x1xi32>
        %parallel_loop3A_669 = vector.shape_cast %parallel_loop3A_668 : vector<16x1xi32> to vector<16xi32>
        %parallel_loop3A_670 = tpu.dynamic_gather %parallel_loop3A_564[%parallel_loop3A_669] in [0] : vector<16xi32>, vector<16xi32> -> vector<16xi32>
        %parallel_loop3A_671 = vector.shape_cast %broadcast_in_dim3A_52 : vector<16xi32> to vector<16x1xi32>
        %parallel_loop3A_672 = vector.shape_cast %parallel_loop3A_671 : vector<16x1xi32> to vector<16xi32>
        %parallel_loop3A_673 = tpu.dynamic_gather %parallel_loop3A_569[%parallel_loop3A_672] in [0] : vector<16xf32>, vector<16xi32> -> vector<16xf32>
        %parallel_loop3A_674 = arith.addi %parallel_loop3A_670, %iota3A : vector<16xi32>
        %parallel_loop3A_675 = tpu.vector_load_idx %arg6[%parallel_loop3A_674] : memref<98304xf32, #tpu.memory_space<vmem>>[vector<16xi32>], vector<16xf32>,
        %parallel_loop3A_676 = arith.addi %parallel_loop3A_670, %add3A_37 : vector<16xi32>
        %parallel_loop3A_677 = tpu.vector_load_idx %arg6[%parallel_loop3A_676] : memref<98304xf32, #tpu.memory_space<vmem>>[vector<16xi32>], vector<16xf32>,
        %parallel_loop3A_678 = arith.mulf %parallel_loop3A_673, %parallel_loop3A_675 : vector<16xf32>
        %parallel_loop3A_679 = arith.addf %parallel_loop3A_665, %parallel_loop3A_678 : vector<16xf32>
        %parallel_loop3A_680 = arith.mulf %parallel_loop3A_673, %parallel_loop3A_677 : vector<16xf32>
        %parallel_loop3A_681 = arith.addf %parallel_loop3A_667, %parallel_loop3A_680 : vector<16xf32>
        %parallel_loop3A_682 = vector.shape_cast %broadcast_in_dim3A_54 : vector<16xi32> to vector<16x1xi32>
        %parallel_loop3A_683 = vector.shape_cast %parallel_loop3A_682 : vector<16x1xi32> to vector<16xi32>
        %parallel_loop3A_684 = tpu.dynamic_gather %parallel_loop3A_564[%parallel_loop3A_683] in [0] : vector<16xi32>, vector<16xi32> -> vector<16xi32>
        %parallel_loop3A_685 = vector.shape_cast %broadcast_in_dim3A_54 : vector<16xi32> to vector<16x1xi32>
        %parallel_loop3A_686 = vector.shape_cast %parallel_loop3A_685 : vector<16x1xi32> to vector<16xi32>
        %parallel_loop3A_687 = tpu.dynamic_gather %parallel_loop3A_569[%parallel_loop3A_686] in [0] : vector<16xf32>, vector<16xi32> -> vector<16xf32>
        %parallel_loop3A_688 = arith.addi %parallel_loop3A_684, %iota3A : vector<16xi32>
        %parallel_loop3A_689 = tpu.vector_load_idx %arg6[%parallel_loop3A_688] : memref<98304xf32, #tpu.memory_space<vmem>>[vector<16xi32>], vector<16xf32>,
        %parallel_loop3A_690 = arith.addi %parallel_loop3A_684, %add3A_37 : vector<16xi32>
        %parallel_loop3A_691 = tpu.vector_load_idx %arg6[%parallel_loop3A_690] : memref<98304xf32, #tpu.memory_space<vmem>>[vector<16xi32>], vector<16xf32>,
        %parallel_loop3A_692 = arith.mulf %parallel_loop3A_687, %parallel_loop3A_689 : vector<16xf32>
        %parallel_loop3A_693 = arith.addf %parallel_loop3A_679, %parallel_loop3A_692 : vector<16xf32>
        %parallel_loop3A_694 = arith.mulf %parallel_loop3A_687, %parallel_loop3A_691 : vector<16xf32>
        %parallel_loop3A_695 = arith.addf %parallel_loop3A_681, %parallel_loop3A_694 : vector<16xf32>
        %parallel_loop3A_696 = vector.shape_cast %broadcast_in_dim3A_56 : vector<16xi32> to vector<16x1xi32>
        %parallel_loop3A_697 = vector.shape_cast %parallel_loop3A_696 : vector<16x1xi32> to vector<16xi32>
        %parallel_loop3A_698 = tpu.dynamic_gather %parallel_loop3A_564[%parallel_loop3A_697] in [0] : vector<16xi32>, vector<16xi32> -> vector<16xi32>
        %parallel_loop3A_699 = vector.shape_cast %broadcast_in_dim3A_56 : vector<16xi32> to vector<16x1xi32>
        %parallel_loop3A_700 = vector.shape_cast %parallel_loop3A_699 : vector<16x1xi32> to vector<16xi32>
        %parallel_loop3A_701 = tpu.dynamic_gather %parallel_loop3A_569[%parallel_loop3A_700] in [0] : vector<16xf32>, vector<16xi32> -> vector<16xf32>
        %parallel_loop3A_702 = arith.addi %parallel_loop3A_698, %iota3A : vector<16xi32>
        %parallel_loop3A_703 = tpu.vector_load_idx %arg6[%parallel_loop3A_702] : memref<98304xf32, #tpu.memory_space<vmem>>[vector<16xi32>], vector<16xf32>,
        %parallel_loop3A_704 = arith.addi %parallel_loop3A_698, %add3A_37 : vector<16xi32>
        %parallel_loop3A_705 = tpu.vector_load_idx %arg6[%parallel_loop3A_704] : memref<98304xf32, #tpu.memory_space<vmem>>[vector<16xi32>], vector<16xf32>,
        %parallel_loop3A_706 = arith.mulf %parallel_loop3A_701, %parallel_loop3A_703 : vector<16xf32>
        %parallel_loop3A_707 = arith.addf %parallel_loop3A_693, %parallel_loop3A_706 : vector<16xf32>
        %parallel_loop3A_708 = arith.mulf %parallel_loop3A_701, %parallel_loop3A_705 : vector<16xf32>
        %parallel_loop3A_709 = arith.addf %parallel_loop3A_695, %parallel_loop3A_708 : vector<16xf32>
        %parallel_loop3A_710 = vector.shape_cast %broadcast_in_dim3A_58 : vector<16xi32> to vector<16x1xi32>
        %parallel_loop3A_711 = vector.shape_cast %parallel_loop3A_710 : vector<16x1xi32> to vector<16xi32>
        %parallel_loop3A_712 = tpu.dynamic_gather %parallel_loop3A_564[%parallel_loop3A_711] in [0] : vector<16xi32>, vector<16xi32> -> vector<16xi32>
        %parallel_loop3A_713 = vector.shape_cast %broadcast_in_dim3A_58 : vector<16xi32> to vector<16x1xi32>
        %parallel_loop3A_714 = vector.shape_cast %parallel_loop3A_713 : vector<16x1xi32> to vector<16xi32>
        %parallel_loop3A_715 = tpu.dynamic_gather %parallel_loop3A_569[%parallel_loop3A_714] in [0] : vector<16xf32>, vector<16xi32> -> vector<16xf32>
        %parallel_loop3A_716 = arith.addi %parallel_loop3A_712, %iota3A : vector<16xi32>
        %parallel_loop3A_717 = tpu.vector_load_idx %arg6[%parallel_loop3A_716] : memref<98304xf32, #tpu.memory_space<vmem>>[vector<16xi32>], vector<16xf32>,
        %parallel_loop3A_718 = arith.addi %parallel_loop3A_712, %add3A_37 : vector<16xi32>
        %parallel_loop3A_719 = tpu.vector_load_idx %arg6[%parallel_loop3A_718] : memref<98304xf32, #tpu.memory_space<vmem>>[vector<16xi32>], vector<16xf32>,
        %parallel_loop3A_720 = arith.mulf %parallel_loop3A_715, %parallel_loop3A_717 : vector<16xf32>
        %parallel_loop3A_721 = arith.addf %parallel_loop3A_707, %parallel_loop3A_720 : vector<16xf32>
        %parallel_loop3A_722 = arith.mulf %parallel_loop3A_715, %parallel_loop3A_719 : vector<16xf32>
        %parallel_loop3A_723 = arith.addf %parallel_loop3A_709, %parallel_loop3A_722 : vector<16xf32>
        %parallel_loop3A_724 = vector.shape_cast %broadcast_in_dim3A_60 : vector<16xi32> to vector<16x1xi32>
        %parallel_loop3A_725 = vector.shape_cast %parallel_loop3A_724 : vector<16x1xi32> to vector<16xi32>
        %parallel_loop3A_726 = tpu.dynamic_gather %parallel_loop3A_564[%parallel_loop3A_725] in [0] : vector<16xi32>, vector<16xi32> -> vector<16xi32>
        %parallel_loop3A_727 = vector.shape_cast %broadcast_in_dim3A_60 : vector<16xi32> to vector<16x1xi32>
        %parallel_loop3A_728 = vector.shape_cast %parallel_loop3A_727 : vector<16x1xi32> to vector<16xi32>
        %parallel_loop3A_729 = tpu.dynamic_gather %parallel_loop3A_569[%parallel_loop3A_728] in [0] : vector<16xf32>, vector<16xi32> -> vector<16xf32>
        %parallel_loop3A_730 = arith.addi %parallel_loop3A_726, %iota3A : vector<16xi32>
        %parallel_loop3A_731 = tpu.vector_load_idx %arg6[%parallel_loop3A_730] : memref<98304xf32, #tpu.memory_space<vmem>>[vector<16xi32>], vector<16xf32>,
        %parallel_loop3A_732 = arith.addi %parallel_loop3A_726, %add3A_37 : vector<16xi32>
        %parallel_loop3A_733 = tpu.vector_load_idx %arg6[%parallel_loop3A_732] : memref<98304xf32, #tpu.memory_space<vmem>>[vector<16xi32>], vector<16xf32>,
        %parallel_loop3A_734 = arith.mulf %parallel_loop3A_729, %parallel_loop3A_731 : vector<16xf32>
        %parallel_loop3A_735 = arith.addf %parallel_loop3A_721, %parallel_loop3A_734 : vector<16xf32>
        %parallel_loop3A_736 = arith.mulf %parallel_loop3A_729, %parallel_loop3A_733 : vector<16xf32>
        %parallel_loop3A_737 = arith.addf %parallel_loop3A_723, %parallel_loop3A_736 : vector<16xf32>
        %parallel_loop3A_738 = vector.shape_cast %broadcast_in_dim3A_62 : vector<16xi32> to vector<16x1xi32>
        %parallel_loop3A_739 = vector.shape_cast %parallel_loop3A_738 : vector<16x1xi32> to vector<16xi32>
        %parallel_loop3A_740 = tpu.dynamic_gather %parallel_loop3A_564[%parallel_loop3A_739] in [0] : vector<16xi32>, vector<16xi32> -> vector<16xi32>
        %parallel_loop3A_741 = vector.shape_cast %broadcast_in_dim3A_62 : vector<16xi32> to vector<16x1xi32>
        %parallel_loop3A_742 = vector.shape_cast %parallel_loop3A_741 : vector<16x1xi32> to vector<16xi32>
        %parallel_loop3A_743 = tpu.dynamic_gather %parallel_loop3A_569[%parallel_loop3A_742] in [0] : vector<16xf32>, vector<16xi32> -> vector<16xf32>
        %parallel_loop3A_744 = arith.addi %parallel_loop3A_740, %iota3A : vector<16xi32>
        %parallel_loop3A_745 = tpu.vector_load_idx %arg6[%parallel_loop3A_744] : memref<98304xf32, #tpu.memory_space<vmem>>[vector<16xi32>], vector<16xf32>,
        %parallel_loop3A_746 = arith.addi %parallel_loop3A_740, %add3A_37 : vector<16xi32>
        %parallel_loop3A_747 = tpu.vector_load_idx %arg6[%parallel_loop3A_746] : memref<98304xf32, #tpu.memory_space<vmem>>[vector<16xi32>], vector<16xf32>,
        %parallel_loop3A_748 = arith.mulf %parallel_loop3A_743, %parallel_loop3A_745 : vector<16xf32>
        %parallel_loop3A_749 = arith.addf %parallel_loop3A_735, %parallel_loop3A_748 : vector<16xf32>
        %parallel_loop3A_750 = arith.mulf %parallel_loop3A_743, %parallel_loop3A_747 : vector<16xf32>
        %parallel_loop3A_751 = arith.addf %parallel_loop3A_737, %parallel_loop3A_750 : vector<16xf32>
        %parallel_loop3A_752 = vector.shape_cast %broadcast_in_dim3A_64 : vector<16xi32> to vector<16x1xi32>
        %parallel_loop3A_753 = vector.shape_cast %parallel_loop3A_752 : vector<16x1xi32> to vector<16xi32>
        %parallel_loop3A_754 = tpu.dynamic_gather %parallel_loop3A_564[%parallel_loop3A_753] in [0] : vector<16xi32>, vector<16xi32> -> vector<16xi32>
        %parallel_loop3A_755 = vector.shape_cast %broadcast_in_dim3A_64 : vector<16xi32> to vector<16x1xi32>
        %parallel_loop3A_756 = vector.shape_cast %parallel_loop3A_755 : vector<16x1xi32> to vector<16xi32>
        %parallel_loop3A_757 = tpu.dynamic_gather %parallel_loop3A_569[%parallel_loop3A_756] in [0] : vector<16xf32>, vector<16xi32> -> vector<16xf32>
        %parallel_loop3A_758 = arith.addi %parallel_loop3A_754, %iota3A : vector<16xi32>
        %parallel_loop3A_759 = tpu.vector_load_idx %arg6[%parallel_loop3A_758] : memref<98304xf32, #tpu.memory_space<vmem>>[vector<16xi32>], vector<16xf32>,
        %parallel_loop3A_760 = arith.addi %parallel_loop3A_754, %add3A_37 : vector<16xi32>
        %parallel_loop3A_761 = tpu.vector_load_idx %arg6[%parallel_loop3A_760] : memref<98304xf32, #tpu.memory_space<vmem>>[vector<16xi32>], vector<16xf32>,
        %parallel_loop3A_762 = arith.mulf %parallel_loop3A_757, %parallel_loop3A_759 : vector<16xf32>
        %parallel_loop3A_763 = arith.addf %parallel_loop3A_749, %parallel_loop3A_762 : vector<16xf32>
        %parallel_loop3A_764 = arith.mulf %parallel_loop3A_757, %parallel_loop3A_761 : vector<16xf32>
        %parallel_loop3A_765 = arith.addf %parallel_loop3A_751, %parallel_loop3A_764 : vector<16xf32>
        %parallel_loop3A_766 = vector.shape_cast %broadcast_in_dim3A_66 : vector<16xi32> to vector<16x1xi32>
        %parallel_loop3A_767 = vector.shape_cast %parallel_loop3A_766 : vector<16x1xi32> to vector<16xi32>
        %parallel_loop3A_768 = tpu.dynamic_gather %parallel_loop3A_564[%parallel_loop3A_767] in [0] : vector<16xi32>, vector<16xi32> -> vector<16xi32>
        %parallel_loop3A_769 = vector.shape_cast %broadcast_in_dim3A_66 : vector<16xi32> to vector<16x1xi32>
        %parallel_loop3A_770 = vector.shape_cast %parallel_loop3A_769 : vector<16x1xi32> to vector<16xi32>
        %parallel_loop3A_771 = tpu.dynamic_gather %parallel_loop3A_569[%parallel_loop3A_770] in [0] : vector<16xf32>, vector<16xi32> -> vector<16xf32>
        %parallel_loop3A_772 = arith.addi %parallel_loop3A_768, %iota3A : vector<16xi32>
        %parallel_loop3A_773 = tpu.vector_load_idx %arg6[%parallel_loop3A_772] : memref<98304xf32, #tpu.memory_space<vmem>>[vector<16xi32>], vector<16xf32>,
        %parallel_loop3A_774 = arith.addi %parallel_loop3A_768, %add3A_37 : vector<16xi32>
        %parallel_loop3A_775 = tpu.vector_load_idx %arg6[%parallel_loop3A_774] : memref<98304xf32, #tpu.memory_space<vmem>>[vector<16xi32>], vector<16xf32>,
        %parallel_loop3A_776 = arith.mulf %parallel_loop3A_771, %parallel_loop3A_773 : vector<16xf32>
        %parallel_loop3A_777 = arith.addf %parallel_loop3A_763, %parallel_loop3A_776 : vector<16xf32>
        %parallel_loop3A_778 = arith.mulf %parallel_loop3A_771, %parallel_loop3A_775 : vector<16xf32>
        %parallel_loop3A_779 = arith.addf %parallel_loop3A_765, %parallel_loop3A_778 : vector<16xf32>
        %parallel_loop3A_780 = vector.shape_cast %broadcast_in_dim3A_68 : vector<16xi32> to vector<16x1xi32>
        %parallel_loop3A_781 = vector.shape_cast %parallel_loop3A_780 : vector<16x1xi32> to vector<16xi32>
        %parallel_loop3A_782 = tpu.dynamic_gather %parallel_loop3A_564[%parallel_loop3A_781] in [0] : vector<16xi32>, vector<16xi32> -> vector<16xi32>
        %parallel_loop3A_783 = vector.shape_cast %broadcast_in_dim3A_68 : vector<16xi32> to vector<16x1xi32>
        %parallel_loop3A_784 = vector.shape_cast %parallel_loop3A_783 : vector<16x1xi32> to vector<16xi32>
        %parallel_loop3A_785 = tpu.dynamic_gather %parallel_loop3A_569[%parallel_loop3A_784] in [0] : vector<16xf32>, vector<16xi32> -> vector<16xf32>
        %parallel_loop3A_786 = arith.addi %parallel_loop3A_782, %iota3A : vector<16xi32>
        %parallel_loop3A_787 = tpu.vector_load_idx %arg6[%parallel_loop3A_786] : memref<98304xf32, #tpu.memory_space<vmem>>[vector<16xi32>], vector<16xf32>,
        %parallel_loop3A_788 = arith.addi %parallel_loop3A_782, %add3A_37 : vector<16xi32>
        %parallel_loop3A_789 = tpu.vector_load_idx %arg6[%parallel_loop3A_788] : memref<98304xf32, #tpu.memory_space<vmem>>[vector<16xi32>], vector<16xf32>,
        %parallel_loop3A_790 = arith.mulf %parallel_loop3A_785, %parallel_loop3A_787 : vector<16xf32>
        %parallel_loop3A_791 = arith.addf %parallel_loop3A_777, %parallel_loop3A_790 : vector<16xf32>
        %parallel_loop3A_792 = arith.mulf %parallel_loop3A_785, %parallel_loop3A_789 : vector<16xf32>
        %parallel_loop3A_793 = arith.addf %parallel_loop3A_779, %parallel_loop3A_792 : vector<16xf32>
        %parallel_loop3A_794 = arith.constant 0 : i32
        %parallel_loop3A_795 = arith.index_cast %parallel_loop3A_794 : i32 to index
        %parallel_loop3A_796 = arith.index_cast %parallel_loop3A_309 : i32 to index
        %parallel_loop3A_797 = arith.constant 32 : index
        %parallel_loop3A_798 = tpu.vector_load %arg7[%parallel_loop3A_795, %parallel_loop3A_796, %parallel_loop3A_797] {strides = array<i32>} : memref<2x32x64xi32, #tpu.memory_space<vmem>>, vector<16xi32>,
        %parallel_loop3A_799 = arith.constant 0 : i32
        %parallel_loop3A_800 = arith.index_cast %parallel_loop3A_799 : i32 to index
        %parallel_loop3A_801 = arith.index_cast %parallel_loop3A_309 : i32 to index
        %parallel_loop3A_802 = arith.constant 32 : index
        %parallel_loop3A_803 = tpu.vector_load %arg8[%parallel_loop3A_800, %parallel_loop3A_801, %parallel_loop3A_802] {strides = array<i32>} : memref<2x32x64xf32, #tpu.memory_space<vmem>>, vector<16xf32>,
        %parallel_loop3A_804 = vector.shape_cast %broadcast_in_dim3A_38 : vector<16xi32> to vector<16x1xi32>
        %parallel_loop3A_805 = vector.shape_cast %parallel_loop3A_804 : vector<16x1xi32> to vector<16xi32>
        %parallel_loop3A_806 = tpu.dynamic_gather %parallel_loop3A_798[%parallel_loop3A_805] in [0] : vector<16xi32>, vector<16xi32> -> vector<16xi32>
        %parallel_loop3A_807 = vector.shape_cast %broadcast_in_dim3A_38 : vector<16xi32> to vector<16x1xi32>
        %parallel_loop3A_808 = vector.shape_cast %parallel_loop3A_807 : vector<16x1xi32> to vector<16xi32>
        %parallel_loop3A_809 = tpu.dynamic_gather %parallel_loop3A_803[%parallel_loop3A_808] in [0] : vector<16xf32>, vector<16xi32> -> vector<16xf32>
        %parallel_loop3A_810 = arith.addi %parallel_loop3A_806, %iota3A : vector<16xi32>
        %parallel_loop3A_811 = tpu.vector_load_idx %arg6[%parallel_loop3A_810] : memref<98304xf32, #tpu.memory_space<vmem>>[vector<16xi32>], vector<16xf32>,
        %parallel_loop3A_812 = arith.addi %parallel_loop3A_806, %add3A_37 : vector<16xi32>
        %parallel_loop3A_813 = tpu.vector_load_idx %arg6[%parallel_loop3A_812] : memref<98304xf32, #tpu.memory_space<vmem>>[vector<16xi32>], vector<16xf32>,
        %parallel_loop3A_814 = arith.mulf %parallel_loop3A_809, %parallel_loop3A_811 : vector<16xf32>
        %parallel_loop3A_815 = arith.addf %parallel_loop3A_319, %parallel_loop3A_814 : vector<16xf32>
        %parallel_loop3A_816 = arith.mulf %parallel_loop3A_809, %parallel_loop3A_813 : vector<16xf32>
        %parallel_loop3A_817 = arith.addf %parallel_loop3A_321, %parallel_loop3A_816 : vector<16xf32>
        %parallel_loop3A_818 = vector.shape_cast %broadcast_in_dim3A_40 : vector<16xi32> to vector<16x1xi32>
        %parallel_loop3A_819 = vector.shape_cast %parallel_loop3A_818 : vector<16x1xi32> to vector<16xi32>
        %parallel_loop3A_820 = tpu.dynamic_gather %parallel_loop3A_798[%parallel_loop3A_819] in [0] : vector<16xi32>, vector<16xi32> -> vector<16xi32>
        %parallel_loop3A_821 = vector.shape_cast %broadcast_in_dim3A_40 : vector<16xi32> to vector<16x1xi32>
        %parallel_loop3A_822 = vector.shape_cast %parallel_loop3A_821 : vector<16x1xi32> to vector<16xi32>
        %parallel_loop3A_823 = tpu.dynamic_gather %parallel_loop3A_803[%parallel_loop3A_822] in [0] : vector<16xf32>, vector<16xi32> -> vector<16xf32>
        %parallel_loop3A_824 = arith.addi %parallel_loop3A_820, %iota3A : vector<16xi32>
        %parallel_loop3A_825 = tpu.vector_load_idx %arg6[%parallel_loop3A_824] : memref<98304xf32, #tpu.memory_space<vmem>>[vector<16xi32>], vector<16xf32>,
        %parallel_loop3A_826 = arith.addi %parallel_loop3A_820, %add3A_37 : vector<16xi32>
        %parallel_loop3A_827 = tpu.vector_load_idx %arg6[%parallel_loop3A_826] : memref<98304xf32, #tpu.memory_space<vmem>>[vector<16xi32>], vector<16xf32>,
        %parallel_loop3A_828 = arith.mulf %parallel_loop3A_823, %parallel_loop3A_825 : vector<16xf32>
        %parallel_loop3A_829 = arith.addf %parallel_loop3A_815, %parallel_loop3A_828 : vector<16xf32>
        %parallel_loop3A_830 = arith.mulf %parallel_loop3A_823, %parallel_loop3A_827 : vector<16xf32>
        %parallel_loop3A_831 = arith.addf %parallel_loop3A_817, %parallel_loop3A_830 : vector<16xf32>
        %parallel_loop3A_832 = vector.shape_cast %broadcast_in_dim3A_42 : vector<16xi32> to vector<16x1xi32>
        %parallel_loop3A_833 = vector.shape_cast %parallel_loop3A_832 : vector<16x1xi32> to vector<16xi32>
        %parallel_loop3A_834 = tpu.dynamic_gather %parallel_loop3A_798[%parallel_loop3A_833] in [0] : vector<16xi32>, vector<16xi32> -> vector<16xi32>
        %parallel_loop3A_835 = vector.shape_cast %broadcast_in_dim3A_42 : vector<16xi32> to vector<16x1xi32>
        %parallel_loop3A_836 = vector.shape_cast %parallel_loop3A_835 : vector<16x1xi32> to vector<16xi32>
        %parallel_loop3A_837 = tpu.dynamic_gather %parallel_loop3A_803[%parallel_loop3A_836] in [0] : vector<16xf32>, vector<16xi32> -> vector<16xf32>
        %parallel_loop3A_838 = arith.addi %parallel_loop3A_834, %iota3A : vector<16xi32>
        %parallel_loop3A_839 = tpu.vector_load_idx %arg6[%parallel_loop3A_838] : memref<98304xf32, #tpu.memory_space<vmem>>[vector<16xi32>], vector<16xf32>,
        %parallel_loop3A_840 = arith.addi %parallel_loop3A_834, %add3A_37 : vector<16xi32>
        %parallel_loop3A_841 = tpu.vector_load_idx %arg6[%parallel_loop3A_840] : memref<98304xf32, #tpu.memory_space<vmem>>[vector<16xi32>], vector<16xf32>,
        %parallel_loop3A_842 = arith.mulf %parallel_loop3A_837, %parallel_loop3A_839 : vector<16xf32>
        %parallel_loop3A_843 = arith.addf %parallel_loop3A_829, %parallel_loop3A_842 : vector<16xf32>
        %parallel_loop3A_844 = arith.mulf %parallel_loop3A_837, %parallel_loop3A_841 : vector<16xf32>
        %parallel_loop3A_845 = arith.addf %parallel_loop3A_831, %parallel_loop3A_844 : vector<16xf32>
        %parallel_loop3A_846 = vector.shape_cast %broadcast_in_dim3A_44 : vector<16xi32> to vector<16x1xi32>
        %parallel_loop3A_847 = vector.shape_cast %parallel_loop3A_846 : vector<16x1xi32> to vector<16xi32>
        %parallel_loop3A_848 = tpu.dynamic_gather %parallel_loop3A_798[%parallel_loop3A_847] in [0] : vector<16xi32>, vector<16xi32> -> vector<16xi32>
        %parallel_loop3A_849 = vector.shape_cast %broadcast_in_dim3A_44 : vector<16xi32> to vector<16x1xi32>
        %parallel_loop3A_850 = vector.shape_cast %parallel_loop3A_849 : vector<16x1xi32> to vector<16xi32>
        %parallel_loop3A_851 = tpu.dynamic_gather %parallel_loop3A_803[%parallel_loop3A_850] in [0] : vector<16xf32>, vector<16xi32> -> vector<16xf32>
        %parallel_loop3A_852 = arith.addi %parallel_loop3A_848, %iota3A : vector<16xi32>
        %parallel_loop3A_853 = tpu.vector_load_idx %arg6[%parallel_loop3A_852] : memref<98304xf32, #tpu.memory_space<vmem>>[vector<16xi32>], vector<16xf32>,
        %parallel_loop3A_854 = arith.addi %parallel_loop3A_848, %add3A_37 : vector<16xi32>
        %parallel_loop3A_855 = tpu.vector_load_idx %arg6[%parallel_loop3A_854] : memref<98304xf32, #tpu.memory_space<vmem>>[vector<16xi32>], vector<16xf32>,
        %parallel_loop3A_856 = arith.mulf %parallel_loop3A_851, %parallel_loop3A_853 : vector<16xf32>
        %parallel_loop3A_857 = arith.addf %parallel_loop3A_843, %parallel_loop3A_856 : vector<16xf32>
        %parallel_loop3A_858 = arith.mulf %parallel_loop3A_851, %parallel_loop3A_855 : vector<16xf32>
        %parallel_loop3A_859 = arith.addf %parallel_loop3A_845, %parallel_loop3A_858 : vector<16xf32>
        %parallel_loop3A_860 = vector.shape_cast %broadcast_in_dim3A_46 : vector<16xi32> to vector<16x1xi32>
        %parallel_loop3A_861 = vector.shape_cast %parallel_loop3A_860 : vector<16x1xi32> to vector<16xi32>
        %parallel_loop3A_862 = tpu.dynamic_gather %parallel_loop3A_798[%parallel_loop3A_861] in [0] : vector<16xi32>, vector<16xi32> -> vector<16xi32>
        %parallel_loop3A_863 = vector.shape_cast %broadcast_in_dim3A_46 : vector<16xi32> to vector<16x1xi32>
        %parallel_loop3A_864 = vector.shape_cast %parallel_loop3A_863 : vector<16x1xi32> to vector<16xi32>
        %parallel_loop3A_865 = tpu.dynamic_gather %parallel_loop3A_803[%parallel_loop3A_864] in [0] : vector<16xf32>, vector<16xi32> -> vector<16xf32>
        %parallel_loop3A_866 = arith.addi %parallel_loop3A_862, %iota3A : vector<16xi32>
        %parallel_loop3A_867 = tpu.vector_load_idx %arg6[%parallel_loop3A_866] : memref<98304xf32, #tpu.memory_space<vmem>>[vector<16xi32>], vector<16xf32>,
        %parallel_loop3A_868 = arith.addi %parallel_loop3A_862, %add3A_37 : vector<16xi32>
        %parallel_loop3A_869 = tpu.vector_load_idx %arg6[%parallel_loop3A_868] : memref<98304xf32, #tpu.memory_space<vmem>>[vector<16xi32>], vector<16xf32>,
        %parallel_loop3A_870 = arith.mulf %parallel_loop3A_865, %parallel_loop3A_867 : vector<16xf32>
        %parallel_loop3A_871 = arith.addf %parallel_loop3A_857, %parallel_loop3A_870 : vector<16xf32>
        %parallel_loop3A_872 = arith.mulf %parallel_loop3A_865, %parallel_loop3A_869 : vector<16xf32>
        %parallel_loop3A_873 = arith.addf %parallel_loop3A_859, %parallel_loop3A_872 : vector<16xf32>
        %parallel_loop3A_874 = vector.shape_cast %broadcast_in_dim3A_48 : vector<16xi32> to vector<16x1xi32>
        %parallel_loop3A_875 = vector.shape_cast %parallel_loop3A_874 : vector<16x1xi32> to vector<16xi32>
        %parallel_loop3A_876 = tpu.dynamic_gather %parallel_loop3A_798[%parallel_loop3A_875] in [0] : vector<16xi32>, vector<16xi32> -> vector<16xi32>
        %parallel_loop3A_877 = vector.shape_cast %broadcast_in_dim3A_48 : vector<16xi32> to vector<16x1xi32>
        %parallel_loop3A_878 = vector.shape_cast %parallel_loop3A_877 : vector<16x1xi32> to vector<16xi32>
        %parallel_loop3A_879 = tpu.dynamic_gather %parallel_loop3A_803[%parallel_loop3A_878] in [0] : vector<16xf32>, vector<16xi32> -> vector<16xf32>
        %parallel_loop3A_880 = arith.addi %parallel_loop3A_876, %iota3A : vector<16xi32>
        %parallel_loop3A_881 = tpu.vector_load_idx %arg6[%parallel_loop3A_880] : memref<98304xf32, #tpu.memory_space<vmem>>[vector<16xi32>], vector<16xf32>,
        %parallel_loop3A_882 = arith.addi %parallel_loop3A_876, %add3A_37 : vector<16xi32>
        %parallel_loop3A_883 = tpu.vector_load_idx %arg6[%parallel_loop3A_882] : memref<98304xf32, #tpu.memory_space<vmem>>[vector<16xi32>], vector<16xf32>,
        %parallel_loop3A_884 = arith.mulf %parallel_loop3A_879, %parallel_loop3A_881 : vector<16xf32>
        %parallel_loop3A_885 = arith.addf %parallel_loop3A_871, %parallel_loop3A_884 : vector<16xf32>
        %parallel_loop3A_886 = arith.mulf %parallel_loop3A_879, %parallel_loop3A_883 : vector<16xf32>
        %parallel_loop3A_887 = arith.addf %parallel_loop3A_873, %parallel_loop3A_886 : vector<16xf32>
        %parallel_loop3A_888 = vector.shape_cast %broadcast_in_dim3A_50 : vector<16xi32> to vector<16x1xi32>
        %parallel_loop3A_889 = vector.shape_cast %parallel_loop3A_888 : vector<16x1xi32> to vector<16xi32>
        %parallel_loop3A_890 = tpu.dynamic_gather %parallel_loop3A_798[%parallel_loop3A_889] in [0] : vector<16xi32>, vector<16xi32> -> vector<16xi32>
        %parallel_loop3A_891 = vector.shape_cast %broadcast_in_dim3A_50 : vector<16xi32> to vector<16x1xi32>
        %parallel_loop3A_892 = vector.shape_cast %parallel_loop3A_891 : vector<16x1xi32> to vector<16xi32>
        %parallel_loop3A_893 = tpu.dynamic_gather %parallel_loop3A_803[%parallel_loop3A_892] in [0] : vector<16xf32>, vector<16xi32> -> vector<16xf32>
        %parallel_loop3A_894 = arith.addi %parallel_loop3A_890, %iota3A : vector<16xi32>
        %parallel_loop3A_895 = tpu.vector_load_idx %arg6[%parallel_loop3A_894] : memref<98304xf32, #tpu.memory_space<vmem>>[vector<16xi32>], vector<16xf32>,
        %parallel_loop3A_896 = arith.addi %parallel_loop3A_890, %add3A_37 : vector<16xi32>
        %parallel_loop3A_897 = tpu.vector_load_idx %arg6[%parallel_loop3A_896] : memref<98304xf32, #tpu.memory_space<vmem>>[vector<16xi32>], vector<16xf32>,
        %parallel_loop3A_898 = arith.mulf %parallel_loop3A_893, %parallel_loop3A_895 : vector<16xf32>
        %parallel_loop3A_899 = arith.addf %parallel_loop3A_885, %parallel_loop3A_898 : vector<16xf32>
        %parallel_loop3A_900 = arith.mulf %parallel_loop3A_893, %parallel_loop3A_897 : vector<16xf32>
        %parallel_loop3A_901 = arith.addf %parallel_loop3A_887, %parallel_loop3A_900 : vector<16xf32>
        %parallel_loop3A_902 = vector.shape_cast %broadcast_in_dim3A_52 : vector<16xi32> to vector<16x1xi32>
        %parallel_loop3A_903 = vector.shape_cast %parallel_loop3A_902 : vector<16x1xi32> to vector<16xi32>
        %parallel_loop3A_904 = tpu.dynamic_gather %parallel_loop3A_798[%parallel_loop3A_903] in [0] : vector<16xi32>, vector<16xi32> -> vector<16xi32>
        %parallel_loop3A_905 = vector.shape_cast %broadcast_in_dim3A_52 : vector<16xi32> to vector<16x1xi32>
        %parallel_loop3A_906 = vector.shape_cast %parallel_loop3A_905 : vector<16x1xi32> to vector<16xi32>
        %parallel_loop3A_907 = tpu.dynamic_gather %parallel_loop3A_803[%parallel_loop3A_906] in [0] : vector<16xf32>, vector<16xi32> -> vector<16xf32>
        %parallel_loop3A_908 = arith.addi %parallel_loop3A_904, %iota3A : vector<16xi32>
        %parallel_loop3A_909 = tpu.vector_load_idx %arg6[%parallel_loop3A_908] : memref<98304xf32, #tpu.memory_space<vmem>>[vector<16xi32>], vector<16xf32>,
        %parallel_loop3A_910 = arith.addi %parallel_loop3A_904, %add3A_37 : vector<16xi32>
        %parallel_loop3A_911 = tpu.vector_load_idx %arg6[%parallel_loop3A_910] : memref<98304xf32, #tpu.memory_space<vmem>>[vector<16xi32>], vector<16xf32>,
        %parallel_loop3A_912 = arith.mulf %parallel_loop3A_907, %parallel_loop3A_909 : vector<16xf32>
        %parallel_loop3A_913 = arith.addf %parallel_loop3A_899, %parallel_loop3A_912 : vector<16xf32>
        %parallel_loop3A_914 = arith.mulf %parallel_loop3A_907, %parallel_loop3A_911 : vector<16xf32>
        %parallel_loop3A_915 = arith.addf %parallel_loop3A_901, %parallel_loop3A_914 : vector<16xf32>
        %parallel_loop3A_916 = vector.shape_cast %broadcast_in_dim3A_54 : vector<16xi32> to vector<16x1xi32>
        %parallel_loop3A_917 = vector.shape_cast %parallel_loop3A_916 : vector<16x1xi32> to vector<16xi32>
        %parallel_loop3A_918 = tpu.dynamic_gather %parallel_loop3A_798[%parallel_loop3A_917] in [0] : vector<16xi32>, vector<16xi32> -> vector<16xi32>
        %parallel_loop3A_919 = vector.shape_cast %broadcast_in_dim3A_54 : vector<16xi32> to vector<16x1xi32>
        %parallel_loop3A_920 = vector.shape_cast %parallel_loop3A_919 : vector<16x1xi32> to vector<16xi32>
        %parallel_loop3A_921 = tpu.dynamic_gather %parallel_loop3A_803[%parallel_loop3A_920] in [0] : vector<16xf32>, vector<16xi32> -> vector<16xf32>
        %parallel_loop3A_922 = arith.addi %parallel_loop3A_918, %iota3A : vector<16xi32>
        %parallel_loop3A_923 = tpu.vector_load_idx %arg6[%parallel_loop3A_922] : memref<98304xf32, #tpu.memory_space<vmem>>[vector<16xi32>], vector<16xf32>,
        %parallel_loop3A_924 = arith.addi %parallel_loop3A_918, %add3A_37 : vector<16xi32>
        %parallel_loop3A_925 = tpu.vector_load_idx %arg6[%parallel_loop3A_924] : memref<98304xf32, #tpu.memory_space<vmem>>[vector<16xi32>], vector<16xf32>,
        %parallel_loop3A_926 = arith.mulf %parallel_loop3A_921, %parallel_loop3A_923 : vector<16xf32>
        %parallel_loop3A_927 = arith.addf %parallel_loop3A_913, %parallel_loop3A_926 : vector<16xf32>
        %parallel_loop3A_928 = arith.mulf %parallel_loop3A_921, %parallel_loop3A_925 : vector<16xf32>
        %parallel_loop3A_929 = arith.addf %parallel_loop3A_915, %parallel_loop3A_928 : vector<16xf32>
        %parallel_loop3A_930 = vector.shape_cast %broadcast_in_dim3A_56 : vector<16xi32> to vector<16x1xi32>
        %parallel_loop3A_931 = vector.shape_cast %parallel_loop3A_930 : vector<16x1xi32> to vector<16xi32>
        %parallel_loop3A_932 = tpu.dynamic_gather %parallel_loop3A_798[%parallel_loop3A_931] in [0] : vector<16xi32>, vector<16xi32> -> vector<16xi32>
        %parallel_loop3A_933 = vector.shape_cast %broadcast_in_dim3A_56 : vector<16xi32> to vector<16x1xi32>
        %parallel_loop3A_934 = vector.shape_cast %parallel_loop3A_933 : vector<16x1xi32> to vector<16xi32>
        %parallel_loop3A_935 = tpu.dynamic_gather %parallel_loop3A_803[%parallel_loop3A_934] in [0] : vector<16xf32>, vector<16xi32> -> vector<16xf32>
        %parallel_loop3A_936 = arith.addi %parallel_loop3A_932, %iota3A : vector<16xi32>
        %parallel_loop3A_937 = tpu.vector_load_idx %arg6[%parallel_loop3A_936] : memref<98304xf32, #tpu.memory_space<vmem>>[vector<16xi32>], vector<16xf32>,
        %parallel_loop3A_938 = arith.addi %parallel_loop3A_932, %add3A_37 : vector<16xi32>
        %parallel_loop3A_939 = tpu.vector_load_idx %arg6[%parallel_loop3A_938] : memref<98304xf32, #tpu.memory_space<vmem>>[vector<16xi32>], vector<16xf32>,
        %parallel_loop3A_940 = arith.mulf %parallel_loop3A_935, %parallel_loop3A_937 : vector<16xf32>
        %parallel_loop3A_941 = arith.addf %parallel_loop3A_927, %parallel_loop3A_940 : vector<16xf32>
        %parallel_loop3A_942 = arith.mulf %parallel_loop3A_935, %parallel_loop3A_939 : vector<16xf32>
        %parallel_loop3A_943 = arith.addf %parallel_loop3A_929, %parallel_loop3A_942 : vector<16xf32>
        %parallel_loop3A_944 = vector.shape_cast %broadcast_in_dim3A_58 : vector<16xi32> to vector<16x1xi32>
        %parallel_loop3A_945 = vector.shape_cast %parallel_loop3A_944 : vector<16x1xi32> to vector<16xi32>
        %parallel_loop3A_946 = tpu.dynamic_gather %parallel_loop3A_798[%parallel_loop3A_945] in [0] : vector<16xi32>, vector<16xi32> -> vector<16xi32>
        %parallel_loop3A_947 = vector.shape_cast %broadcast_in_dim3A_58 : vector<16xi32> to vector<16x1xi32>
        %parallel_loop3A_948 = vector.shape_cast %parallel_loop3A_947 : vector<16x1xi32> to vector<16xi32>
        %parallel_loop3A_949 = tpu.dynamic_gather %parallel_loop3A_803[%parallel_loop3A_948] in [0] : vector<16xf32>, vector<16xi32> -> vector<16xf32>
        %parallel_loop3A_950 = arith.addi %parallel_loop3A_946, %iota3A : vector<16xi32>
        %parallel_loop3A_951 = tpu.vector_load_idx %arg6[%parallel_loop3A_950] : memref<98304xf32, #tpu.memory_space<vmem>>[vector<16xi32>], vector<16xf32>,
        %parallel_loop3A_952 = arith.addi %parallel_loop3A_946, %add3A_37 : vector<16xi32>
        %parallel_loop3A_953 = tpu.vector_load_idx %arg6[%parallel_loop3A_952] : memref<98304xf32, #tpu.memory_space<vmem>>[vector<16xi32>], vector<16xf32>,
        %parallel_loop3A_954 = arith.mulf %parallel_loop3A_949, %parallel_loop3A_951 : vector<16xf32>
        %parallel_loop3A_955 = arith.addf %parallel_loop3A_941, %parallel_loop3A_954 : vector<16xf32>
        %parallel_loop3A_956 = arith.mulf %parallel_loop3A_949, %parallel_loop3A_953 : vector<16xf32>
        %parallel_loop3A_957 = arith.addf %parallel_loop3A_943, %parallel_loop3A_956 : vector<16xf32>
        %parallel_loop3A_958 = vector.shape_cast %broadcast_in_dim3A_60 : vector<16xi32> to vector<16x1xi32>
        %parallel_loop3A_959 = vector.shape_cast %parallel_loop3A_958 : vector<16x1xi32> to vector<16xi32>
        %parallel_loop3A_960 = tpu.dynamic_gather %parallel_loop3A_798[%parallel_loop3A_959] in [0] : vector<16xi32>, vector<16xi32> -> vector<16xi32>
        %parallel_loop3A_961 = vector.shape_cast %broadcast_in_dim3A_60 : vector<16xi32> to vector<16x1xi32>
        %parallel_loop3A_962 = vector.shape_cast %parallel_loop3A_961 : vector<16x1xi32> to vector<16xi32>
        %parallel_loop3A_963 = tpu.dynamic_gather %parallel_loop3A_803[%parallel_loop3A_962] in [0] : vector<16xf32>, vector<16xi32> -> vector<16xf32>
        %parallel_loop3A_964 = arith.addi %parallel_loop3A_960, %iota3A : vector<16xi32>
        %parallel_loop3A_965 = tpu.vector_load_idx %arg6[%parallel_loop3A_964] : memref<98304xf32, #tpu.memory_space<vmem>>[vector<16xi32>], vector<16xf32>,
        %parallel_loop3A_966 = arith.addi %parallel_loop3A_960, %add3A_37 : vector<16xi32>
        %parallel_loop3A_967 = tpu.vector_load_idx %arg6[%parallel_loop3A_966] : memref<98304xf32, #tpu.memory_space<vmem>>[vector<16xi32>], vector<16xf32>,
        %parallel_loop3A_968 = arith.mulf %parallel_loop3A_963, %parallel_loop3A_965 : vector<16xf32>
        %parallel_loop3A_969 = arith.addf %parallel_loop3A_955, %parallel_loop3A_968 : vector<16xf32>
        %parallel_loop3A_970 = arith.mulf %parallel_loop3A_963, %parallel_loop3A_967 : vector<16xf32>
        %parallel_loop3A_971 = arith.addf %parallel_loop3A_957, %parallel_loop3A_970 : vector<16xf32>
        %parallel_loop3A_972 = vector.shape_cast %broadcast_in_dim3A_62 : vector<16xi32> to vector<16x1xi32>
        %parallel_loop3A_973 = vector.shape_cast %parallel_loop3A_972 : vector<16x1xi32> to vector<16xi32>
        %parallel_loop3A_974 = tpu.dynamic_gather %parallel_loop3A_798[%parallel_loop3A_973] in [0] : vector<16xi32>, vector<16xi32> -> vector<16xi32>
        %parallel_loop3A_975 = vector.shape_cast %broadcast_in_dim3A_62 : vector<16xi32> to vector<16x1xi32>
        %parallel_loop3A_976 = vector.shape_cast %parallel_loop3A_975 : vector<16x1xi32> to vector<16xi32>
        %parallel_loop3A_977 = tpu.dynamic_gather %parallel_loop3A_803[%parallel_loop3A_976] in [0] : vector<16xf32>, vector<16xi32> -> vector<16xf32>
        %parallel_loop3A_978 = arith.addi %parallel_loop3A_974, %iota3A : vector<16xi32>
        %parallel_loop3A_979 = tpu.vector_load_idx %arg6[%parallel_loop3A_978] : memref<98304xf32, #tpu.memory_space<vmem>>[vector<16xi32>], vector<16xf32>,
        %parallel_loop3A_980 = arith.addi %parallel_loop3A_974, %add3A_37 : vector<16xi32>
        %parallel_loop3A_981 = tpu.vector_load_idx %arg6[%parallel_loop3A_980] : memref<98304xf32, #tpu.memory_space<vmem>>[vector<16xi32>], vector<16xf32>,
        %parallel_loop3A_982 = arith.mulf %parallel_loop3A_977, %parallel_loop3A_979 : vector<16xf32>
        %parallel_loop3A_983 = arith.addf %parallel_loop3A_969, %parallel_loop3A_982 : vector<16xf32>
        %parallel_loop3A_984 = arith.mulf %parallel_loop3A_977, %parallel_loop3A_981 : vector<16xf32>
        %parallel_loop3A_985 = arith.addf %parallel_loop3A_971, %parallel_loop3A_984 : vector<16xf32>
        %parallel_loop3A_986 = vector.shape_cast %broadcast_in_dim3A_64 : vector<16xi32> to vector<16x1xi32>
        %parallel_loop3A_987 = vector.shape_cast %parallel_loop3A_986 : vector<16x1xi32> to vector<16xi32>
        %parallel_loop3A_988 = tpu.dynamic_gather %parallel_loop3A_798[%parallel_loop3A_987] in [0] : vector<16xi32>, vector<16xi32> -> vector<16xi32>
        %parallel_loop3A_989 = vector.shape_cast %broadcast_in_dim3A_64 : vector<16xi32> to vector<16x1xi32>
        %parallel_loop3A_990 = vector.shape_cast %parallel_loop3A_989 : vector<16x1xi32> to vector<16xi32>
        %parallel_loop3A_991 = tpu.dynamic_gather %parallel_loop3A_803[%parallel_loop3A_990] in [0] : vector<16xf32>, vector<16xi32> -> vector<16xf32>
        %parallel_loop3A_992 = arith.addi %parallel_loop3A_988, %iota3A : vector<16xi32>
        %parallel_loop3A_993 = tpu.vector_load_idx %arg6[%parallel_loop3A_992] : memref<98304xf32, #tpu.memory_space<vmem>>[vector<16xi32>], vector<16xf32>,
        %parallel_loop3A_994 = arith.addi %parallel_loop3A_988, %add3A_37 : vector<16xi32>
        %parallel_loop3A_995 = tpu.vector_load_idx %arg6[%parallel_loop3A_994] : memref<98304xf32, #tpu.memory_space<vmem>>[vector<16xi32>], vector<16xf32>,
        %parallel_loop3A_996 = arith.mulf %parallel_loop3A_991, %parallel_loop3A_993 : vector<16xf32>
        %parallel_loop3A_997 = arith.addf %parallel_loop3A_983, %parallel_loop3A_996 : vector<16xf32>
        %parallel_loop3A_998 = arith.mulf %parallel_loop3A_991, %parallel_loop3A_995 : vector<16xf32>
        %parallel_loop3A_999 = arith.addf %parallel_loop3A_985, %parallel_loop3A_998 : vector<16xf32>
        %parallel_loop3A_1000 = vector.shape_cast %broadcast_in_dim3A_66 : vector<16xi32> to vector<16x1xi32>
        %parallel_loop3A_1001 = vector.shape_cast %parallel_loop3A_1000 : vector<16x1xi32> to vector<16xi32>
        %parallel_loop3A_1002 = tpu.dynamic_gather %parallel_loop3A_798[%parallel_loop3A_1001] in [0] : vector<16xi32>, vector<16xi32> -> vector<16xi32>
        %parallel_loop3A_1003 = vector.shape_cast %broadcast_in_dim3A_66 : vector<16xi32> to vector<16x1xi32>
        %parallel_loop3A_1004 = vector.shape_cast %parallel_loop3A_1003 : vector<16x1xi32> to vector<16xi32>
        %parallel_loop3A_1005 = tpu.dynamic_gather %parallel_loop3A_803[%parallel_loop3A_1004] in [0] : vector<16xf32>, vector<16xi32> -> vector<16xf32>
        %parallel_loop3A_1006 = arith.addi %parallel_loop3A_1002, %iota3A : vector<16xi32>
        %parallel_loop3A_1007 = tpu.vector_load_idx %arg6[%parallel_loop3A_1006] : memref<98304xf32, #tpu.memory_space<vmem>>[vector<16xi32>], vector<16xf32>,
        %parallel_loop3A_1008 = arith.addi %parallel_loop3A_1002, %add3A_37 : vector<16xi32>
        %parallel_loop3A_1009 = tpu.vector_load_idx %arg6[%parallel_loop3A_1008] : memref<98304xf32, #tpu.memory_space<vmem>>[vector<16xi32>], vector<16xf32>,
        %parallel_loop3A_1010 = arith.mulf %parallel_loop3A_1005, %parallel_loop3A_1007 : vector<16xf32>
        %parallel_loop3A_1011 = arith.addf %parallel_loop3A_997, %parallel_loop3A_1010 : vector<16xf32>
        %parallel_loop3A_1012 = arith.mulf %parallel_loop3A_1005, %parallel_loop3A_1009 : vector<16xf32>
        %parallel_loop3A_1013 = arith.addf %parallel_loop3A_999, %parallel_loop3A_1012 : vector<16xf32>
        %parallel_loop3A_1014 = vector.shape_cast %broadcast_in_dim3A_68 : vector<16xi32> to vector<16x1xi32>
        %parallel_loop3A_1015 = vector.shape_cast %parallel_loop3A_1014 : vector<16x1xi32> to vector<16xi32>
        %parallel_loop3A_1016 = tpu.dynamic_gather %parallel_loop3A_798[%parallel_loop3A_1015] in [0] : vector<16xi32>, vector<16xi32> -> vector<16xi32>
        %parallel_loop3A_1017 = vector.shape_cast %broadcast_in_dim3A_68 : vector<16xi32> to vector<16x1xi32>
        %parallel_loop3A_1018 = vector.shape_cast %parallel_loop3A_1017 : vector<16x1xi32> to vector<16xi32>
        %parallel_loop3A_1019 = tpu.dynamic_gather %parallel_loop3A_803[%parallel_loop3A_1018] in [0] : vector<16xf32>, vector<16xi32> -> vector<16xf32>
        %parallel_loop3A_1020 = arith.addi %parallel_loop3A_1016, %iota3A : vector<16xi32>
        %parallel_loop3A_1021 = tpu.vector_load_idx %arg6[%parallel_loop3A_1020] : memref<98304xf32, #tpu.memory_space<vmem>>[vector<16xi32>], vector<16xf32>,
        %parallel_loop3A_1022 = arith.addi %parallel_loop3A_1016, %add3A_37 : vector<16xi32>
        %parallel_loop3A_1023 = tpu.vector_load_idx %arg6[%parallel_loop3A_1022] : memref<98304xf32, #tpu.memory_space<vmem>>[vector<16xi32>], vector<16xf32>,
        %parallel_loop3A_1024 = arith.mulf %parallel_loop3A_1019, %parallel_loop3A_1021 : vector<16xf32>
        %parallel_loop3A_1025 = arith.addf %parallel_loop3A_1011, %parallel_loop3A_1024 : vector<16xf32>
        %parallel_loop3A_1026 = arith.mulf %parallel_loop3A_1019, %parallel_loop3A_1023 : vector<16xf32>
        %parallel_loop3A_1027 = arith.addf %parallel_loop3A_1013, %parallel_loop3A_1026 : vector<16xf32>
        %parallel_loop3A_1028 = arith.constant 0 : i32
        %parallel_loop3A_1029 = arith.index_cast %parallel_loop3A_1028 : i32 to index
        %parallel_loop3A_1030 = arith.index_cast %parallel_loop3A_309 : i32 to index
        %parallel_loop3A_1031 = arith.constant 48 : index
        %parallel_loop3A_1032 = tpu.vector_load %arg7[%parallel_loop3A_1029, %parallel_loop3A_1030, %parallel_loop3A_1031] {strides = array<i32>} : memref<2x32x64xi32, #tpu.memory_space<vmem>>, vector<16xi32>,
        %parallel_loop3A_1033 = arith.constant 0 : i32
        %parallel_loop3A_1034 = arith.index_cast %parallel_loop3A_1033 : i32 to index
        %parallel_loop3A_1035 = arith.index_cast %parallel_loop3A_309 : i32 to index
        %parallel_loop3A_1036 = arith.constant 48 : index
        %parallel_loop3A_1037 = tpu.vector_load %arg8[%parallel_loop3A_1034, %parallel_loop3A_1035, %parallel_loop3A_1036] {strides = array<i32>} : memref<2x32x64xf32, #tpu.memory_space<vmem>>, vector<16xf32>,
        %parallel_loop3A_1038 = vector.shape_cast %broadcast_in_dim3A_38 : vector<16xi32> to vector<16x1xi32>
        %parallel_loop3A_1039 = vector.shape_cast %parallel_loop3A_1038 : vector<16x1xi32> to vector<16xi32>
        %parallel_loop3A_1040 = tpu.dynamic_gather %parallel_loop3A_1032[%parallel_loop3A_1039] in [0] : vector<16xi32>, vector<16xi32> -> vector<16xi32>
        %parallel_loop3A_1041 = vector.shape_cast %broadcast_in_dim3A_38 : vector<16xi32> to vector<16x1xi32>
        %parallel_loop3A_1042 = vector.shape_cast %parallel_loop3A_1041 : vector<16x1xi32> to vector<16xi32>
        %parallel_loop3A_1043 = tpu.dynamic_gather %parallel_loop3A_1037[%parallel_loop3A_1042] in [0] : vector<16xf32>, vector<16xi32> -> vector<16xf32>
        %parallel_loop3A_1044 = arith.addi %parallel_loop3A_1040, %iota3A : vector<16xi32>
        %parallel_loop3A_1045 = tpu.vector_load_idx %arg6[%parallel_loop3A_1044] : memref<98304xf32, #tpu.memory_space<vmem>>[vector<16xi32>], vector<16xf32>,
        %parallel_loop3A_1046 = arith.addi %parallel_loop3A_1040, %add3A_37 : vector<16xi32>
        %parallel_loop3A_1047 = tpu.vector_load_idx %arg6[%parallel_loop3A_1046] : memref<98304xf32, #tpu.memory_space<vmem>>[vector<16xi32>], vector<16xf32>,
        %parallel_loop3A_1048 = arith.mulf %parallel_loop3A_1043, %parallel_loop3A_1045 : vector<16xf32>
        %parallel_loop3A_1049 = arith.addf %parallel_loop3A_323, %parallel_loop3A_1048 : vector<16xf32>
        %parallel_loop3A_1050 = arith.mulf %parallel_loop3A_1043, %parallel_loop3A_1047 : vector<16xf32>
        %parallel_loop3A_1051 = arith.addf %parallel_loop3A_325, %parallel_loop3A_1050 : vector<16xf32>
        %parallel_loop3A_1052 = vector.shape_cast %broadcast_in_dim3A_40 : vector<16xi32> to vector<16x1xi32>
        %parallel_loop3A_1053 = vector.shape_cast %parallel_loop3A_1052 : vector<16x1xi32> to vector<16xi32>
        %parallel_loop3A_1054 = tpu.dynamic_gather %parallel_loop3A_1032[%parallel_loop3A_1053] in [0] : vector<16xi32>, vector<16xi32> -> vector<16xi32>
        %parallel_loop3A_1055 = vector.shape_cast %broadcast_in_dim3A_40 : vector<16xi32> to vector<16x1xi32>
        %parallel_loop3A_1056 = vector.shape_cast %parallel_loop3A_1055 : vector<16x1xi32> to vector<16xi32>
        %parallel_loop3A_1057 = tpu.dynamic_gather %parallel_loop3A_1037[%parallel_loop3A_1056] in [0] : vector<16xf32>, vector<16xi32> -> vector<16xf32>
        %parallel_loop3A_1058 = arith.addi %parallel_loop3A_1054, %iota3A : vector<16xi32>
        %parallel_loop3A_1059 = tpu.vector_load_idx %arg6[%parallel_loop3A_1058] : memref<98304xf32, #tpu.memory_space<vmem>>[vector<16xi32>], vector<16xf32>,
        %parallel_loop3A_1060 = arith.addi %parallel_loop3A_1054, %add3A_37 : vector<16xi32>
        %parallel_loop3A_1061 = tpu.vector_load_idx %arg6[%parallel_loop3A_1060] : memref<98304xf32, #tpu.memory_space<vmem>>[vector<16xi32>], vector<16xf32>,
        %parallel_loop3A_1062 = arith.mulf %parallel_loop3A_1057, %parallel_loop3A_1059 : vector<16xf32>
        %parallel_loop3A_1063 = arith.addf %parallel_loop3A_1049, %parallel_loop3A_1062 : vector<16xf32>
        %parallel_loop3A_1064 = arith.mulf %parallel_loop3A_1057, %parallel_loop3A_1061 : vector<16xf32>
        %parallel_loop3A_1065 = arith.addf %parallel_loop3A_1051, %parallel_loop3A_1064 : vector<16xf32>
        %parallel_loop3A_1066 = vector.shape_cast %broadcast_in_dim3A_42 : vector<16xi32> to vector<16x1xi32>
        %parallel_loop3A_1067 = vector.shape_cast %parallel_loop3A_1066 : vector<16x1xi32> to vector<16xi32>
        %parallel_loop3A_1068 = tpu.dynamic_gather %parallel_loop3A_1032[%parallel_loop3A_1067] in [0] : vector<16xi32>, vector<16xi32> -> vector<16xi32>
        %parallel_loop3A_1069 = vector.shape_cast %broadcast_in_dim3A_42 : vector<16xi32> to vector<16x1xi32>
        %parallel_loop3A_1070 = vector.shape_cast %parallel_loop3A_1069 : vector<16x1xi32> to vector<16xi32>
        %parallel_loop3A_1071 = tpu.dynamic_gather %parallel_loop3A_1037[%parallel_loop3A_1070] in [0] : vector<16xf32>, vector<16xi32> -> vector<16xf32>
        %parallel_loop3A_1072 = arith.addi %parallel_loop3A_1068, %iota3A : vector<16xi32>
        %parallel_loop3A_1073 = tpu.vector_load_idx %arg6[%parallel_loop3A_1072] : memref<98304xf32, #tpu.memory_space<vmem>>[vector<16xi32>], vector<16xf32>,
        %parallel_loop3A_1074 = arith.addi %parallel_loop3A_1068, %add3A_37 : vector<16xi32>
        %parallel_loop3A_1075 = tpu.vector_load_idx %arg6[%parallel_loop3A_1074] : memref<98304xf32, #tpu.memory_space<vmem>>[vector<16xi32>], vector<16xf32>,
        %parallel_loop3A_1076 = arith.mulf %parallel_loop3A_1071, %parallel_loop3A_1073 : vector<16xf32>
        %parallel_loop3A_1077 = arith.addf %parallel_loop3A_1063, %parallel_loop3A_1076 : vector<16xf32>
        %parallel_loop3A_1078 = arith.mulf %parallel_loop3A_1071, %parallel_loop3A_1075 : vector<16xf32>
        %parallel_loop3A_1079 = arith.addf %parallel_loop3A_1065, %parallel_loop3A_1078 : vector<16xf32>
        %parallel_loop3A_1080 = vector.shape_cast %broadcast_in_dim3A_44 : vector<16xi32> to vector<16x1xi32>
        %parallel_loop3A_1081 = vector.shape_cast %parallel_loop3A_1080 : vector<16x1xi32> to vector<16xi32>
        %parallel_loop3A_1082 = tpu.dynamic_gather %parallel_loop3A_1032[%parallel_loop3A_1081] in [0] : vector<16xi32>, vector<16xi32> -> vector<16xi32>
        %parallel_loop3A_1083 = vector.shape_cast %broadcast_in_dim3A_44 : vector<16xi32> to vector<16x1xi32>
        %parallel_loop3A_1084 = vector.shape_cast %parallel_loop3A_1083 : vector<16x1xi32> to vector<16xi32>
        %parallel_loop3A_1085 = tpu.dynamic_gather %parallel_loop3A_1037[%parallel_loop3A_1084] in [0] : vector<16xf32>, vector<16xi32> -> vector<16xf32>
        %parallel_loop3A_1086 = arith.addi %parallel_loop3A_1082, %iota3A : vector<16xi32>
        %parallel_loop3A_1087 = tpu.vector_load_idx %arg6[%parallel_loop3A_1086] : memref<98304xf32, #tpu.memory_space<vmem>>[vector<16xi32>], vector<16xf32>,
        %parallel_loop3A_1088 = arith.addi %parallel_loop3A_1082, %add3A_37 : vector<16xi32>
        %parallel_loop3A_1089 = tpu.vector_load_idx %arg6[%parallel_loop3A_1088] : memref<98304xf32, #tpu.memory_space<vmem>>[vector<16xi32>], vector<16xf32>,
        %parallel_loop3A_1090 = arith.mulf %parallel_loop3A_1085, %parallel_loop3A_1087 : vector<16xf32>
        %parallel_loop3A_1091 = arith.addf %parallel_loop3A_1077, %parallel_loop3A_1090 : vector<16xf32>
        %parallel_loop3A_1092 = arith.mulf %parallel_loop3A_1085, %parallel_loop3A_1089 : vector<16xf32>
        %parallel_loop3A_1093 = arith.addf %parallel_loop3A_1079, %parallel_loop3A_1092 : vector<16xf32>
        %parallel_loop3A_1094 = vector.shape_cast %broadcast_in_dim3A_46 : vector<16xi32> to vector<16x1xi32>
        %parallel_loop3A_1095 = vector.shape_cast %parallel_loop3A_1094 : vector<16x1xi32> to vector<16xi32>
        %parallel_loop3A_1096 = tpu.dynamic_gather %parallel_loop3A_1032[%parallel_loop3A_1095] in [0] : vector<16xi32>, vector<16xi32> -> vector<16xi32>
        %parallel_loop3A_1097 = vector.shape_cast %broadcast_in_dim3A_46 : vector<16xi32> to vector<16x1xi32>
        %parallel_loop3A_1098 = vector.shape_cast %parallel_loop3A_1097 : vector<16x1xi32> to vector<16xi32>
        %parallel_loop3A_1099 = tpu.dynamic_gather %parallel_loop3A_1037[%parallel_loop3A_1098] in [0] : vector<16xf32>, vector<16xi32> -> vector<16xf32>
        %parallel_loop3A_1100 = arith.addi %parallel_loop3A_1096, %iota3A : vector<16xi32>
        %parallel_loop3A_1101 = tpu.vector_load_idx %arg6[%parallel_loop3A_1100] : memref<98304xf32, #tpu.memory_space<vmem>>[vector<16xi32>], vector<16xf32>,
        %parallel_loop3A_1102 = arith.addi %parallel_loop3A_1096, %add3A_37 : vector<16xi32>
        %parallel_loop3A_1103 = tpu.vector_load_idx %arg6[%parallel_loop3A_1102] : memref<98304xf32, #tpu.memory_space<vmem>>[vector<16xi32>], vector<16xf32>,
        %parallel_loop3A_1104 = arith.mulf %parallel_loop3A_1099, %parallel_loop3A_1101 : vector<16xf32>
        %parallel_loop3A_1105 = arith.addf %parallel_loop3A_1091, %parallel_loop3A_1104 : vector<16xf32>
        %parallel_loop3A_1106 = arith.mulf %parallel_loop3A_1099, %parallel_loop3A_1103 : vector<16xf32>
        %parallel_loop3A_1107 = arith.addf %parallel_loop3A_1093, %parallel_loop3A_1106 : vector<16xf32>
        %parallel_loop3A_1108 = vector.shape_cast %broadcast_in_dim3A_48 : vector<16xi32> to vector<16x1xi32>
        %parallel_loop3A_1109 = vector.shape_cast %parallel_loop3A_1108 : vector<16x1xi32> to vector<16xi32>
        %parallel_loop3A_1110 = tpu.dynamic_gather %parallel_loop3A_1032[%parallel_loop3A_1109] in [0] : vector<16xi32>, vector<16xi32> -> vector<16xi32>
        %parallel_loop3A_1111 = vector.shape_cast %broadcast_in_dim3A_48 : vector<16xi32> to vector<16x1xi32>
        %parallel_loop3A_1112 = vector.shape_cast %parallel_loop3A_1111 : vector<16x1xi32> to vector<16xi32>
        %parallel_loop3A_1113 = tpu.dynamic_gather %parallel_loop3A_1037[%parallel_loop3A_1112] in [0] : vector<16xf32>, vector<16xi32> -> vector<16xf32>
        %parallel_loop3A_1114 = arith.addi %parallel_loop3A_1110, %iota3A : vector<16xi32>
        %parallel_loop3A_1115 = tpu.vector_load_idx %arg6[%parallel_loop3A_1114] : memref<98304xf32, #tpu.memory_space<vmem>>[vector<16xi32>], vector<16xf32>,
        %parallel_loop3A_1116 = arith.addi %parallel_loop3A_1110, %add3A_37 : vector<16xi32>
        %parallel_loop3A_1117 = tpu.vector_load_idx %arg6[%parallel_loop3A_1116] : memref<98304xf32, #tpu.memory_space<vmem>>[vector<16xi32>], vector<16xf32>,
        %parallel_loop3A_1118 = arith.mulf %parallel_loop3A_1113, %parallel_loop3A_1115 : vector<16xf32>
        %parallel_loop3A_1119 = arith.addf %parallel_loop3A_1105, %parallel_loop3A_1118 : vector<16xf32>
        %parallel_loop3A_1120 = arith.mulf %parallel_loop3A_1113, %parallel_loop3A_1117 : vector<16xf32>
        %parallel_loop3A_1121 = arith.addf %parallel_loop3A_1107, %parallel_loop3A_1120 : vector<16xf32>
        %parallel_loop3A_1122 = vector.shape_cast %broadcast_in_dim3A_50 : vector<16xi32> to vector<16x1xi32>
        %parallel_loop3A_1123 = vector.shape_cast %parallel_loop3A_1122 : vector<16x1xi32> to vector<16xi32>
        %parallel_loop3A_1124 = tpu.dynamic_gather %parallel_loop3A_1032[%parallel_loop3A_1123] in [0] : vector<16xi32>, vector<16xi32> -> vector<16xi32>
        %parallel_loop3A_1125 = vector.shape_cast %broadcast_in_dim3A_50 : vector<16xi32> to vector<16x1xi32>
        %parallel_loop3A_1126 = vector.shape_cast %parallel_loop3A_1125 : vector<16x1xi32> to vector<16xi32>
        %parallel_loop3A_1127 = tpu.dynamic_gather %parallel_loop3A_1037[%parallel_loop3A_1126] in [0] : vector<16xf32>, vector<16xi32> -> vector<16xf32>
        %parallel_loop3A_1128 = arith.addi %parallel_loop3A_1124, %iota3A : vector<16xi32>
        %parallel_loop3A_1129 = tpu.vector_load_idx %arg6[%parallel_loop3A_1128] : memref<98304xf32, #tpu.memory_space<vmem>>[vector<16xi32>], vector<16xf32>,
        %parallel_loop3A_1130 = arith.addi %parallel_loop3A_1124, %add3A_37 : vector<16xi32>
        %parallel_loop3A_1131 = tpu.vector_load_idx %arg6[%parallel_loop3A_1130] : memref<98304xf32, #tpu.memory_space<vmem>>[vector<16xi32>], vector<16xf32>,
        %parallel_loop3A_1132 = arith.mulf %parallel_loop3A_1127, %parallel_loop3A_1129 : vector<16xf32>
        %parallel_loop3A_1133 = arith.addf %parallel_loop3A_1119, %parallel_loop3A_1132 : vector<16xf32>
        %parallel_loop3A_1134 = arith.mulf %parallel_loop3A_1127, %parallel_loop3A_1131 : vector<16xf32>
        %parallel_loop3A_1135 = arith.addf %parallel_loop3A_1121, %parallel_loop3A_1134 : vector<16xf32>
        %parallel_loop3A_1136 = vector.shape_cast %broadcast_in_dim3A_52 : vector<16xi32> to vector<16x1xi32>
        %parallel_loop3A_1137 = vector.shape_cast %parallel_loop3A_1136 : vector<16x1xi32> to vector<16xi32>
        %parallel_loop3A_1138 = tpu.dynamic_gather %parallel_loop3A_1032[%parallel_loop3A_1137] in [0] : vector<16xi32>, vector<16xi32> -> vector<16xi32>
        %parallel_loop3A_1139 = vector.shape_cast %broadcast_in_dim3A_52 : vector<16xi32> to vector<16x1xi32>
        %parallel_loop3A_1140 = vector.shape_cast %parallel_loop3A_1139 : vector<16x1xi32> to vector<16xi32>
        %parallel_loop3A_1141 = tpu.dynamic_gather %parallel_loop3A_1037[%parallel_loop3A_1140] in [0] : vector<16xf32>, vector<16xi32> -> vector<16xf32>
        %parallel_loop3A_1142 = arith.addi %parallel_loop3A_1138, %iota3A : vector<16xi32>
        %parallel_loop3A_1143 = tpu.vector_load_idx %arg6[%parallel_loop3A_1142] : memref<98304xf32, #tpu.memory_space<vmem>>[vector<16xi32>], vector<16xf32>,
        %parallel_loop3A_1144 = arith.addi %parallel_loop3A_1138, %add3A_37 : vector<16xi32>
        %parallel_loop3A_1145 = tpu.vector_load_idx %arg6[%parallel_loop3A_1144] : memref<98304xf32, #tpu.memory_space<vmem>>[vector<16xi32>], vector<16xf32>,
        %parallel_loop3A_1146 = arith.mulf %parallel_loop3A_1141, %parallel_loop3A_1143 : vector<16xf32>
        %parallel_loop3A_1147 = arith.addf %parallel_loop3A_1133, %parallel_loop3A_1146 : vector<16xf32>
        %parallel_loop3A_1148 = arith.mulf %parallel_loop3A_1141, %parallel_loop3A_1145 : vector<16xf32>
        %parallel_loop3A_1149 = arith.addf %parallel_loop3A_1135, %parallel_loop3A_1148 : vector<16xf32>
        %parallel_loop3A_1150 = vector.shape_cast %broadcast_in_dim3A_54 : vector<16xi32> to vector<16x1xi32>
        %parallel_loop3A_1151 = vector.shape_cast %parallel_loop3A_1150 : vector<16x1xi32> to vector<16xi32>
        %parallel_loop3A_1152 = tpu.dynamic_gather %parallel_loop3A_1032[%parallel_loop3A_1151] in [0] : vector<16xi32>, vector<16xi32> -> vector<16xi32>
        %parallel_loop3A_1153 = vector.shape_cast %broadcast_in_dim3A_54 : vector<16xi32> to vector<16x1xi32>
        %parallel_loop3A_1154 = vector.shape_cast %parallel_loop3A_1153 : vector<16x1xi32> to vector<16xi32>
        %parallel_loop3A_1155 = tpu.dynamic_gather %parallel_loop3A_1037[%parallel_loop3A_1154] in [0] : vector<16xf32>, vector<16xi32> -> vector<16xf32>
        %parallel_loop3A_1156 = arith.addi %parallel_loop3A_1152, %iota3A : vector<16xi32>
        %parallel_loop3A_1157 = tpu.vector_load_idx %arg6[%parallel_loop3A_1156] : memref<98304xf32, #tpu.memory_space<vmem>>[vector<16xi32>], vector<16xf32>,
        %parallel_loop3A_1158 = arith.addi %parallel_loop3A_1152, %add3A_37 : vector<16xi32>
        %parallel_loop3A_1159 = tpu.vector_load_idx %arg6[%parallel_loop3A_1158] : memref<98304xf32, #tpu.memory_space<vmem>>[vector<16xi32>], vector<16xf32>,
        %parallel_loop3A_1160 = arith.mulf %parallel_loop3A_1155, %parallel_loop3A_1157 : vector<16xf32>
        %parallel_loop3A_1161 = arith.addf %parallel_loop3A_1147, %parallel_loop3A_1160 : vector<16xf32>
        %parallel_loop3A_1162 = arith.mulf %parallel_loop3A_1155, %parallel_loop3A_1159 : vector<16xf32>
        %parallel_loop3A_1163 = arith.addf %parallel_loop3A_1149, %parallel_loop3A_1162 : vector<16xf32>
        %parallel_loop3A_1164 = vector.shape_cast %broadcast_in_dim3A_56 : vector<16xi32> to vector<16x1xi32>
        %parallel_loop3A_1165 = vector.shape_cast %parallel_loop3A_1164 : vector<16x1xi32> to vector<16xi32>
        %parallel_loop3A_1166 = tpu.dynamic_gather %parallel_loop3A_1032[%parallel_loop3A_1165] in [0] : vector<16xi32>, vector<16xi32> -> vector<16xi32>
        %parallel_loop3A_1167 = vector.shape_cast %broadcast_in_dim3A_56 : vector<16xi32> to vector<16x1xi32>
        %parallel_loop3A_1168 = vector.shape_cast %parallel_loop3A_1167 : vector<16x1xi32> to vector<16xi32>
        %parallel_loop3A_1169 = tpu.dynamic_gather %parallel_loop3A_1037[%parallel_loop3A_1168] in [0] : vector<16xf32>, vector<16xi32> -> vector<16xf32>
        %parallel_loop3A_1170 = arith.addi %parallel_loop3A_1166, %iota3A : vector<16xi32>
        %parallel_loop3A_1171 = tpu.vector_load_idx %arg6[%parallel_loop3A_1170] : memref<98304xf32, #tpu.memory_space<vmem>>[vector<16xi32>], vector<16xf32>,
        %parallel_loop3A_1172 = arith.addi %parallel_loop3A_1166, %add3A_37 : vector<16xi32>
        %parallel_loop3A_1173 = tpu.vector_load_idx %arg6[%parallel_loop3A_1172] : memref<98304xf32, #tpu.memory_space<vmem>>[vector<16xi32>], vector<16xf32>,
        %parallel_loop3A_1174 = arith.mulf %parallel_loop3A_1169, %parallel_loop3A_1171 : vector<16xf32>
        %parallel_loop3A_1175 = arith.addf %parallel_loop3A_1161, %parallel_loop3A_1174 : vector<16xf32>
        %parallel_loop3A_1176 = arith.mulf %parallel_loop3A_1169, %parallel_loop3A_1173 : vector<16xf32>
        %parallel_loop3A_1177 = arith.addf %parallel_loop3A_1163, %parallel_loop3A_1176 : vector<16xf32>
        %parallel_loop3A_1178 = vector.shape_cast %broadcast_in_dim3A_58 : vector<16xi32> to vector<16x1xi32>
        %parallel_loop3A_1179 = vector.shape_cast %parallel_loop3A_1178 : vector<16x1xi32> to vector<16xi32>
        %parallel_loop3A_1180 = tpu.dynamic_gather %parallel_loop3A_1032[%parallel_loop3A_1179] in [0] : vector<16xi32>, vector<16xi32> -> vector<16xi32>
        %parallel_loop3A_1181 = vector.shape_cast %broadcast_in_dim3A_58 : vector<16xi32> to vector<16x1xi32>
        %parallel_loop3A_1182 = vector.shape_cast %parallel_loop3A_1181 : vector<16x1xi32> to vector<16xi32>
        %parallel_loop3A_1183 = tpu.dynamic_gather %parallel_loop3A_1037[%parallel_loop3A_1182] in [0] : vector<16xf32>, vector<16xi32> -> vector<16xf32>
        %parallel_loop3A_1184 = arith.addi %parallel_loop3A_1180, %iota3A : vector<16xi32>
        %parallel_loop3A_1185 = tpu.vector_load_idx %arg6[%parallel_loop3A_1184] : memref<98304xf32, #tpu.memory_space<vmem>>[vector<16xi32>], vector<16xf32>,
        %parallel_loop3A_1186 = arith.addi %parallel_loop3A_1180, %add3A_37 : vector<16xi32>
        %parallel_loop3A_1187 = tpu.vector_load_idx %arg6[%parallel_loop3A_1186] : memref<98304xf32, #tpu.memory_space<vmem>>[vector<16xi32>], vector<16xf32>,
        %parallel_loop3A_1188 = arith.mulf %parallel_loop3A_1183, %parallel_loop3A_1185 : vector<16xf32>
        %parallel_loop3A_1189 = arith.addf %parallel_loop3A_1175, %parallel_loop3A_1188 : vector<16xf32>
        %parallel_loop3A_1190 = arith.mulf %parallel_loop3A_1183, %parallel_loop3A_1187 : vector<16xf32>
        %parallel_loop3A_1191 = arith.addf %parallel_loop3A_1177, %parallel_loop3A_1190 : vector<16xf32>
        %parallel_loop3A_1192 = vector.shape_cast %broadcast_in_dim3A_60 : vector<16xi32> to vector<16x1xi32>
        %parallel_loop3A_1193 = vector.shape_cast %parallel_loop3A_1192 : vector<16x1xi32> to vector<16xi32>
        %parallel_loop3A_1194 = tpu.dynamic_gather %parallel_loop3A_1032[%parallel_loop3A_1193] in [0] : vector<16xi32>, vector<16xi32> -> vector<16xi32>
        %parallel_loop3A_1195 = vector.shape_cast %broadcast_in_dim3A_60 : vector<16xi32> to vector<16x1xi32>
        %parallel_loop3A_1196 = vector.shape_cast %parallel_loop3A_1195 : vector<16x1xi32> to vector<16xi32>
        %parallel_loop3A_1197 = tpu.dynamic_gather %parallel_loop3A_1037[%parallel_loop3A_1196] in [0] : vector<16xf32>, vector<16xi32> -> vector<16xf32>
        %parallel_loop3A_1198 = arith.addi %parallel_loop3A_1194, %iota3A : vector<16xi32>
        %parallel_loop3A_1199 = tpu.vector_load_idx %arg6[%parallel_loop3A_1198] : memref<98304xf32, #tpu.memory_space<vmem>>[vector<16xi32>], vector<16xf32>,
        %parallel_loop3A_1200 = arith.addi %parallel_loop3A_1194, %add3A_37 : vector<16xi32>
        %parallel_loop3A_1201 = tpu.vector_load_idx %arg6[%parallel_loop3A_1200] : memref<98304xf32, #tpu.memory_space<vmem>>[vector<16xi32>], vector<16xf32>,
        %parallel_loop3A_1202 = arith.mulf %parallel_loop3A_1197, %parallel_loop3A_1199 : vector<16xf32>
        %parallel_loop3A_1203 = arith.addf %parallel_loop3A_1189, %parallel_loop3A_1202 : vector<16xf32>
        %parallel_loop3A_1204 = arith.mulf %parallel_loop3A_1197, %parallel_loop3A_1201 : vector<16xf32>
        %parallel_loop3A_1205 = arith.addf %parallel_loop3A_1191, %parallel_loop3A_1204 : vector<16xf32>
        %parallel_loop3A_1206 = vector.shape_cast %broadcast_in_dim3A_62 : vector<16xi32> to vector<16x1xi32>
        %parallel_loop3A_1207 = vector.shape_cast %parallel_loop3A_1206 : vector<16x1xi32> to vector<16xi32>
        %parallel_loop3A_1208 = tpu.dynamic_gather %parallel_loop3A_1032[%parallel_loop3A_1207] in [0] : vector<16xi32>, vector<16xi32> -> vector<16xi32>
        %parallel_loop3A_1209 = vector.shape_cast %broadcast_in_dim3A_62 : vector<16xi32> to vector<16x1xi32>
        %parallel_loop3A_1210 = vector.shape_cast %parallel_loop3A_1209 : vector<16x1xi32> to vector<16xi32>
        %parallel_loop3A_1211 = tpu.dynamic_gather %parallel_loop3A_1037[%parallel_loop3A_1210] in [0] : vector<16xf32>, vector<16xi32> -> vector<16xf32>
        %parallel_loop3A_1212 = arith.addi %parallel_loop3A_1208, %iota3A : vector<16xi32>
        %parallel_loop3A_1213 = tpu.vector_load_idx %arg6[%parallel_loop3A_1212] : memref<98304xf32, #tpu.memory_space<vmem>>[vector<16xi32>], vector<16xf32>,
        %parallel_loop3A_1214 = arith.addi %parallel_loop3A_1208, %add3A_37 : vector<16xi32>
        %parallel_loop3A_1215 = tpu.vector_load_idx %arg6[%parallel_loop3A_1214] : memref<98304xf32, #tpu.memory_space<vmem>>[vector<16xi32>], vector<16xf32>,
        %parallel_loop3A_1216 = arith.mulf %parallel_loop3A_1211, %parallel_loop3A_1213 : vector<16xf32>
        %parallel_loop3A_1217 = arith.addf %parallel_loop3A_1203, %parallel_loop3A_1216 : vector<16xf32>
        %parallel_loop3A_1218 = arith.mulf %parallel_loop3A_1211, %parallel_loop3A_1215 : vector<16xf32>
        %parallel_loop3A_1219 = arith.addf %parallel_loop3A_1205, %parallel_loop3A_1218 : vector<16xf32>
        %parallel_loop3A_1220 = vector.shape_cast %broadcast_in_dim3A_64 : vector<16xi32> to vector<16x1xi32>
        %parallel_loop3A_1221 = vector.shape_cast %parallel_loop3A_1220 : vector<16x1xi32> to vector<16xi32>
        %parallel_loop3A_1222 = tpu.dynamic_gather %parallel_loop3A_1032[%parallel_loop3A_1221] in [0] : vector<16xi32>, vector<16xi32> -> vector<16xi32>
        %parallel_loop3A_1223 = vector.shape_cast %broadcast_in_dim3A_64 : vector<16xi32> to vector<16x1xi32>
        %parallel_loop3A_1224 = vector.shape_cast %parallel_loop3A_1223 : vector<16x1xi32> to vector<16xi32>
        %parallel_loop3A_1225 = tpu.dynamic_gather %parallel_loop3A_1037[%parallel_loop3A_1224] in [0] : vector<16xf32>, vector<16xi32> -> vector<16xf32>
        %parallel_loop3A_1226 = arith.addi %parallel_loop3A_1222, %iota3A : vector<16xi32>
        %parallel_loop3A_1227 = tpu.vector_load_idx %arg6[%parallel_loop3A_1226] : memref<98304xf32, #tpu.memory_space<vmem>>[vector<16xi32>], vector<16xf32>,
        %parallel_loop3A_1228 = arith.addi %parallel_loop3A_1222, %add3A_37 : vector<16xi32>
        %parallel_loop3A_1229 = tpu.vector_load_idx %arg6[%parallel_loop3A_1228] : memref<98304xf32, #tpu.memory_space<vmem>>[vector<16xi32>], vector<16xf32>,
        %parallel_loop3A_1230 = arith.mulf %parallel_loop3A_1225, %parallel_loop3A_1227 : vector<16xf32>
        %parallel_loop3A_1231 = arith.addf %parallel_loop3A_1217, %parallel_loop3A_1230 : vector<16xf32>
        %parallel_loop3A_1232 = arith.mulf %parallel_loop3A_1225, %parallel_loop3A_1229 : vector<16xf32>
        %parallel_loop3A_1233 = arith.addf %parallel_loop3A_1219, %parallel_loop3A_1232 : vector<16xf32>
        %parallel_loop3A_1234 = vector.shape_cast %broadcast_in_dim3A_66 : vector<16xi32> to vector<16x1xi32>
        %parallel_loop3A_1235 = vector.shape_cast %parallel_loop3A_1234 : vector<16x1xi32> to vector<16xi32>
        %parallel_loop3A_1236 = tpu.dynamic_gather %parallel_loop3A_1032[%parallel_loop3A_1235] in [0] : vector<16xi32>, vector<16xi32> -> vector<16xi32>
        %parallel_loop3A_1237 = vector.shape_cast %broadcast_in_dim3A_66 : vector<16xi32> to vector<16x1xi32>
        %parallel_loop3A_1238 = vector.shape_cast %parallel_loop3A_1237 : vector<16x1xi32> to vector<16xi32>
        %parallel_loop3A_1239 = tpu.dynamic_gather %parallel_loop3A_1037[%parallel_loop3A_1238] in [0] : vector<16xf32>, vector<16xi32> -> vector<16xf32>
        %parallel_loop3A_1240 = arith.addi %parallel_loop3A_1236, %iota3A : vector<16xi32>
        %parallel_loop3A_1241 = tpu.vector_load_idx %arg6[%parallel_loop3A_1240] : memref<98304xf32, #tpu.memory_space<vmem>>[vector<16xi32>], vector<16xf32>,
        %parallel_loop3A_1242 = arith.addi %parallel_loop3A_1236, %add3A_37 : vector<16xi32>
        %parallel_loop3A_1243 = tpu.vector_load_idx %arg6[%parallel_loop3A_1242] : memref<98304xf32, #tpu.memory_space<vmem>>[vector<16xi32>], vector<16xf32>,
        %parallel_loop3A_1244 = arith.mulf %parallel_loop3A_1239, %parallel_loop3A_1241 : vector<16xf32>
        %parallel_loop3A_1245 = arith.addf %parallel_loop3A_1231, %parallel_loop3A_1244 : vector<16xf32>
        %parallel_loop3A_1246 = arith.mulf %parallel_loop3A_1239, %parallel_loop3A_1243 : vector<16xf32>
        %parallel_loop3A_1247 = arith.addf %parallel_loop3A_1233, %parallel_loop3A_1246 : vector<16xf32>
        %parallel_loop3A_1248 = vector.shape_cast %broadcast_in_dim3A_68 : vector<16xi32> to vector<16x1xi32>
        %parallel_loop3A_1249 = vector.shape_cast %parallel_loop3A_1248 : vector<16x1xi32> to vector<16xi32>
        %parallel_loop3A_1250 = tpu.dynamic_gather %parallel_loop3A_1032[%parallel_loop3A_1249] in [0] : vector<16xi32>, vector<16xi32> -> vector<16xi32>
        %parallel_loop3A_1251 = vector.shape_cast %broadcast_in_dim3A_68 : vector<16xi32> to vector<16x1xi32>
        %parallel_loop3A_1252 = vector.shape_cast %parallel_loop3A_1251 : vector<16x1xi32> to vector<16xi32>
        %parallel_loop3A_1253 = tpu.dynamic_gather %parallel_loop3A_1037[%parallel_loop3A_1252] in [0] : vector<16xf32>, vector<16xi32> -> vector<16xf32>
        %parallel_loop3A_1254 = arith.addi %parallel_loop3A_1250, %iota3A : vector<16xi32>
        %parallel_loop3A_1255 = tpu.vector_load_idx %arg6[%parallel_loop3A_1254] : memref<98304xf32, #tpu.memory_space<vmem>>[vector<16xi32>], vector<16xf32>,
        %parallel_loop3A_1256 = arith.addi %parallel_loop3A_1250, %add3A_37 : vector<16xi32>
        %parallel_loop3A_1257 = tpu.vector_load_idx %arg6[%parallel_loop3A_1256] : memref<98304xf32, #tpu.memory_space<vmem>>[vector<16xi32>], vector<16xf32>,
        %parallel_loop3A_1258 = arith.mulf %parallel_loop3A_1253, %parallel_loop3A_1255 : vector<16xf32>
        %parallel_loop3A_1259 = arith.addf %parallel_loop3A_1245, %parallel_loop3A_1258 : vector<16xf32>
        %parallel_loop3A_1260 = arith.mulf %parallel_loop3A_1253, %parallel_loop3A_1257 : vector<16xf32>
        %parallel_loop3A_1261 = arith.addf %parallel_loop3A_1247, %parallel_loop3A_1260 : vector<16xf32>
        %parallel_loop3A_1262 = arith.addf %parallel_loop3A_557, %parallel_loop3A_791 : vector<16xf32>
        %parallel_loop3A_1263 = arith.addf %parallel_loop3A_1025, %parallel_loop3A_1259 : vector<16xf32>
        %parallel_loop3A_1264 = arith.addf %parallel_loop3A_1262, %parallel_loop3A_1263 : vector<16xf32>
        %parallel_loop3A_1265 = arith.constant 0 : i32
        %parallel_loop3A_1266 = arith.index_cast %parallel_loop3A_1265 : i32 to index
        %parallel_loop3A_1267 = arith.index_cast %parallel_loop3A_309 : i32 to index
        %parallel_loop3A_1268 = arith.constant 0 : index
        %parallel_loop3A_1269 = tpu.vector_load %arg9[%parallel_loop3A_1266, %parallel_loop3A_1267, %parallel_loop3A_1268] {strides = array<i32>} : memref<2x32x32xf32, #tpu.memory_space<vmem>>, vector<16xf32>,
        tpu.vector_store %arg9[%parallel_loop3A_1266, %parallel_loop3A_1267, %parallel_loop3A_1268], %parallel_loop3A_1264 {strides = array<i32>} : memref<2x32x32xf32, #tpu.memory_space<vmem>>, vector<16xf32>,
        %parallel_loop3A_1270 = arith.addf %parallel_loop3A_559, %parallel_loop3A_793 : vector<16xf32>
        %parallel_loop3A_1271 = arith.addf %parallel_loop3A_1027, %parallel_loop3A_1261 : vector<16xf32>
        %parallel_loop3A_1272 = arith.addf %parallel_loop3A_1270, %parallel_loop3A_1271 : vector<16xf32>
        %parallel_loop3A_1273 = arith.constant 0 : i32
        %parallel_loop3A_1274 = arith.index_cast %parallel_loop3A_1273 : i32 to index
        %parallel_loop3A_1275 = arith.index_cast %parallel_loop3A_309 : i32 to index
        %parallel_loop3A_1276 = arith.constant 16 : index
        %parallel_loop3A_1277 = tpu.vector_load %arg9[%parallel_loop3A_1274, %parallel_loop3A_1275, %parallel_loop3A_1276] {strides = array<i32>} : memref<2x32x32xf32, #tpu.memory_space<vmem>>, vector<16xf32>,
        tpu.vector_store %arg9[%parallel_loop3A_1274, %parallel_loop3A_1275, %parallel_loop3A_1276], %parallel_loop3A_1272 {strides = array<i32>} : memref<2x32x32xf32, #tpu.memory_space<vmem>>, vector<16xf32>,
      } {sc.loop_unroll_factor = 2 : i64, sc.parallel_access}
      %mul3A_219 = arith.constant 32 : i32
      %mul3A_220 = arith.muli %add3A_180, %mul3A_219 : i32
      %dma_start3A_221 = arith.constant 0 : i32
      %dma_start3A_222 = arith.constant 0 : i32
      %dma_start3A_223 = arith.constant 0 : i32
      %dma_start3A_224 = tpu.memref_slice %arg9[%dma_start3A_221, %dma_start3A_222, %dma_start3A_223] : memref<2x32x32xf32, #tpu.memory_space<vmem>> -> memref<1x32x32xf32, #tpu.memory_space<vmem>>
      %dma_start3A_225 = tpu.memref_squeeze %dma_start3A_224 : memref<1x32x32xf32, #tpu.memory_space<vmem>> -> memref<32x32xf32, #tpu.memory_space<vmem>>
      %dma_start3A_226 = arith.constant 0 : i32
      %dma_start3A_227 = tpu.memref_slice %arg5[%select_n3A, %select_n3A_30, %mul3A_220, %dma_start3A_226] : memref<4x8x3072x32xf32, #tpu.memory_space<hbm>> -> memref<1x1x32x32xf32, #tpu.memory_space<hbm>>
      %dma_start3A_228 = tpu.memref_squeeze %dma_start3A_227 : memref<1x1x32x32xf32, #tpu.memory_space<hbm>> -> memref<32x32xf32, #tpu.memory_space<hbm>>
      %dma_start3A_229 = arith.constant 0 : i32
      %dma_start3A_230 = tpu.memref_slice %arg5[%select_n3A, %select_n3A_30, %mul3A_220, %dma_start3A_229] : memref<4x8x3072x32xf32, #tpu.memory_space<hbm>> -> memref<1x1x32x32xf32, #tpu.memory_space<hbm>>
      %dma_start3A_231 = tpu.memref_squeeze %dma_start3A_230 : memref<1x1x32x32xf32, #tpu.memory_space<hbm>> -> memref<32x32xf32, #tpu.memory_space<hbm>>
      %dma_start3A_232 = arith.constant 0 : i32
      %dma_start3A_233 = arith.constant 0 : i32
      %dma_start3A_234 = tpu.memref_slice %arg9[%dma_start3A_221, %dma_start3A_232, %dma_start3A_233] : memref<2x32x32xf32, #tpu.memory_space<vmem>> -> memref<1x32x32xf32, #tpu.memory_space<vmem>>
      %dma_start3A_235 = tpu.memref_squeeze %dma_start3A_234 : memref<1x32x32xf32, #tpu.memory_space<vmem>> -> memref<32x32xf32, #tpu.memory_space<vmem>>
      tpu.enqueue_dma source(%dma_start3A_235 : memref<32x32xf32, #tpu.memory_space<vmem>>) target(%dma_start3A_231 : memref<32x32xf32, #tpu.memory_space<hbm>>) target_semaphore(%arg12 : memref<!tpu.dma_semaphore, #tpu.memory_space<semaphore_mem>>)
      %lt3A_236 = arith.constant 47 : i32
      %lt3A_237 = arith.cmpi slt, %scan3A_176, %lt3A_236 : i32
      %convert_element_type3A_238 = arith.extui %lt3A_237 : i1 to i32
      %cond3A_239 = arith.constant 0 : i32
      %cond3A_240 = arith.cmpi ne, %convert_element_type3A_238, %cond3A_239 : i32
      scf.if %cond3A_240 {
        %add3A_309 = arith.constant 2 : i32
        %add3A_310 = arith.addi %add3A_180, %add3A_309 : i32
        %mul3A_311 = arith.constant 32 : i32
        %mul3A_312 = arith.muli %add3A_310, %mul3A_311 : i32
        %dma_start3A_313 = arith.constant 0 : i32
        %dma_start3A_314 = arith.constant 0 : i32
        %dma_start3A_315 = arith.constant 0 : i32
        %dma_start3A_316 = tpu.memref_slice %arg7[%dma_start3A_313, %dma_start3A_314, %dma_start3A_315] : memref<2x32x64xi32, #tpu.memory_space<vmem>> -> memref<1x32x64xi32, #tpu.memory_space<vmem>>
        %dma_start3A_317 = tpu.memref_squeeze %dma_start3A_316 : memref<1x32x64xi32, #tpu.memory_space<vmem>> -> memref<32x64xi32, #tpu.memory_space<vmem>>
        %dma_start3A_318 = arith.constant 0 : i32
        %dma_start3A_319 = tpu.memref_slice %arg3[%select_n3A, %select_n3A_30, %mul3A_312, %dma_start3A_318] : memref<4x8x3072x64xi32, #tpu.memory_space<hbm>> -> memref<1x1x32x64xi32, #tpu.memory_space<hbm>>
        %dma_start3A_320 = tpu.memref_squeeze %dma_start3A_319 : memref<1x1x32x64xi32, #tpu.memory_space<hbm>> -> memref<32x64xi32, #tpu.memory_space<hbm>>
        %dma_start3A_321 = arith.constant 0 : i32
        %dma_start3A_322 = arith.constant 0 : i32
        %dma_start3A_323 = tpu.memref_slice %arg7[%dma_start3A_313, %dma_start3A_321, %dma_start3A_322] : memref<2x32x64xi32, #tpu.memory_space<vmem>> -> memref<1x32x64xi32, #tpu.memory_space<vmem>>
        %dma_start3A_324 = tpu.memref_squeeze %dma_start3A_323 : memref<1x32x64xi32, #tpu.memory_space<vmem>> -> memref<32x64xi32, #tpu.memory_space<vmem>>
        %dma_start3A_325 = arith.constant 0 : i32
        %dma_start3A_326 = tpu.memref_slice %arg3[%select_n3A, %select_n3A_30, %mul3A_312, %dma_start3A_325] : memref<4x8x3072x64xi32, #tpu.memory_space<hbm>> -> memref<1x1x32x64xi32, #tpu.memory_space<hbm>>
        %dma_start3A_327 = tpu.memref_squeeze %dma_start3A_326 : memref<1x1x32x64xi32, #tpu.memory_space<hbm>> -> memref<32x64xi32, #tpu.memory_space<hbm>>
        tpu.enqueue_dma source(%dma_start3A_327 : memref<32x64xi32, #tpu.memory_space<hbm>>) target(%dma_start3A_324 : memref<32x64xi32, #tpu.memory_space<vmem>>) target_semaphore(%arg11 : memref<!tpu.dma_semaphore, #tpu.memory_space<semaphore_mem>>)
        %mul3A_328 = arith.constant 32 : i32
        %mul3A_329 = arith.muli %add3A_310, %mul3A_328 : i32
        %dma_start3A_330 = arith.constant 0 : i32
        %dma_start3A_331 = arith.constant 0 : i32
        %dma_start3A_332 = arith.constant 0 : i32
        %dma_start3A_333 = tpu.memref_slice %arg8[%dma_start3A_330, %dma_start3A_331, %dma_start3A_332] : memref<2x32x64xf32, #tpu.memory_space<vmem>> -> memref<1x32x64xf32, #tpu.memory_space<vmem>>
        %dma_start3A_334 = tpu.memref_squeeze %dma_start3A_333 : memref<1x32x64xf32, #tpu.memory_space<vmem>> -> memref<32x64xf32, #tpu.memory_space<vmem>>
        %dma_start3A_335 = arith.constant 0 : i32
        %dma_start3A_336 = tpu.memref_slice %arg4[%select_n3A, %select_n3A_30, %mul3A_329, %dma_start3A_335] : memref<4x8x3072x64xf32, #tpu.memory_space<hbm>> -> memref<1x1x32x64xf32, #tpu.memory_space<hbm>>
        %dma_start3A_337 = tpu.memref_squeeze %dma_start3A_336 : memref<1x1x32x64xf32, #tpu.memory_space<hbm>> -> memref<32x64xf32, #tpu.memory_space<hbm>>
        %dma_start3A_338 = arith.constant 0 : i32
        %dma_start3A_339 = arith.constant 0 : i32
        %dma_start3A_340 = tpu.memref_slice %arg8[%dma_start3A_330, %dma_start3A_338, %dma_start3A_339] : memref<2x32x64xf32, #tpu.memory_space<vmem>> -> memref<1x32x64xf32, #tpu.memory_space<vmem>>
        %dma_start3A_341 = tpu.memref_squeeze %dma_start3A_340 : memref<1x32x64xf32, #tpu.memory_space<vmem>> -> memref<32x64xf32, #tpu.memory_space<vmem>>
        %dma_start3A_342 = arith.constant 0 : i32
        %dma_start3A_343 = tpu.memref_slice %arg4[%select_n3A, %select_n3A_30, %mul3A_329, %dma_start3A_342] : memref<4x8x3072x64xf32, #tpu.memory_space<hbm>> -> memref<1x1x32x64xf32, #tpu.memory_space<hbm>>
        %dma_start3A_344 = tpu.memref_squeeze %dma_start3A_343 : memref<1x1x32x64xf32, #tpu.memory_space<hbm>> -> memref<32x64xf32, #tpu.memory_space<hbm>>
        tpu.enqueue_dma source(%dma_start3A_344 : memref<32x64xf32, #tpu.memory_space<hbm>>) target(%dma_start3A_341 : memref<32x64xf32, #tpu.memory_space<vmem>>) target_semaphore(%arg11 : memref<!tpu.dma_semaphore, #tpu.memory_space<semaphore_mem>>)
      } else {
      }
      %mul3A_241 = arith.constant 2 : i32
      %mul3A_242 = arith.muli %mul3A_241, %scan3A_176 : i32
      %add3A_243 = arith.constant 1 : i32
      %add3A_244 = arith.addi %mul3A_242, %add3A_243 : i32
      %dma_wait3A_245 = arith.constant 1 : i32
      %dma_wait3A_246 = arith.constant 0 : i32
      %dma_wait3A_247 = arith.constant 0 : i32
      %dma_wait3A_248 = tpu.memref_slice %arg7[%dma_wait3A_245, %dma_wait3A_246, %dma_wait3A_247] : memref<2x32x64xi32, #tpu.memory_space<vmem>> -> memref<1x32x64xi32, #tpu.memory_space<vmem>>
      %dma_wait3A_249 = tpu.memref_squeeze %dma_wait3A_248 : memref<1x32x64xi32, #tpu.memory_space<vmem>> -> memref<32x64xi32, #tpu.memory_space<vmem>>
      %dma_wait3A_250 = arith.constant 0 : i32
      %dma_wait3A_251 = arith.constant 0 : i32
      %dma_wait3A_252 = tpu.memref_slice %arg3[%select_n3A, %select_n3A_30, %dma_wait3A_250, %dma_wait3A_251] : memref<4x8x3072x64xi32, #tpu.memory_space<hbm>> -> memref<1x1x32x64xi32, #tpu.memory_space<hbm>>
      %dma_wait3A_253 = tpu.memref_squeeze %dma_wait3A_252 : memref<1x1x32x64xi32, #tpu.memory_space<hbm>> -> memref<32x64xi32, #tpu.memory_space<hbm>>
      %dma_wait3A_254 = arith.constant 0 : i32
      %dma_wait3A_255 = arith.constant 0 : i32
      %dma_wait3A_256 = tpu.memref_slice %arg7[%dma_wait3A_245, %dma_wait3A_254, %dma_wait3A_255] : memref<2x32x64xi32, #tpu.memory_space<vmem>> -> memref<1x32x64xi32, #tpu.memory_space<vmem>>
      %dma_wait3A_257 = tpu.memref_squeeze %dma_wait3A_256 : memref<1x32x64xi32, #tpu.memory_space<vmem>> -> memref<32x64xi32, #tpu.memory_space<vmem>>
      %dma_wait3A_258 = arith.constant 0 : i32
      %dma_wait3A_259 = arith.constant 0 : i32
      %dma_wait3A_260 = tpu.memref_slice %arg3[%select_n3A, %select_n3A_30, %dma_wait3A_258, %dma_wait3A_259] : memref<4x8x3072x64xi32, #tpu.memory_space<hbm>> -> memref<1x1x32x64xi32, #tpu.memory_space<hbm>>
      %dma_wait3A_261 = tpu.memref_squeeze %dma_wait3A_260 : memref<1x1x32x64xi32, #tpu.memory_space<hbm>> -> memref<32x64xi32, #tpu.memory_space<hbm>>
      tpu.wait_dma2 semaphore(%arg11 : memref<!tpu.dma_semaphore, #tpu.memory_space<semaphore_mem>>) src(%dma_wait3A_261 : memref<32x64xi32, #tpu.memory_space<hbm>>) dst(%dma_wait3A_257 : memref<32x64xi32, #tpu.memory_space<vmem>>)
      %dma_wait3A_262 = arith.constant 1 : i32
      %dma_wait3A_263 = arith.constant 0 : i32
      %dma_wait3A_264 = arith.constant 0 : i32
      %dma_wait3A_265 = tpu.memref_slice %arg8[%dma_wait3A_262, %dma_wait3A_263, %dma_wait3A_264] : memref<2x32x64xf32, #tpu.memory_space<vmem>> -> memref<1x32x64xf32, #tpu.memory_space<vmem>>
      %dma_wait3A_266 = tpu.memref_squeeze %dma_wait3A_265 : memref<1x32x64xf32, #tpu.memory_space<vmem>> -> memref<32x64xf32, #tpu.memory_space<vmem>>
      %dma_wait3A_267 = arith.constant 0 : i32
      %dma_wait3A_268 = arith.constant 0 : i32
      %dma_wait3A_269 = tpu.memref_slice %arg4[%select_n3A, %select_n3A_30, %dma_wait3A_267, %dma_wait3A_268] : memref<4x8x3072x64xf32, #tpu.memory_space<hbm>> -> memref<1x1x32x64xf32, #tpu.memory_space<hbm>>
      %dma_wait3A_270 = tpu.memref_squeeze %dma_wait3A_269 : memref<1x1x32x64xf32, #tpu.memory_space<hbm>> -> memref<32x64xf32, #tpu.memory_space<hbm>>
      %dma_wait3A_271 = arith.constant 0 : i32
      %dma_wait3A_272 = arith.constant 0 : i32
      %dma_wait3A_273 = tpu.memref_slice %arg8[%dma_wait3A_262, %dma_wait3A_271, %dma_wait3A_272] : memref<2x32x64xf32, #tpu.memory_space<vmem>> -> memref<1x32x64xf32, #tpu.memory_space<vmem>>
      %dma_wait3A_274 = tpu.memref_squeeze %dma_wait3A_273 : memref<1x32x64xf32, #tpu.memory_space<vmem>> -> memref<32x64xf32, #tpu.memory_space<vmem>>
      %dma_wait3A_275 = arith.constant 0 : i32
      %dma_wait3A_276 = arith.constant 0 : i32
      %dma_wait3A_277 = tpu.memref_slice %arg4[%select_n3A, %select_n3A_30, %dma_wait3A_275, %dma_wait3A_276] : memref<4x8x3072x64xf32, #tpu.memory_space<hbm>> -> memref<1x1x32x64xf32, #tpu.memory_space<hbm>>
      %dma_wait3A_278 = tpu.memref_squeeze %dma_wait3A_277 : memref<1x1x32x64xf32, #tpu.memory_space<hbm>> -> memref<32x64xf32, #tpu.memory_space<hbm>>
      tpu.wait_dma2 semaphore(%arg11 : memref<!tpu.dma_semaphore, #tpu.memory_space<semaphore_mem>>) src(%dma_wait3A_278 : memref<32x64xf32, #tpu.memory_space<hbm>>) dst(%dma_wait3A_274 : memref<32x64xf32, #tpu.memory_space<vmem>>)
      %ge3A_279 = arith.constant 1 : i32
      %ge3A_280 = arith.cmpi sge, %scan3A_176, %ge3A_279 : i32
      %convert_element_type3A_281 = arith.extui %ge3A_280 : i1 to i32
      %cond3A_282 = arith.constant 0 : i32
      %cond3A_283 = arith.cmpi ne, %convert_element_type3A_281, %cond3A_282 : i32
      scf.if %cond3A_283 {
        %dma_wait3A_309 = arith.constant 1 : i32
        %dma_wait3A_310 = arith.constant 0 : i32
        %dma_wait3A_311 = arith.constant 0 : i32
        %dma_wait3A_312 = tpu.memref_slice %arg9[%dma_wait3A_309, %dma_wait3A_310, %dma_wait3A_311] : memref<2x32x32xf32, #tpu.memory_space<vmem>> -> memref<1x32x32xf32, #tpu.memory_space<vmem>>
        %dma_wait3A_313 = tpu.memref_squeeze %dma_wait3A_312 : memref<1x32x32xf32, #tpu.memory_space<vmem>> -> memref<32x32xf32, #tpu.memory_space<vmem>>
        %dma_wait3A_314 = arith.constant 0 : i32
        %dma_wait3A_315 = arith.constant 0 : i32
        %dma_wait3A_316 = tpu.memref_slice %arg5[%select_n3A, %select_n3A_30, %dma_wait3A_314, %dma_wait3A_315] : memref<4x8x3072x32xf32, #tpu.memory_space<hbm>> -> memref<1x1x32x32xf32, #tpu.memory_space<hbm>>
        %dma_wait3A_317 = tpu.memref_squeeze %dma_wait3A_316 : memref<1x1x32x32xf32, #tpu.memory_space<hbm>> -> memref<32x32xf32, #tpu.memory_space<hbm>>
        %dma_wait3A_318 = arith.constant 0 : i32
        %dma_wait3A_319 = arith.constant 0 : i32
        %dma_wait3A_320 = tpu.memref_slice %arg5[%select_n3A, %select_n3A_30, %dma_wait3A_318, %dma_wait3A_319] : memref<4x8x3072x32xf32, #tpu.memory_space<hbm>> -> memref<1x1x32x32xf32, #tpu.memory_space<hbm>>
        %dma_wait3A_321 = tpu.memref_squeeze %dma_wait3A_320 : memref<1x1x32x32xf32, #tpu.memory_space<hbm>> -> memref<32x32xf32, #tpu.memory_space<hbm>>
        %dma_wait3A_322 = arith.constant 0 : i32
        %dma_wait3A_323 = arith.constant 0 : i32
        %dma_wait3A_324 = tpu.memref_slice %arg9[%dma_wait3A_309, %dma_wait3A_322, %dma_wait3A_323] : memref<2x32x32xf32, #tpu.memory_space<vmem>> -> memref<1x32x32xf32, #tpu.memory_space<vmem>>
        %dma_wait3A_325 = tpu.memref_squeeze %dma_wait3A_324 : memref<1x32x32xf32, #tpu.memory_space<vmem>> -> memref<32x32xf32, #tpu.memory_space<vmem>>
        tpu.wait_dma2 semaphore(%arg12 : memref<!tpu.dma_semaphore, #tpu.memory_space<semaphore_mem>>) src(%dma_wait3A_325 : memref<32x32xf32, #tpu.memory_space<vmem>>) dst(%dma_wait3A_321 : memref<32x32xf32, #tpu.memory_space<hbm>>)
      } else {
      }
      %parallel_loop3A_284 = arith.constant 0 : i32
      %parallel_loop3A_285 = arith.constant 32 : i32
      %parallel_loop3A_286 = arith.constant 1 : i32
      scf.for %parallel_loop3A_309 = %parallel_loop3A_284 to %parallel_loop3A_285 step %parallel_loop3A_286  : i32 {
        %parallel_loop3A_310 = arith.constant 0.000000e+00 : f32
        %parallel_loop3A_311 = vector.broadcast %parallel_loop3A_310 : f32 to vector<16xf32>
        %parallel_loop3A_312 = arith.constant 0.000000e+00 : f32
        %parallel_loop3A_313 = vector.broadcast %parallel_loop3A_312 : f32 to vector<16xf32>
        %parallel_loop3A_314 = arith.constant 0.000000e+00 : f32
        %parallel_loop3A_315 = vector.broadcast %parallel_loop3A_314 : f32 to vector<16xf32>
        %parallel_loop3A_316 = arith.constant 0.000000e+00 : f32
        %parallel_loop3A_317 = vector.broadcast %parallel_loop3A_316 : f32 to vector<16xf32>
        %parallel_loop3A_318 = arith.constant 0.000000e+00 : f32
        %parallel_loop3A_319 = vector.broadcast %parallel_loop3A_318 : f32 to vector<16xf32>
        %parallel_loop3A_320 = arith.constant 0.000000e+00 : f32
        %parallel_loop3A_321 = vector.broadcast %parallel_loop3A_320 : f32 to vector<16xf32>
        %parallel_loop3A_322 = arith.constant 0.000000e+00 : f32
        %parallel_loop3A_323 = vector.broadcast %parallel_loop3A_322 : f32 to vector<16xf32>
        %parallel_loop3A_324 = arith.constant 0.000000e+00 : f32
        %parallel_loop3A_325 = vector.broadcast %parallel_loop3A_324 : f32 to vector<16xf32>
        %parallel_loop3A_326 = arith.constant 1 : i32
        %parallel_loop3A_327 = arith.index_cast %parallel_loop3A_326 : i32 to index
        %parallel_loop3A_328 = arith.index_cast %parallel_loop3A_309 : i32 to index
        %parallel_loop3A_329 = arith.constant 0 : index
        %parallel_loop3A_330 = tpu.vector_load %arg7[%parallel_loop3A_327, %parallel_loop3A_328, %parallel_loop3A_329] {strides = array<i32>} : memref<2x32x64xi32, #tpu.memory_space<vmem>>, vector<16xi32>,
        %parallel_loop3A_331 = arith.constant 1 : i32
        %parallel_loop3A_332 = arith.index_cast %parallel_loop3A_331 : i32 to index
        %parallel_loop3A_333 = arith.index_cast %parallel_loop3A_309 : i32 to index
        %parallel_loop3A_334 = arith.constant 0 : index
        %parallel_loop3A_335 = tpu.vector_load %arg8[%parallel_loop3A_332, %parallel_loop3A_333, %parallel_loop3A_334] {strides = array<i32>} : memref<2x32x64xf32, #tpu.memory_space<vmem>>, vector<16xf32>,
        %parallel_loop3A_336 = vector.shape_cast %broadcast_in_dim3A_38 : vector<16xi32> to vector<16x1xi32>
        %parallel_loop3A_337 = vector.shape_cast %parallel_loop3A_336 : vector<16x1xi32> to vector<16xi32>
        %parallel_loop3A_338 = tpu.dynamic_gather %parallel_loop3A_330[%parallel_loop3A_337] in [0] : vector<16xi32>, vector<16xi32> -> vector<16xi32>
        %parallel_loop3A_339 = vector.shape_cast %broadcast_in_dim3A_38 : vector<16xi32> to vector<16x1xi32>
        %parallel_loop3A_340 = vector.shape_cast %parallel_loop3A_339 : vector<16x1xi32> to vector<16xi32>
        %parallel_loop3A_341 = tpu.dynamic_gather %parallel_loop3A_335[%parallel_loop3A_340] in [0] : vector<16xf32>, vector<16xi32> -> vector<16xf32>
        %parallel_loop3A_342 = arith.addi %parallel_loop3A_338, %iota3A : vector<16xi32>
        %parallel_loop3A_343 = tpu.vector_load_idx %arg6[%parallel_loop3A_342] : memref<98304xf32, #tpu.memory_space<vmem>>[vector<16xi32>], vector<16xf32>,
        %parallel_loop3A_344 = arith.addi %parallel_loop3A_338, %add3A_37 : vector<16xi32>
        %parallel_loop3A_345 = tpu.vector_load_idx %arg6[%parallel_loop3A_344] : memref<98304xf32, #tpu.memory_space<vmem>>[vector<16xi32>], vector<16xf32>,
        %parallel_loop3A_346 = arith.mulf %parallel_loop3A_341, %parallel_loop3A_343 : vector<16xf32>
        %parallel_loop3A_347 = arith.addf %parallel_loop3A_311, %parallel_loop3A_346 : vector<16xf32>
        %parallel_loop3A_348 = arith.mulf %parallel_loop3A_341, %parallel_loop3A_345 : vector<16xf32>
        %parallel_loop3A_349 = arith.addf %parallel_loop3A_313, %parallel_loop3A_348 : vector<16xf32>
        %parallel_loop3A_350 = vector.shape_cast %broadcast_in_dim3A_40 : vector<16xi32> to vector<16x1xi32>
        %parallel_loop3A_351 = vector.shape_cast %parallel_loop3A_350 : vector<16x1xi32> to vector<16xi32>
        %parallel_loop3A_352 = tpu.dynamic_gather %parallel_loop3A_330[%parallel_loop3A_351] in [0] : vector<16xi32>, vector<16xi32> -> vector<16xi32>
        %parallel_loop3A_353 = vector.shape_cast %broadcast_in_dim3A_40 : vector<16xi32> to vector<16x1xi32>
        %parallel_loop3A_354 = vector.shape_cast %parallel_loop3A_353 : vector<16x1xi32> to vector<16xi32>
        %parallel_loop3A_355 = tpu.dynamic_gather %parallel_loop3A_335[%parallel_loop3A_354] in [0] : vector<16xf32>, vector<16xi32> -> vector<16xf32>
        %parallel_loop3A_356 = arith.addi %parallel_loop3A_352, %iota3A : vector<16xi32>
        %parallel_loop3A_357 = tpu.vector_load_idx %arg6[%parallel_loop3A_356] : memref<98304xf32, #tpu.memory_space<vmem>>[vector<16xi32>], vector<16xf32>,
        %parallel_loop3A_358 = arith.addi %parallel_loop3A_352, %add3A_37 : vector<16xi32>
        %parallel_loop3A_359 = tpu.vector_load_idx %arg6[%parallel_loop3A_358] : memref<98304xf32, #tpu.memory_space<vmem>>[vector<16xi32>], vector<16xf32>,
        %parallel_loop3A_360 = arith.mulf %parallel_loop3A_355, %parallel_loop3A_357 : vector<16xf32>
        %parallel_loop3A_361 = arith.addf %parallel_loop3A_347, %parallel_loop3A_360 : vector<16xf32>
        %parallel_loop3A_362 = arith.mulf %parallel_loop3A_355, %parallel_loop3A_359 : vector<16xf32>
        %parallel_loop3A_363 = arith.addf %parallel_loop3A_349, %parallel_loop3A_362 : vector<16xf32>
        %parallel_loop3A_364 = vector.shape_cast %broadcast_in_dim3A_42 : vector<16xi32> to vector<16x1xi32>
        %parallel_loop3A_365 = vector.shape_cast %parallel_loop3A_364 : vector<16x1xi32> to vector<16xi32>
        %parallel_loop3A_366 = tpu.dynamic_gather %parallel_loop3A_330[%parallel_loop3A_365] in [0] : vector<16xi32>, vector<16xi32> -> vector<16xi32>
        %parallel_loop3A_367 = vector.shape_cast %broadcast_in_dim3A_42 : vector<16xi32> to vector<16x1xi32>
        %parallel_loop3A_368 = vector.shape_cast %parallel_loop3A_367 : vector<16x1xi32> to vector<16xi32>
        %parallel_loop3A_369 = tpu.dynamic_gather %parallel_loop3A_335[%parallel_loop3A_368] in [0] : vector<16xf32>, vector<16xi32> -> vector<16xf32>
        %parallel_loop3A_370 = arith.addi %parallel_loop3A_366, %iota3A : vector<16xi32>
        %parallel_loop3A_371 = tpu.vector_load_idx %arg6[%parallel_loop3A_370] : memref<98304xf32, #tpu.memory_space<vmem>>[vector<16xi32>], vector<16xf32>,
        %parallel_loop3A_372 = arith.addi %parallel_loop3A_366, %add3A_37 : vector<16xi32>
        %parallel_loop3A_373 = tpu.vector_load_idx %arg6[%parallel_loop3A_372] : memref<98304xf32, #tpu.memory_space<vmem>>[vector<16xi32>], vector<16xf32>,
        %parallel_loop3A_374 = arith.mulf %parallel_loop3A_369, %parallel_loop3A_371 : vector<16xf32>
        %parallel_loop3A_375 = arith.addf %parallel_loop3A_361, %parallel_loop3A_374 : vector<16xf32>
        %parallel_loop3A_376 = arith.mulf %parallel_loop3A_369, %parallel_loop3A_373 : vector<16xf32>
        %parallel_loop3A_377 = arith.addf %parallel_loop3A_363, %parallel_loop3A_376 : vector<16xf32>
        %parallel_loop3A_378 = vector.shape_cast %broadcast_in_dim3A_44 : vector<16xi32> to vector<16x1xi32>
        %parallel_loop3A_379 = vector.shape_cast %parallel_loop3A_378 : vector<16x1xi32> to vector<16xi32>
        %parallel_loop3A_380 = tpu.dynamic_gather %parallel_loop3A_330[%parallel_loop3A_379] in [0] : vector<16xi32>, vector<16xi32> -> vector<16xi32>
        %parallel_loop3A_381 = vector.shape_cast %broadcast_in_dim3A_44 : vector<16xi32> to vector<16x1xi32>
        %parallel_loop3A_382 = vector.shape_cast %parallel_loop3A_381 : vector<16x1xi32> to vector<16xi32>
        %parallel_loop3A_383 = tpu.dynamic_gather %parallel_loop3A_335[%parallel_loop3A_382] in [0] : vector<16xf32>, vector<16xi32> -> vector<16xf32>
        %parallel_loop3A_384 = arith.addi %parallel_loop3A_380, %iota3A : vector<16xi32>
        %parallel_loop3A_385 = tpu.vector_load_idx %arg6[%parallel_loop3A_384] : memref<98304xf32, #tpu.memory_space<vmem>>[vector<16xi32>], vector<16xf32>,
        %parallel_loop3A_386 = arith.addi %parallel_loop3A_380, %add3A_37 : vector<16xi32>
        %parallel_loop3A_387 = tpu.vector_load_idx %arg6[%parallel_loop3A_386] : memref<98304xf32, #tpu.memory_space<vmem>>[vector<16xi32>], vector<16xf32>,
        %parallel_loop3A_388 = arith.mulf %parallel_loop3A_383, %parallel_loop3A_385 : vector<16xf32>
        %parallel_loop3A_389 = arith.addf %parallel_loop3A_375, %parallel_loop3A_388 : vector<16xf32>
        %parallel_loop3A_390 = arith.mulf %parallel_loop3A_383, %parallel_loop3A_387 : vector<16xf32>
        %parallel_loop3A_391 = arith.addf %parallel_loop3A_377, %parallel_loop3A_390 : vector<16xf32>
        %parallel_loop3A_392 = vector.shape_cast %broadcast_in_dim3A_46 : vector<16xi32> to vector<16x1xi32>
        %parallel_loop3A_393 = vector.shape_cast %parallel_loop3A_392 : vector<16x1xi32> to vector<16xi32>
        %parallel_loop3A_394 = tpu.dynamic_gather %parallel_loop3A_330[%parallel_loop3A_393] in [0] : vector<16xi32>, vector<16xi32> -> vector<16xi32>
        %parallel_loop3A_395 = vector.shape_cast %broadcast_in_dim3A_46 : vector<16xi32> to vector<16x1xi32>
        %parallel_loop3A_396 = vector.shape_cast %parallel_loop3A_395 : vector<16x1xi32> to vector<16xi32>
        %parallel_loop3A_397 = tpu.dynamic_gather %parallel_loop3A_335[%parallel_loop3A_396] in [0] : vector<16xf32>, vector<16xi32> -> vector<16xf32>
        %parallel_loop3A_398 = arith.addi %parallel_loop3A_394, %iota3A : vector<16xi32>
        %parallel_loop3A_399 = tpu.vector_load_idx %arg6[%parallel_loop3A_398] : memref<98304xf32, #tpu.memory_space<vmem>>[vector<16xi32>], vector<16xf32>,
        %parallel_loop3A_400 = arith.addi %parallel_loop3A_394, %add3A_37 : vector<16xi32>
        %parallel_loop3A_401 = tpu.vector_load_idx %arg6[%parallel_loop3A_400] : memref<98304xf32, #tpu.memory_space<vmem>>[vector<16xi32>], vector<16xf32>,
        %parallel_loop3A_402 = arith.mulf %parallel_loop3A_397, %parallel_loop3A_399 : vector<16xf32>
        %parallel_loop3A_403 = arith.addf %parallel_loop3A_389, %parallel_loop3A_402 : vector<16xf32>
        %parallel_loop3A_404 = arith.mulf %parallel_loop3A_397, %parallel_loop3A_401 : vector<16xf32>
        %parallel_loop3A_405 = arith.addf %parallel_loop3A_391, %parallel_loop3A_404 : vector<16xf32>
        %parallel_loop3A_406 = vector.shape_cast %broadcast_in_dim3A_48 : vector<16xi32> to vector<16x1xi32>
        %parallel_loop3A_407 = vector.shape_cast %parallel_loop3A_406 : vector<16x1xi32> to vector<16xi32>
        %parallel_loop3A_408 = tpu.dynamic_gather %parallel_loop3A_330[%parallel_loop3A_407] in [0] : vector<16xi32>, vector<16xi32> -> vector<16xi32>
        %parallel_loop3A_409 = vector.shape_cast %broadcast_in_dim3A_48 : vector<16xi32> to vector<16x1xi32>
        %parallel_loop3A_410 = vector.shape_cast %parallel_loop3A_409 : vector<16x1xi32> to vector<16xi32>
        %parallel_loop3A_411 = tpu.dynamic_gather %parallel_loop3A_335[%parallel_loop3A_410] in [0] : vector<16xf32>, vector<16xi32> -> vector<16xf32>
        %parallel_loop3A_412 = arith.addi %parallel_loop3A_408, %iota3A : vector<16xi32>
        %parallel_loop3A_413 = tpu.vector_load_idx %arg6[%parallel_loop3A_412] : memref<98304xf32, #tpu.memory_space<vmem>>[vector<16xi32>], vector<16xf32>,
        %parallel_loop3A_414 = arith.addi %parallel_loop3A_408, %add3A_37 : vector<16xi32>
        %parallel_loop3A_415 = tpu.vector_load_idx %arg6[%parallel_loop3A_414] : memref<98304xf32, #tpu.memory_space<vmem>>[vector<16xi32>], vector<16xf32>,
        %parallel_loop3A_416 = arith.mulf %parallel_loop3A_411, %parallel_loop3A_413 : vector<16xf32>
        %parallel_loop3A_417 = arith.addf %parallel_loop3A_403, %parallel_loop3A_416 : vector<16xf32>
        %parallel_loop3A_418 = arith.mulf %parallel_loop3A_411, %parallel_loop3A_415 : vector<16xf32>
        %parallel_loop3A_419 = arith.addf %parallel_loop3A_405, %parallel_loop3A_418 : vector<16xf32>
        %parallel_loop3A_420 = vector.shape_cast %broadcast_in_dim3A_50 : vector<16xi32> to vector<16x1xi32>
        %parallel_loop3A_421 = vector.shape_cast %parallel_loop3A_420 : vector<16x1xi32> to vector<16xi32>
        %parallel_loop3A_422 = tpu.dynamic_gather %parallel_loop3A_330[%parallel_loop3A_421] in [0] : vector<16xi32>, vector<16xi32> -> vector<16xi32>
        %parallel_loop3A_423 = vector.shape_cast %broadcast_in_dim3A_50 : vector<16xi32> to vector<16x1xi32>
        %parallel_loop3A_424 = vector.shape_cast %parallel_loop3A_423 : vector<16x1xi32> to vector<16xi32>
        %parallel_loop3A_425 = tpu.dynamic_gather %parallel_loop3A_335[%parallel_loop3A_424] in [0] : vector<16xf32>, vector<16xi32> -> vector<16xf32>
        %parallel_loop3A_426 = arith.addi %parallel_loop3A_422, %iota3A : vector<16xi32>
        %parallel_loop3A_427 = tpu.vector_load_idx %arg6[%parallel_loop3A_426] : memref<98304xf32, #tpu.memory_space<vmem>>[vector<16xi32>], vector<16xf32>,
        %parallel_loop3A_428 = arith.addi %parallel_loop3A_422, %add3A_37 : vector<16xi32>
        %parallel_loop3A_429 = tpu.vector_load_idx %arg6[%parallel_loop3A_428] : memref<98304xf32, #tpu.memory_space<vmem>>[vector<16xi32>], vector<16xf32>,
        %parallel_loop3A_430 = arith.mulf %parallel_loop3A_425, %parallel_loop3A_427 : vector<16xf32>
        %parallel_loop3A_431 = arith.addf %parallel_loop3A_417, %parallel_loop3A_430 : vector<16xf32>
        %parallel_loop3A_432 = arith.mulf %parallel_loop3A_425, %parallel_loop3A_429 : vector<16xf32>
        %parallel_loop3A_433 = arith.addf %parallel_loop3A_419, %parallel_loop3A_432 : vector<16xf32>
        %parallel_loop3A_434 = vector.shape_cast %broadcast_in_dim3A_52 : vector<16xi32> to vector<16x1xi32>
        %parallel_loop3A_435 = vector.shape_cast %parallel_loop3A_434 : vector<16x1xi32> to vector<16xi32>
        %parallel_loop3A_436 = tpu.dynamic_gather %parallel_loop3A_330[%parallel_loop3A_435] in [0] : vector<16xi32>, vector<16xi32> -> vector<16xi32>
        %parallel_loop3A_437 = vector.shape_cast %broadcast_in_dim3A_52 : vector<16xi32> to vector<16x1xi32>
        %parallel_loop3A_438 = vector.shape_cast %parallel_loop3A_437 : vector<16x1xi32> to vector<16xi32>
        %parallel_loop3A_439 = tpu.dynamic_gather %parallel_loop3A_335[%parallel_loop3A_438] in [0] : vector<16xf32>, vector<16xi32> -> vector<16xf32>
        %parallel_loop3A_440 = arith.addi %parallel_loop3A_436, %iota3A : vector<16xi32>
        %parallel_loop3A_441 = tpu.vector_load_idx %arg6[%parallel_loop3A_440] : memref<98304xf32, #tpu.memory_space<vmem>>[vector<16xi32>], vector<16xf32>,
        %parallel_loop3A_442 = arith.addi %parallel_loop3A_436, %add3A_37 : vector<16xi32>
        %parallel_loop3A_443 = tpu.vector_load_idx %arg6[%parallel_loop3A_442] : memref<98304xf32, #tpu.memory_space<vmem>>[vector<16xi32>], vector<16xf32>,
        %parallel_loop3A_444 = arith.mulf %parallel_loop3A_439, %parallel_loop3A_441 : vector<16xf32>
        %parallel_loop3A_445 = arith.addf %parallel_loop3A_431, %parallel_loop3A_444 : vector<16xf32>
        %parallel_loop3A_446 = arith.mulf %parallel_loop3A_439, %parallel_loop3A_443 : vector<16xf32>
        %parallel_loop3A_447 = arith.addf %parallel_loop3A_433, %parallel_loop3A_446 : vector<16xf32>
        %parallel_loop3A_448 = vector.shape_cast %broadcast_in_dim3A_54 : vector<16xi32> to vector<16x1xi32>
        %parallel_loop3A_449 = vector.shape_cast %parallel_loop3A_448 : vector<16x1xi32> to vector<16xi32>
        %parallel_loop3A_450 = tpu.dynamic_gather %parallel_loop3A_330[%parallel_loop3A_449] in [0] : vector<16xi32>, vector<16xi32> -> vector<16xi32>
        %parallel_loop3A_451 = vector.shape_cast %broadcast_in_dim3A_54 : vector<16xi32> to vector<16x1xi32>
        %parallel_loop3A_452 = vector.shape_cast %parallel_loop3A_451 : vector<16x1xi32> to vector<16xi32>
        %parallel_loop3A_453 = tpu.dynamic_gather %parallel_loop3A_335[%parallel_loop3A_452] in [0] : vector<16xf32>, vector<16xi32> -> vector<16xf32>
        %parallel_loop3A_454 = arith.addi %parallel_loop3A_450, %iota3A : vector<16xi32>
        %parallel_loop3A_455 = tpu.vector_load_idx %arg6[%parallel_loop3A_454] : memref<98304xf32, #tpu.memory_space<vmem>>[vector<16xi32>], vector<16xf32>,
        %parallel_loop3A_456 = arith.addi %parallel_loop3A_450, %add3A_37 : vector<16xi32>
        %parallel_loop3A_457 = tpu.vector_load_idx %arg6[%parallel_loop3A_456] : memref<98304xf32, #tpu.memory_space<vmem>>[vector<16xi32>], vector<16xf32>,
        %parallel_loop3A_458 = arith.mulf %parallel_loop3A_453, %parallel_loop3A_455 : vector<16xf32>
        %parallel_loop3A_459 = arith.addf %parallel_loop3A_445, %parallel_loop3A_458 : vector<16xf32>
        %parallel_loop3A_460 = arith.mulf %parallel_loop3A_453, %parallel_loop3A_457 : vector<16xf32>
        %parallel_loop3A_461 = arith.addf %parallel_loop3A_447, %parallel_loop3A_460 : vector<16xf32>
        %parallel_loop3A_462 = vector.shape_cast %broadcast_in_dim3A_56 : vector<16xi32> to vector<16x1xi32>
        %parallel_loop3A_463 = vector.shape_cast %parallel_loop3A_462 : vector<16x1xi32> to vector<16xi32>
        %parallel_loop3A_464 = tpu.dynamic_gather %parallel_loop3A_330[%parallel_loop3A_463] in [0] : vector<16xi32>, vector<16xi32> -> vector<16xi32>
        %parallel_loop3A_465 = vector.shape_cast %broadcast_in_dim3A_56 : vector<16xi32> to vector<16x1xi32>
        %parallel_loop3A_466 = vector.shape_cast %parallel_loop3A_465 : vector<16x1xi32> to vector<16xi32>
        %parallel_loop3A_467 = tpu.dynamic_gather %parallel_loop3A_335[%parallel_loop3A_466] in [0] : vector<16xf32>, vector<16xi32> -> vector<16xf32>
        %parallel_loop3A_468 = arith.addi %parallel_loop3A_464, %iota3A : vector<16xi32>
        %parallel_loop3A_469 = tpu.vector_load_idx %arg6[%parallel_loop3A_468] : memref<98304xf32, #tpu.memory_space<vmem>>[vector<16xi32>], vector<16xf32>,
        %parallel_loop3A_470 = arith.addi %parallel_loop3A_464, %add3A_37 : vector<16xi32>
        %parallel_loop3A_471 = tpu.vector_load_idx %arg6[%parallel_loop3A_470] : memref<98304xf32, #tpu.memory_space<vmem>>[vector<16xi32>], vector<16xf32>,
        %parallel_loop3A_472 = arith.mulf %parallel_loop3A_467, %parallel_loop3A_469 : vector<16xf32>
        %parallel_loop3A_473 = arith.addf %parallel_loop3A_459, %parallel_loop3A_472 : vector<16xf32>
        %parallel_loop3A_474 = arith.mulf %parallel_loop3A_467, %parallel_loop3A_471 : vector<16xf32>
        %parallel_loop3A_475 = arith.addf %parallel_loop3A_461, %parallel_loop3A_474 : vector<16xf32>
        %parallel_loop3A_476 = vector.shape_cast %broadcast_in_dim3A_58 : vector<16xi32> to vector<16x1xi32>
        %parallel_loop3A_477 = vector.shape_cast %parallel_loop3A_476 : vector<16x1xi32> to vector<16xi32>
        %parallel_loop3A_478 = tpu.dynamic_gather %parallel_loop3A_330[%parallel_loop3A_477] in [0] : vector<16xi32>, vector<16xi32> -> vector<16xi32>
        %parallel_loop3A_479 = vector.shape_cast %broadcast_in_dim3A_58 : vector<16xi32> to vector<16x1xi32>
        %parallel_loop3A_480 = vector.shape_cast %parallel_loop3A_479 : vector<16x1xi32> to vector<16xi32>
        %parallel_loop3A_481 = tpu.dynamic_gather %parallel_loop3A_335[%parallel_loop3A_480] in [0] : vector<16xf32>, vector<16xi32> -> vector<16xf32>
        %parallel_loop3A_482 = arith.addi %parallel_loop3A_478, %iota3A : vector<16xi32>
        %parallel_loop3A_483 = tpu.vector_load_idx %arg6[%parallel_loop3A_482] : memref<98304xf32, #tpu.memory_space<vmem>>[vector<16xi32>], vector<16xf32>,
        %parallel_loop3A_484 = arith.addi %parallel_loop3A_478, %add3A_37 : vector<16xi32>
        %parallel_loop3A_485 = tpu.vector_load_idx %arg6[%parallel_loop3A_484] : memref<98304xf32, #tpu.memory_space<vmem>>[vector<16xi32>], vector<16xf32>,
        %parallel_loop3A_486 = arith.mulf %parallel_loop3A_481, %parallel_loop3A_483 : vector<16xf32>
        %parallel_loop3A_487 = arith.addf %parallel_loop3A_473, %parallel_loop3A_486 : vector<16xf32>
        %parallel_loop3A_488 = arith.mulf %parallel_loop3A_481, %parallel_loop3A_485 : vector<16xf32>
        %parallel_loop3A_489 = arith.addf %parallel_loop3A_475, %parallel_loop3A_488 : vector<16xf32>
        %parallel_loop3A_490 = vector.shape_cast %broadcast_in_dim3A_60 : vector<16xi32> to vector<16x1xi32>
        %parallel_loop3A_491 = vector.shape_cast %parallel_loop3A_490 : vector<16x1xi32> to vector<16xi32>
        %parallel_loop3A_492 = tpu.dynamic_gather %parallel_loop3A_330[%parallel_loop3A_491] in [0] : vector<16xi32>, vector<16xi32> -> vector<16xi32>
        %parallel_loop3A_493 = vector.shape_cast %broadcast_in_dim3A_60 : vector<16xi32> to vector<16x1xi32>
        %parallel_loop3A_494 = vector.shape_cast %parallel_loop3A_493 : vector<16x1xi32> to vector<16xi32>
        %parallel_loop3A_495 = tpu.dynamic_gather %parallel_loop3A_335[%parallel_loop3A_494] in [0] : vector<16xf32>, vector<16xi32> -> vector<16xf32>
        %parallel_loop3A_496 = arith.addi %parallel_loop3A_492, %iota3A : vector<16xi32>
        %parallel_loop3A_497 = tpu.vector_load_idx %arg6[%parallel_loop3A_496] : memref<98304xf32, #tpu.memory_space<vmem>>[vector<16xi32>], vector<16xf32>,
        %parallel_loop3A_498 = arith.addi %parallel_loop3A_492, %add3A_37 : vector<16xi32>
        %parallel_loop3A_499 = tpu.vector_load_idx %arg6[%parallel_loop3A_498] : memref<98304xf32, #tpu.memory_space<vmem>>[vector<16xi32>], vector<16xf32>,
        %parallel_loop3A_500 = arith.mulf %parallel_loop3A_495, %parallel_loop3A_497 : vector<16xf32>
        %parallel_loop3A_501 = arith.addf %parallel_loop3A_487, %parallel_loop3A_500 : vector<16xf32>
        %parallel_loop3A_502 = arith.mulf %parallel_loop3A_495, %parallel_loop3A_499 : vector<16xf32>
        %parallel_loop3A_503 = arith.addf %parallel_loop3A_489, %parallel_loop3A_502 : vector<16xf32>
        %parallel_loop3A_504 = vector.shape_cast %broadcast_in_dim3A_62 : vector<16xi32> to vector<16x1xi32>
        %parallel_loop3A_505 = vector.shape_cast %parallel_loop3A_504 : vector<16x1xi32> to vector<16xi32>
        %parallel_loop3A_506 = tpu.dynamic_gather %parallel_loop3A_330[%parallel_loop3A_505] in [0] : vector<16xi32>, vector<16xi32> -> vector<16xi32>
        %parallel_loop3A_507 = vector.shape_cast %broadcast_in_dim3A_62 : vector<16xi32> to vector<16x1xi32>
        %parallel_loop3A_508 = vector.shape_cast %parallel_loop3A_507 : vector<16x1xi32> to vector<16xi32>
        %parallel_loop3A_509 = tpu.dynamic_gather %parallel_loop3A_335[%parallel_loop3A_508] in [0] : vector<16xf32>, vector<16xi32> -> vector<16xf32>
        %parallel_loop3A_510 = arith.addi %parallel_loop3A_506, %iota3A : vector<16xi32>
        %parallel_loop3A_511 = tpu.vector_load_idx %arg6[%parallel_loop3A_510] : memref<98304xf32, #tpu.memory_space<vmem>>[vector<16xi32>], vector<16xf32>,
        %parallel_loop3A_512 = arith.addi %parallel_loop3A_506, %add3A_37 : vector<16xi32>
        %parallel_loop3A_513 = tpu.vector_load_idx %arg6[%parallel_loop3A_512] : memref<98304xf32, #tpu.memory_space<vmem>>[vector<16xi32>], vector<16xf32>,
        %parallel_loop3A_514 = arith.mulf %parallel_loop3A_509, %parallel_loop3A_511 : vector<16xf32>
        %parallel_loop3A_515 = arith.addf %parallel_loop3A_501, %parallel_loop3A_514 : vector<16xf32>
        %parallel_loop3A_516 = arith.mulf %parallel_loop3A_509, %parallel_loop3A_513 : vector<16xf32>
        %parallel_loop3A_517 = arith.addf %parallel_loop3A_503, %parallel_loop3A_516 : vector<16xf32>
        %parallel_loop3A_518 = vector.shape_cast %broadcast_in_dim3A_64 : vector<16xi32> to vector<16x1xi32>
        %parallel_loop3A_519 = vector.shape_cast %parallel_loop3A_518 : vector<16x1xi32> to vector<16xi32>
        %parallel_loop3A_520 = tpu.dynamic_gather %parallel_loop3A_330[%parallel_loop3A_519] in [0] : vector<16xi32>, vector<16xi32> -> vector<16xi32>
        %parallel_loop3A_521 = vector.shape_cast %broadcast_in_dim3A_64 : vector<16xi32> to vector<16x1xi32>
        %parallel_loop3A_522 = vector.shape_cast %parallel_loop3A_521 : vector<16x1xi32> to vector<16xi32>
        %parallel_loop3A_523 = tpu.dynamic_gather %parallel_loop3A_335[%parallel_loop3A_522] in [0] : vector<16xf32>, vector<16xi32> -> vector<16xf32>
        %parallel_loop3A_524 = arith.addi %parallel_loop3A_520, %iota3A : vector<16xi32>
        %parallel_loop3A_525 = tpu.vector_load_idx %arg6[%parallel_loop3A_524] : memref<98304xf32, #tpu.memory_space<vmem>>[vector<16xi32>], vector<16xf32>,
        %parallel_loop3A_526 = arith.addi %parallel_loop3A_520, %add3A_37 : vector<16xi32>
        %parallel_loop3A_527 = tpu.vector_load_idx %arg6[%parallel_loop3A_526] : memref<98304xf32, #tpu.memory_space<vmem>>[vector<16xi32>], vector<16xf32>,
        %parallel_loop3A_528 = arith.mulf %parallel_loop3A_523, %parallel_loop3A_525 : vector<16xf32>
        %parallel_loop3A_529 = arith.addf %parallel_loop3A_515, %parallel_loop3A_528 : vector<16xf32>
        %parallel_loop3A_530 = arith.mulf %parallel_loop3A_523, %parallel_loop3A_527 : vector<16xf32>
        %parallel_loop3A_531 = arith.addf %parallel_loop3A_517, %parallel_loop3A_530 : vector<16xf32>
        %parallel_loop3A_532 = vector.shape_cast %broadcast_in_dim3A_66 : vector<16xi32> to vector<16x1xi32>
        %parallel_loop3A_533 = vector.shape_cast %parallel_loop3A_532 : vector<16x1xi32> to vector<16xi32>
        %parallel_loop3A_534 = tpu.dynamic_gather %parallel_loop3A_330[%parallel_loop3A_533] in [0] : vector<16xi32>, vector<16xi32> -> vector<16xi32>
        %parallel_loop3A_535 = vector.shape_cast %broadcast_in_dim3A_66 : vector<16xi32> to vector<16x1xi32>
        %parallel_loop3A_536 = vector.shape_cast %parallel_loop3A_535 : vector<16x1xi32> to vector<16xi32>
        %parallel_loop3A_537 = tpu.dynamic_gather %parallel_loop3A_335[%parallel_loop3A_536] in [0] : vector<16xf32>, vector<16xi32> -> vector<16xf32>
        %parallel_loop3A_538 = arith.addi %parallel_loop3A_534, %iota3A : vector<16xi32>
        %parallel_loop3A_539 = tpu.vector_load_idx %arg6[%parallel_loop3A_538] : memref<98304xf32, #tpu.memory_space<vmem>>[vector<16xi32>], vector<16xf32>,
        %parallel_loop3A_540 = arith.addi %parallel_loop3A_534, %add3A_37 : vector<16xi32>
        %parallel_loop3A_541 = tpu.vector_load_idx %arg6[%parallel_loop3A_540] : memref<98304xf32, #tpu.memory_space<vmem>>[vector<16xi32>], vector<16xf32>,
        %parallel_loop3A_542 = arith.mulf %parallel_loop3A_537, %parallel_loop3A_539 : vector<16xf32>
        %parallel_loop3A_543 = arith.addf %parallel_loop3A_529, %parallel_loop3A_542 : vector<16xf32>
        %parallel_loop3A_544 = arith.mulf %parallel_loop3A_537, %parallel_loop3A_541 : vector<16xf32>
        %parallel_loop3A_545 = arith.addf %parallel_loop3A_531, %parallel_loop3A_544 : vector<16xf32>
        %parallel_loop3A_546 = vector.shape_cast %broadcast_in_dim3A_68 : vector<16xi32> to vector<16x1xi32>
        %parallel_loop3A_547 = vector.shape_cast %parallel_loop3A_546 : vector<16x1xi32> to vector<16xi32>
        %parallel_loop3A_548 = tpu.dynamic_gather %parallel_loop3A_330[%parallel_loop3A_547] in [0] : vector<16xi32>, vector<16xi32> -> vector<16xi32>
        %parallel_loop3A_549 = vector.shape_cast %broadcast_in_dim3A_68 : vector<16xi32> to vector<16x1xi32>
        %parallel_loop3A_550 = vector.shape_cast %parallel_loop3A_549 : vector<16x1xi32> to vector<16xi32>
        %parallel_loop3A_551 = tpu.dynamic_gather %parallel_loop3A_335[%parallel_loop3A_550] in [0] : vector<16xf32>, vector<16xi32> -> vector<16xf32>
        %parallel_loop3A_552 = arith.addi %parallel_loop3A_548, %iota3A : vector<16xi32>
        %parallel_loop3A_553 = tpu.vector_load_idx %arg6[%parallel_loop3A_552] : memref<98304xf32, #tpu.memory_space<vmem>>[vector<16xi32>], vector<16xf32>,
        %parallel_loop3A_554 = arith.addi %parallel_loop3A_548, %add3A_37 : vector<16xi32>
        %parallel_loop3A_555 = tpu.vector_load_idx %arg6[%parallel_loop3A_554] : memref<98304xf32, #tpu.memory_space<vmem>>[vector<16xi32>], vector<16xf32>,
        %parallel_loop3A_556 = arith.mulf %parallel_loop3A_551, %parallel_loop3A_553 : vector<16xf32>
        %parallel_loop3A_557 = arith.addf %parallel_loop3A_543, %parallel_loop3A_556 : vector<16xf32>
        %parallel_loop3A_558 = arith.mulf %parallel_loop3A_551, %parallel_loop3A_555 : vector<16xf32>
        %parallel_loop3A_559 = arith.addf %parallel_loop3A_545, %parallel_loop3A_558 : vector<16xf32>
        %parallel_loop3A_560 = arith.constant 1 : i32
        %parallel_loop3A_561 = arith.index_cast %parallel_loop3A_560 : i32 to index
        %parallel_loop3A_562 = arith.index_cast %parallel_loop3A_309 : i32 to index
        %parallel_loop3A_563 = arith.constant 16 : index
        %parallel_loop3A_564 = tpu.vector_load %arg7[%parallel_loop3A_561, %parallel_loop3A_562, %parallel_loop3A_563] {strides = array<i32>} : memref<2x32x64xi32, #tpu.memory_space<vmem>>, vector<16xi32>,
        %parallel_loop3A_565 = arith.constant 1 : i32
        %parallel_loop3A_566 = arith.index_cast %parallel_loop3A_565 : i32 to index
        %parallel_loop3A_567 = arith.index_cast %parallel_loop3A_309 : i32 to index
        %parallel_loop3A_568 = arith.constant 16 : index
        %parallel_loop3A_569 = tpu.vector_load %arg8[%parallel_loop3A_566, %parallel_loop3A_567, %parallel_loop3A_568] {strides = array<i32>} : memref<2x32x64xf32, #tpu.memory_space<vmem>>, vector<16xf32>,
        %parallel_loop3A_570 = vector.shape_cast %broadcast_in_dim3A_38 : vector<16xi32> to vector<16x1xi32>
        %parallel_loop3A_571 = vector.shape_cast %parallel_loop3A_570 : vector<16x1xi32> to vector<16xi32>
        %parallel_loop3A_572 = tpu.dynamic_gather %parallel_loop3A_564[%parallel_loop3A_571] in [0] : vector<16xi32>, vector<16xi32> -> vector<16xi32>
        %parallel_loop3A_573 = vector.shape_cast %broadcast_in_dim3A_38 : vector<16xi32> to vector<16x1xi32>
        %parallel_loop3A_574 = vector.shape_cast %parallel_loop3A_573 : vector<16x1xi32> to vector<16xi32>
        %parallel_loop3A_575 = tpu.dynamic_gather %parallel_loop3A_569[%parallel_loop3A_574] in [0] : vector<16xf32>, vector<16xi32> -> vector<16xf32>
        %parallel_loop3A_576 = arith.addi %parallel_loop3A_572, %iota3A : vector<16xi32>
        %parallel_loop3A_577 = tpu.vector_load_idx %arg6[%parallel_loop3A_576] : memref<98304xf32, #tpu.memory_space<vmem>>[vector<16xi32>], vector<16xf32>,
        %parallel_loop3A_578 = arith.addi %parallel_loop3A_572, %add3A_37 : vector<16xi32>
        %parallel_loop3A_579 = tpu.vector_load_idx %arg6[%parallel_loop3A_578] : memref<98304xf32, #tpu.memory_space<vmem>>[vector<16xi32>], vector<16xf32>,
        %parallel_loop3A_580 = arith.mulf %parallel_loop3A_575, %parallel_loop3A_577 : vector<16xf32>
        %parallel_loop3A_581 = arith.addf %parallel_loop3A_315, %parallel_loop3A_580 : vector<16xf32>
        %parallel_loop3A_582 = arith.mulf %parallel_loop3A_575, %parallel_loop3A_579 : vector<16xf32>
        %parallel_loop3A_583 = arith.addf %parallel_loop3A_317, %parallel_loop3A_582 : vector<16xf32>
        %parallel_loop3A_584 = vector.shape_cast %broadcast_in_dim3A_40 : vector<16xi32> to vector<16x1xi32>
        %parallel_loop3A_585 = vector.shape_cast %parallel_loop3A_584 : vector<16x1xi32> to vector<16xi32>
        %parallel_loop3A_586 = tpu.dynamic_gather %parallel_loop3A_564[%parallel_loop3A_585] in [0] : vector<16xi32>, vector<16xi32> -> vector<16xi32>
        %parallel_loop3A_587 = vector.shape_cast %broadcast_in_dim3A_40 : vector<16xi32> to vector<16x1xi32>
        %parallel_loop3A_588 = vector.shape_cast %parallel_loop3A_587 : vector<16x1xi32> to vector<16xi32>
        %parallel_loop3A_589 = tpu.dynamic_gather %parallel_loop3A_569[%parallel_loop3A_588] in [0] : vector<16xf32>, vector<16xi32> -> vector<16xf32>
        %parallel_loop3A_590 = arith.addi %parallel_loop3A_586, %iota3A : vector<16xi32>
        %parallel_loop3A_591 = tpu.vector_load_idx %arg6[%parallel_loop3A_590] : memref<98304xf32, #tpu.memory_space<vmem>>[vector<16xi32>], vector<16xf32>,
        %parallel_loop3A_592 = arith.addi %parallel_loop3A_586, %add3A_37 : vector<16xi32>
        %parallel_loop3A_593 = tpu.vector_load_idx %arg6[%parallel_loop3A_592] : memref<98304xf32, #tpu.memory_space<vmem>>[vector<16xi32>], vector<16xf32>,
        %parallel_loop3A_594 = arith.mulf %parallel_loop3A_589, %parallel_loop3A_591 : vector<16xf32>
        %parallel_loop3A_595 = arith.addf %parallel_loop3A_581, %parallel_loop3A_594 : vector<16xf32>
        %parallel_loop3A_596 = arith.mulf %parallel_loop3A_589, %parallel_loop3A_593 : vector<16xf32>
        %parallel_loop3A_597 = arith.addf %parallel_loop3A_583, %parallel_loop3A_596 : vector<16xf32>
        %parallel_loop3A_598 = vector.shape_cast %broadcast_in_dim3A_42 : vector<16xi32> to vector<16x1xi32>
        %parallel_loop3A_599 = vector.shape_cast %parallel_loop3A_598 : vector<16x1xi32> to vector<16xi32>
        %parallel_loop3A_600 = tpu.dynamic_gather %parallel_loop3A_564[%parallel_loop3A_599] in [0] : vector<16xi32>, vector<16xi32> -> vector<16xi32>
        %parallel_loop3A_601 = vector.shape_cast %broadcast_in_dim3A_42 : vector<16xi32> to vector<16x1xi32>
        %parallel_loop3A_602 = vector.shape_cast %parallel_loop3A_601 : vector<16x1xi32> to vector<16xi32>
        %parallel_loop3A_603 = tpu.dynamic_gather %parallel_loop3A_569[%parallel_loop3A_602] in [0] : vector<16xf32>, vector<16xi32> -> vector<16xf32>
        %parallel_loop3A_604 = arith.addi %parallel_loop3A_600, %iota3A : vector<16xi32>
        %parallel_loop3A_605 = tpu.vector_load_idx %arg6[%parallel_loop3A_604] : memref<98304xf32, #tpu.memory_space<vmem>>[vector<16xi32>], vector<16xf32>,
        %parallel_loop3A_606 = arith.addi %parallel_loop3A_600, %add3A_37 : vector<16xi32>
        %parallel_loop3A_607 = tpu.vector_load_idx %arg6[%parallel_loop3A_606] : memref<98304xf32, #tpu.memory_space<vmem>>[vector<16xi32>], vector<16xf32>,
        %parallel_loop3A_608 = arith.mulf %parallel_loop3A_603, %parallel_loop3A_605 : vector<16xf32>
        %parallel_loop3A_609 = arith.addf %parallel_loop3A_595, %parallel_loop3A_608 : vector<16xf32>
        %parallel_loop3A_610 = arith.mulf %parallel_loop3A_603, %parallel_loop3A_607 : vector<16xf32>
        %parallel_loop3A_611 = arith.addf %parallel_loop3A_597, %parallel_loop3A_610 : vector<16xf32>
        %parallel_loop3A_612 = vector.shape_cast %broadcast_in_dim3A_44 : vector<16xi32> to vector<16x1xi32>
        %parallel_loop3A_613 = vector.shape_cast %parallel_loop3A_612 : vector<16x1xi32> to vector<16xi32>
        %parallel_loop3A_614 = tpu.dynamic_gather %parallel_loop3A_564[%parallel_loop3A_613] in [0] : vector<16xi32>, vector<16xi32> -> vector<16xi32>
        %parallel_loop3A_615 = vector.shape_cast %broadcast_in_dim3A_44 : vector<16xi32> to vector<16x1xi32>
        %parallel_loop3A_616 = vector.shape_cast %parallel_loop3A_615 : vector<16x1xi32> to vector<16xi32>
        %parallel_loop3A_617 = tpu.dynamic_gather %parallel_loop3A_569[%parallel_loop3A_616] in [0] : vector<16xf32>, vector<16xi32> -> vector<16xf32>
        %parallel_loop3A_618 = arith.addi %parallel_loop3A_614, %iota3A : vector<16xi32>
        %parallel_loop3A_619 = tpu.vector_load_idx %arg6[%parallel_loop3A_618] : memref<98304xf32, #tpu.memory_space<vmem>>[vector<16xi32>], vector<16xf32>,
        %parallel_loop3A_620 = arith.addi %parallel_loop3A_614, %add3A_37 : vector<16xi32>
        %parallel_loop3A_621 = tpu.vector_load_idx %arg6[%parallel_loop3A_620] : memref<98304xf32, #tpu.memory_space<vmem>>[vector<16xi32>], vector<16xf32>,
        %parallel_loop3A_622 = arith.mulf %parallel_loop3A_617, %parallel_loop3A_619 : vector<16xf32>
        %parallel_loop3A_623 = arith.addf %parallel_loop3A_609, %parallel_loop3A_622 : vector<16xf32>
        %parallel_loop3A_624 = arith.mulf %parallel_loop3A_617, %parallel_loop3A_621 : vector<16xf32>
        %parallel_loop3A_625 = arith.addf %parallel_loop3A_611, %parallel_loop3A_624 : vector<16xf32>
        %parallel_loop3A_626 = vector.shape_cast %broadcast_in_dim3A_46 : vector<16xi32> to vector<16x1xi32>
        %parallel_loop3A_627 = vector.shape_cast %parallel_loop3A_626 : vector<16x1xi32> to vector<16xi32>
        %parallel_loop3A_628 = tpu.dynamic_gather %parallel_loop3A_564[%parallel_loop3A_627] in [0] : vector<16xi32>, vector<16xi32> -> vector<16xi32>
        %parallel_loop3A_629 = vector.shape_cast %broadcast_in_dim3A_46 : vector<16xi32> to vector<16x1xi32>
        %parallel_loop3A_630 = vector.shape_cast %parallel_loop3A_629 : vector<16x1xi32> to vector<16xi32>
        %parallel_loop3A_631 = tpu.dynamic_gather %parallel_loop3A_569[%parallel_loop3A_630] in [0] : vector<16xf32>, vector<16xi32> -> vector<16xf32>
        %parallel_loop3A_632 = arith.addi %parallel_loop3A_628, %iota3A : vector<16xi32>
        %parallel_loop3A_633 = tpu.vector_load_idx %arg6[%parallel_loop3A_632] : memref<98304xf32, #tpu.memory_space<vmem>>[vector<16xi32>], vector<16xf32>,
        %parallel_loop3A_634 = arith.addi %parallel_loop3A_628, %add3A_37 : vector<16xi32>
        %parallel_loop3A_635 = tpu.vector_load_idx %arg6[%parallel_loop3A_634] : memref<98304xf32, #tpu.memory_space<vmem>>[vector<16xi32>], vector<16xf32>,
        %parallel_loop3A_636 = arith.mulf %parallel_loop3A_631, %parallel_loop3A_633 : vector<16xf32>
        %parallel_loop3A_637 = arith.addf %parallel_loop3A_623, %parallel_loop3A_636 : vector<16xf32>
        %parallel_loop3A_638 = arith.mulf %parallel_loop3A_631, %parallel_loop3A_635 : vector<16xf32>
        %parallel_loop3A_639 = arith.addf %parallel_loop3A_625, %parallel_loop3A_638 : vector<16xf32>
        %parallel_loop3A_640 = vector.shape_cast %broadcast_in_dim3A_48 : vector<16xi32> to vector<16x1xi32>
        %parallel_loop3A_641 = vector.shape_cast %parallel_loop3A_640 : vector<16x1xi32> to vector<16xi32>
        %parallel_loop3A_642 = tpu.dynamic_gather %parallel_loop3A_564[%parallel_loop3A_641] in [0] : vector<16xi32>, vector<16xi32> -> vector<16xi32>
        %parallel_loop3A_643 = vector.shape_cast %broadcast_in_dim3A_48 : vector<16xi32> to vector<16x1xi32>
        %parallel_loop3A_644 = vector.shape_cast %parallel_loop3A_643 : vector<16x1xi32> to vector<16xi32>
        %parallel_loop3A_645 = tpu.dynamic_gather %parallel_loop3A_569[%parallel_loop3A_644] in [0] : vector<16xf32>, vector<16xi32> -> vector<16xf32>
        %parallel_loop3A_646 = arith.addi %parallel_loop3A_642, %iota3A : vector<16xi32>
        %parallel_loop3A_647 = tpu.vector_load_idx %arg6[%parallel_loop3A_646] : memref<98304xf32, #tpu.memory_space<vmem>>[vector<16xi32>], vector<16xf32>,
        %parallel_loop3A_648 = arith.addi %parallel_loop3A_642, %add3A_37 : vector<16xi32>
        %parallel_loop3A_649 = tpu.vector_load_idx %arg6[%parallel_loop3A_648] : memref<98304xf32, #tpu.memory_space<vmem>>[vector<16xi32>], vector<16xf32>,
        %parallel_loop3A_650 = arith.mulf %parallel_loop3A_645, %parallel_loop3A_647 : vector<16xf32>
        %parallel_loop3A_651 = arith.addf %parallel_loop3A_637, %parallel_loop3A_650 : vector<16xf32>
        %parallel_loop3A_652 = arith.mulf %parallel_loop3A_645, %parallel_loop3A_649 : vector<16xf32>
        %parallel_loop3A_653 = arith.addf %parallel_loop3A_639, %parallel_loop3A_652 : vector<16xf32>
        %parallel_loop3A_654 = vector.shape_cast %broadcast_in_dim3A_50 : vector<16xi32> to vector<16x1xi32>
        %parallel_loop3A_655 = vector.shape_cast %parallel_loop3A_654 : vector<16x1xi32> to vector<16xi32>
        %parallel_loop3A_656 = tpu.dynamic_gather %parallel_loop3A_564[%parallel_loop3A_655] in [0] : vector<16xi32>, vector<16xi32> -> vector<16xi32>
        %parallel_loop3A_657 = vector.shape_cast %broadcast_in_dim3A_50 : vector<16xi32> to vector<16x1xi32>
        %parallel_loop3A_658 = vector.shape_cast %parallel_loop3A_657 : vector<16x1xi32> to vector<16xi32>
        %parallel_loop3A_659 = tpu.dynamic_gather %parallel_loop3A_569[%parallel_loop3A_658] in [0] : vector<16xf32>, vector<16xi32> -> vector<16xf32>
        %parallel_loop3A_660 = arith.addi %parallel_loop3A_656, %iota3A : vector<16xi32>
        %parallel_loop3A_661 = tpu.vector_load_idx %arg6[%parallel_loop3A_660] : memref<98304xf32, #tpu.memory_space<vmem>>[vector<16xi32>], vector<16xf32>,
        %parallel_loop3A_662 = arith.addi %parallel_loop3A_656, %add3A_37 : vector<16xi32>
        %parallel_loop3A_663 = tpu.vector_load_idx %arg6[%parallel_loop3A_662] : memref<98304xf32, #tpu.memory_space<vmem>>[vector<16xi32>], vector<16xf32>,
        %parallel_loop3A_664 = arith.mulf %parallel_loop3A_659, %parallel_loop3A_661 : vector<16xf32>
        %parallel_loop3A_665 = arith.addf %parallel_loop3A_651, %parallel_loop3A_664 : vector<16xf32>
        %parallel_loop3A_666 = arith.mulf %parallel_loop3A_659, %parallel_loop3A_663 : vector<16xf32>
        %parallel_loop3A_667 = arith.addf %parallel_loop3A_653, %parallel_loop3A_666 : vector<16xf32>
        %parallel_loop3A_668 = vector.shape_cast %broadcast_in_dim3A_52 : vector<16xi32> to vector<16x1xi32>
        %parallel_loop3A_669 = vector.shape_cast %parallel_loop3A_668 : vector<16x1xi32> to vector<16xi32>
        %parallel_loop3A_670 = tpu.dynamic_gather %parallel_loop3A_564[%parallel_loop3A_669] in [0] : vector<16xi32>, vector<16xi32> -> vector<16xi32>
        %parallel_loop3A_671 = vector.shape_cast %broadcast_in_dim3A_52 : vector<16xi32> to vector<16x1xi32>
        %parallel_loop3A_672 = vector.shape_cast %parallel_loop3A_671 : vector<16x1xi32> to vector<16xi32>
        %parallel_loop3A_673 = tpu.dynamic_gather %parallel_loop3A_569[%parallel_loop3A_672] in [0] : vector<16xf32>, vector<16xi32> -> vector<16xf32>
        %parallel_loop3A_674 = arith.addi %parallel_loop3A_670, %iota3A : vector<16xi32>
        %parallel_loop3A_675 = tpu.vector_load_idx %arg6[%parallel_loop3A_674] : memref<98304xf32, #tpu.memory_space<vmem>>[vector<16xi32>], vector<16xf32>,
        %parallel_loop3A_676 = arith.addi %parallel_loop3A_670, %add3A_37 : vector<16xi32>
        %parallel_loop3A_677 = tpu.vector_load_idx %arg6[%parallel_loop3A_676] : memref<98304xf32, #tpu.memory_space<vmem>>[vector<16xi32>], vector<16xf32>,
        %parallel_loop3A_678 = arith.mulf %parallel_loop3A_673, %parallel_loop3A_675 : vector<16xf32>
        %parallel_loop3A_679 = arith.addf %parallel_loop3A_665, %parallel_loop3A_678 : vector<16xf32>
        %parallel_loop3A_680 = arith.mulf %parallel_loop3A_673, %parallel_loop3A_677 : vector<16xf32>
        %parallel_loop3A_681 = arith.addf %parallel_loop3A_667, %parallel_loop3A_680 : vector<16xf32>
        %parallel_loop3A_682 = vector.shape_cast %broadcast_in_dim3A_54 : vector<16xi32> to vector<16x1xi32>
        %parallel_loop3A_683 = vector.shape_cast %parallel_loop3A_682 : vector<16x1xi32> to vector<16xi32>
        %parallel_loop3A_684 = tpu.dynamic_gather %parallel_loop3A_564[%parallel_loop3A_683] in [0] : vector<16xi32>, vector<16xi32> -> vector<16xi32>
        %parallel_loop3A_685 = vector.shape_cast %broadcast_in_dim3A_54 : vector<16xi32> to vector<16x1xi32>
        %parallel_loop3A_686 = vector.shape_cast %parallel_loop3A_685 : vector<16x1xi32> to vector<16xi32>
        %parallel_loop3A_687 = tpu.dynamic_gather %parallel_loop3A_569[%parallel_loop3A_686] in [0] : vector<16xf32>, vector<16xi32> -> vector<16xf32>
        %parallel_loop3A_688 = arith.addi %parallel_loop3A_684, %iota3A : vector<16xi32>
        %parallel_loop3A_689 = tpu.vector_load_idx %arg6[%parallel_loop3A_688] : memref<98304xf32, #tpu.memory_space<vmem>>[vector<16xi32>], vector<16xf32>,
        %parallel_loop3A_690 = arith.addi %parallel_loop3A_684, %add3A_37 : vector<16xi32>
        %parallel_loop3A_691 = tpu.vector_load_idx %arg6[%parallel_loop3A_690] : memref<98304xf32, #tpu.memory_space<vmem>>[vector<16xi32>], vector<16xf32>,
        %parallel_loop3A_692 = arith.mulf %parallel_loop3A_687, %parallel_loop3A_689 : vector<16xf32>
        %parallel_loop3A_693 = arith.addf %parallel_loop3A_679, %parallel_loop3A_692 : vector<16xf32>
        %parallel_loop3A_694 = arith.mulf %parallel_loop3A_687, %parallel_loop3A_691 : vector<16xf32>
        %parallel_loop3A_695 = arith.addf %parallel_loop3A_681, %parallel_loop3A_694 : vector<16xf32>
        %parallel_loop3A_696 = vector.shape_cast %broadcast_in_dim3A_56 : vector<16xi32> to vector<16x1xi32>
        %parallel_loop3A_697 = vector.shape_cast %parallel_loop3A_696 : vector<16x1xi32> to vector<16xi32>
        %parallel_loop3A_698 = tpu.dynamic_gather %parallel_loop3A_564[%parallel_loop3A_697] in [0] : vector<16xi32>, vector<16xi32> -> vector<16xi32>
        %parallel_loop3A_699 = vector.shape_cast %broadcast_in_dim3A_56 : vector<16xi32> to vector<16x1xi32>
        %parallel_loop3A_700 = vector.shape_cast %parallel_loop3A_699 : vector<16x1xi32> to vector<16xi32>
        %parallel_loop3A_701 = tpu.dynamic_gather %parallel_loop3A_569[%parallel_loop3A_700] in [0] : vector<16xf32>, vector<16xi32> -> vector<16xf32>
        %parallel_loop3A_702 = arith.addi %parallel_loop3A_698, %iota3A : vector<16xi32>
        %parallel_loop3A_703 = tpu.vector_load_idx %arg6[%parallel_loop3A_702] : memref<98304xf32, #tpu.memory_space<vmem>>[vector<16xi32>], vector<16xf32>,
        %parallel_loop3A_704 = arith.addi %parallel_loop3A_698, %add3A_37 : vector<16xi32>
        %parallel_loop3A_705 = tpu.vector_load_idx %arg6[%parallel_loop3A_704] : memref<98304xf32, #tpu.memory_space<vmem>>[vector<16xi32>], vector<16xf32>,
        %parallel_loop3A_706 = arith.mulf %parallel_loop3A_701, %parallel_loop3A_703 : vector<16xf32>
        %parallel_loop3A_707 = arith.addf %parallel_loop3A_693, %parallel_loop3A_706 : vector<16xf32>
        %parallel_loop3A_708 = arith.mulf %parallel_loop3A_701, %parallel_loop3A_705 : vector<16xf32>
        %parallel_loop3A_709 = arith.addf %parallel_loop3A_695, %parallel_loop3A_708 : vector<16xf32>
        %parallel_loop3A_710 = vector.shape_cast %broadcast_in_dim3A_58 : vector<16xi32> to vector<16x1xi32>
        %parallel_loop3A_711 = vector.shape_cast %parallel_loop3A_710 : vector<16x1xi32> to vector<16xi32>
        %parallel_loop3A_712 = tpu.dynamic_gather %parallel_loop3A_564[%parallel_loop3A_711] in [0] : vector<16xi32>, vector<16xi32> -> vector<16xi32>
        %parallel_loop3A_713 = vector.shape_cast %broadcast_in_dim3A_58 : vector<16xi32> to vector<16x1xi32>
        %parallel_loop3A_714 = vector.shape_cast %parallel_loop3A_713 : vector<16x1xi32> to vector<16xi32>
        %parallel_loop3A_715 = tpu.dynamic_gather %parallel_loop3A_569[%parallel_loop3A_714] in [0] : vector<16xf32>, vector<16xi32> -> vector<16xf32>
        %parallel_loop3A_716 = arith.addi %parallel_loop3A_712, %iota3A : vector<16xi32>
        %parallel_loop3A_717 = tpu.vector_load_idx %arg6[%parallel_loop3A_716] : memref<98304xf32, #tpu.memory_space<vmem>>[vector<16xi32>], vector<16xf32>,
        %parallel_loop3A_718 = arith.addi %parallel_loop3A_712, %add3A_37 : vector<16xi32>
        %parallel_loop3A_719 = tpu.vector_load_idx %arg6[%parallel_loop3A_718] : memref<98304xf32, #tpu.memory_space<vmem>>[vector<16xi32>], vector<16xf32>,
        %parallel_loop3A_720 = arith.mulf %parallel_loop3A_715, %parallel_loop3A_717 : vector<16xf32>
        %parallel_loop3A_721 = arith.addf %parallel_loop3A_707, %parallel_loop3A_720 : vector<16xf32>
        %parallel_loop3A_722 = arith.mulf %parallel_loop3A_715, %parallel_loop3A_719 : vector<16xf32>
        %parallel_loop3A_723 = arith.addf %parallel_loop3A_709, %parallel_loop3A_722 : vector<16xf32>
        %parallel_loop3A_724 = vector.shape_cast %broadcast_in_dim3A_60 : vector<16xi32> to vector<16x1xi32>
        %parallel_loop3A_725 = vector.shape_cast %parallel_loop3A_724 : vector<16x1xi32> to vector<16xi32>
        %parallel_loop3A_726 = tpu.dynamic_gather %parallel_loop3A_564[%parallel_loop3A_725] in [0] : vector<16xi32>, vector<16xi32> -> vector<16xi32>
        %parallel_loop3A_727 = vector.shape_cast %broadcast_in_dim3A_60 : vector<16xi32> to vector<16x1xi32>
        %parallel_loop3A_728 = vector.shape_cast %parallel_loop3A_727 : vector<16x1xi32> to vector<16xi32>
        %parallel_loop3A_729 = tpu.dynamic_gather %parallel_loop3A_569[%parallel_loop3A_728] in [0] : vector<16xf32>, vector<16xi32> -> vector<16xf32>
        %parallel_loop3A_730 = arith.addi %parallel_loop3A_726, %iota3A : vector<16xi32>
        %parallel_loop3A_731 = tpu.vector_load_idx %arg6[%parallel_loop3A_730] : memref<98304xf32, #tpu.memory_space<vmem>>[vector<16xi32>], vector<16xf32>,
        %parallel_loop3A_732 = arith.addi %parallel_loop3A_726, %add3A_37 : vector<16xi32>
        %parallel_loop3A_733 = tpu.vector_load_idx %arg6[%parallel_loop3A_732] : memref<98304xf32, #tpu.memory_space<vmem>>[vector<16xi32>], vector<16xf32>,
        %parallel_loop3A_734 = arith.mulf %parallel_loop3A_729, %parallel_loop3A_731 : vector<16xf32>
        %parallel_loop3A_735 = arith.addf %parallel_loop3A_721, %parallel_loop3A_734 : vector<16xf32>
        %parallel_loop3A_736 = arith.mulf %parallel_loop3A_729, %parallel_loop3A_733 : vector<16xf32>
        %parallel_loop3A_737 = arith.addf %parallel_loop3A_723, %parallel_loop3A_736 : vector<16xf32>
        %parallel_loop3A_738 = vector.shape_cast %broadcast_in_dim3A_62 : vector<16xi32> to vector<16x1xi32>
        %parallel_loop3A_739 = vector.shape_cast %parallel_loop3A_738 : vector<16x1xi32> to vector<16xi32>
        %parallel_loop3A_740 = tpu.dynamic_gather %parallel_loop3A_564[%parallel_loop3A_739] in [0] : vector<16xi32>, vector<16xi32> -> vector<16xi32>
        %parallel_loop3A_741 = vector.shape_cast %broadcast_in_dim3A_62 : vector<16xi32> to vector<16x1xi32>
        %parallel_loop3A_742 = vector.shape_cast %parallel_loop3A_741 : vector<16x1xi32> to vector<16xi32>
        %parallel_loop3A_743 = tpu.dynamic_gather %parallel_loop3A_569[%parallel_loop3A_742] in [0] : vector<16xf32>, vector<16xi32> -> vector<16xf32>
        %parallel_loop3A_744 = arith.addi %parallel_loop3A_740, %iota3A : vector<16xi32>
        %parallel_loop3A_745 = tpu.vector_load_idx %arg6[%parallel_loop3A_744] : memref<98304xf32, #tpu.memory_space<vmem>>[vector<16xi32>], vector<16xf32>,
        %parallel_loop3A_746 = arith.addi %parallel_loop3A_740, %add3A_37 : vector<16xi32>
        %parallel_loop3A_747 = tpu.vector_load_idx %arg6[%parallel_loop3A_746] : memref<98304xf32, #tpu.memory_space<vmem>>[vector<16xi32>], vector<16xf32>,
        %parallel_loop3A_748 = arith.mulf %parallel_loop3A_743, %parallel_loop3A_745 : vector<16xf32>
        %parallel_loop3A_749 = arith.addf %parallel_loop3A_735, %parallel_loop3A_748 : vector<16xf32>
        %parallel_loop3A_750 = arith.mulf %parallel_loop3A_743, %parallel_loop3A_747 : vector<16xf32>
        %parallel_loop3A_751 = arith.addf %parallel_loop3A_737, %parallel_loop3A_750 : vector<16xf32>
        %parallel_loop3A_752 = vector.shape_cast %broadcast_in_dim3A_64 : vector<16xi32> to vector<16x1xi32>
        %parallel_loop3A_753 = vector.shape_cast %parallel_loop3A_752 : vector<16x1xi32> to vector<16xi32>
        %parallel_loop3A_754 = tpu.dynamic_gather %parallel_loop3A_564[%parallel_loop3A_753] in [0] : vector<16xi32>, vector<16xi32> -> vector<16xi32>
        %parallel_loop3A_755 = vector.shape_cast %broadcast_in_dim3A_64 : vector<16xi32> to vector<16x1xi32>
        %parallel_loop3A_756 = vector.shape_cast %parallel_loop3A_755 : vector<16x1xi32> to vector<16xi32>
        %parallel_loop3A_757 = tpu.dynamic_gather %parallel_loop3A_569[%parallel_loop3A_756] in [0] : vector<16xf32>, vector<16xi32> -> vector<16xf32>
        %parallel_loop3A_758 = arith.addi %parallel_loop3A_754, %iota3A : vector<16xi32>
        %parallel_loop3A_759 = tpu.vector_load_idx %arg6[%parallel_loop3A_758] : memref<98304xf32, #tpu.memory_space<vmem>>[vector<16xi32>], vector<16xf32>,
        %parallel_loop3A_760 = arith.addi %parallel_loop3A_754, %add3A_37 : vector<16xi32>
        %parallel_loop3A_761 = tpu.vector_load_idx %arg6[%parallel_loop3A_760] : memref<98304xf32, #tpu.memory_space<vmem>>[vector<16xi32>], vector<16xf32>,
        %parallel_loop3A_762 = arith.mulf %parallel_loop3A_757, %parallel_loop3A_759 : vector<16xf32>
        %parallel_loop3A_763 = arith.addf %parallel_loop3A_749, %parallel_loop3A_762 : vector<16xf32>
        %parallel_loop3A_764 = arith.mulf %parallel_loop3A_757, %parallel_loop3A_761 : vector<16xf32>
        %parallel_loop3A_765 = arith.addf %parallel_loop3A_751, %parallel_loop3A_764 : vector<16xf32>
        %parallel_loop3A_766 = vector.shape_cast %broadcast_in_dim3A_66 : vector<16xi32> to vector<16x1xi32>
        %parallel_loop3A_767 = vector.shape_cast %parallel_loop3A_766 : vector<16x1xi32> to vector<16xi32>
        %parallel_loop3A_768 = tpu.dynamic_gather %parallel_loop3A_564[%parallel_loop3A_767] in [0] : vector<16xi32>, vector<16xi32> -> vector<16xi32>
        %parallel_loop3A_769 = vector.shape_cast %broadcast_in_dim3A_66 : vector<16xi32> to vector<16x1xi32>
        %parallel_loop3A_770 = vector.shape_cast %parallel_loop3A_769 : vector<16x1xi32> to vector<16xi32>
        %parallel_loop3A_771 = tpu.dynamic_gather %parallel_loop3A_569[%parallel_loop3A_770] in [0] : vector<16xf32>, vector<16xi32> -> vector<16xf32>
        %parallel_loop3A_772 = arith.addi %parallel_loop3A_768, %iota3A : vector<16xi32>
        %parallel_loop3A_773 = tpu.vector_load_idx %arg6[%parallel_loop3A_772] : memref<98304xf32, #tpu.memory_space<vmem>>[vector<16xi32>], vector<16xf32>,
        %parallel_loop3A_774 = arith.addi %parallel_loop3A_768, %add3A_37 : vector<16xi32>
        %parallel_loop3A_775 = tpu.vector_load_idx %arg6[%parallel_loop3A_774] : memref<98304xf32, #tpu.memory_space<vmem>>[vector<16xi32>], vector<16xf32>,
        %parallel_loop3A_776 = arith.mulf %parallel_loop3A_771, %parallel_loop3A_773 : vector<16xf32>
        %parallel_loop3A_777 = arith.addf %parallel_loop3A_763, %parallel_loop3A_776 : vector<16xf32>
        %parallel_loop3A_778 = arith.mulf %parallel_loop3A_771, %parallel_loop3A_775 : vector<16xf32>
        %parallel_loop3A_779 = arith.addf %parallel_loop3A_765, %parallel_loop3A_778 : vector<16xf32>
        %parallel_loop3A_780 = vector.shape_cast %broadcast_in_dim3A_68 : vector<16xi32> to vector<16x1xi32>
        %parallel_loop3A_781 = vector.shape_cast %parallel_loop3A_780 : vector<16x1xi32> to vector<16xi32>
        %parallel_loop3A_782 = tpu.dynamic_gather %parallel_loop3A_564[%parallel_loop3A_781] in [0] : vector<16xi32>, vector<16xi32> -> vector<16xi32>
        %parallel_loop3A_783 = vector.shape_cast %broadcast_in_dim3A_68 : vector<16xi32> to vector<16x1xi32>
        %parallel_loop3A_784 = vector.shape_cast %parallel_loop3A_783 : vector<16x1xi32> to vector<16xi32>
        %parallel_loop3A_785 = tpu.dynamic_gather %parallel_loop3A_569[%parallel_loop3A_784] in [0] : vector<16xf32>, vector<16xi32> -> vector<16xf32>
        %parallel_loop3A_786 = arith.addi %parallel_loop3A_782, %iota3A : vector<16xi32>
        %parallel_loop3A_787 = tpu.vector_load_idx %arg6[%parallel_loop3A_786] : memref<98304xf32, #tpu.memory_space<vmem>>[vector<16xi32>], vector<16xf32>,
        %parallel_loop3A_788 = arith.addi %parallel_loop3A_782, %add3A_37 : vector<16xi32>
        %parallel_loop3A_789 = tpu.vector_load_idx %arg6[%parallel_loop3A_788] : memref<98304xf32, #tpu.memory_space<vmem>>[vector<16xi32>], vector<16xf32>,
        %parallel_loop3A_790 = arith.mulf %parallel_loop3A_785, %parallel_loop3A_787 : vector<16xf32>
        %parallel_loop3A_791 = arith.addf %parallel_loop3A_777, %parallel_loop3A_790 : vector<16xf32>
        %parallel_loop3A_792 = arith.mulf %parallel_loop3A_785, %parallel_loop3A_789 : vector<16xf32>
        %parallel_loop3A_793 = arith.addf %parallel_loop3A_779, %parallel_loop3A_792 : vector<16xf32>
        %parallel_loop3A_794 = arith.constant 1 : i32
        %parallel_loop3A_795 = arith.index_cast %parallel_loop3A_794 : i32 to index
        %parallel_loop3A_796 = arith.index_cast %parallel_loop3A_309 : i32 to index
        %parallel_loop3A_797 = arith.constant 32 : index
        %parallel_loop3A_798 = tpu.vector_load %arg7[%parallel_loop3A_795, %parallel_loop3A_796, %parallel_loop3A_797] {strides = array<i32>} : memref<2x32x64xi32, #tpu.memory_space<vmem>>, vector<16xi32>,
        %parallel_loop3A_799 = arith.constant 1 : i32
        %parallel_loop3A_800 = arith.index_cast %parallel_loop3A_799 : i32 to index
        %parallel_loop3A_801 = arith.index_cast %parallel_loop3A_309 : i32 to index
        %parallel_loop3A_802 = arith.constant 32 : index
        %parallel_loop3A_803 = tpu.vector_load %arg8[%parallel_loop3A_800, %parallel_loop3A_801, %parallel_loop3A_802] {strides = array<i32>} : memref<2x32x64xf32, #tpu.memory_space<vmem>>, vector<16xf32>,
        %parallel_loop3A_804 = vector.shape_cast %broadcast_in_dim3A_38 : vector<16xi32> to vector<16x1xi32>
        %parallel_loop3A_805 = vector.shape_cast %parallel_loop3A_804 : vector<16x1xi32> to vector<16xi32>
        %parallel_loop3A_806 = tpu.dynamic_gather %parallel_loop3A_798[%parallel_loop3A_805] in [0] : vector<16xi32>, vector<16xi32> -> vector<16xi32>
        %parallel_loop3A_807 = vector.shape_cast %broadcast_in_dim3A_38 : vector<16xi32> to vector<16x1xi32>
        %parallel_loop3A_808 = vector.shape_cast %parallel_loop3A_807 : vector<16x1xi32> to vector<16xi32>
        %parallel_loop3A_809 = tpu.dynamic_gather %parallel_loop3A_803[%parallel_loop3A_808] in [0] : vector<16xf32>, vector<16xi32> -> vector<16xf32>
        %parallel_loop3A_810 = arith.addi %parallel_loop3A_806, %iota3A : vector<16xi32>
        %parallel_loop3A_811 = tpu.vector_load_idx %arg6[%parallel_loop3A_810] : memref<98304xf32, #tpu.memory_space<vmem>>[vector<16xi32>], vector<16xf32>,
        %parallel_loop3A_812 = arith.addi %parallel_loop3A_806, %add3A_37 : vector<16xi32>
        %parallel_loop3A_813 = tpu.vector_load_idx %arg6[%parallel_loop3A_812] : memref<98304xf32, #tpu.memory_space<vmem>>[vector<16xi32>], vector<16xf32>,
        %parallel_loop3A_814 = arith.mulf %parallel_loop3A_809, %parallel_loop3A_811 : vector<16xf32>
        %parallel_loop3A_815 = arith.addf %parallel_loop3A_319, %parallel_loop3A_814 : vector<16xf32>
        %parallel_loop3A_816 = arith.mulf %parallel_loop3A_809, %parallel_loop3A_813 : vector<16xf32>
        %parallel_loop3A_817 = arith.addf %parallel_loop3A_321, %parallel_loop3A_816 : vector<16xf32>
        %parallel_loop3A_818 = vector.shape_cast %broadcast_in_dim3A_40 : vector<16xi32> to vector<16x1xi32>
        %parallel_loop3A_819 = vector.shape_cast %parallel_loop3A_818 : vector<16x1xi32> to vector<16xi32>
        %parallel_loop3A_820 = tpu.dynamic_gather %parallel_loop3A_798[%parallel_loop3A_819] in [0] : vector<16xi32>, vector<16xi32> -> vector<16xi32>
        %parallel_loop3A_821 = vector.shape_cast %broadcast_in_dim3A_40 : vector<16xi32> to vector<16x1xi32>
        %parallel_loop3A_822 = vector.shape_cast %parallel_loop3A_821 : vector<16x1xi32> to vector<16xi32>
        %parallel_loop3A_823 = tpu.dynamic_gather %parallel_loop3A_803[%parallel_loop3A_822] in [0] : vector<16xf32>, vector<16xi32> -> vector<16xf32>
        %parallel_loop3A_824 = arith.addi %parallel_loop3A_820, %iota3A : vector<16xi32>
        %parallel_loop3A_825 = tpu.vector_load_idx %arg6[%parallel_loop3A_824] : memref<98304xf32, #tpu.memory_space<vmem>>[vector<16xi32>], vector<16xf32>,
        %parallel_loop3A_826 = arith.addi %parallel_loop3A_820, %add3A_37 : vector<16xi32>
        %parallel_loop3A_827 = tpu.vector_load_idx %arg6[%parallel_loop3A_826] : memref<98304xf32, #tpu.memory_space<vmem>>[vector<16xi32>], vector<16xf32>,
        %parallel_loop3A_828 = arith.mulf %parallel_loop3A_823, %parallel_loop3A_825 : vector<16xf32>
        %parallel_loop3A_829 = arith.addf %parallel_loop3A_815, %parallel_loop3A_828 : vector<16xf32>
        %parallel_loop3A_830 = arith.mulf %parallel_loop3A_823, %parallel_loop3A_827 : vector<16xf32>
        %parallel_loop3A_831 = arith.addf %parallel_loop3A_817, %parallel_loop3A_830 : vector<16xf32>
        %parallel_loop3A_832 = vector.shape_cast %broadcast_in_dim3A_42 : vector<16xi32> to vector<16x1xi32>
        %parallel_loop3A_833 = vector.shape_cast %parallel_loop3A_832 : vector<16x1xi32> to vector<16xi32>
        %parallel_loop3A_834 = tpu.dynamic_gather %parallel_loop3A_798[%parallel_loop3A_833] in [0] : vector<16xi32>, vector<16xi32> -> vector<16xi32>
        %parallel_loop3A_835 = vector.shape_cast %broadcast_in_dim3A_42 : vector<16xi32> to vector<16x1xi32>
        %parallel_loop3A_836 = vector.shape_cast %parallel_loop3A_835 : vector<16x1xi32> to vector<16xi32>
        %parallel_loop3A_837 = tpu.dynamic_gather %parallel_loop3A_803[%parallel_loop3A_836] in [0] : vector<16xf32>, vector<16xi32> -> vector<16xf32>
        %parallel_loop3A_838 = arith.addi %parallel_loop3A_834, %iota3A : vector<16xi32>
        %parallel_loop3A_839 = tpu.vector_load_idx %arg6[%parallel_loop3A_838] : memref<98304xf32, #tpu.memory_space<vmem>>[vector<16xi32>], vector<16xf32>,
        %parallel_loop3A_840 = arith.addi %parallel_loop3A_834, %add3A_37 : vector<16xi32>
        %parallel_loop3A_841 = tpu.vector_load_idx %arg6[%parallel_loop3A_840] : memref<98304xf32, #tpu.memory_space<vmem>>[vector<16xi32>], vector<16xf32>,
        %parallel_loop3A_842 = arith.mulf %parallel_loop3A_837, %parallel_loop3A_839 : vector<16xf32>
        %parallel_loop3A_843 = arith.addf %parallel_loop3A_829, %parallel_loop3A_842 : vector<16xf32>
        %parallel_loop3A_844 = arith.mulf %parallel_loop3A_837, %parallel_loop3A_841 : vector<16xf32>
        %parallel_loop3A_845 = arith.addf %parallel_loop3A_831, %parallel_loop3A_844 : vector<16xf32>
        %parallel_loop3A_846 = vector.shape_cast %broadcast_in_dim3A_44 : vector<16xi32> to vector<16x1xi32>
        %parallel_loop3A_847 = vector.shape_cast %parallel_loop3A_846 : vector<16x1xi32> to vector<16xi32>
        %parallel_loop3A_848 = tpu.dynamic_gather %parallel_loop3A_798[%parallel_loop3A_847] in [0] : vector<16xi32>, vector<16xi32> -> vector<16xi32>
        %parallel_loop3A_849 = vector.shape_cast %broadcast_in_dim3A_44 : vector<16xi32> to vector<16x1xi32>
        %parallel_loop3A_850 = vector.shape_cast %parallel_loop3A_849 : vector<16x1xi32> to vector<16xi32>
        %parallel_loop3A_851 = tpu.dynamic_gather %parallel_loop3A_803[%parallel_loop3A_850] in [0] : vector<16xf32>, vector<16xi32> -> vector<16xf32>
        %parallel_loop3A_852 = arith.addi %parallel_loop3A_848, %iota3A : vector<16xi32>
        %parallel_loop3A_853 = tpu.vector_load_idx %arg6[%parallel_loop3A_852] : memref<98304xf32, #tpu.memory_space<vmem>>[vector<16xi32>], vector<16xf32>,
        %parallel_loop3A_854 = arith.addi %parallel_loop3A_848, %add3A_37 : vector<16xi32>
        %parallel_loop3A_855 = tpu.vector_load_idx %arg6[%parallel_loop3A_854] : memref<98304xf32, #tpu.memory_space<vmem>>[vector<16xi32>], vector<16xf32>,
        %parallel_loop3A_856 = arith.mulf %parallel_loop3A_851, %parallel_loop3A_853 : vector<16xf32>
        %parallel_loop3A_857 = arith.addf %parallel_loop3A_843, %parallel_loop3A_856 : vector<16xf32>
        %parallel_loop3A_858 = arith.mulf %parallel_loop3A_851, %parallel_loop3A_855 : vector<16xf32>
        %parallel_loop3A_859 = arith.addf %parallel_loop3A_845, %parallel_loop3A_858 : vector<16xf32>
        %parallel_loop3A_860 = vector.shape_cast %broadcast_in_dim3A_46 : vector<16xi32> to vector<16x1xi32>
        %parallel_loop3A_861 = vector.shape_cast %parallel_loop3A_860 : vector<16x1xi32> to vector<16xi32>
        %parallel_loop3A_862 = tpu.dynamic_gather %parallel_loop3A_798[%parallel_loop3A_861] in [0] : vector<16xi32>, vector<16xi32> -> vector<16xi32>
        %parallel_loop3A_863 = vector.shape_cast %broadcast_in_dim3A_46 : vector<16xi32> to vector<16x1xi32>
        %parallel_loop3A_864 = vector.shape_cast %parallel_loop3A_863 : vector<16x1xi32> to vector<16xi32>
        %parallel_loop3A_865 = tpu.dynamic_gather %parallel_loop3A_803[%parallel_loop3A_864] in [0] : vector<16xf32>, vector<16xi32> -> vector<16xf32>
        %parallel_loop3A_866 = arith.addi %parallel_loop3A_862, %iota3A : vector<16xi32>
        %parallel_loop3A_867 = tpu.vector_load_idx %arg6[%parallel_loop3A_866] : memref<98304xf32, #tpu.memory_space<vmem>>[vector<16xi32>], vector<16xf32>,
        %parallel_loop3A_868 = arith.addi %parallel_loop3A_862, %add3A_37 : vector<16xi32>
        %parallel_loop3A_869 = tpu.vector_load_idx %arg6[%parallel_loop3A_868] : memref<98304xf32, #tpu.memory_space<vmem>>[vector<16xi32>], vector<16xf32>,
        %parallel_loop3A_870 = arith.mulf %parallel_loop3A_865, %parallel_loop3A_867 : vector<16xf32>
        %parallel_loop3A_871 = arith.addf %parallel_loop3A_857, %parallel_loop3A_870 : vector<16xf32>
        %parallel_loop3A_872 = arith.mulf %parallel_loop3A_865, %parallel_loop3A_869 : vector<16xf32>
        %parallel_loop3A_873 = arith.addf %parallel_loop3A_859, %parallel_loop3A_872 : vector<16xf32>
        %parallel_loop3A_874 = vector.shape_cast %broadcast_in_dim3A_48 : vector<16xi32> to vector<16x1xi32>
        %parallel_loop3A_875 = vector.shape_cast %parallel_loop3A_874 : vector<16x1xi32> to vector<16xi32>
        %parallel_loop3A_876 = tpu.dynamic_gather %parallel_loop3A_798[%parallel_loop3A_875] in [0] : vector<16xi32>, vector<16xi32> -> vector<16xi32>
        %parallel_loop3A_877 = vector.shape_cast %broadcast_in_dim3A_48 : vector<16xi32> to vector<16x1xi32>
        %parallel_loop3A_878 = vector.shape_cast %parallel_loop3A_877 : vector<16x1xi32> to vector<16xi32>
        %parallel_loop3A_879 = tpu.dynamic_gather %parallel_loop3A_803[%parallel_loop3A_878] in [0] : vector<16xf32>, vector<16xi32> -> vector<16xf32>
        %parallel_loop3A_880 = arith.addi %parallel_loop3A_876, %iota3A : vector<16xi32>
        %parallel_loop3A_881 = tpu.vector_load_idx %arg6[%parallel_loop3A_880] : memref<98304xf32, #tpu.memory_space<vmem>>[vector<16xi32>], vector<16xf32>,
        %parallel_loop3A_882 = arith.addi %parallel_loop3A_876, %add3A_37 : vector<16xi32>
        %parallel_loop3A_883 = tpu.vector_load_idx %arg6[%parallel_loop3A_882] : memref<98304xf32, #tpu.memory_space<vmem>>[vector<16xi32>], vector<16xf32>,
        %parallel_loop3A_884 = arith.mulf %parallel_loop3A_879, %parallel_loop3A_881 : vector<16xf32>
        %parallel_loop3A_885 = arith.addf %parallel_loop3A_871, %parallel_loop3A_884 : vector<16xf32>
        %parallel_loop3A_886 = arith.mulf %parallel_loop3A_879, %parallel_loop3A_883 : vector<16xf32>
        %parallel_loop3A_887 = arith.addf %parallel_loop3A_873, %parallel_loop3A_886 : vector<16xf32>
        %parallel_loop3A_888 = vector.shape_cast %broadcast_in_dim3A_50 : vector<16xi32> to vector<16x1xi32>
        %parallel_loop3A_889 = vector.shape_cast %parallel_loop3A_888 : vector<16x1xi32> to vector<16xi32>
        %parallel_loop3A_890 = tpu.dynamic_gather %parallel_loop3A_798[%parallel_loop3A_889] in [0] : vector<16xi32>, vector<16xi32> -> vector<16xi32>
        %parallel_loop3A_891 = vector.shape_cast %broadcast_in_dim3A_50 : vector<16xi32> to vector<16x1xi32>
        %parallel_loop3A_892 = vector.shape_cast %parallel_loop3A_891 : vector<16x1xi32> to vector<16xi32>
        %parallel_loop3A_893 = tpu.dynamic_gather %parallel_loop3A_803[%parallel_loop3A_892] in [0] : vector<16xf32>, vector<16xi32> -> vector<16xf32>
        %parallel_loop3A_894 = arith.addi %parallel_loop3A_890, %iota3A : vector<16xi32>
        %parallel_loop3A_895 = tpu.vector_load_idx %arg6[%parallel_loop3A_894] : memref<98304xf32, #tpu.memory_space<vmem>>[vector<16xi32>], vector<16xf32>,
        %parallel_loop3A_896 = arith.addi %parallel_loop3A_890, %add3A_37 : vector<16xi32>
        %parallel_loop3A_897 = tpu.vector_load_idx %arg6[%parallel_loop3A_896] : memref<98304xf32, #tpu.memory_space<vmem>>[vector<16xi32>], vector<16xf32>,
        %parallel_loop3A_898 = arith.mulf %parallel_loop3A_893, %parallel_loop3A_895 : vector<16xf32>
        %parallel_loop3A_899 = arith.addf %parallel_loop3A_885, %parallel_loop3A_898 : vector<16xf32>
        %parallel_loop3A_900 = arith.mulf %parallel_loop3A_893, %parallel_loop3A_897 : vector<16xf32>
        %parallel_loop3A_901 = arith.addf %parallel_loop3A_887, %parallel_loop3A_900 : vector<16xf32>
        %parallel_loop3A_902 = vector.shape_cast %broadcast_in_dim3A_52 : vector<16xi32> to vector<16x1xi32>
        %parallel_loop3A_903 = vector.shape_cast %parallel_loop3A_902 : vector<16x1xi32> to vector<16xi32>
        %parallel_loop3A_904 = tpu.dynamic_gather %parallel_loop3A_798[%parallel_loop3A_903] in [0] : vector<16xi32>, vector<16xi32> -> vector<16xi32>
        %parallel_loop3A_905 = vector.shape_cast %broadcast_in_dim3A_52 : vector<16xi32> to vector<16x1xi32>
        %parallel_loop3A_906 = vector.shape_cast %parallel_loop3A_905 : vector<16x1xi32> to vector<16xi32>
        %parallel_loop3A_907 = tpu.dynamic_gather %parallel_loop3A_803[%parallel_loop3A_906] in [0] : vector<16xf32>, vector<16xi32> -> vector<16xf32>
        %parallel_loop3A_908 = arith.addi %parallel_loop3A_904, %iota3A : vector<16xi32>
        %parallel_loop3A_909 = tpu.vector_load_idx %arg6[%parallel_loop3A_908] : memref<98304xf32, #tpu.memory_space<vmem>>[vector<16xi32>], vector<16xf32>,
        %parallel_loop3A_910 = arith.addi %parallel_loop3A_904, %add3A_37 : vector<16xi32>
        %parallel_loop3A_911 = tpu.vector_load_idx %arg6[%parallel_loop3A_910] : memref<98304xf32, #tpu.memory_space<vmem>>[vector<16xi32>], vector<16xf32>,
        %parallel_loop3A_912 = arith.mulf %parallel_loop3A_907, %parallel_loop3A_909 : vector<16xf32>
        %parallel_loop3A_913 = arith.addf %parallel_loop3A_899, %parallel_loop3A_912 : vector<16xf32>
        %parallel_loop3A_914 = arith.mulf %parallel_loop3A_907, %parallel_loop3A_911 : vector<16xf32>
        %parallel_loop3A_915 = arith.addf %parallel_loop3A_901, %parallel_loop3A_914 : vector<16xf32>
        %parallel_loop3A_916 = vector.shape_cast %broadcast_in_dim3A_54 : vector<16xi32> to vector<16x1xi32>
        %parallel_loop3A_917 = vector.shape_cast %parallel_loop3A_916 : vector<16x1xi32> to vector<16xi32>
        %parallel_loop3A_918 = tpu.dynamic_gather %parallel_loop3A_798[%parallel_loop3A_917] in [0] : vector<16xi32>, vector<16xi32> -> vector<16xi32>
        %parallel_loop3A_919 = vector.shape_cast %broadcast_in_dim3A_54 : vector<16xi32> to vector<16x1xi32>
        %parallel_loop3A_920 = vector.shape_cast %parallel_loop3A_919 : vector<16x1xi32> to vector<16xi32>
        %parallel_loop3A_921 = tpu.dynamic_gather %parallel_loop3A_803[%parallel_loop3A_920] in [0] : vector<16xf32>, vector<16xi32> -> vector<16xf32>
        %parallel_loop3A_922 = arith.addi %parallel_loop3A_918, %iota3A : vector<16xi32>
        %parallel_loop3A_923 = tpu.vector_load_idx %arg6[%parallel_loop3A_922] : memref<98304xf32, #tpu.memory_space<vmem>>[vector<16xi32>], vector<16xf32>,
        %parallel_loop3A_924 = arith.addi %parallel_loop3A_918, %add3A_37 : vector<16xi32>
        %parallel_loop3A_925 = tpu.vector_load_idx %arg6[%parallel_loop3A_924] : memref<98304xf32, #tpu.memory_space<vmem>>[vector<16xi32>], vector<16xf32>,
        %parallel_loop3A_926 = arith.mulf %parallel_loop3A_921, %parallel_loop3A_923 : vector<16xf32>
        %parallel_loop3A_927 = arith.addf %parallel_loop3A_913, %parallel_loop3A_926 : vector<16xf32>
        %parallel_loop3A_928 = arith.mulf %parallel_loop3A_921, %parallel_loop3A_925 : vector<16xf32>
        %parallel_loop3A_929 = arith.addf %parallel_loop3A_915, %parallel_loop3A_928 : vector<16xf32>
        %parallel_loop3A_930 = vector.shape_cast %broadcast_in_dim3A_56 : vector<16xi32> to vector<16x1xi32>
        %parallel_loop3A_931 = vector.shape_cast %parallel_loop3A_930 : vector<16x1xi32> to vector<16xi32>
        %parallel_loop3A_932 = tpu.dynamic_gather %parallel_loop3A_798[%parallel_loop3A_931] in [0] : vector<16xi32>, vector<16xi32> -> vector<16xi32>
        %parallel_loop3A_933 = vector.shape_cast %broadcast_in_dim3A_56 : vector<16xi32> to vector<16x1xi32>
        %parallel_loop3A_934 = vector.shape_cast %parallel_loop3A_933 : vector<16x1xi32> to vector<16xi32>
        %parallel_loop3A_935 = tpu.dynamic_gather %parallel_loop3A_803[%parallel_loop3A_934] in [0] : vector<16xf32>, vector<16xi32> -> vector<16xf32>
        %parallel_loop3A_936 = arith.addi %parallel_loop3A_932, %iota3A : vector<16xi32>
        %parallel_loop3A_937 = tpu.vector_load_idx %arg6[%parallel_loop3A_936] : memref<98304xf32, #tpu.memory_space<vmem>>[vector<16xi32>], vector<16xf32>,
        %parallel_loop3A_938 = arith.addi %parallel_loop3A_932, %add3A_37 : vector<16xi32>
        %parallel_loop3A_939 = tpu.vector_load_idx %arg6[%parallel_loop3A_938] : memref<98304xf32, #tpu.memory_space<vmem>>[vector<16xi32>], vector<16xf32>,
        %parallel_loop3A_940 = arith.mulf %parallel_loop3A_935, %parallel_loop3A_937 : vector<16xf32>
        %parallel_loop3A_941 = arith.addf %parallel_loop3A_927, %parallel_loop3A_940 : vector<16xf32>
        %parallel_loop3A_942 = arith.mulf %parallel_loop3A_935, %parallel_loop3A_939 : vector<16xf32>
        %parallel_loop3A_943 = arith.addf %parallel_loop3A_929, %parallel_loop3A_942 : vector<16xf32>
        %parallel_loop3A_944 = vector.shape_cast %broadcast_in_dim3A_58 : vector<16xi32> to vector<16x1xi32>
        %parallel_loop3A_945 = vector.shape_cast %parallel_loop3A_944 : vector<16x1xi32> to vector<16xi32>
        %parallel_loop3A_946 = tpu.dynamic_gather %parallel_loop3A_798[%parallel_loop3A_945] in [0] : vector<16xi32>, vector<16xi32> -> vector<16xi32>
        %parallel_loop3A_947 = vector.shape_cast %broadcast_in_dim3A_58 : vector<16xi32> to vector<16x1xi32>
        %parallel_loop3A_948 = vector.shape_cast %parallel_loop3A_947 : vector<16x1xi32> to vector<16xi32>
        %parallel_loop3A_949 = tpu.dynamic_gather %parallel_loop3A_803[%parallel_loop3A_948] in [0] : vector<16xf32>, vector<16xi32> -> vector<16xf32>
        %parallel_loop3A_950 = arith.addi %parallel_loop3A_946, %iota3A : vector<16xi32>
        %parallel_loop3A_951 = tpu.vector_load_idx %arg6[%parallel_loop3A_950] : memref<98304xf32, #tpu.memory_space<vmem>>[vector<16xi32>], vector<16xf32>,
        %parallel_loop3A_952 = arith.addi %parallel_loop3A_946, %add3A_37 : vector<16xi32>
        %parallel_loop3A_953 = tpu.vector_load_idx %arg6[%parallel_loop3A_952] : memref<98304xf32, #tpu.memory_space<vmem>>[vector<16xi32>], vector<16xf32>,
        %parallel_loop3A_954 = arith.mulf %parallel_loop3A_949, %parallel_loop3A_951 : vector<16xf32>
        %parallel_loop3A_955 = arith.addf %parallel_loop3A_941, %parallel_loop3A_954 : vector<16xf32>
        %parallel_loop3A_956 = arith.mulf %parallel_loop3A_949, %parallel_loop3A_953 : vector<16xf32>
        %parallel_loop3A_957 = arith.addf %parallel_loop3A_943, %parallel_loop3A_956 : vector<16xf32>
        %parallel_loop3A_958 = vector.shape_cast %broadcast_in_dim3A_60 : vector<16xi32> to vector<16x1xi32>
        %parallel_loop3A_959 = vector.shape_cast %parallel_loop3A_958 : vector<16x1xi32> to vector<16xi32>
        %parallel_loop3A_960 = tpu.dynamic_gather %parallel_loop3A_798[%parallel_loop3A_959] in [0] : vector<16xi32>, vector<16xi32> -> vector<16xi32>
        %parallel_loop3A_961 = vector.shape_cast %broadcast_in_dim3A_60 : vector<16xi32> to vector<16x1xi32>
        %parallel_loop3A_962 = vector.shape_cast %parallel_loop3A_961 : vector<16x1xi32> to vector<16xi32>
        %parallel_loop3A_963 = tpu.dynamic_gather %parallel_loop3A_803[%parallel_loop3A_962] in [0] : vector<16xf32>, vector<16xi32> -> vector<16xf32>
        %parallel_loop3A_964 = arith.addi %parallel_loop3A_960, %iota3A : vector<16xi32>
        %parallel_loop3A_965 = tpu.vector_load_idx %arg6[%parallel_loop3A_964] : memref<98304xf32, #tpu.memory_space<vmem>>[vector<16xi32>], vector<16xf32>,
        %parallel_loop3A_966 = arith.addi %parallel_loop3A_960, %add3A_37 : vector<16xi32>
        %parallel_loop3A_967 = tpu.vector_load_idx %arg6[%parallel_loop3A_966] : memref<98304xf32, #tpu.memory_space<vmem>>[vector<16xi32>], vector<16xf32>,
        %parallel_loop3A_968 = arith.mulf %parallel_loop3A_963, %parallel_loop3A_965 : vector<16xf32>
        %parallel_loop3A_969 = arith.addf %parallel_loop3A_955, %parallel_loop3A_968 : vector<16xf32>
        %parallel_loop3A_970 = arith.mulf %parallel_loop3A_963, %parallel_loop3A_967 : vector<16xf32>
        %parallel_loop3A_971 = arith.addf %parallel_loop3A_957, %parallel_loop3A_970 : vector<16xf32>
        %parallel_loop3A_972 = vector.shape_cast %broadcast_in_dim3A_62 : vector<16xi32> to vector<16x1xi32>
        %parallel_loop3A_973 = vector.shape_cast %parallel_loop3A_972 : vector<16x1xi32> to vector<16xi32>
        %parallel_loop3A_974 = tpu.dynamic_gather %parallel_loop3A_798[%parallel_loop3A_973] in [0] : vector<16xi32>, vector<16xi32> -> vector<16xi32>
        %parallel_loop3A_975 = vector.shape_cast %broadcast_in_dim3A_62 : vector<16xi32> to vector<16x1xi32>
        %parallel_loop3A_976 = vector.shape_cast %parallel_loop3A_975 : vector<16x1xi32> to vector<16xi32>
        %parallel_loop3A_977 = tpu.dynamic_gather %parallel_loop3A_803[%parallel_loop3A_976] in [0] : vector<16xf32>, vector<16xi32> -> vector<16xf32>
        %parallel_loop3A_978 = arith.addi %parallel_loop3A_974, %iota3A : vector<16xi32>
        %parallel_loop3A_979 = tpu.vector_load_idx %arg6[%parallel_loop3A_978] : memref<98304xf32, #tpu.memory_space<vmem>>[vector<16xi32>], vector<16xf32>,
        %parallel_loop3A_980 = arith.addi %parallel_loop3A_974, %add3A_37 : vector<16xi32>
        %parallel_loop3A_981 = tpu.vector_load_idx %arg6[%parallel_loop3A_980] : memref<98304xf32, #tpu.memory_space<vmem>>[vector<16xi32>], vector<16xf32>,
        %parallel_loop3A_982 = arith.mulf %parallel_loop3A_977, %parallel_loop3A_979 : vector<16xf32>
        %parallel_loop3A_983 = arith.addf %parallel_loop3A_969, %parallel_loop3A_982 : vector<16xf32>
        %parallel_loop3A_984 = arith.mulf %parallel_loop3A_977, %parallel_loop3A_981 : vector<16xf32>
        %parallel_loop3A_985 = arith.addf %parallel_loop3A_971, %parallel_loop3A_984 : vector<16xf32>
        %parallel_loop3A_986 = vector.shape_cast %broadcast_in_dim3A_64 : vector<16xi32> to vector<16x1xi32>
        %parallel_loop3A_987 = vector.shape_cast %parallel_loop3A_986 : vector<16x1xi32> to vector<16xi32>
        %parallel_loop3A_988 = tpu.dynamic_gather %parallel_loop3A_798[%parallel_loop3A_987] in [0] : vector<16xi32>, vector<16xi32> -> vector<16xi32>
        %parallel_loop3A_989 = vector.shape_cast %broadcast_in_dim3A_64 : vector<16xi32> to vector<16x1xi32>
        %parallel_loop3A_990 = vector.shape_cast %parallel_loop3A_989 : vector<16x1xi32> to vector<16xi32>
        %parallel_loop3A_991 = tpu.dynamic_gather %parallel_loop3A_803[%parallel_loop3A_990] in [0] : vector<16xf32>, vector<16xi32> -> vector<16xf32>
        %parallel_loop3A_992 = arith.addi %parallel_loop3A_988, %iota3A : vector<16xi32>
        %parallel_loop3A_993 = tpu.vector_load_idx %arg6[%parallel_loop3A_992] : memref<98304xf32, #tpu.memory_space<vmem>>[vector<16xi32>], vector<16xf32>,
        %parallel_loop3A_994 = arith.addi %parallel_loop3A_988, %add3A_37 : vector<16xi32>
        %parallel_loop3A_995 = tpu.vector_load_idx %arg6[%parallel_loop3A_994] : memref<98304xf32, #tpu.memory_space<vmem>>[vector<16xi32>], vector<16xf32>,
        %parallel_loop3A_996 = arith.mulf %parallel_loop3A_991, %parallel_loop3A_993 : vector<16xf32>
        %parallel_loop3A_997 = arith.addf %parallel_loop3A_983, %parallel_loop3A_996 : vector<16xf32>
        %parallel_loop3A_998 = arith.mulf %parallel_loop3A_991, %parallel_loop3A_995 : vector<16xf32>
        %parallel_loop3A_999 = arith.addf %parallel_loop3A_985, %parallel_loop3A_998 : vector<16xf32>
        %parallel_loop3A_1000 = vector.shape_cast %broadcast_in_dim3A_66 : vector<16xi32> to vector<16x1xi32>
        %parallel_loop3A_1001 = vector.shape_cast %parallel_loop3A_1000 : vector<16x1xi32> to vector<16xi32>
        %parallel_loop3A_1002 = tpu.dynamic_gather %parallel_loop3A_798[%parallel_loop3A_1001] in [0] : vector<16xi32>, vector<16xi32> -> vector<16xi32>
        %parallel_loop3A_1003 = vector.shape_cast %broadcast_in_dim3A_66 : vector<16xi32> to vector<16x1xi32>
        %parallel_loop3A_1004 = vector.shape_cast %parallel_loop3A_1003 : vector<16x1xi32> to vector<16xi32>
        %parallel_loop3A_1005 = tpu.dynamic_gather %parallel_loop3A_803[%parallel_loop3A_1004] in [0] : vector<16xf32>, vector<16xi32> -> vector<16xf32>
        %parallel_loop3A_1006 = arith.addi %parallel_loop3A_1002, %iota3A : vector<16xi32>
        %parallel_loop3A_1007 = tpu.vector_load_idx %arg6[%parallel_loop3A_1006] : memref<98304xf32, #tpu.memory_space<vmem>>[vector<16xi32>], vector<16xf32>,
        %parallel_loop3A_1008 = arith.addi %parallel_loop3A_1002, %add3A_37 : vector<16xi32>
        %parallel_loop3A_1009 = tpu.vector_load_idx %arg6[%parallel_loop3A_1008] : memref<98304xf32, #tpu.memory_space<vmem>>[vector<16xi32>], vector<16xf32>,
        %parallel_loop3A_1010 = arith.mulf %parallel_loop3A_1005, %parallel_loop3A_1007 : vector<16xf32>
        %parallel_loop3A_1011 = arith.addf %parallel_loop3A_997, %parallel_loop3A_1010 : vector<16xf32>
        %parallel_loop3A_1012 = arith.mulf %parallel_loop3A_1005, %parallel_loop3A_1009 : vector<16xf32>
        %parallel_loop3A_1013 = arith.addf %parallel_loop3A_999, %parallel_loop3A_1012 : vector<16xf32>
        %parallel_loop3A_1014 = vector.shape_cast %broadcast_in_dim3A_68 : vector<16xi32> to vector<16x1xi32>
        %parallel_loop3A_1015 = vector.shape_cast %parallel_loop3A_1014 : vector<16x1xi32> to vector<16xi32>
        %parallel_loop3A_1016 = tpu.dynamic_gather %parallel_loop3A_798[%parallel_loop3A_1015] in [0] : vector<16xi32>, vector<16xi32> -> vector<16xi32>
        %parallel_loop3A_1017 = vector.shape_cast %broadcast_in_dim3A_68 : vector<16xi32> to vector<16x1xi32>
        %parallel_loop3A_1018 = vector.shape_cast %parallel_loop3A_1017 : vector<16x1xi32> to vector<16xi32>
        %parallel_loop3A_1019 = tpu.dynamic_gather %parallel_loop3A_803[%parallel_loop3A_1018] in [0] : vector<16xf32>, vector<16xi32> -> vector<16xf32>
        %parallel_loop3A_1020 = arith.addi %parallel_loop3A_1016, %iota3A : vector<16xi32>
        %parallel_loop3A_1021 = tpu.vector_load_idx %arg6[%parallel_loop3A_1020] : memref<98304xf32, #tpu.memory_space<vmem>>[vector<16xi32>], vector<16xf32>,
        %parallel_loop3A_1022 = arith.addi %parallel_loop3A_1016, %add3A_37 : vector<16xi32>
        %parallel_loop3A_1023 = tpu.vector_load_idx %arg6[%parallel_loop3A_1022] : memref<98304xf32, #tpu.memory_space<vmem>>[vector<16xi32>], vector<16xf32>,
        %parallel_loop3A_1024 = arith.mulf %parallel_loop3A_1019, %parallel_loop3A_1021 : vector<16xf32>
        %parallel_loop3A_1025 = arith.addf %parallel_loop3A_1011, %parallel_loop3A_1024 : vector<16xf32>
        %parallel_loop3A_1026 = arith.mulf %parallel_loop3A_1019, %parallel_loop3A_1023 : vector<16xf32>
        %parallel_loop3A_1027 = arith.addf %parallel_loop3A_1013, %parallel_loop3A_1026 : vector<16xf32>
        %parallel_loop3A_1028 = arith.constant 1 : i32
        %parallel_loop3A_1029 = arith.index_cast %parallel_loop3A_1028 : i32 to index
        %parallel_loop3A_1030 = arith.index_cast %parallel_loop3A_309 : i32 to index
        %parallel_loop3A_1031 = arith.constant 48 : index
        %parallel_loop3A_1032 = tpu.vector_load %arg7[%parallel_loop3A_1029, %parallel_loop3A_1030, %parallel_loop3A_1031] {strides = array<i32>} : memref<2x32x64xi32, #tpu.memory_space<vmem>>, vector<16xi32>,
        %parallel_loop3A_1033 = arith.constant 1 : i32
        %parallel_loop3A_1034 = arith.index_cast %parallel_loop3A_1033 : i32 to index
        %parallel_loop3A_1035 = arith.index_cast %parallel_loop3A_309 : i32 to index
        %parallel_loop3A_1036 = arith.constant 48 : index
        %parallel_loop3A_1037 = tpu.vector_load %arg8[%parallel_loop3A_1034, %parallel_loop3A_1035, %parallel_loop3A_1036] {strides = array<i32>} : memref<2x32x64xf32, #tpu.memory_space<vmem>>, vector<16xf32>,
        %parallel_loop3A_1038 = vector.shape_cast %broadcast_in_dim3A_38 : vector<16xi32> to vector<16x1xi32>
        %parallel_loop3A_1039 = vector.shape_cast %parallel_loop3A_1038 : vector<16x1xi32> to vector<16xi32>
        %parallel_loop3A_1040 = tpu.dynamic_gather %parallel_loop3A_1032[%parallel_loop3A_1039] in [0] : vector<16xi32>, vector<16xi32> -> vector<16xi32>
        %parallel_loop3A_1041 = vector.shape_cast %broadcast_in_dim3A_38 : vector<16xi32> to vector<16x1xi32>
        %parallel_loop3A_1042 = vector.shape_cast %parallel_loop3A_1041 : vector<16x1xi32> to vector<16xi32>
        %parallel_loop3A_1043 = tpu.dynamic_gather %parallel_loop3A_1037[%parallel_loop3A_1042] in [0] : vector<16xf32>, vector<16xi32> -> vector<16xf32>
        %parallel_loop3A_1044 = arith.addi %parallel_loop3A_1040, %iota3A : vector<16xi32>
        %parallel_loop3A_1045 = tpu.vector_load_idx %arg6[%parallel_loop3A_1044] : memref<98304xf32, #tpu.memory_space<vmem>>[vector<16xi32>], vector<16xf32>,
        %parallel_loop3A_1046 = arith.addi %parallel_loop3A_1040, %add3A_37 : vector<16xi32>
        %parallel_loop3A_1047 = tpu.vector_load_idx %arg6[%parallel_loop3A_1046] : memref<98304xf32, #tpu.memory_space<vmem>>[vector<16xi32>], vector<16xf32>,
        %parallel_loop3A_1048 = arith.mulf %parallel_loop3A_1043, %parallel_loop3A_1045 : vector<16xf32>
        %parallel_loop3A_1049 = arith.addf %parallel_loop3A_323, %parallel_loop3A_1048 : vector<16xf32>
        %parallel_loop3A_1050 = arith.mulf %parallel_loop3A_1043, %parallel_loop3A_1047 : vector<16xf32>
        %parallel_loop3A_1051 = arith.addf %parallel_loop3A_325, %parallel_loop3A_1050 : vector<16xf32>
        %parallel_loop3A_1052 = vector.shape_cast %broadcast_in_dim3A_40 : vector<16xi32> to vector<16x1xi32>
        %parallel_loop3A_1053 = vector.shape_cast %parallel_loop3A_1052 : vector<16x1xi32> to vector<16xi32>
        %parallel_loop3A_1054 = tpu.dynamic_gather %parallel_loop3A_1032[%parallel_loop3A_1053] in [0] : vector<16xi32>, vector<16xi32> -> vector<16xi32>
        %parallel_loop3A_1055 = vector.shape_cast %broadcast_in_dim3A_40 : vector<16xi32> to vector<16x1xi32>
        %parallel_loop3A_1056 = vector.shape_cast %parallel_loop3A_1055 : vector<16x1xi32> to vector<16xi32>
        %parallel_loop3A_1057 = tpu.dynamic_gather %parallel_loop3A_1037[%parallel_loop3A_1056] in [0] : vector<16xf32>, vector<16xi32> -> vector<16xf32>
        %parallel_loop3A_1058 = arith.addi %parallel_loop3A_1054, %iota3A : vector<16xi32>
        %parallel_loop3A_1059 = tpu.vector_load_idx %arg6[%parallel_loop3A_1058] : memref<98304xf32, #tpu.memory_space<vmem>>[vector<16xi32>], vector<16xf32>,
        %parallel_loop3A_1060 = arith.addi %parallel_loop3A_1054, %add3A_37 : vector<16xi32>
        %parallel_loop3A_1061 = tpu.vector_load_idx %arg6[%parallel_loop3A_1060] : memref<98304xf32, #tpu.memory_space<vmem>>[vector<16xi32>], vector<16xf32>,
        %parallel_loop3A_1062 = arith.mulf %parallel_loop3A_1057, %parallel_loop3A_1059 : vector<16xf32>
        %parallel_loop3A_1063 = arith.addf %parallel_loop3A_1049, %parallel_loop3A_1062 : vector<16xf32>
        %parallel_loop3A_1064 = arith.mulf %parallel_loop3A_1057, %parallel_loop3A_1061 : vector<16xf32>
        %parallel_loop3A_1065 = arith.addf %parallel_loop3A_1051, %parallel_loop3A_1064 : vector<16xf32>
        %parallel_loop3A_1066 = vector.shape_cast %broadcast_in_dim3A_42 : vector<16xi32> to vector<16x1xi32>
        %parallel_loop3A_1067 = vector.shape_cast %parallel_loop3A_1066 : vector<16x1xi32> to vector<16xi32>
        %parallel_loop3A_1068 = tpu.dynamic_gather %parallel_loop3A_1032[%parallel_loop3A_1067] in [0] : vector<16xi32>, vector<16xi32> -> vector<16xi32>
        %parallel_loop3A_1069 = vector.shape_cast %broadcast_in_dim3A_42 : vector<16xi32> to vector<16x1xi32>
        %parallel_loop3A_1070 = vector.shape_cast %parallel_loop3A_1069 : vector<16x1xi32> to vector<16xi32>
        %parallel_loop3A_1071 = tpu.dynamic_gather %parallel_loop3A_1037[%parallel_loop3A_1070] in [0] : vector<16xf32>, vector<16xi32> -> vector<16xf32>
        %parallel_loop3A_1072 = arith.addi %parallel_loop3A_1068, %iota3A : vector<16xi32>
        %parallel_loop3A_1073 = tpu.vector_load_idx %arg6[%parallel_loop3A_1072] : memref<98304xf32, #tpu.memory_space<vmem>>[vector<16xi32>], vector<16xf32>,
        %parallel_loop3A_1074 = arith.addi %parallel_loop3A_1068, %add3A_37 : vector<16xi32>
        %parallel_loop3A_1075 = tpu.vector_load_idx %arg6[%parallel_loop3A_1074] : memref<98304xf32, #tpu.memory_space<vmem>>[vector<16xi32>], vector<16xf32>,
        %parallel_loop3A_1076 = arith.mulf %parallel_loop3A_1071, %parallel_loop3A_1073 : vector<16xf32>
        %parallel_loop3A_1077 = arith.addf %parallel_loop3A_1063, %parallel_loop3A_1076 : vector<16xf32>
        %parallel_loop3A_1078 = arith.mulf %parallel_loop3A_1071, %parallel_loop3A_1075 : vector<16xf32>
        %parallel_loop3A_1079 = arith.addf %parallel_loop3A_1065, %parallel_loop3A_1078 : vector<16xf32>
        %parallel_loop3A_1080 = vector.shape_cast %broadcast_in_dim3A_44 : vector<16xi32> to vector<16x1xi32>
        %parallel_loop3A_1081 = vector.shape_cast %parallel_loop3A_1080 : vector<16x1xi32> to vector<16xi32>
        %parallel_loop3A_1082 = tpu.dynamic_gather %parallel_loop3A_1032[%parallel_loop3A_1081] in [0] : vector<16xi32>, vector<16xi32> -> vector<16xi32>
        %parallel_loop3A_1083 = vector.shape_cast %broadcast_in_dim3A_44 : vector<16xi32> to vector<16x1xi32>
        %parallel_loop3A_1084 = vector.shape_cast %parallel_loop3A_1083 : vector<16x1xi32> to vector<16xi32>
        %parallel_loop3A_1085 = tpu.dynamic_gather %parallel_loop3A_1037[%parallel_loop3A_1084] in [0] : vector<16xf32>, vector<16xi32> -> vector<16xf32>
        %parallel_loop3A_1086 = arith.addi %parallel_loop3A_1082, %iota3A : vector<16xi32>
        %parallel_loop3A_1087 = tpu.vector_load_idx %arg6[%parallel_loop3A_1086] : memref<98304xf32, #tpu.memory_space<vmem>>[vector<16xi32>], vector<16xf32>,
        %parallel_loop3A_1088 = arith.addi %parallel_loop3A_1082, %add3A_37 : vector<16xi32>
        %parallel_loop3A_1089 = tpu.vector_load_idx %arg6[%parallel_loop3A_1088] : memref<98304xf32, #tpu.memory_space<vmem>>[vector<16xi32>], vector<16xf32>,
        %parallel_loop3A_1090 = arith.mulf %parallel_loop3A_1085, %parallel_loop3A_1087 : vector<16xf32>
        %parallel_loop3A_1091 = arith.addf %parallel_loop3A_1077, %parallel_loop3A_1090 : vector<16xf32>
        %parallel_loop3A_1092 = arith.mulf %parallel_loop3A_1085, %parallel_loop3A_1089 : vector<16xf32>
        %parallel_loop3A_1093 = arith.addf %parallel_loop3A_1079, %parallel_loop3A_1092 : vector<16xf32>
        %parallel_loop3A_1094 = vector.shape_cast %broadcast_in_dim3A_46 : vector<16xi32> to vector<16x1xi32>
        %parallel_loop3A_1095 = vector.shape_cast %parallel_loop3A_1094 : vector<16x1xi32> to vector<16xi32>
        %parallel_loop3A_1096 = tpu.dynamic_gather %parallel_loop3A_1032[%parallel_loop3A_1095] in [0] : vector<16xi32>, vector<16xi32> -> vector<16xi32>
        %parallel_loop3A_1097 = vector.shape_cast %broadcast_in_dim3A_46 : vector<16xi32> to vector<16x1xi32>
        %parallel_loop3A_1098 = vector.shape_cast %parallel_loop3A_1097 : vector<16x1xi32> to vector<16xi32>
        %parallel_loop3A_1099 = tpu.dynamic_gather %parallel_loop3A_1037[%parallel_loop3A_1098] in [0] : vector<16xf32>, vector<16xi32> -> vector<16xf32>
        %parallel_loop3A_1100 = arith.addi %parallel_loop3A_1096, %iota3A : vector<16xi32>
        %parallel_loop3A_1101 = tpu.vector_load_idx %arg6[%parallel_loop3A_1100] : memref<98304xf32, #tpu.memory_space<vmem>>[vector<16xi32>], vector<16xf32>,
        %parallel_loop3A_1102 = arith.addi %parallel_loop3A_1096, %add3A_37 : vector<16xi32>
        %parallel_loop3A_1103 = tpu.vector_load_idx %arg6[%parallel_loop3A_1102] : memref<98304xf32, #tpu.memory_space<vmem>>[vector<16xi32>], vector<16xf32>,
        %parallel_loop3A_1104 = arith.mulf %parallel_loop3A_1099, %parallel_loop3A_1101 : vector<16xf32>
        %parallel_loop3A_1105 = arith.addf %parallel_loop3A_1091, %parallel_loop3A_1104 : vector<16xf32>
        %parallel_loop3A_1106 = arith.mulf %parallel_loop3A_1099, %parallel_loop3A_1103 : vector<16xf32>
        %parallel_loop3A_1107 = arith.addf %parallel_loop3A_1093, %parallel_loop3A_1106 : vector<16xf32>
        %parallel_loop3A_1108 = vector.shape_cast %broadcast_in_dim3A_48 : vector<16xi32> to vector<16x1xi32>
        %parallel_loop3A_1109 = vector.shape_cast %parallel_loop3A_1108 : vector<16x1xi32> to vector<16xi32>
        %parallel_loop3A_1110 = tpu.dynamic_gather %parallel_loop3A_1032[%parallel_loop3A_1109] in [0] : vector<16xi32>, vector<16xi32> -> vector<16xi32>
        %parallel_loop3A_1111 = vector.shape_cast %broadcast_in_dim3A_48 : vector<16xi32> to vector<16x1xi32>
        %parallel_loop3A_1112 = vector.shape_cast %parallel_loop3A_1111 : vector<16x1xi32> to vector<16xi32>
        %parallel_loop3A_1113 = tpu.dynamic_gather %parallel_loop3A_1037[%parallel_loop3A_1112] in [0] : vector<16xf32>, vector<16xi32> -> vector<16xf32>
        %parallel_loop3A_1114 = arith.addi %parallel_loop3A_1110, %iota3A : vector<16xi32>
        %parallel_loop3A_1115 = tpu.vector_load_idx %arg6[%parallel_loop3A_1114] : memref<98304xf32, #tpu.memory_space<vmem>>[vector<16xi32>], vector<16xf32>,
        %parallel_loop3A_1116 = arith.addi %parallel_loop3A_1110, %add3A_37 : vector<16xi32>
        %parallel_loop3A_1117 = tpu.vector_load_idx %arg6[%parallel_loop3A_1116] : memref<98304xf32, #tpu.memory_space<vmem>>[vector<16xi32>], vector<16xf32>,
        %parallel_loop3A_1118 = arith.mulf %parallel_loop3A_1113, %parallel_loop3A_1115 : vector<16xf32>
        %parallel_loop3A_1119 = arith.addf %parallel_loop3A_1105, %parallel_loop3A_1118 : vector<16xf32>
        %parallel_loop3A_1120 = arith.mulf %parallel_loop3A_1113, %parallel_loop3A_1117 : vector<16xf32>
        %parallel_loop3A_1121 = arith.addf %parallel_loop3A_1107, %parallel_loop3A_1120 : vector<16xf32>
        %parallel_loop3A_1122 = vector.shape_cast %broadcast_in_dim3A_50 : vector<16xi32> to vector<16x1xi32>
        %parallel_loop3A_1123 = vector.shape_cast %parallel_loop3A_1122 : vector<16x1xi32> to vector<16xi32>
        %parallel_loop3A_1124 = tpu.dynamic_gather %parallel_loop3A_1032[%parallel_loop3A_1123] in [0] : vector<16xi32>, vector<16xi32> -> vector<16xi32>
        %parallel_loop3A_1125 = vector.shape_cast %broadcast_in_dim3A_50 : vector<16xi32> to vector<16x1xi32>
        %parallel_loop3A_1126 = vector.shape_cast %parallel_loop3A_1125 : vector<16x1xi32> to vector<16xi32>
        %parallel_loop3A_1127 = tpu.dynamic_gather %parallel_loop3A_1037[%parallel_loop3A_1126] in [0] : vector<16xf32>, vector<16xi32> -> vector<16xf32>
        %parallel_loop3A_1128 = arith.addi %parallel_loop3A_1124, %iota3A : vector<16xi32>
        %parallel_loop3A_1129 = tpu.vector_load_idx %arg6[%parallel_loop3A_1128] : memref<98304xf32, #tpu.memory_space<vmem>>[vector<16xi32>], vector<16xf32>,
        %parallel_loop3A_1130 = arith.addi %parallel_loop3A_1124, %add3A_37 : vector<16xi32>
        %parallel_loop3A_1131 = tpu.vector_load_idx %arg6[%parallel_loop3A_1130] : memref<98304xf32, #tpu.memory_space<vmem>>[vector<16xi32>], vector<16xf32>,
        %parallel_loop3A_1132 = arith.mulf %parallel_loop3A_1127, %parallel_loop3A_1129 : vector<16xf32>
        %parallel_loop3A_1133 = arith.addf %parallel_loop3A_1119, %parallel_loop3A_1132 : vector<16xf32>
        %parallel_loop3A_1134 = arith.mulf %parallel_loop3A_1127, %parallel_loop3A_1131 : vector<16xf32>
        %parallel_loop3A_1135 = arith.addf %parallel_loop3A_1121, %parallel_loop3A_1134 : vector<16xf32>
        %parallel_loop3A_1136 = vector.shape_cast %broadcast_in_dim3A_52 : vector<16xi32> to vector<16x1xi32>
        %parallel_loop3A_1137 = vector.shape_cast %parallel_loop3A_1136 : vector<16x1xi32> to vector<16xi32>
        %parallel_loop3A_1138 = tpu.dynamic_gather %parallel_loop3A_1032[%parallel_loop3A_1137] in [0] : vector<16xi32>, vector<16xi32> -> vector<16xi32>
        %parallel_loop3A_1139 = vector.shape_cast %broadcast_in_dim3A_52 : vector<16xi32> to vector<16x1xi32>
        %parallel_loop3A_1140 = vector.shape_cast %parallel_loop3A_1139 : vector<16x1xi32> to vector<16xi32>
        %parallel_loop3A_1141 = tpu.dynamic_gather %parallel_loop3A_1037[%parallel_loop3A_1140] in [0] : vector<16xf32>, vector<16xi32> -> vector<16xf32>
        %parallel_loop3A_1142 = arith.addi %parallel_loop3A_1138, %iota3A : vector<16xi32>
        %parallel_loop3A_1143 = tpu.vector_load_idx %arg6[%parallel_loop3A_1142] : memref<98304xf32, #tpu.memory_space<vmem>>[vector<16xi32>], vector<16xf32>,
        %parallel_loop3A_1144 = arith.addi %parallel_loop3A_1138, %add3A_37 : vector<16xi32>
        %parallel_loop3A_1145 = tpu.vector_load_idx %arg6[%parallel_loop3A_1144] : memref<98304xf32, #tpu.memory_space<vmem>>[vector<16xi32>], vector<16xf32>,
        %parallel_loop3A_1146 = arith.mulf %parallel_loop3A_1141, %parallel_loop3A_1143 : vector<16xf32>
        %parallel_loop3A_1147 = arith.addf %parallel_loop3A_1133, %parallel_loop3A_1146 : vector<16xf32>
        %parallel_loop3A_1148 = arith.mulf %parallel_loop3A_1141, %parallel_loop3A_1145 : vector<16xf32>
        %parallel_loop3A_1149 = arith.addf %parallel_loop3A_1135, %parallel_loop3A_1148 : vector<16xf32>
        %parallel_loop3A_1150 = vector.shape_cast %broadcast_in_dim3A_54 : vector<16xi32> to vector<16x1xi32>
        %parallel_loop3A_1151 = vector.shape_cast %parallel_loop3A_1150 : vector<16x1xi32> to vector<16xi32>
        %parallel_loop3A_1152 = tpu.dynamic_gather %parallel_loop3A_1032[%parallel_loop3A_1151] in [0] : vector<16xi32>, vector<16xi32> -> vector<16xi32>
        %parallel_loop3A_1153 = vector.shape_cast %broadcast_in_dim3A_54 : vector<16xi32> to vector<16x1xi32>
        %parallel_loop3A_1154 = vector.shape_cast %parallel_loop3A_1153 : vector<16x1xi32> to vector<16xi32>
        %parallel_loop3A_1155 = tpu.dynamic_gather %parallel_loop3A_1037[%parallel_loop3A_1154] in [0] : vector<16xf32>, vector<16xi32> -> vector<16xf32>
        %parallel_loop3A_1156 = arith.addi %parallel_loop3A_1152, %iota3A : vector<16xi32>
        %parallel_loop3A_1157 = tpu.vector_load_idx %arg6[%parallel_loop3A_1156] : memref<98304xf32, #tpu.memory_space<vmem>>[vector<16xi32>], vector<16xf32>,
        %parallel_loop3A_1158 = arith.addi %parallel_loop3A_1152, %add3A_37 : vector<16xi32>
        %parallel_loop3A_1159 = tpu.vector_load_idx %arg6[%parallel_loop3A_1158] : memref<98304xf32, #tpu.memory_space<vmem>>[vector<16xi32>], vector<16xf32>,
        %parallel_loop3A_1160 = arith.mulf %parallel_loop3A_1155, %parallel_loop3A_1157 : vector<16xf32>
        %parallel_loop3A_1161 = arith.addf %parallel_loop3A_1147, %parallel_loop3A_1160 : vector<16xf32>
        %parallel_loop3A_1162 = arith.mulf %parallel_loop3A_1155, %parallel_loop3A_1159 : vector<16xf32>
        %parallel_loop3A_1163 = arith.addf %parallel_loop3A_1149, %parallel_loop3A_1162 : vector<16xf32>
        %parallel_loop3A_1164 = vector.shape_cast %broadcast_in_dim3A_56 : vector<16xi32> to vector<16x1xi32>
        %parallel_loop3A_1165 = vector.shape_cast %parallel_loop3A_1164 : vector<16x1xi32> to vector<16xi32>
        %parallel_loop3A_1166 = tpu.dynamic_gather %parallel_loop3A_1032[%parallel_loop3A_1165] in [0] : vector<16xi32>, vector<16xi32> -> vector<16xi32>
        %parallel_loop3A_1167 = vector.shape_cast %broadcast_in_dim3A_56 : vector<16xi32> to vector<16x1xi32>
        %parallel_loop3A_1168 = vector.shape_cast %parallel_loop3A_1167 : vector<16x1xi32> to vector<16xi32>
        %parallel_loop3A_1169 = tpu.dynamic_gather %parallel_loop3A_1037[%parallel_loop3A_1168] in [0] : vector<16xf32>, vector<16xi32> -> vector<16xf32>
        %parallel_loop3A_1170 = arith.addi %parallel_loop3A_1166, %iota3A : vector<16xi32>
        %parallel_loop3A_1171 = tpu.vector_load_idx %arg6[%parallel_loop3A_1170] : memref<98304xf32, #tpu.memory_space<vmem>>[vector<16xi32>], vector<16xf32>,
        %parallel_loop3A_1172 = arith.addi %parallel_loop3A_1166, %add3A_37 : vector<16xi32>
        %parallel_loop3A_1173 = tpu.vector_load_idx %arg6[%parallel_loop3A_1172] : memref<98304xf32, #tpu.memory_space<vmem>>[vector<16xi32>], vector<16xf32>,
        %parallel_loop3A_1174 = arith.mulf %parallel_loop3A_1169, %parallel_loop3A_1171 : vector<16xf32>
        %parallel_loop3A_1175 = arith.addf %parallel_loop3A_1161, %parallel_loop3A_1174 : vector<16xf32>
        %parallel_loop3A_1176 = arith.mulf %parallel_loop3A_1169, %parallel_loop3A_1173 : vector<16xf32>
        %parallel_loop3A_1177 = arith.addf %parallel_loop3A_1163, %parallel_loop3A_1176 : vector<16xf32>
        %parallel_loop3A_1178 = vector.shape_cast %broadcast_in_dim3A_58 : vector<16xi32> to vector<16x1xi32>
        %parallel_loop3A_1179 = vector.shape_cast %parallel_loop3A_1178 : vector<16x1xi32> to vector<16xi32>
        %parallel_loop3A_1180 = tpu.dynamic_gather %parallel_loop3A_1032[%parallel_loop3A_1179] in [0] : vector<16xi32>, vector<16xi32> -> vector<16xi32>
        %parallel_loop3A_1181 = vector.shape_cast %broadcast_in_dim3A_58 : vector<16xi32> to vector<16x1xi32>
        %parallel_loop3A_1182 = vector.shape_cast %parallel_loop3A_1181 : vector<16x1xi32> to vector<16xi32>
        %parallel_loop3A_1183 = tpu.dynamic_gather %parallel_loop3A_1037[%parallel_loop3A_1182] in [0] : vector<16xf32>, vector<16xi32> -> vector<16xf32>
        %parallel_loop3A_1184 = arith.addi %parallel_loop3A_1180, %iota3A : vector<16xi32>
        %parallel_loop3A_1185 = tpu.vector_load_idx %arg6[%parallel_loop3A_1184] : memref<98304xf32, #tpu.memory_space<vmem>>[vector<16xi32>], vector<16xf32>,
        %parallel_loop3A_1186 = arith.addi %parallel_loop3A_1180, %add3A_37 : vector<16xi32>
        %parallel_loop3A_1187 = tpu.vector_load_idx %arg6[%parallel_loop3A_1186] : memref<98304xf32, #tpu.memory_space<vmem>>[vector<16xi32>], vector<16xf32>,
        %parallel_loop3A_1188 = arith.mulf %parallel_loop3A_1183, %parallel_loop3A_1185 : vector<16xf32>
        %parallel_loop3A_1189 = arith.addf %parallel_loop3A_1175, %parallel_loop3A_1188 : vector<16xf32>
        %parallel_loop3A_1190 = arith.mulf %parallel_loop3A_1183, %parallel_loop3A_1187 : vector<16xf32>
        %parallel_loop3A_1191 = arith.addf %parallel_loop3A_1177, %parallel_loop3A_1190 : vector<16xf32>
        %parallel_loop3A_1192 = vector.shape_cast %broadcast_in_dim3A_60 : vector<16xi32> to vector<16x1xi32>
        %parallel_loop3A_1193 = vector.shape_cast %parallel_loop3A_1192 : vector<16x1xi32> to vector<16xi32>
        %parallel_loop3A_1194 = tpu.dynamic_gather %parallel_loop3A_1032[%parallel_loop3A_1193] in [0] : vector<16xi32>, vector<16xi32> -> vector<16xi32>
        %parallel_loop3A_1195 = vector.shape_cast %broadcast_in_dim3A_60 : vector<16xi32> to vector<16x1xi32>
        %parallel_loop3A_1196 = vector.shape_cast %parallel_loop3A_1195 : vector<16x1xi32> to vector<16xi32>
        %parallel_loop3A_1197 = tpu.dynamic_gather %parallel_loop3A_1037[%parallel_loop3A_1196] in [0] : vector<16xf32>, vector<16xi32> -> vector<16xf32>
        %parallel_loop3A_1198 = arith.addi %parallel_loop3A_1194, %iota3A : vector<16xi32>
        %parallel_loop3A_1199 = tpu.vector_load_idx %arg6[%parallel_loop3A_1198] : memref<98304xf32, #tpu.memory_space<vmem>>[vector<16xi32>], vector<16xf32>,
        %parallel_loop3A_1200 = arith.addi %parallel_loop3A_1194, %add3A_37 : vector<16xi32>
        %parallel_loop3A_1201 = tpu.vector_load_idx %arg6[%parallel_loop3A_1200] : memref<98304xf32, #tpu.memory_space<vmem>>[vector<16xi32>], vector<16xf32>,
        %parallel_loop3A_1202 = arith.mulf %parallel_loop3A_1197, %parallel_loop3A_1199 : vector<16xf32>
        %parallel_loop3A_1203 = arith.addf %parallel_loop3A_1189, %parallel_loop3A_1202 : vector<16xf32>
        %parallel_loop3A_1204 = arith.mulf %parallel_loop3A_1197, %parallel_loop3A_1201 : vector<16xf32>
        %parallel_loop3A_1205 = arith.addf %parallel_loop3A_1191, %parallel_loop3A_1204 : vector<16xf32>
        %parallel_loop3A_1206 = vector.shape_cast %broadcast_in_dim3A_62 : vector<16xi32> to vector<16x1xi32>
        %parallel_loop3A_1207 = vector.shape_cast %parallel_loop3A_1206 : vector<16x1xi32> to vector<16xi32>
        %parallel_loop3A_1208 = tpu.dynamic_gather %parallel_loop3A_1032[%parallel_loop3A_1207] in [0] : vector<16xi32>, vector<16xi32> -> vector<16xi32>
        %parallel_loop3A_1209 = vector.shape_cast %broadcast_in_dim3A_62 : vector<16xi32> to vector<16x1xi32>
        %parallel_loop3A_1210 = vector.shape_cast %parallel_loop3A_1209 : vector<16x1xi32> to vector<16xi32>
        %parallel_loop3A_1211 = tpu.dynamic_gather %parallel_loop3A_1037[%parallel_loop3A_1210] in [0] : vector<16xf32>, vector<16xi32> -> vector<16xf32>
        %parallel_loop3A_1212 = arith.addi %parallel_loop3A_1208, %iota3A : vector<16xi32>
        %parallel_loop3A_1213 = tpu.vector_load_idx %arg6[%parallel_loop3A_1212] : memref<98304xf32, #tpu.memory_space<vmem>>[vector<16xi32>], vector<16xf32>,
        %parallel_loop3A_1214 = arith.addi %parallel_loop3A_1208, %add3A_37 : vector<16xi32>
        %parallel_loop3A_1215 = tpu.vector_load_idx %arg6[%parallel_loop3A_1214] : memref<98304xf32, #tpu.memory_space<vmem>>[vector<16xi32>], vector<16xf32>,
        %parallel_loop3A_1216 = arith.mulf %parallel_loop3A_1211, %parallel_loop3A_1213 : vector<16xf32>
        %parallel_loop3A_1217 = arith.addf %parallel_loop3A_1203, %parallel_loop3A_1216 : vector<16xf32>
        %parallel_loop3A_1218 = arith.mulf %parallel_loop3A_1211, %parallel_loop3A_1215 : vector<16xf32>
        %parallel_loop3A_1219 = arith.addf %parallel_loop3A_1205, %parallel_loop3A_1218 : vector<16xf32>
        %parallel_loop3A_1220 = vector.shape_cast %broadcast_in_dim3A_64 : vector<16xi32> to vector<16x1xi32>
        %parallel_loop3A_1221 = vector.shape_cast %parallel_loop3A_1220 : vector<16x1xi32> to vector<16xi32>
        %parallel_loop3A_1222 = tpu.dynamic_gather %parallel_loop3A_1032[%parallel_loop3A_1221] in [0] : vector<16xi32>, vector<16xi32> -> vector<16xi32>
        %parallel_loop3A_1223 = vector.shape_cast %broadcast_in_dim3A_64 : vector<16xi32> to vector<16x1xi32>
        %parallel_loop3A_1224 = vector.shape_cast %parallel_loop3A_1223 : vector<16x1xi32> to vector<16xi32>
        %parallel_loop3A_1225 = tpu.dynamic_gather %parallel_loop3A_1037[%parallel_loop3A_1224] in [0] : vector<16xf32>, vector<16xi32> -> vector<16xf32>
        %parallel_loop3A_1226 = arith.addi %parallel_loop3A_1222, %iota3A : vector<16xi32>
        %parallel_loop3A_1227 = tpu.vector_load_idx %arg6[%parallel_loop3A_1226] : memref<98304xf32, #tpu.memory_space<vmem>>[vector<16xi32>], vector<16xf32>,
        %parallel_loop3A_1228 = arith.addi %parallel_loop3A_1222, %add3A_37 : vector<16xi32>
        %parallel_loop3A_1229 = tpu.vector_load_idx %arg6[%parallel_loop3A_1228] : memref<98304xf32, #tpu.memory_space<vmem>>[vector<16xi32>], vector<16xf32>,
        %parallel_loop3A_1230 = arith.mulf %parallel_loop3A_1225, %parallel_loop3A_1227 : vector<16xf32>
        %parallel_loop3A_1231 = arith.addf %parallel_loop3A_1217, %parallel_loop3A_1230 : vector<16xf32>
        %parallel_loop3A_1232 = arith.mulf %parallel_loop3A_1225, %parallel_loop3A_1229 : vector<16xf32>
        %parallel_loop3A_1233 = arith.addf %parallel_loop3A_1219, %parallel_loop3A_1232 : vector<16xf32>
        %parallel_loop3A_1234 = vector.shape_cast %broadcast_in_dim3A_66 : vector<16xi32> to vector<16x1xi32>
        %parallel_loop3A_1235 = vector.shape_cast %parallel_loop3A_1234 : vector<16x1xi32> to vector<16xi32>
        %parallel_loop3A_1236 = tpu.dynamic_gather %parallel_loop3A_1032[%parallel_loop3A_1235] in [0] : vector<16xi32>, vector<16xi32> -> vector<16xi32>
        %parallel_loop3A_1237 = vector.shape_cast %broadcast_in_dim3A_66 : vector<16xi32> to vector<16x1xi32>
        %parallel_loop3A_1238 = vector.shape_cast %parallel_loop3A_1237 : vector<16x1xi32> to vector<16xi32>
        %parallel_loop3A_1239 = tpu.dynamic_gather %parallel_loop3A_1037[%parallel_loop3A_1238] in [0] : vector<16xf32>, vector<16xi32> -> vector<16xf32>
        %parallel_loop3A_1240 = arith.addi %parallel_loop3A_1236, %iota3A : vector<16xi32>
        %parallel_loop3A_1241 = tpu.vector_load_idx %arg6[%parallel_loop3A_1240] : memref<98304xf32, #tpu.memory_space<vmem>>[vector<16xi32>], vector<16xf32>,
        %parallel_loop3A_1242 = arith.addi %parallel_loop3A_1236, %add3A_37 : vector<16xi32>
        %parallel_loop3A_1243 = tpu.vector_load_idx %arg6[%parallel_loop3A_1242] : memref<98304xf32, #tpu.memory_space<vmem>>[vector<16xi32>], vector<16xf32>,
        %parallel_loop3A_1244 = arith.mulf %parallel_loop3A_1239, %parallel_loop3A_1241 : vector<16xf32>
        %parallel_loop3A_1245 = arith.addf %parallel_loop3A_1231, %parallel_loop3A_1244 : vector<16xf32>
        %parallel_loop3A_1246 = arith.mulf %parallel_loop3A_1239, %parallel_loop3A_1243 : vector<16xf32>
        %parallel_loop3A_1247 = arith.addf %parallel_loop3A_1233, %parallel_loop3A_1246 : vector<16xf32>
        %parallel_loop3A_1248 = vector.shape_cast %broadcast_in_dim3A_68 : vector<16xi32> to vector<16x1xi32>
        %parallel_loop3A_1249 = vector.shape_cast %parallel_loop3A_1248 : vector<16x1xi32> to vector<16xi32>
        %parallel_loop3A_1250 = tpu.dynamic_gather %parallel_loop3A_1032[%parallel_loop3A_1249] in [0] : vector<16xi32>, vector<16xi32> -> vector<16xi32>
        %parallel_loop3A_1251 = vector.shape_cast %broadcast_in_dim3A_68 : vector<16xi32> to vector<16x1xi32>
        %parallel_loop3A_1252 = vector.shape_cast %parallel_loop3A_1251 : vector<16x1xi32> to vector<16xi32>
        %parallel_loop3A_1253 = tpu.dynamic_gather %parallel_loop3A_1037[%parallel_loop3A_1252] in [0] : vector<16xf32>, vector<16xi32> -> vector<16xf32>
        %parallel_loop3A_1254 = arith.addi %parallel_loop3A_1250, %iota3A : vector<16xi32>
        %parallel_loop3A_1255 = tpu.vector_load_idx %arg6[%parallel_loop3A_1254] : memref<98304xf32, #tpu.memory_space<vmem>>[vector<16xi32>], vector<16xf32>,
        %parallel_loop3A_1256 = arith.addi %parallel_loop3A_1250, %add3A_37 : vector<16xi32>
        %parallel_loop3A_1257 = tpu.vector_load_idx %arg6[%parallel_loop3A_1256] : memref<98304xf32, #tpu.memory_space<vmem>>[vector<16xi32>], vector<16xf32>,
        %parallel_loop3A_1258 = arith.mulf %parallel_loop3A_1253, %parallel_loop3A_1255 : vector<16xf32>
        %parallel_loop3A_1259 = arith.addf %parallel_loop3A_1245, %parallel_loop3A_1258 : vector<16xf32>
        %parallel_loop3A_1260 = arith.mulf %parallel_loop3A_1253, %parallel_loop3A_1257 : vector<16xf32>
        %parallel_loop3A_1261 = arith.addf %parallel_loop3A_1247, %parallel_loop3A_1260 : vector<16xf32>
        %parallel_loop3A_1262 = arith.addf %parallel_loop3A_557, %parallel_loop3A_791 : vector<16xf32>
        %parallel_loop3A_1263 = arith.addf %parallel_loop3A_1025, %parallel_loop3A_1259 : vector<16xf32>
        %parallel_loop3A_1264 = arith.addf %parallel_loop3A_1262, %parallel_loop3A_1263 : vector<16xf32>
        %parallel_loop3A_1265 = arith.constant 1 : i32
        %parallel_loop3A_1266 = arith.index_cast %parallel_loop3A_1265 : i32 to index
        %parallel_loop3A_1267 = arith.index_cast %parallel_loop3A_309 : i32 to index
        %parallel_loop3A_1268 = arith.constant 0 : index
        %parallel_loop3A_1269 = tpu.vector_load %arg9[%parallel_loop3A_1266, %parallel_loop3A_1267, %parallel_loop3A_1268] {strides = array<i32>} : memref<2x32x32xf32, #tpu.memory_space<vmem>>, vector<16xf32>,
        tpu.vector_store %arg9[%parallel_loop3A_1266, %parallel_loop3A_1267, %parallel_loop3A_1268], %parallel_loop3A_1264 {strides = array<i32>} : memref<2x32x32xf32, #tpu.memory_space<vmem>>, vector<16xf32>,
        %parallel_loop3A_1270 = arith.addf %parallel_loop3A_559, %parallel_loop3A_793 : vector<16xf32>
        %parallel_loop3A_1271 = arith.addf %parallel_loop3A_1027, %parallel_loop3A_1261 : vector<16xf32>
        %parallel_loop3A_1272 = arith.addf %parallel_loop3A_1270, %parallel_loop3A_1271 : vector<16xf32>
        %parallel_loop3A_1273 = arith.constant 1 : i32
        %parallel_loop3A_1274 = arith.index_cast %parallel_loop3A_1273 : i32 to index
        %parallel_loop3A_1275 = arith.index_cast %parallel_loop3A_309 : i32 to index
        %parallel_loop3A_1276 = arith.constant 16 : index
        %parallel_loop3A_1277 = tpu.vector_load %arg9[%parallel_loop3A_1274, %parallel_loop3A_1275, %parallel_loop3A_1276] {strides = array<i32>} : memref<2x32x32xf32, #tpu.memory_space<vmem>>, vector<16xf32>,
        tpu.vector_store %arg9[%parallel_loop3A_1274, %parallel_loop3A_1275, %parallel_loop3A_1276], %parallel_loop3A_1272 {strides = array<i32>} : memref<2x32x32xf32, #tpu.memory_space<vmem>>, vector<16xf32>,
      } {sc.loop_unroll_factor = 2 : i64, sc.parallel_access}
      %mul3A_287 = arith.constant 32 : i32
      %mul3A_288 = arith.muli %add3A_244, %mul3A_287 : i32
      %dma_start3A_289 = arith.constant 1 : i32
      %dma_start3A_290 = arith.constant 0 : i32
      %dma_start3A_291 = arith.constant 0 : i32
      %dma_start3A_292 = tpu.memref_slice %arg9[%dma_start3A_289, %dma_start3A_290, %dma_start3A_291] : memref<2x32x32xf32, #tpu.memory_space<vmem>> -> memref<1x32x32xf32, #tpu.memory_space<vmem>>
      %dma_start3A_293 = tpu.memref_squeeze %dma_start3A_292 : memref<1x32x32xf32, #tpu.memory_space<vmem>> -> memref<32x32xf32, #tpu.memory_space<vmem>>
      %dma_start3A_294 = arith.constant 0 : i32
      %dma_start3A_295 = tpu.memref_slice %arg5[%select_n3A, %select_n3A_30, %mul3A_288, %dma_start3A_294] : memref<4x8x3072x32xf32, #tpu.memory_space<hbm>> -> memref<1x1x32x32xf32, #tpu.memory_space<hbm>>
      %dma_start3A_296 = tpu.memref_squeeze %dma_start3A_295 : memref<1x1x32x32xf32, #tpu.memory_space<hbm>> -> memref<32x32xf32, #tpu.memory_space<hbm>>
      %dma_start3A_297 = arith.constant 0 : i32
      %dma_start3A_298 = tpu.memref_slice %arg5[%select_n3A, %select_n3A_30, %mul3A_288, %dma_start3A_297] : memref<4x8x3072x32xf32, #tpu.memory_space<hbm>> -> memref<1x1x32x32xf32, #tpu.memory_space<hbm>>
      %dma_start3A_299 = tpu.memref_squeeze %dma_start3A_298 : memref<1x1x32x32xf32, #tpu.memory_space<hbm>> -> memref<32x32xf32, #tpu.memory_space<hbm>>
      %dma_start3A_300 = arith.constant 0 : i32
      %dma_start3A_301 = arith.constant 0 : i32
      %dma_start3A_302 = tpu.memref_slice %arg9[%dma_start3A_289, %dma_start3A_300, %dma_start3A_301] : memref<2x32x32xf32, #tpu.memory_space<vmem>> -> memref<1x32x32xf32, #tpu.memory_space<vmem>>
      %dma_start3A_303 = tpu.memref_squeeze %dma_start3A_302 : memref<1x32x32xf32, #tpu.memory_space<vmem>> -> memref<32x32xf32, #tpu.memory_space<vmem>>
      tpu.enqueue_dma source(%dma_start3A_303 : memref<32x32xf32, #tpu.memory_space<vmem>>) target(%dma_start3A_299 : memref<32x32xf32, #tpu.memory_space<hbm>>) target_semaphore(%arg12 : memref<!tpu.dma_semaphore, #tpu.memory_space<semaphore_mem>>)
      %lt3A_304 = arith.constant 47 : i32
      %lt3A_305 = arith.cmpi slt, %scan3A_176, %lt3A_304 : i32
      %convert_element_type3A_306 = arith.extui %lt3A_305 : i1 to i32
      %cond3A_307 = arith.constant 0 : i32
      %cond3A_308 = arith.cmpi ne, %convert_element_type3A_306, %cond3A_307 : i32
      scf.if %cond3A_308 {
        %add3A_309 = arith.constant 2 : i32
        %add3A_310 = arith.addi %add3A_244, %add3A_309 : i32
        %mul3A_311 = arith.constant 32 : i32
        %mul3A_312 = arith.muli %add3A_310, %mul3A_311 : i32
        %dma_start3A_313 = arith.constant 1 : i32
        %dma_start3A_314 = arith.constant 0 : i32
        %dma_start3A_315 = arith.constant 0 : i32
        %dma_start3A_316 = tpu.memref_slice %arg7[%dma_start3A_313, %dma_start3A_314, %dma_start3A_315] : memref<2x32x64xi32, #tpu.memory_space<vmem>> -> memref<1x32x64xi32, #tpu.memory_space<vmem>>
        %dma_start3A_317 = tpu.memref_squeeze %dma_start3A_316 : memref<1x32x64xi32, #tpu.memory_space<vmem>> -> memref<32x64xi32, #tpu.memory_space<vmem>>
        %dma_start3A_318 = arith.constant 0 : i32
        %dma_start3A_319 = tpu.memref_slice %arg3[%select_n3A, %select_n3A_30, %mul3A_312, %dma_start3A_318] : memref<4x8x3072x64xi32, #tpu.memory_space<hbm>> -> memref<1x1x32x64xi32, #tpu.memory_space<hbm>>
        %dma_start3A_320 = tpu.memref_squeeze %dma_start3A_319 : memref<1x1x32x64xi32, #tpu.memory_space<hbm>> -> memref<32x64xi32, #tpu.memory_space<hbm>>
        %dma_start3A_321 = arith.constant 0 : i32
        %dma_start3A_322 = arith.constant 0 : i32
        %dma_start3A_323 = tpu.memref_slice %arg7[%dma_start3A_313, %dma_start3A_321, %dma_start3A_322] : memref<2x32x64xi32, #tpu.memory_space<vmem>> -> memref<1x32x64xi32, #tpu.memory_space<vmem>>
        %dma_start3A_324 = tpu.memref_squeeze %dma_start3A_323 : memref<1x32x64xi32, #tpu.memory_space<vmem>> -> memref<32x64xi32, #tpu.memory_space<vmem>>
        %dma_start3A_325 = arith.constant 0 : i32
        %dma_start3A_326 = tpu.memref_slice %arg3[%select_n3A, %select_n3A_30, %mul3A_312, %dma_start3A_325] : memref<4x8x3072x64xi32, #tpu.memory_space<hbm>> -> memref<1x1x32x64xi32, #tpu.memory_space<hbm>>
        %dma_start3A_327 = tpu.memref_squeeze %dma_start3A_326 : memref<1x1x32x64xi32, #tpu.memory_space<hbm>> -> memref<32x64xi32, #tpu.memory_space<hbm>>
        tpu.enqueue_dma source(%dma_start3A_327 : memref<32x64xi32, #tpu.memory_space<hbm>>) target(%dma_start3A_324 : memref<32x64xi32, #tpu.memory_space<vmem>>) target_semaphore(%arg11 : memref<!tpu.dma_semaphore, #tpu.memory_space<semaphore_mem>>)
        %mul3A_328 = arith.constant 32 : i32
        %mul3A_329 = arith.muli %add3A_310, %mul3A_328 : i32
        %dma_start3A_330 = arith.constant 1 : i32
        %dma_start3A_331 = arith.constant 0 : i32
        %dma_start3A_332 = arith.constant 0 : i32
        %dma_start3A_333 = tpu.memref_slice %arg8[%dma_start3A_330, %dma_start3A_331, %dma_start3A_332] : memref<2x32x64xf32, #tpu.memory_space<vmem>> -> memref<1x32x64xf32, #tpu.memory_space<vmem>>
        %dma_start3A_334 = tpu.memref_squeeze %dma_start3A_333 : memref<1x32x64xf32, #tpu.memory_space<vmem>> -> memref<32x64xf32, #tpu.memory_space<vmem>>
        %dma_start3A_335 = arith.constant 0 : i32
        %dma_start3A_336 = tpu.memref_slice %arg4[%select_n3A, %select_n3A_30, %mul3A_329, %dma_start3A_335] : memref<4x8x3072x64xf32, #tpu.memory_space<hbm>> -> memref<1x1x32x64xf32, #tpu.memory_space<hbm>>
        %dma_start3A_337 = tpu.memref_squeeze %dma_start3A_336 : memref<1x1x32x64xf32, #tpu.memory_space<hbm>> -> memref<32x64xf32, #tpu.memory_space<hbm>>
        %dma_start3A_338 = arith.constant 0 : i32
        %dma_start3A_339 = arith.constant 0 : i32
        %dma_start3A_340 = tpu.memref_slice %arg8[%dma_start3A_330, %dma_start3A_338, %dma_start3A_339] : memref<2x32x64xf32, #tpu.memory_space<vmem>> -> memref<1x32x64xf32, #tpu.memory_space<vmem>>
        %dma_start3A_341 = tpu.memref_squeeze %dma_start3A_340 : memref<1x32x64xf32, #tpu.memory_space<vmem>> -> memref<32x64xf32, #tpu.memory_space<vmem>>
        %dma_start3A_342 = arith.constant 0 : i32
        %dma_start3A_343 = tpu.memref_slice %arg4[%select_n3A, %select_n3A_30, %mul3A_329, %dma_start3A_342] : memref<4x8x3072x64xf32, #tpu.memory_space<hbm>> -> memref<1x1x32x64xf32, #tpu.memory_space<hbm>>
        %dma_start3A_344 = tpu.memref_squeeze %dma_start3A_343 : memref<1x1x32x64xf32, #tpu.memory_space<hbm>> -> memref<32x64xf32, #tpu.memory_space<hbm>>
        tpu.enqueue_dma source(%dma_start3A_344 : memref<32x64xf32, #tpu.memory_space<hbm>>) target(%dma_start3A_341 : memref<32x64xf32, #tpu.memory_space<vmem>>) target_semaphore(%arg11 : memref<!tpu.dma_semaphore, #tpu.memory_space<semaphore_mem>>)
      } else {
      }
    }
    %scan3A_141 = arith.constant 48 : i32
    %dma_wait3A_142 = arith.constant 0 : i32
    %dma_wait3A_143 = arith.constant 0 : i32
    %dma_wait3A_144 = arith.constant 0 : i32
    %dma_wait3A_145 = tpu.memref_slice %arg9[%dma_wait3A_142, %dma_wait3A_143, %dma_wait3A_144] : memref<2x32x32xf32, #tpu.memory_space<vmem>> -> memref<1x32x32xf32, #tpu.memory_space<vmem>>
    %dma_wait3A_146 = tpu.memref_squeeze %dma_wait3A_145 : memref<1x32x32xf32, #tpu.memory_space<vmem>> -> memref<32x32xf32, #tpu.memory_space<vmem>>
    %dma_wait3A_147 = arith.constant 0 : i32
    %dma_wait3A_148 = arith.constant 0 : i32
    %dma_wait3A_149 = tpu.memref_slice %arg5[%select_n3A, %select_n3A_30, %dma_wait3A_147, %dma_wait3A_148] : memref<4x8x3072x32xf32, #tpu.memory_space<hbm>> -> memref<1x1x32x32xf32, #tpu.memory_space<hbm>>
    %dma_wait3A_150 = tpu.memref_squeeze %dma_wait3A_149 : memref<1x1x32x32xf32, #tpu.memory_space<hbm>> -> memref<32x32xf32, #tpu.memory_space<hbm>>
    %dma_wait3A_151 = arith.constant 0 : i32
    %dma_wait3A_152 = arith.constant 0 : i32
    %dma_wait3A_153 = tpu.memref_slice %arg5[%select_n3A, %select_n3A_30, %dma_wait3A_151, %dma_wait3A_152] : memref<4x8x3072x32xf32, #tpu.memory_space<hbm>> -> memref<1x1x32x32xf32, #tpu.memory_space<hbm>>
    %dma_wait3A_154 = tpu.memref_squeeze %dma_wait3A_153 : memref<1x1x32x32xf32, #tpu.memory_space<hbm>> -> memref<32x32xf32, #tpu.memory_space<hbm>>
    %dma_wait3A_155 = arith.constant 0 : i32
    %dma_wait3A_156 = arith.constant 0 : i32
    %dma_wait3A_157 = tpu.memref_slice %arg9[%dma_wait3A_142, %dma_wait3A_155, %dma_wait3A_156] : memref<2x32x32xf32, #tpu.memory_space<vmem>> -> memref<1x32x32xf32, #tpu.memory_space<vmem>>
    %dma_wait3A_158 = tpu.memref_squeeze %dma_wait3A_157 : memref<1x32x32xf32, #tpu.memory_space<vmem>> -> memref<32x32xf32, #tpu.memory_space<vmem>>
    tpu.wait_dma2 semaphore(%arg12 : memref<!tpu.dma_semaphore, #tpu.memory_space<semaphore_mem>>) src(%dma_wait3A_158 : memref<32x32xf32, #tpu.memory_space<vmem>>) dst(%dma_wait3A_154 : memref<32x32xf32, #tpu.memory_space<hbm>>)
    %dma_wait3A_159 = arith.constant 1 : i32
    %dma_wait3A_160 = arith.constant 0 : i32
    %dma_wait3A_161 = arith.constant 0 : i32
    %dma_wait3A_162 = tpu.memref_slice %arg9[%dma_wait3A_159, %dma_wait3A_160, %dma_wait3A_161] : memref<2x32x32xf32, #tpu.memory_space<vmem>> -> memref<1x32x32xf32, #tpu.memory_space<vmem>>
    %dma_wait3A_163 = tpu.memref_squeeze %dma_wait3A_162 : memref<1x32x32xf32, #tpu.memory_space<vmem>> -> memref<32x32xf32, #tpu.memory_space<vmem>>
    %dma_wait3A_164 = arith.constant 0 : i32
    %dma_wait3A_165 = arith.constant 0 : i32
    %dma_wait3A_166 = tpu.memref_slice %arg5[%select_n3A, %select_n3A_30, %dma_wait3A_164, %dma_wait3A_165] : memref<4x8x3072x32xf32, #tpu.memory_space<hbm>> -> memref<1x1x32x32xf32, #tpu.memory_space<hbm>>
    %dma_wait3A_167 = tpu.memref_squeeze %dma_wait3A_166 : memref<1x1x32x32xf32, #tpu.memory_space<hbm>> -> memref<32x32xf32, #tpu.memory_space<hbm>>
    %dma_wait3A_168 = arith.constant 0 : i32
    %dma_wait3A_169 = arith.constant 0 : i32
    %dma_wait3A_170 = tpu.memref_slice %arg5[%select_n3A, %select_n3A_30, %dma_wait3A_168, %dma_wait3A_169] : memref<4x8x3072x32xf32, #tpu.memory_space<hbm>> -> memref<1x1x32x32xf32, #tpu.memory_space<hbm>>
    %dma_wait3A_171 = tpu.memref_squeeze %dma_wait3A_170 : memref<1x1x32x32xf32, #tpu.memory_space<hbm>> -> memref<32x32xf32, #tpu.memory_space<hbm>>
    %dma_wait3A_172 = arith.constant 0 : i32
    %dma_wait3A_173 = arith.constant 0 : i32
    %dma_wait3A_174 = tpu.memref_slice %arg9[%dma_wait3A_159, %dma_wait3A_172, %dma_wait3A_173] : memref<2x32x32xf32, #tpu.memory_space<vmem>> -> memref<1x32x32xf32, #tpu.memory_space<vmem>>
    %dma_wait3A_175 = tpu.memref_squeeze %dma_wait3A_174 : memref<1x32x32xf32, #tpu.memory_space<vmem>> -> memref<32x32xf32, #tpu.memory_space<vmem>>
    tpu.wait_dma2 semaphore(%arg12 : memref<!tpu.dma_semaphore, #tpu.memory_space<semaphore_mem>>) src(%dma_wait3A_175 : memref<32x32xf32, #tpu.memory_space<vmem>>) dst(%dma_wait3A_171 : memref<32x32xf32, #tpu.memory_space<hbm>>)
    return
  }
}

module attributes {stable_mosaic.version = 14 : i64} {
  func.func @_prep_body(%arg0: i32, %arg1: i32, %arg2: memref<1x768x256xf32, #tpu.memory_space<vmem>>, %arg3: memref<1x768x256xf32, #tpu.memory_space<vmem>>, %arg4: memref<1x768x4xf32, #tpu.memory_space<vmem>>, %arg5: memref<1x768x4xf32, #tpu.memory_space<vmem>>, %arg6: memref<256x256xf32, #tpu.memory_space<vmem>>, %arg7: memref<1x256xf32, #tpu.memory_space<vmem>>, %arg8: memref<128x256xf32, #tpu.memory_space<vmem>>, %arg9: memref<1x128xf32, #tpu.memory_space<vmem>>, %arg10: memref<128x256xf32, #tpu.memory_space<vmem>>, %arg11: memref<1x128xf32, #tpu.memory_space<vmem>>, %arg12: memref<128x256xf32, #tpu.memory_space<vmem>>, %arg13: memref<1x128xf32, #tpu.memory_space<vmem>>, %arg14: memref<8x128xf32, #tpu.memory_space<vmem>>, %arg15: memref<8x128xi32, #tpu.memory_space<vmem>>, %arg16: memref<1x768x256xf32, #tpu.memory_space<vmem>>, %arg17: memref<1x768x4x128xi32, #tpu.memory_space<vmem>>, %arg18: memref<1x768x4x128xf32, #tpu.memory_space<vmem>>) attributes {dimension_semantics = [#tpu.dimension_semantics<arbitrary>, #tpu.dimension_semantics<arbitrary>], iteration_bounds = array<i64: 4, 4>, scalar_prefetch = 0 : i64, scratch_operands = 0 : i64, tpu.core_type = #tpu.core_type<tc>, window_params = [{transform_indices = @transform_0, window_bounds = array<i64: 1, 768, 256>}, {transform_indices = @transform_1, window_bounds = array<i64: 1, 768, 256>}, {transform_indices = @transform_2, window_bounds = array<i64: 1, 768, 4>}, {transform_indices = @transform_3, window_bounds = array<i64: 1, 768, 4>}, {pipeline_mode = #tpu.pipeline_mode<synchronous>, transform_indices = @transform_4, window_bounds = array<i64: 256, 256>}, {pipeline_mode = #tpu.pipeline_mode<synchronous>, transform_indices = @transform_5, window_bounds = array<i64: 1, 256>}, {pipeline_mode = #tpu.pipeline_mode<synchronous>, transform_indices = @transform_6, window_bounds = array<i64: 128, 256>}, {pipeline_mode = #tpu.pipeline_mode<synchronous>, transform_indices = @transform_7, window_bounds = array<i64: 1, 128>}, {pipeline_mode = #tpu.pipeline_mode<synchronous>, transform_indices = @transform_8, window_bounds = array<i64: 128, 256>}, {pipeline_mode = #tpu.pipeline_mode<synchronous>, transform_indices = @transform_9, window_bounds = array<i64: 1, 128>}, {pipeline_mode = #tpu.pipeline_mode<synchronous>, transform_indices = @transform_10, window_bounds = array<i64: 128, 256>}, {pipeline_mode = #tpu.pipeline_mode<synchronous>, transform_indices = @transform_11, window_bounds = array<i64: 1, 128>}, {pipeline_mode = #tpu.pipeline_mode<synchronous>, transform_indices = @transform_12, window_bounds = array<i64: 8, 128>}, {pipeline_mode = #tpu.pipeline_mode<synchronous>, transform_indices = @transform_13, window_bounds = array<i64: 8, 128>}, {transform_indices = @transform_14, window_bounds = array<i64: 1, 768, 256>}, {transform_indices = @transform_15, window_bounds = array<i64: 1, 768, 4, 128>}, {transform_indices = @transform_16, window_bounds = array<i64: 1, 768, 4, 128>}]} {
    %get3A = arith.constant 0 : index
    %get3A_0 = arith.constant 0 : index
    %get3A_1 = arith.constant 0 : index
    %get3A_2 = vector.load %arg2[%get3A, %get3A_0, %get3A_1] : memref<1x768x256xf32, #tpu.memory_space<vmem>>, vector<1x768x256xf32>
    %get3A_3 = vector.shape_cast %get3A_2 : vector<1x768x256xf32> to vector<768x256xf32>
    %get3A_4 = arith.constant 0 : index
    %get3A_5 = arith.constant 0 : index
    %get3A_6 = arith.constant 0 : index
    %get3A_7 = vector.load %arg3[%get3A_4, %get3A_5, %get3A_6] : memref<1x768x256xf32, #tpu.memory_space<vmem>>, vector<1x768x256xf32>
    %get3A_8 = vector.shape_cast %get3A_7 : vector<1x768x256xf32> to vector<768x256xf32>
    %get3A_9 = arith.constant 0 : index
    %get3A_10 = arith.constant 0 : index
    %get3A_11 = vector.load %arg6[%get3A_9, %get3A_10] : memref<256x256xf32, #tpu.memory_space<vmem>>, vector<256x256xf32>
    %dot_general3A = arith.constant dense<0.000000e+00> : vector<768x256xf32>
    %dot_general3A_12 = tpu.matmul %get3A_8, %get3A_11, %dot_general3A {dimension_numbers = #tpu.dot_dimension_numbers<[1], [1], [0], [0], [0, 0, 1, 0], [], []>, precision = #tpu.contract_precision<fp32>, transpose_lhs_hint = false} : vector<768x256xf32>, vector<256x256xf32>, vector<768x256xf32> -> vector<768x256xf32>
    %get3A_13 = arith.constant 0 : index
    %get3A_14 = arith.constant 0 : index
    %get3A_15 = vector.load %arg7[%get3A_13, %get3A_14] : memref<1x256xf32, #tpu.memory_space<vmem>>, vector<1x256xf32>
    %add3A = vector.broadcast %get3A_15 : vector<1x256xf32> to vector<768x256xf32>
    %add3A_16 = arith.addf %dot_general3A_12, %add3A : vector<768x256xf32>
    %swap3A = arith.constant 0 : index
    %swap3A_17 = arith.constant 0 : index
    %swap3A_18 = arith.constant 0 : index
    %swap3A_19 = vector.load %arg16[%swap3A, %swap3A_17, %swap3A_18] : memref<1x768x256xf32, #tpu.memory_space<vmem>>, vector<1x768x256xf32>
    %swap3A_20 = vector.shape_cast %swap3A_19 : vector<1x768x256xf32> to vector<768x256xf32>
    %swap3A_21 = vector.shape_cast %add3A_16 : vector<768x256xf32> to vector<1x768x256xf32>
    tpu.vector_store %arg16[%swap3A, %swap3A_17, %swap3A_18], %swap3A_21 {strides = array<i32>} : memref<1x768x256xf32, #tpu.memory_space<vmem>>, vector<1x768x256xf32>,
    %get3A_22 = arith.constant 0 : index
    %get3A_23 = arith.constant 0 : index
    %get3A_24 = vector.load %arg8[%get3A_22, %get3A_23] : memref<128x256xf32, #tpu.memory_space<vmem>>, vector<128x256xf32>
    %dot_general3A_25 = arith.constant dense<0.000000e+00> : vector<768x128xf32>
    %dot_general3A_26 = tpu.matmul %get3A_3, %get3A_24, %dot_general3A_25 {dimension_numbers = #tpu.dot_dimension_numbers<[1], [1], [0], [0], [0, 0, 1, 0], [], []>, precision = #tpu.contract_precision<fp32>, transpose_lhs_hint = false} : vector<768x256xf32>, vector<128x256xf32>, vector<768x128xf32> -> vector<768x128xf32>
    %get3A_27 = arith.constant 0 : index
    %get3A_28 = arith.constant 0 : index
    %get3A_29 = vector.load %arg9[%get3A_27, %get3A_28] : memref<1x128xf32, #tpu.memory_space<vmem>>, vector<1x128xf32>
    %add3A_30 = vector.broadcast %get3A_29 : vector<1x128xf32> to vector<768x128xf32>
    %add3A_31 = arith.addf %dot_general3A_26, %add3A_30 : vector<768x128xf32>
    %get3A_32 = arith.constant 0 : index
    %get3A_33 = arith.constant 0 : index
    %get3A_34 = vector.load %arg10[%get3A_32, %get3A_33] : memref<128x256xf32, #tpu.memory_space<vmem>>, vector<128x256xf32>
    %dot_general3A_35 = arith.constant dense<0.000000e+00> : vector<768x128xf32>
    %dot_general3A_36 = tpu.matmul %get3A_3, %get3A_34, %dot_general3A_35 {dimension_numbers = #tpu.dot_dimension_numbers<[1], [1], [0], [0], [0, 0, 1, 0], [], []>, precision = #tpu.contract_precision<fp32>, transpose_lhs_hint = false} : vector<768x256xf32>, vector<128x256xf32>, vector<768x128xf32> -> vector<768x128xf32>
    %get3A_37 = arith.constant 0 : index
    %get3A_38 = arith.constant 0 : index
    %get3A_39 = vector.load %arg11[%get3A_37, %get3A_38] : memref<1x128xf32, #tpu.memory_space<vmem>>, vector<1x128xf32>
    %add3A_40 = vector.broadcast %get3A_39 : vector<1x128xf32> to vector<768x128xf32>
    %add3A_41 = arith.addf %dot_general3A_36, %add3A_40 : vector<768x128xf32>
    %get3A_42 = arith.constant 0 : index
    %get3A_43 = arith.constant 0 : index
    %get3A_44 = vector.load %arg12[%get3A_42, %get3A_43] : memref<128x256xf32, #tpu.memory_space<vmem>>, vector<128x256xf32>
    %dot_general3A_45 = arith.constant dense<0.000000e+00> : vector<768x128xf32>
    %dot_general3A_46 = tpu.matmul %get3A_3, %get3A_44, %dot_general3A_45 {dimension_numbers = #tpu.dot_dimension_numbers<[1], [1], [0], [0], [0, 0, 1, 0], [], []>, precision = #tpu.contract_precision<fp32>, transpose_lhs_hint = false} : vector<768x256xf32>, vector<128x256xf32>, vector<768x128xf32> -> vector<768x128xf32>
    %get3A_47 = arith.constant 0 : index
    %get3A_48 = arith.constant 0 : index
    %get3A_49 = vector.load %arg13[%get3A_47, %get3A_48] : memref<1x128xf32, #tpu.memory_space<vmem>>, vector<1x128xf32>
    %add3A_50 = vector.broadcast %get3A_49 : vector<1x128xf32> to vector<768x128xf32>
    %add3A_51 = arith.addf %dot_general3A_46, %add3A_50 : vector<768x128xf32>
    %reshape3A = vector.shape_cast %add3A_51 : vector<768x128xf32> to vector<768x8x16xf32>
    %reduce_max3A = arith.constant dense<0xFF800000> : vector<768x8xf32>
    %reduce_max3A_52 = vector.multi_reduction <maximumf>, %reshape3A, %reduce_max3A [2] : vector<768x8x16xf32> to vector<768x8xf32>
    %broadcast_in_dim3A = vector.shape_cast %reduce_max3A_52 : vector<768x8xf32> to vector<768x8x1xf32>
    %sub3A = vector.broadcast %broadcast_in_dim3A : vector<768x8x1xf32> to vector<768x8x16xf32>
    %sub3A_53 = arith.subf %reshape3A, %sub3A : vector<768x8x16xf32>
    %exp3A = math.exp %sub3A_53 : vector<768x8x16xf32>
    %reduce_sum3A = arith.constant dense<0.000000e+00> : vector<768x8xf32>
    %reduce_sum3A_54 = vector.multi_reduction <add>, %exp3A, %reduce_sum3A [2] : vector<768x8x16xf32> to vector<768x8xf32>
    %broadcast_in_dim3A_55 = vector.shape_cast %reduce_sum3A_54 : vector<768x8xf32> to vector<768x8x1xf32>
    %div3A = vector.broadcast %broadcast_in_dim3A_55 : vector<768x8x1xf32> to vector<768x8x16xf32>
    %div3A_56 = arith.divf %exp3A, %div3A : vector<768x8x16xf32>
    %reshape3A_57 = vector.shape_cast %div3A_56 : vector<768x8x16xf32> to vector<768x128xf32>
    %get3A_58 = arith.constant 0 : index
    %get3A_59 = arith.constant 0 : index
    %get3A_60 = vector.load %arg14[%get3A_58, %get3A_59] : memref<8x128xf32, #tpu.memory_space<vmem>>, vector<4x128xf32>
    %get3A_61 = arith.constant 4 : index
    %get3A_62 = arith.constant 0 : index
    %get3A_63 = vector.load %arg14[%get3A_61, %get3A_62] : memref<8x128xf32, #tpu.memory_space<vmem>>, vector<1x128xf32>
    %get3A_64 = arith.constant 5 : index
    %get3A_65 = arith.constant 0 : index
    %get3A_66 = vector.load %arg14[%get3A_64, %get3A_65] : memref<8x128xf32, #tpu.memory_space<vmem>>, vector<1x128xf32>
    %get3A_67 = arith.constant 0 : index
    %get3A_68 = arith.constant 0 : index
    %get3A_69 = vector.load %arg15[%get3A_67, %get3A_68] : memref<8x128xi32, #tpu.memory_space<vmem>>, vector<1x128xi32>
    %get3A_70 = arith.constant 1 : index
    %get3A_71 = arith.constant 0 : index
    %get3A_72 = vector.load %arg15[%get3A_70, %get3A_71] : memref<8x128xi32, #tpu.memory_space<vmem>>, vector<1x128xi32>
    %get3A_73 = arith.constant 2 : index
    %get3A_74 = arith.constant 0 : index
    %get3A_75 = vector.load %arg15[%get3A_73, %get3A_74] : memref<8x128xi32, #tpu.memory_space<vmem>>, vector<1x128xi32>
    %get3A_76 = arith.constant 0 : index
    %get3A_77 = arith.constant 0 : index
    %get3A_78 = arith.constant 0 : index
    %get3A_79 = vector.load %arg4[%get3A_76, %get3A_77, %get3A_78] : memref<1x768x4xf32, #tpu.memory_space<vmem>>, vector<1x768x4xf32>
    %get3A_80 = vector.shape_cast %get3A_79 : vector<1x768x4xf32> to vector<768x4xf32>
    %dot_general3A_81 = arith.constant dense<0.000000e+00> : vector<768x128xf32>
    %dot_general3A_82 = tpu.matmul %get3A_80, %get3A_60, %dot_general3A_81 {dimension_numbers = #tpu.dot_dimension_numbers<[1], [0], [0], [1], [0, 0, 1, 1], [], []>, precision = #tpu.contract_precision<fp32>, transpose_lhs_hint = false} : vector<768x4xf32>, vector<4x128xf32>, vector<768x128xf32> -> vector<768x128xf32>
    %get3A_83 = arith.constant 0 : index
    %get3A_84 = arith.constant 0 : index
    %get3A_85 = arith.constant 0 : index
    %get3A_86 = vector.load %arg5[%get3A_83, %get3A_84, %get3A_85] : memref<1x768x4xf32, #tpu.memory_space<vmem>>, vector<1x768x4xf32>
    %get3A_87 = vector.shape_cast %get3A_86 : vector<1x768x4xf32> to vector<768x4xf32>
    %dot_general3A_88 = arith.constant dense<0.000000e+00> : vector<768x128xf32>
    %dot_general3A_89 = tpu.matmul %get3A_87, %get3A_60, %dot_general3A_88 {dimension_numbers = #tpu.dot_dimension_numbers<[1], [0], [0], [1], [0, 0, 1, 1], [], []>, precision = #tpu.contract_precision<fp32>, transpose_lhs_hint = false} : vector<768x4xf32>, vector<4x128xf32>, vector<768x128xf32> -> vector<768x128xf32>
    %mul3A = vector.broadcast %get3A_63 : vector<1x128xf32> to vector<768x128xf32>
    %mul3A_90 = arith.mulf %dot_general3A_82, %mul3A : vector<768x128xf32>
    %add3A_91 = arith.addf %mul3A_90, %add3A_31 : vector<768x128xf32>
    %sub3A_92 = arith.constant 5.000000e-01 : f32
    %sub3A_93 = vector.broadcast %sub3A_92 : f32 to vector<768x128xf32>
    %sub3A_94 = arith.subf %add3A_91, %sub3A_93 : vector<768x128xf32>
    %mul3A_95 = vector.broadcast %get3A_66 : vector<1x128xf32> to vector<768x128xf32>
    %mul3A_96 = arith.mulf %dot_general3A_89, %mul3A_95 : vector<768x128xf32>
    %add3A_97 = arith.addf %mul3A_96, %add3A_41 : vector<768x128xf32>
    %sub3A_98 = arith.constant 5.000000e-01 : f32
    %sub3A_99 = vector.broadcast %sub3A_98 : f32 to vector<768x128xf32>
    %sub3A_100 = arith.subf %add3A_97, %sub3A_99 : vector<768x128xf32>
    %floor3A = math.floor %sub3A_94 : vector<768x128xf32>
    %floor3A_101 = math.floor %sub3A_100 : vector<768x128xf32>
    %sub3A_102 = arith.subf %sub3A_94, %floor3A : vector<768x128xf32>
    %sub3A_103 = arith.subf %sub3A_100, %floor3A_101 : vector<768x128xf32>
    %convert_element_type3A = arith.fptosi %floor3A : vector<768x128xf32> to vector<768x128xi32>
    %convert_element_type3A_104 = arith.fptosi %floor3A_101 : vector<768x128xf32> to vector<768x128xi32>
    %ge3A = arith.constant 0.000000e+00 : f32
    %ge3A_105 = vector.broadcast %ge3A : f32 to vector<768x128xf32>
    %ge3A_106 = arith.cmpf oge, %floor3A, %ge3A_105 : vector<768x128xf32>
    %sub3A_107 = arith.constant 1.000000e+00 : f32
    %sub3A_108 = vector.broadcast %sub3A_107 : f32 to vector<1x128xf32>
    %sub3A_109 = arith.subf %get3A_63, %sub3A_108 : vector<1x128xf32>
    %le3A = vector.broadcast %sub3A_109 : vector<1x128xf32> to vector<768x128xf32>
    %le3A_110 = arith.cmpf ole, %floor3A, %le3A : vector<768x128xf32>
    %and3A = arith.andi %ge3A_106, %le3A_110 : vector<768x128xi1>
    %convert_element_type3A_111 = arith.extui %and3A : vector<768x128xi1> to vector<768x128xi32>
    %convert_element_type3A_112 = arith.sitofp %convert_element_type3A_111 : vector<768x128xi32> to vector<768x128xf32>
    %add3A_113 = arith.constant 1.000000e+00 : f32
    %add3A_114 = vector.broadcast %add3A_113 : f32 to vector<768x128xf32>
    %add3A_115 = arith.addf %floor3A, %add3A_114 : vector<768x128xf32>
    %ge3A_116 = arith.constant 0.000000e+00 : f32
    %ge3A_117 = vector.broadcast %ge3A_116 : f32 to vector<768x128xf32>
    %ge3A_118 = arith.cmpf oge, %add3A_115, %ge3A_117 : vector<768x128xf32>
    %add3A_119 = arith.constant 1.000000e+00 : f32
    %add3A_120 = vector.broadcast %add3A_119 : f32 to vector<768x128xf32>
    %add3A_121 = arith.addf %floor3A, %add3A_120 : vector<768x128xf32>
    %sub3A_122 = arith.constant 1.000000e+00 : f32
    %sub3A_123 = vector.broadcast %sub3A_122 : f32 to vector<1x128xf32>
    %sub3A_124 = arith.subf %get3A_63, %sub3A_123 : vector<1x128xf32>
    %le3A_125 = vector.broadcast %sub3A_124 : vector<1x128xf32> to vector<768x128xf32>
    %le3A_126 = arith.cmpf ole, %add3A_121, %le3A_125 : vector<768x128xf32>
    %and3A_127 = arith.andi %ge3A_118, %le3A_126 : vector<768x128xi1>
    %convert_element_type3A_128 = arith.extui %and3A_127 : vector<768x128xi1> to vector<768x128xi32>
    %convert_element_type3A_129 = arith.sitofp %convert_element_type3A_128 : vector<768x128xi32> to vector<768x128xf32>
    %ge3A_130 = arith.constant 0.000000e+00 : f32
    %ge3A_131 = vector.broadcast %ge3A_130 : f32 to vector<768x128xf32>
    %ge3A_132 = arith.cmpf oge, %floor3A_101, %ge3A_131 : vector<768x128xf32>
    %sub3A_133 = arith.constant 1.000000e+00 : f32
    %sub3A_134 = vector.broadcast %sub3A_133 : f32 to vector<1x128xf32>
    %sub3A_135 = arith.subf %get3A_66, %sub3A_134 : vector<1x128xf32>
    %le3A_136 = vector.broadcast %sub3A_135 : vector<1x128xf32> to vector<768x128xf32>
    %le3A_137 = arith.cmpf ole, %floor3A_101, %le3A_136 : vector<768x128xf32>
    %and3A_138 = arith.andi %ge3A_132, %le3A_137 : vector<768x128xi1>
    %convert_element_type3A_139 = arith.extui %and3A_138 : vector<768x128xi1> to vector<768x128xi32>
    %convert_element_type3A_140 = arith.sitofp %convert_element_type3A_139 : vector<768x128xi32> to vector<768x128xf32>
    %add3A_141 = arith.constant 1.000000e+00 : f32
    %add3A_142 = vector.broadcast %add3A_141 : f32 to vector<768x128xf32>
    %add3A_143 = arith.addf %floor3A_101, %add3A_142 : vector<768x128xf32>
    %ge3A_144 = arith.constant 0.000000e+00 : f32
    %ge3A_145 = vector.broadcast %ge3A_144 : f32 to vector<768x128xf32>
    %ge3A_146 = arith.cmpf oge, %add3A_143, %ge3A_145 : vector<768x128xf32>
    %add3A_147 = arith.constant 1.000000e+00 : f32
    %add3A_148 = vector.broadcast %add3A_147 : f32 to vector<768x128xf32>
    %add3A_149 = arith.addf %floor3A_101, %add3A_148 : vector<768x128xf32>
    %sub3A_150 = arith.constant 1.000000e+00 : f32
    %sub3A_151 = vector.broadcast %sub3A_150 : f32 to vector<1x128xf32>
    %sub3A_152 = arith.subf %get3A_66, %sub3A_151 : vector<1x128xf32>
    %le3A_153 = vector.broadcast %sub3A_152 : vector<1x128xf32> to vector<768x128xf32>
    %le3A_154 = arith.cmpf ole, %add3A_149, %le3A_153 : vector<768x128xf32>
    %and3A_155 = arith.andi %ge3A_146, %le3A_154 : vector<768x128xi1>
    %convert_element_type3A_156 = arith.extui %and3A_155 : vector<768x128xi1> to vector<768x128xi32>
    %convert_element_type3A_157 = arith.sitofp %convert_element_type3A_156 : vector<768x128xi32> to vector<768x128xf32>
    %sub3A_158 = arith.constant 1 : i32
    %sub3A_159 = vector.broadcast %sub3A_158 : i32 to vector<1x128xi32>
    %sub3A_160 = arith.subi %get3A_69, %sub3A_159 : vector<1x128xi32>
    %jit3A = arith.constant 0 : i32
    %max3A = vector.broadcast %jit3A : i32 to vector<768x128xi32>
    %max3A_161 = arith.maxsi %max3A, %convert_element_type3A : vector<768x128xi32>
    %min3A = vector.broadcast %sub3A_160 : vector<1x128xi32> to vector<768x128xi32>
    %min3A_162 = arith.minsi %min3A, %max3A_161 : vector<768x128xi32>
    %add3A_163 = arith.constant 1 : i32
    %add3A_164 = vector.broadcast %add3A_163 : i32 to vector<768x128xi32>
    %add3A_165 = arith.addi %convert_element_type3A, %add3A_164 : vector<768x128xi32>
    %sub3A_166 = arith.constant 1 : i32
    %sub3A_167 = vector.broadcast %sub3A_166 : i32 to vector<1x128xi32>
    %sub3A_168 = arith.subi %get3A_69, %sub3A_167 : vector<1x128xi32>
    %jit3A_169 = arith.constant 0 : i32
    %max3A_170 = vector.broadcast %jit3A_169 : i32 to vector<768x128xi32>
    %max3A_171 = arith.maxsi %max3A_170, %add3A_165 : vector<768x128xi32>
    %min3A_172 = vector.broadcast %sub3A_168 : vector<1x128xi32> to vector<768x128xi32>
    %min3A_173 = arith.minsi %min3A_172, %max3A_171 : vector<768x128xi32>
    %sub3A_174 = arith.constant 1 : i32
    %sub3A_175 = vector.broadcast %sub3A_174 : i32 to vector<1x128xi32>
    %sub3A_176 = arith.subi %get3A_72, %sub3A_175 : vector<1x128xi32>
    %jit3A_177 = arith.constant 0 : i32
    %max3A_178 = vector.broadcast %jit3A_177 : i32 to vector<768x128xi32>
    %max3A_179 = arith.maxsi %max3A_178, %convert_element_type3A_104 : vector<768x128xi32>
    %min3A_180 = vector.broadcast %sub3A_176 : vector<1x128xi32> to vector<768x128xi32>
    %min3A_181 = arith.minsi %min3A_180, %max3A_179 : vector<768x128xi32>
    %add3A_182 = arith.constant 1 : i32
    %add3A_183 = vector.broadcast %add3A_182 : i32 to vector<768x128xi32>
    %add3A_184 = arith.addi %convert_element_type3A_104, %add3A_183 : vector<768x128xi32>
    %sub3A_185 = arith.constant 1 : i32
    %sub3A_186 = vector.broadcast %sub3A_185 : i32 to vector<1x128xi32>
    %sub3A_187 = arith.subi %get3A_72, %sub3A_186 : vector<1x128xi32>
    %jit3A_188 = arith.constant 0 : i32
    %max3A_189 = vector.broadcast %jit3A_188 : i32 to vector<768x128xi32>
    %max3A_190 = arith.maxsi %max3A_189, %add3A_184 : vector<768x128xi32>
    %min3A_191 = vector.broadcast %sub3A_187 : vector<1x128xi32> to vector<768x128xi32>
    %min3A_192 = arith.minsi %min3A_191, %max3A_190 : vector<768x128xi32>
    %mul3A_193 = vector.broadcast %get3A_69 : vector<1x128xi32> to vector<768x128xi32>
    %mul3A_194 = arith.muli %min3A_181, %mul3A_193 : vector<768x128xi32>
    %add3A_195 = vector.broadcast %get3A_75 : vector<1x128xi32> to vector<768x128xi32>
    %add3A_196 = arith.addi %add3A_195, %mul3A_194 : vector<768x128xi32>
    %add3A_197 = arith.addi %add3A_196, %min3A_162 : vector<768x128xi32>
    %mul3A_198 = arith.constant 32 : i32
    %mul3A_199 = vector.broadcast %mul3A_198 : i32 to vector<768x128xi32>
    %mul3A_200 = arith.muli %add3A_197, %mul3A_199 : vector<768x128xi32>
    %mul3A_201 = vector.broadcast %get3A_69 : vector<1x128xi32> to vector<768x128xi32>
    %mul3A_202 = arith.muli %min3A_181, %mul3A_201 : vector<768x128xi32>
    %add3A_203 = vector.broadcast %get3A_75 : vector<1x128xi32> to vector<768x128xi32>
    %add3A_204 = arith.addi %add3A_203, %mul3A_202 : vector<768x128xi32>
    %add3A_205 = arith.addi %add3A_204, %min3A_173 : vector<768x128xi32>
    %mul3A_206 = arith.constant 32 : i32
    %mul3A_207 = vector.broadcast %mul3A_206 : i32 to vector<768x128xi32>
    %mul3A_208 = arith.muli %add3A_205, %mul3A_207 : vector<768x128xi32>
    %mul3A_209 = vector.broadcast %get3A_69 : vector<1x128xi32> to vector<768x128xi32>
    %mul3A_210 = arith.muli %min3A_192, %mul3A_209 : vector<768x128xi32>
    %add3A_211 = vector.broadcast %get3A_75 : vector<1x128xi32> to vector<768x128xi32>
    %add3A_212 = arith.addi %add3A_211, %mul3A_210 : vector<768x128xi32>
    %add3A_213 = arith.addi %add3A_212, %min3A_162 : vector<768x128xi32>
    %mul3A_214 = arith.constant 32 : i32
    %mul3A_215 = vector.broadcast %mul3A_214 : i32 to vector<768x128xi32>
    %mul3A_216 = arith.muli %add3A_213, %mul3A_215 : vector<768x128xi32>
    %mul3A_217 = vector.broadcast %get3A_69 : vector<1x128xi32> to vector<768x128xi32>
    %mul3A_218 = arith.muli %min3A_192, %mul3A_217 : vector<768x128xi32>
    %add3A_219 = vector.broadcast %get3A_75 : vector<1x128xi32> to vector<768x128xi32>
    %add3A_220 = arith.addi %add3A_219, %mul3A_218 : vector<768x128xi32>
    %add3A_221 = arith.addi %add3A_220, %min3A_173 : vector<768x128xi32>
    %mul3A_222 = arith.constant 32 : i32
    %mul3A_223 = vector.broadcast %mul3A_222 : i32 to vector<768x128xi32>
    %mul3A_224 = arith.muli %add3A_221, %mul3A_223 : vector<768x128xi32>
    %sub3A_225 = arith.constant 1.000000e+00 : f32
    %sub3A_226 = vector.broadcast %sub3A_225 : f32 to vector<768x128xf32>
    %sub3A_227 = arith.subf %sub3A_226, %sub3A_102 : vector<768x128xf32>
    %sub3A_228 = arith.constant 1.000000e+00 : f32
    %sub3A_229 = vector.broadcast %sub3A_228 : f32 to vector<768x128xf32>
    %sub3A_230 = arith.subf %sub3A_229, %sub3A_103 : vector<768x128xf32>
    %mul3A_231 = arith.mulf %sub3A_227, %sub3A_230 : vector<768x128xf32>
    %mul3A_232 = arith.mulf %mul3A_231, %convert_element_type3A_112 : vector<768x128xf32>
    %mul3A_233 = arith.mulf %mul3A_232, %convert_element_type3A_140 : vector<768x128xf32>
    %mul3A_234 = arith.mulf %mul3A_233, %reshape3A_57 : vector<768x128xf32>
    %sub3A_235 = arith.constant 1.000000e+00 : f32
    %sub3A_236 = vector.broadcast %sub3A_235 : f32 to vector<768x128xf32>
    %sub3A_237 = arith.subf %sub3A_236, %sub3A_103 : vector<768x128xf32>
    %mul3A_238 = arith.mulf %sub3A_102, %sub3A_237 : vector<768x128xf32>
    %mul3A_239 = arith.mulf %mul3A_238, %convert_element_type3A_129 : vector<768x128xf32>
    %mul3A_240 = arith.mulf %mul3A_239, %convert_element_type3A_140 : vector<768x128xf32>
    %mul3A_241 = arith.mulf %mul3A_240, %reshape3A_57 : vector<768x128xf32>
    %sub3A_242 = arith.constant 1.000000e+00 : f32
    %sub3A_243 = vector.broadcast %sub3A_242 : f32 to vector<768x128xf32>
    %sub3A_244 = arith.subf %sub3A_243, %sub3A_102 : vector<768x128xf32>
    %mul3A_245 = arith.mulf %sub3A_244, %sub3A_103 : vector<768x128xf32>
    %mul3A_246 = arith.mulf %mul3A_245, %convert_element_type3A_112 : vector<768x128xf32>
    %mul3A_247 = arith.mulf %mul3A_246, %convert_element_type3A_157 : vector<768x128xf32>
    %mul3A_248 = arith.mulf %mul3A_247, %reshape3A_57 : vector<768x128xf32>
    %mul3A_249 = arith.mulf %sub3A_102, %sub3A_103 : vector<768x128xf32>
    %mul3A_250 = arith.mulf %mul3A_249, %convert_element_type3A_129 : vector<768x128xf32>
    %mul3A_251 = arith.mulf %mul3A_250, %convert_element_type3A_157 : vector<768x128xf32>
    %mul3A_252 = arith.mulf %mul3A_251, %reshape3A_57 : vector<768x128xf32>
    %swap3A_253 = arith.constant 0 : index
    %swap3A_254 = arith.constant 0 : index
    %swap3A_255 = arith.constant 0 : index
    %swap3A_256 = arith.constant 0 : index
    %swap3A_257 = vector.load %arg17[%swap3A_253, %swap3A_254, %swap3A_255, %swap3A_256] : memref<1x768x4x128xi32, #tpu.memory_space<vmem>>, vector<1x768x1x128xi32>
    %swap3A_258 = vector.shape_cast %swap3A_257 : vector<1x768x1x128xi32> to vector<768x128xi32>
    %swap3A_259 = vector.shape_cast %mul3A_200 : vector<768x128xi32> to vector<1x768x1x128xi32>
    tpu.vector_store %arg17[%swap3A_253, %swap3A_254, %swap3A_255, %swap3A_256], %swap3A_259 {strides = array<i32>} : memref<1x768x4x128xi32, #tpu.memory_space<vmem>>, vector<1x768x1x128xi32>,
    %swap3A_260 = arith.constant 0 : index
    %swap3A_261 = arith.constant 0 : index
    %swap3A_262 = arith.constant 1 : index
    %swap3A_263 = arith.constant 0 : index
    %swap3A_264 = vector.load %arg17[%swap3A_260, %swap3A_261, %swap3A_262, %swap3A_263] : memref<1x768x4x128xi32, #tpu.memory_space<vmem>>, vector<1x768x1x128xi32>
    %swap3A_265 = vector.shape_cast %swap3A_264 : vector<1x768x1x128xi32> to vector<768x128xi32>
    %swap3A_266 = vector.shape_cast %mul3A_208 : vector<768x128xi32> to vector<1x768x1x128xi32>
    tpu.vector_store %arg17[%swap3A_260, %swap3A_261, %swap3A_262, %swap3A_263], %swap3A_266 {strides = array<i32>} : memref<1x768x4x128xi32, #tpu.memory_space<vmem>>, vector<1x768x1x128xi32>,
    %swap3A_267 = arith.constant 0 : index
    %swap3A_268 = arith.constant 0 : index
    %swap3A_269 = arith.constant 2 : index
    %swap3A_270 = arith.constant 0 : index
    %swap3A_271 = vector.load %arg17[%swap3A_267, %swap3A_268, %swap3A_269, %swap3A_270] : memref<1x768x4x128xi32, #tpu.memory_space<vmem>>, vector<1x768x1x128xi32>
    %swap3A_272 = vector.shape_cast %swap3A_271 : vector<1x768x1x128xi32> to vector<768x128xi32>
    %swap3A_273 = vector.shape_cast %mul3A_216 : vector<768x128xi32> to vector<1x768x1x128xi32>
    tpu.vector_store %arg17[%swap3A_267, %swap3A_268, %swap3A_269, %swap3A_270], %swap3A_273 {strides = array<i32>} : memref<1x768x4x128xi32, #tpu.memory_space<vmem>>, vector<1x768x1x128xi32>,
    %swap3A_274 = arith.constant 0 : index
    %swap3A_275 = arith.constant 0 : index
    %swap3A_276 = arith.constant 3 : index
    %swap3A_277 = arith.constant 0 : index
    %swap3A_278 = vector.load %arg17[%swap3A_274, %swap3A_275, %swap3A_276, %swap3A_277] : memref<1x768x4x128xi32, #tpu.memory_space<vmem>>, vector<1x768x1x128xi32>
    %swap3A_279 = vector.shape_cast %swap3A_278 : vector<1x768x1x128xi32> to vector<768x128xi32>
    %swap3A_280 = vector.shape_cast %mul3A_224 : vector<768x128xi32> to vector<1x768x1x128xi32>
    tpu.vector_store %arg17[%swap3A_274, %swap3A_275, %swap3A_276, %swap3A_277], %swap3A_280 {strides = array<i32>} : memref<1x768x4x128xi32, #tpu.memory_space<vmem>>, vector<1x768x1x128xi32>,
    %swap3A_281 = arith.constant 0 : index
    %swap3A_282 = arith.constant 0 : index
    %swap3A_283 = arith.constant 0 : index
    %swap3A_284 = arith.constant 0 : index
    %swap3A_285 = vector.load %arg18[%swap3A_281, %swap3A_282, %swap3A_283, %swap3A_284] : memref<1x768x4x128xf32, #tpu.memory_space<vmem>>, vector<1x768x1x128xf32>
    %swap3A_286 = vector.shape_cast %swap3A_285 : vector<1x768x1x128xf32> to vector<768x128xf32>
    %swap3A_287 = vector.shape_cast %mul3A_234 : vector<768x128xf32> to vector<1x768x1x128xf32>
    tpu.vector_store %arg18[%swap3A_281, %swap3A_282, %swap3A_283, %swap3A_284], %swap3A_287 {strides = array<i32>} : memref<1x768x4x128xf32, #tpu.memory_space<vmem>>, vector<1x768x1x128xf32>,
    %swap3A_288 = arith.constant 0 : index
    %swap3A_289 = arith.constant 0 : index
    %swap3A_290 = arith.constant 1 : index
    %swap3A_291 = arith.constant 0 : index
    %swap3A_292 = vector.load %arg18[%swap3A_288, %swap3A_289, %swap3A_290, %swap3A_291] : memref<1x768x4x128xf32, #tpu.memory_space<vmem>>, vector<1x768x1x128xf32>
    %swap3A_293 = vector.shape_cast %swap3A_292 : vector<1x768x1x128xf32> to vector<768x128xf32>
    %swap3A_294 = vector.shape_cast %mul3A_241 : vector<768x128xf32> to vector<1x768x1x128xf32>
    tpu.vector_store %arg18[%swap3A_288, %swap3A_289, %swap3A_290, %swap3A_291], %swap3A_294 {strides = array<i32>} : memref<1x768x4x128xf32, #tpu.memory_space<vmem>>, vector<1x768x1x128xf32>,
    %swap3A_295 = arith.constant 0 : index
    %swap3A_296 = arith.constant 0 : index
    %swap3A_297 = arith.constant 2 : index
    %swap3A_298 = arith.constant 0 : index
    %swap3A_299 = vector.load %arg18[%swap3A_295, %swap3A_296, %swap3A_297, %swap3A_298] : memref<1x768x4x128xf32, #tpu.memory_space<vmem>>, vector<1x768x1x128xf32>
    %swap3A_300 = vector.shape_cast %swap3A_299 : vector<1x768x1x128xf32> to vector<768x128xf32>
    %swap3A_301 = vector.shape_cast %mul3A_248 : vector<768x128xf32> to vector<1x768x1x128xf32>
    tpu.vector_store %arg18[%swap3A_295, %swap3A_296, %swap3A_297, %swap3A_298], %swap3A_301 {strides = array<i32>} : memref<1x768x4x128xf32, #tpu.memory_space<vmem>>, vector<1x768x1x128xf32>,
    %swap3A_302 = arith.constant 0 : index
    %swap3A_303 = arith.constant 0 : index
    %swap3A_304 = arith.constant 3 : index
    %swap3A_305 = arith.constant 0 : index
    %swap3A_306 = vector.load %arg18[%swap3A_302, %swap3A_303, %swap3A_304, %swap3A_305] : memref<1x768x4x128xf32, #tpu.memory_space<vmem>>, vector<1x768x1x128xf32>
    %swap3A_307 = vector.shape_cast %swap3A_306 : vector<1x768x1x128xf32> to vector<768x128xf32>
    %swap3A_308 = vector.shape_cast %mul3A_252 : vector<768x128xf32> to vector<1x768x1x128xf32>
    tpu.vector_store %arg18[%swap3A_302, %swap3A_303, %swap3A_304, %swap3A_305], %swap3A_308 {strides = array<i32>} : memref<1x768x4x128xf32, #tpu.memory_space<vmem>>, vector<1x768x1x128xf32>,
    return
  }
  func.func @transform_0(%arg0: i32, %arg1: i32) -> (i32, i32, i32) {
    %c0_i32 = arith.constant 0 : i32
    %c0_i32_0 = arith.constant 0 : i32
    return %arg0, %arg1, %c0_i32 : i32, i32, i32
  }
  func.func @transform_1(%arg0: i32, %arg1: i32) -> (i32, i32, i32) {
    %c0_i32 = arith.constant 0 : i32
    %c0_i32_0 = arith.constant 0 : i32
    return %arg0, %arg1, %c0_i32 : i32, i32, i32
  }
  func.func @transform_2(%arg0: i32, %arg1: i32) -> (i32, i32, i32) {
    %c0_i32 = arith.constant 0 : i32
    %c0_i32_0 = arith.constant 0 : i32
    return %arg0, %arg1, %c0_i32 : i32, i32, i32
  }
  func.func @transform_3(%arg0: i32, %arg1: i32) -> (i32, i32, i32) {
    %c0_i32 = arith.constant 0 : i32
    %c0_i32_0 = arith.constant 0 : i32
    return %arg0, %arg1, %c0_i32 : i32, i32, i32
  }
  func.func @transform_4(%arg0: i32, %arg1: i32) -> (i32, i32) {
    %c0_i32 = arith.constant 0 : i32
    %c0_i32_0 = arith.constant 0 : i32
    %c0_i32_1 = arith.constant 0 : i32
    return %c0_i32, %c0_i32_0 : i32, i32
  }
  func.func @transform_5(%arg0: i32, %arg1: i32) -> (i32, i32) {
    %c0_i32 = arith.constant 0 : i32
    %c0_i32_0 = arith.constant 0 : i32
    %c0_i32_1 = arith.constant 0 : i32
    return %c0_i32, %c0_i32_0 : i32, i32
  }
  func.func @transform_6(%arg0: i32, %arg1: i32) -> (i32, i32) {
    %c0_i32 = arith.constant 0 : i32
    %c0_i32_0 = arith.constant 0 : i32
    %c0_i32_1 = arith.constant 0 : i32
    return %c0_i32, %c0_i32_0 : i32, i32
  }
  func.func @transform_7(%arg0: i32, %arg1: i32) -> (i32, i32) {
    %c0_i32 = arith.constant 0 : i32
    %c0_i32_0 = arith.constant 0 : i32
    %c0_i32_1 = arith.constant 0 : i32
    return %c0_i32, %c0_i32_0 : i32, i32
  }
  func.func @transform_8(%arg0: i32, %arg1: i32) -> (i32, i32) {
    %c0_i32 = arith.constant 0 : i32
    %c0_i32_0 = arith.constant 0 : i32
    %c0_i32_1 = arith.constant 0 : i32
    return %c0_i32, %c0_i32_0 : i32, i32
  }
  func.func @transform_9(%arg0: i32, %arg1: i32) -> (i32, i32) {
    %c0_i32 = arith.constant 0 : i32
    %c0_i32_0 = arith.constant 0 : i32
    %c0_i32_1 = arith.constant 0 : i32
    return %c0_i32, %c0_i32_0 : i32, i32
  }
  func.func @transform_10(%arg0: i32, %arg1: i32) -> (i32, i32) {
    %c0_i32 = arith.constant 0 : i32
    %c0_i32_0 = arith.constant 0 : i32
    %c0_i32_1 = arith.constant 0 : i32
    return %c0_i32, %c0_i32_0 : i32, i32
  }
  func.func @transform_11(%arg0: i32, %arg1: i32) -> (i32, i32) {
    %c0_i32 = arith.constant 0 : i32
    %c0_i32_0 = arith.constant 0 : i32
    %c0_i32_1 = arith.constant 0 : i32
    return %c0_i32, %c0_i32_0 : i32, i32
  }
  func.func @transform_12(%arg0: i32, %arg1: i32) -> (i32, i32) {
    %c0_i32 = arith.constant 0 : i32
    %c0_i32_0 = arith.constant 0 : i32
    %c0_i32_1 = arith.constant 0 : i32
    return %c0_i32, %c0_i32_0 : i32, i32
  }
  func.func @transform_13(%arg0: i32, %arg1: i32) -> (i32, i32) {
    %c0_i32 = arith.constant 0 : i32
    %c0_i32_0 = arith.constant 0 : i32
    %c0_i32_1 = arith.constant 0 : i32
    return %c0_i32, %c0_i32_0 : i32, i32
  }
  func.func @transform_14(%arg0: i32, %arg1: i32) -> (i32, i32, i32) {
    %c0_i32 = arith.constant 0 : i32
    %c0_i32_0 = arith.constant 0 : i32
    return %arg0, %arg1, %c0_i32 : i32, i32, i32
  }
  func.func @transform_15(%arg0: i32, %arg1: i32) -> (i32, i32, i32, i32) {
    %c0_i32 = arith.constant 0 : i32
    %c0_i32_0 = arith.constant 0 : i32
    %c0_i32_1 = arith.constant 0 : i32
    return %arg0, %arg1, %c0_i32, %c0_i32_0 : i32, i32, i32, i32
  }
  func.func @transform_16(%arg0: i32, %arg1: i32) -> (i32, i32, i32, i32) {
    %c0_i32 = arith.constant 0 : i32
    %c0_i32_0 = arith.constant 0 : i32
    %c0_i32_1 = arith.constant 0 : i32
    return %arg0, %arg1, %c0_i32, %c0_i32_0 : i32, i32, i32, i32
  }
}

module attributes {stable_mosaic.version = 14 : i64} {
  func.func @_out_body(%arg0: i32, %arg1: i32, %arg2: memref<1x8x768x32xf32, #tpu.memory_space<vmem>>, %arg3: memref<256x256xf32, #tpu.memory_space<vmem>>, %arg4: memref<1x256xf32, #tpu.memory_space<vmem>>, %arg5: memref<1x768x256xf32, #tpu.memory_space<vmem>>) attributes {dimension_semantics = [#tpu.dimension_semantics<arbitrary>, #tpu.dimension_semantics<arbitrary>], iteration_bounds = array<i64: 4, 4>, scalar_prefetch = 0 : i64, scratch_operands = 0 : i64, tpu.core_type = #tpu.core_type<tc>, window_params = [{transform_indices = @transform_0, window_bounds = array<i64: 1, 8, 768, 32>}, {pipeline_mode = #tpu.pipeline_mode<synchronous>, transform_indices = @transform_1, window_bounds = array<i64: 256, 256>}, {pipeline_mode = #tpu.pipeline_mode<synchronous>, transform_indices = @transform_2, window_bounds = array<i64: 1, 256>}, {transform_indices = @transform_3, window_bounds = array<i64: 1, 768, 256>}]} {
    %get3A = arith.constant 0 : index
    %get3A_0 = arith.constant 0 : index
    %get3A_1 = arith.constant 0 : index
    %get3A_2 = arith.constant 0 : index
    %get3A_3 = vector.load %arg2[%get3A, %get3A_0, %get3A_1, %get3A_2] : memref<1x8x768x32xf32, #tpu.memory_space<vmem>>, vector<1x8x768x32xf32>
    %get3A_4 = vector.shape_cast %get3A_3 : vector<1x8x768x32xf32> to vector<8x768x32xf32>
    %get3A_5 = arith.constant 0 : index
    %get3A_6 = arith.constant 0 : index
    %get3A_7 = vector.load %arg4[%get3A_5, %get3A_6] : memref<1x256xf32, #tpu.memory_space<vmem>>, vector<1x256xf32>
    %get3A_8 = arith.constant 0 : index
    %get3A_9 = arith.constant 0 : index
    %get3A_10 = vector.load %arg3[%get3A_8, %get3A_9] : memref<256x256xf32, #tpu.memory_space<vmem>>, vector<256x256xf32>
    %slice3A = vector.extract_strided_slice %get3A_10 {offsets = [0, 0], sizes = [256, 32], strides = [1, 1]} : vector<256x256xf32> to vector<256x32xf32>
    %slice3A_11 = vector.extract_strided_slice %get3A_4 {offsets = [0, 0, 0], sizes = [1, 768, 32], strides = [1, 1, 1]} : vector<8x768x32xf32> to vector<1x768x32xf32>
    %squeeze3A = vector.shape_cast %slice3A_11 : vector<1x768x32xf32> to vector<768x32xf32>
    %dot_general3A = arith.constant dense<0.000000e+00> : vector<768x256xf32>
    %dot_general3A_12 = tpu.matmul %squeeze3A, %slice3A, %dot_general3A {dimension_numbers = #tpu.dot_dimension_numbers<[1], [1], [0], [0], [0, 0, 1, 0], [], []>, precision = #tpu.contract_precision<fp32>, transpose_lhs_hint = false} : vector<768x32xf32>, vector<256x32xf32>, vector<768x256xf32> -> vector<768x256xf32>
    %slice3A_13 = vector.extract_strided_slice %get3A_10 {offsets = [0, 32], sizes = [256, 32], strides = [1, 1]} : vector<256x256xf32> to vector<256x32xf32>
    %slice3A_14 = vector.extract_strided_slice %get3A_4 {offsets = [1, 0, 0], sizes = [1, 768, 32], strides = [1, 1, 1]} : vector<8x768x32xf32> to vector<1x768x32xf32>
    %squeeze3A_15 = vector.shape_cast %slice3A_14 : vector<1x768x32xf32> to vector<768x32xf32>
    %dot_general3A_16 = arith.constant dense<0.000000e+00> : vector<768x256xf32>
    %dot_general3A_17 = tpu.matmul %squeeze3A_15, %slice3A_13, %dot_general3A_16 {dimension_numbers = #tpu.dot_dimension_numbers<[1], [1], [0], [0], [0, 0, 1, 0], [], []>, precision = #tpu.contract_precision<fp32>, transpose_lhs_hint = false} : vector<768x32xf32>, vector<256x32xf32>, vector<768x256xf32> -> vector<768x256xf32>
    %slice3A_18 = vector.extract_strided_slice %get3A_10 {offsets = [0, 64], sizes = [256, 32], strides = [1, 1]} : vector<256x256xf32> to vector<256x32xf32>
    %slice3A_19 = vector.extract_strided_slice %get3A_4 {offsets = [2, 0, 0], sizes = [1, 768, 32], strides = [1, 1, 1]} : vector<8x768x32xf32> to vector<1x768x32xf32>
    %squeeze3A_20 = vector.shape_cast %slice3A_19 : vector<1x768x32xf32> to vector<768x32xf32>
    %dot_general3A_21 = arith.constant dense<0.000000e+00> : vector<768x256xf32>
    %dot_general3A_22 = tpu.matmul %squeeze3A_20, %slice3A_18, %dot_general3A_21 {dimension_numbers = #tpu.dot_dimension_numbers<[1], [1], [0], [0], [0, 0, 1, 0], [], []>, precision = #tpu.contract_precision<fp32>, transpose_lhs_hint = false} : vector<768x32xf32>, vector<256x32xf32>, vector<768x256xf32> -> vector<768x256xf32>
    %slice3A_23 = vector.extract_strided_slice %get3A_10 {offsets = [0, 96], sizes = [256, 32], strides = [1, 1]} : vector<256x256xf32> to vector<256x32xf32>
    %slice3A_24 = vector.extract_strided_slice %get3A_4 {offsets = [3, 0, 0], sizes = [1, 768, 32], strides = [1, 1, 1]} : vector<8x768x32xf32> to vector<1x768x32xf32>
    %squeeze3A_25 = vector.shape_cast %slice3A_24 : vector<1x768x32xf32> to vector<768x32xf32>
    %dot_general3A_26 = arith.constant dense<0.000000e+00> : vector<768x256xf32>
    %dot_general3A_27 = tpu.matmul %squeeze3A_25, %slice3A_23, %dot_general3A_26 {dimension_numbers = #tpu.dot_dimension_numbers<[1], [1], [0], [0], [0, 0, 1, 0], [], []>, precision = #tpu.contract_precision<fp32>, transpose_lhs_hint = false} : vector<768x32xf32>, vector<256x32xf32>, vector<768x256xf32> -> vector<768x256xf32>
    %slice3A_28 = vector.extract_strided_slice %get3A_10 {offsets = [0, 128], sizes = [256, 32], strides = [1, 1]} : vector<256x256xf32> to vector<256x32xf32>
    %slice3A_29 = vector.extract_strided_slice %get3A_4 {offsets = [4, 0, 0], sizes = [1, 768, 32], strides = [1, 1, 1]} : vector<8x768x32xf32> to vector<1x768x32xf32>
    %squeeze3A_30 = vector.shape_cast %slice3A_29 : vector<1x768x32xf32> to vector<768x32xf32>
    %dot_general3A_31 = arith.constant dense<0.000000e+00> : vector<768x256xf32>
    %dot_general3A_32 = tpu.matmul %squeeze3A_30, %slice3A_28, %dot_general3A_31 {dimension_numbers = #tpu.dot_dimension_numbers<[1], [1], [0], [0], [0, 0, 1, 0], [], []>, precision = #tpu.contract_precision<fp32>, transpose_lhs_hint = false} : vector<768x32xf32>, vector<256x32xf32>, vector<768x256xf32> -> vector<768x256xf32>
    %slice3A_33 = vector.extract_strided_slice %get3A_10 {offsets = [0, 160], sizes = [256, 32], strides = [1, 1]} : vector<256x256xf32> to vector<256x32xf32>
    %slice3A_34 = vector.extract_strided_slice %get3A_4 {offsets = [5, 0, 0], sizes = [1, 768, 32], strides = [1, 1, 1]} : vector<8x768x32xf32> to vector<1x768x32xf32>
    %squeeze3A_35 = vector.shape_cast %slice3A_34 : vector<1x768x32xf32> to vector<768x32xf32>
    %dot_general3A_36 = arith.constant dense<0.000000e+00> : vector<768x256xf32>
    %dot_general3A_37 = tpu.matmul %squeeze3A_35, %slice3A_33, %dot_general3A_36 {dimension_numbers = #tpu.dot_dimension_numbers<[1], [1], [0], [0], [0, 0, 1, 0], [], []>, precision = #tpu.contract_precision<fp32>, transpose_lhs_hint = false} : vector<768x32xf32>, vector<256x32xf32>, vector<768x256xf32> -> vector<768x256xf32>
    %slice3A_38 = vector.extract_strided_slice %get3A_10 {offsets = [0, 192], sizes = [256, 32], strides = [1, 1]} : vector<256x256xf32> to vector<256x32xf32>
    %slice3A_39 = vector.extract_strided_slice %get3A_4 {offsets = [6, 0, 0], sizes = [1, 768, 32], strides = [1, 1, 1]} : vector<8x768x32xf32> to vector<1x768x32xf32>
    %squeeze3A_40 = vector.shape_cast %slice3A_39 : vector<1x768x32xf32> to vector<768x32xf32>
    %dot_general3A_41 = arith.constant dense<0.000000e+00> : vector<768x256xf32>
    %dot_general3A_42 = tpu.matmul %squeeze3A_40, %slice3A_38, %dot_general3A_41 {dimension_numbers = #tpu.dot_dimension_numbers<[1], [1], [0], [0], [0, 0, 1, 0], [], []>, precision = #tpu.contract_precision<fp32>, transpose_lhs_hint = false} : vector<768x32xf32>, vector<256x32xf32>, vector<768x256xf32> -> vector<768x256xf32>
    %slice3A_43 = vector.extract_strided_slice %get3A_10 {offsets = [0, 224], sizes = [256, 32], strides = [1, 1]} : vector<256x256xf32> to vector<256x32xf32>
    %slice3A_44 = vector.extract_strided_slice %get3A_4 {offsets = [7, 0, 0], sizes = [1, 768, 32], strides = [1, 1, 1]} : vector<8x768x32xf32> to vector<1x768x32xf32>
    %squeeze3A_45 = vector.shape_cast %slice3A_44 : vector<1x768x32xf32> to vector<768x32xf32>
    %dot_general3A_46 = arith.constant dense<0.000000e+00> : vector<768x256xf32>
    %dot_general3A_47 = tpu.matmul %squeeze3A_45, %slice3A_43, %dot_general3A_46 {dimension_numbers = #tpu.dot_dimension_numbers<[1], [1], [0], [0], [0, 0, 1, 0], [], []>, precision = #tpu.contract_precision<fp32>, transpose_lhs_hint = false} : vector<768x32xf32>, vector<256x32xf32>, vector<768x256xf32> -> vector<768x256xf32>
    %add3A = arith.addf %dot_general3A_12, %dot_general3A_17 : vector<768x256xf32>
    %add3A_48 = arith.addf %dot_general3A_22, %dot_general3A_27 : vector<768x256xf32>
    %add3A_49 = arith.addf %add3A, %add3A_48 : vector<768x256xf32>
    %add3A_50 = arith.addf %dot_general3A_32, %dot_general3A_37 : vector<768x256xf32>
    %add3A_51 = arith.addf %add3A_49, %add3A_50 : vector<768x256xf32>
    %add3A_52 = arith.addf %dot_general3A_42, %dot_general3A_47 : vector<768x256xf32>
    %add3A_53 = arith.addf %add3A_51, %add3A_52 : vector<768x256xf32>
    %add3A_54 = vector.broadcast %get3A_7 : vector<1x256xf32> to vector<768x256xf32>
    %add3A_55 = arith.addf %add3A_53, %add3A_54 : vector<768x256xf32>
    %swap3A = arith.constant 0 : index
    %swap3A_56 = arith.constant 0 : index
    %swap3A_57 = arith.constant 0 : index
    %swap3A_58 = vector.load %arg5[%swap3A, %swap3A_56, %swap3A_57] : memref<1x768x256xf32, #tpu.memory_space<vmem>>, vector<1x768x256xf32>
    %swap3A_59 = vector.shape_cast %swap3A_58 : vector<1x768x256xf32> to vector<768x256xf32>
    %swap3A_60 = vector.shape_cast %add3A_55 : vector<768x256xf32> to vector<1x768x256xf32>
    tpu.vector_store %arg5[%swap3A, %swap3A_56, %swap3A_57], %swap3A_60 {strides = array<i32>} : memref<1x768x256xf32, #tpu.memory_space<vmem>>, vector<1x768x256xf32>,
    return
  }
  func.func @transform_0(%arg0: i32, %arg1: i32) -> (i32, i32, i32, i32) {
    %c0_i32 = arith.constant 0 : i32
    %c0_i32_0 = arith.constant 0 : i32
    %c0_i32_1 = arith.constant 0 : i32
    return %arg0, %c0_i32, %arg1, %c0_i32_0 : i32, i32, i32, i32
  }
  func.func @transform_1(%arg0: i32, %arg1: i32) -> (i32, i32) {
    %c0_i32 = arith.constant 0 : i32
    %c0_i32_0 = arith.constant 0 : i32
    %c0_i32_1 = arith.constant 0 : i32
    return %c0_i32, %c0_i32_0 : i32, i32
  }
  func.func @transform_2(%arg0: i32, %arg1: i32) -> (i32, i32) {
    %c0_i32 = arith.constant 0 : i32
    %c0_i32_0 = arith.constant 0 : i32
    %c0_i32_1 = arith.constant 0 : i32
    return %c0_i32, %c0_i32_0 : i32, i32
  }
  func.func @transform_3(%arg0: i32, %arg1: i32) -> (i32, i32, i32) {
    %c0_i32 = arith.constant 0 : i32
    %c0_i32_0 = arith.constant 0 : i32
    return %arg0, %arg1, %c0_i32 : i32, i32, i32
  }
}

</mosaic_0001>

<sc_bundles>
// kernel: kernel.5.cloned.1.call-start
scs
__scs_entry_jumppad:
0x0: {  	(pc) =	sbr.rel $0x88, $3  }
0x1: {  	(tag) =	ssettag $0x0;
	lr =	simm.s32 $0x1  }
0x2: {  	[smem:$0x3F96] =	sst lr;
	_ =	strace $0xD0000000  }
0x3: {  	_ = 	snop  }
0x4: {  	_ = 	snop  }
0x5: {  	_ = 	snop  }
0x6: {  	_ = 	snop  }
0x7: {  	_ = 	snop  }
__scs_overlays_trampoline_lowered:
0x8: {  	[smem:$0x3FA5] =	sst s0  }
0x9: {  	[smem:$0x3FA6] =	sst s1  }
0xa: {  	[smem:$0x3FA7] =	sst s2  }
0xb: {  	[smem:$0x3FA8] =	sst s3  }
0xc: {  	[smem:$0x3FA9] =	sst s4  }
0xd: {  	[smem:$0x3FAA] =	sst s5  }
0xe: {  	[smem:$0x3FAB] =	sst s6  }
0xf: {  	[smem:$0x3FAC] =	sst s7  }
0x10: {  	[smem:$0x3FAD] =	sst s8  }
0x11: {  	[smem:$0x3FAE] =	sst s9;
	s0 =	simm.s32 @!p0 $0x0  }
0x12: {  	s1 =	sld [smem:$0x3F94];
	s0 =	simm.s32 @p0 $0x1  }
0x13: {  	[smem:$0x3FAF] =	sst s0;
	s0 =	simm.s32 @!p1 $0x0  }
0x14: {  	s2 =	sld [smem:$0x3F93];
	s0 =	simm.s32 @p1 $0x1  }
0x15: {  	[smem:$0x3FB0] =	sst s0;
	s0 =	simm.s32 @!p2 $0x0  }
0x16: {  	s3 =	sld [smem:$0x3FDB];
	s0 =	simm.s32 @p2 $0x1  }
0x17: {  	s4 =	simm.s32 $0x1BF5;
	[smem:$0x3FB2] =	sst s0  }
0x18: {  	s0 =	sld [smem:$0x3F95];
	_ =	swait.ge [sflag:s4], $0x0  }
0x19: {  	s7 =	sld [smem:$0x3F96]  }
0x1a: {  	s8 =	sadd.s32 $0xFFFFE003, lr  }
0x1b: {  	s9 =	sadd.s32 $0xFFFFFEF7, lr;
	s5 =	simm.s32 $0xFFFFFFFF;
	p2 =	slt.u32 s8, $0xFFFFF086  }
0x1c: {  	p1 =	slt.u32 s9, $0xF7A;
	s5 =	simm.s32 @!p2 $0x0  }
0x1d: {  	s5 =	simm.s32 @p1 $0x1;
	p0 =	seq.s32 s7, s2  }
0x1e: {  	s7 =	smul.u32 @!p0 $0xF7A, s2;
	p2 =	seq.s32 @!p0 s5, $0x0  }
0x1f: {  	s9 =	smul.u32 $0xF7A, s1;
	s8 =	simm.s32 @!p0 $0x1BF5;
	p2 =	por !p2, p0  }
0x20: {  	[sflag:s8] =	ssyncset.s32 @!p0 $0xFFFFF086;
	s6 =	sadd.s32 @!p0 s3, s7;
	s7 =	simm.s32 @!p0 $0x108  }
0x21: {  	s3 =	sadd.s32 s3, s9;
	s6 =	sadd.s32 @!p0 $0x88, s6;
	s7 =	simm.s32 @p2 $0x1082  }
0x22: {  	[simem:s7], [sflag:s8] =	dma.local @!p0 [hbm:s6], $0xF7A  }
0x23: {  	s9 =	sor.u32 $0xD0000000, s2;
	s6 =	simm.s32 $0x108;
	_ =	swait.ge @!p0 [sflag:s8], $0x0  }
0x24: {  	s3 =	sadd.s32 $0x88, s3;
	s6 =	simm.s32 @!p1 $0x1082;
	[sflag:s4] =	ssyncset.s32 $0xFFFFF086  }
0x25: {  	[simem:s6], [sflag:s4] =	dma.local [hbm:s3], $0xF7A  }
0x26: {  	[smem:$0x3F96] =	sst s1;
	(tag) =	ssettag s2;
	_ =	strace s9  }
0x27: {  	s1 =	sld [smem:$0x3FA6]  }
0x28: {  	s2 =	sld [smem:$0x3FA7]  }
0x29: {  	s4 =	sld [smem:$0x3FA9]  }
0x2a: {  	p0 =	seq.s32 s5, $0x0;
	s5 =	sld [smem:$0x3FAA]  }
0x2b: {  	s6 =	sld [smem:$0x3FAB]  }
0x2c: {  	s7 =	sld [smem:$0x3FAC]  }
0x2d: {  	s3 =	simm.s32 $0x108;
	s8 =	sld [smem:$0x3FAD]  }
0x2e: {  	s3 =	simm.s32 @!p0 $0x1082;
	s9 =	sld [smem:$0x3FAE]  }
0x2f: {  	lr =	sadd.s32 s0, s3;
	s0 =	sld [smem:$0x3FA5]  }
0x30: {  	s3 =	sld [smem:$0x3FA8]  }
0x31: {  	[smem:$0x3FB1] =	sst s10  }
0x32: {  	s10 =	sld [smem:$0x3FAF];
	_ =	sdelay $0x3  }
0x33: {  	p0 =	seq.s32 s10, $0x1;
	s10 =	sld [smem:$0x3FB1];
	_ =	sdelay $0x3  }
0x34: {  	[smem:$0x3FB1] =	sst s10  }
0x35: {  	s10 =	sld [smem:$0x3FB0];
	_ =	sdelay $0x3  }
0x36: {  	p1 =	seq.s32 s10, $0x1;
	s10 =	sld [smem:$0x3FB1];
	_ =	sdelay $0x3  }
0x37: {  	[smem:$0x3FB1] =	sst s10  }
0x38: {  	s10 =	sld [smem:$0x3FB2]  }
0x39: {  	_ = 	snop;
	(pc) =	sbr.ind lr, $3  }
0x3a: {  	_ = 	snop  }
0x3b: {  	_ = 	snop  }
0x3c: {  	p2 =	seq.s32 s10, $0x1;
	s10 =	sld [smem:$0x3FB1]  }
0x3d: {  	_ =	shalt  }
0x3e: {  	_ =	shalt  }
0x3f: {  	_ =	shalt  }
0x40: {  	_ =	shalt  }
0x41: {  	_ =	shalt  }
0x42: {  	_ =	shalt  }
0x43: {  	_ =	shalt  }
0x44: {  	_ =	shalt  }
0x45: {  	_ =	shalt  }
0x46: {  	_ =	shalt  }
0x47: {  	_ =	shalt  }
0x48: {  	_ =	shalt  }
0x49: {  	_ =	shalt  }
0x4a: {  	_ =	shalt  }
0x4b: {  	_ =	shalt  }
0x4c: {  	_ =	shalt  }
0x4d: {  	_ =	shalt  }
0x4e: {  	_ =	shalt  }
0x4f: {  	_ =	shalt  }
0x50: {  	_ =	shalt  }
0x51: {  	_ =	shalt  }
0x52: {  	_ =	shalt  }
0x53: {  	_ =	shalt  }
0x54: {  	_ =	shalt  }
0x55: {  	_ =	shalt  }
0x56: {  	_ =	shalt  }
0x57: {  	_ =	shalt  }
0x58: {  	_ =	shalt  }
0x59: {  	_ =	shalt  }
0x5a: {  	_ =	shalt  }
0x5b: {  	_ =	shalt  }
0x5c: {  	_ =	shalt  }
0x5d: {  	_ =	shalt  }
0x5e: {  	_ =	shalt  }
0x5f: {  	_ =	shalt  }
0x60: {  	_ =	shalt  }
0x61: {  	_ =	shalt  }
0x62: {  	_ =	shalt  }
0x63: {  	_ =	shalt  }
0x64: {  	_ =	shalt  }
0x65: {  	_ =	shalt  }
0x66: {  	_ =	shalt  }
0x67: {  	_ =	shalt  }
0x68: {  	_ =	shalt  }
0x69: {  	_ =	shalt  }
0x6a: {  	_ =	shalt  }
0x6b: {  	_ =	shalt  }
0x6c: {  	_ =	shalt  }
0x6d: {  	_ =	shalt  }
0x6e: {  	_ =	shalt  }
0x6f: {  	_ =	shalt  }
0x70: {  	_ =	shalt  }
0x71: {  	_ =	shalt  }
0x72: {  	_ =	shalt  }
0x73: {  	_ =	shalt  }
0x74: {  	_ =	shalt  }
0x75: {  	_ =	shalt  }
0x76: {  	_ =	shalt  }
0x77: {  	_ =	shalt  }
0x78: {  	_ =	shalt  }
0x79: {  	_ =	shalt  }
0x7a: {  	_ =	shalt  }
0x7b: {  	_ =	shalt  }
0x7c: {  	_ =	shalt  }
0x7d: {  	_ =	shalt  }
0x7e: {  	_ =	shalt  }
0x7f: {  	_ =	shalt  }
0x80: {  	_ =	shalt  }
0x81: {  	_ =	shalt  }
0x82: {  	_ =	shalt  }
0x83: {  	_ =	shalt  }
0x84: {  	_ =	shalt  }
0x85: {  	_ =	shalt  }
0x86: {  	_ =	shalt  }
0x87: {  	_ =	shalt  }
.Lfunc_end0:
.L_simem_size_0:
called_computation_lowered:
.L_overlay_start_0:
0x88: {  	s2 =	sld [smem:$0x3FD9]  }
0x89: {  	s3 =	sld [smem:$0x3FFE];
	_ =	sdelay $0x1  }
0x8a: {  	s1 =	srdreg.scid  }
0x8b: {  	s0 =	sand.u32 $0x1, s1  }
0x8c: {  	s16 =	sshll.u32 s0, $0xA;
	s2 =	sadd.s32 s3, s2  }
0x8d: {  	s2 =	sadd.s32 s2, s16  }
0x8e: {  	[smem:$0x3FBD] =	sst s2  }
0x8f: {  	_ = 	snop  }
0x90: {  	(tm) =	ssettm $0x1  }
0x91: {  	s17 =	sld [smem:$0x3FFB];
	_ =	sdelay $0x3  }
0x92: {  	_ =	strace s17  }
0x93: {  	s2 =	sld [smem:$0x3FFC];
	_ =	sdelay $0x3  }
0x94: {  	_ =	strace s2  }
0x95: {  	s2 =	sld [smem:$0x3FFD];
	_ =	sdelay $0x3  }
0x96: {  	_ =	strace s2  }
0x97: {  	_ =	strace $0x8FFFFFFF  }
0x98: {  	s18 =	sld [smem:$0x3FDB];
	_ =	sdelay $0x1  }
0x99: {  	s19 =	simm.s32 $_scs_section_size  }
0x9a: {  	s4 =	simm.s32 $_size__tile_overlayer_lowered;
	s5 =	simm.s32 $_tile_overlayer_lowered  }
0x9b: {  	s22 =	simm.s32 $0x1BFF;
	s21 =	sshll.u32 s5, $0x1;
	s2 =	sadd.s32 s19, s18  }
0x9c: {  	s6 =	simm.s32 $0x0;
	s20 =	sshll.u32 s4, $0x1;
	s4 =	sadd.s32 s21, s2  }
0x9d: {  	[timem:s6], [sflag:s22] =	dma.local [hbm:s4], s20  }
0x9e: {  	_ =	swait.ge [sflag:s22], s20  }
0x9f: {  	s3 =	ssub.s32 $0x0, s20;
	[sflag:s22] =	ssyncset.done $0x0  }
0xa0: {  	[sflag:s22] =	ssyncadd.s32 s3;
	_ =	sdelay $0x1  }
0xa1: {  	s23 =	simm.s32 $0x1B8B  }
0xa2: {  	_ =	swait.ge [sflag:s23], $0x1  }
0xa3: {  	[sflag:s23] =	ssyncset.done $0x0  }
0xa4: {  	s25 =	simm.s32 $0x1B8E;
	s24 =	sld [smem:$0x3FFE];
	[sflag:s23] =	ssyncadd.s32 $0xFFFFFFFF  }
0xa5: {  	s26 =	simm.s32 $execute0_lowered;
	[smem:$0x3FD2] =	sst s25  }
0xa6: {  	s4 =	sshll.u32 s26, $0x1;
	_ =	strace $0x80000046;
	[dreg:$0x1] =	wrdreg $0xFFFFFFFF  }
0xa7: {  	s28 =	simm.s32 $_size_execute0_lowered;
	s2 =	sadd.s32 s2, s4;
	[dreg:$0x0] =	wrdreg $0x0  }
0xa8: {  	s4 =	sshll.u32 s28, $0x1;
	[dreg:$0x2] =	wrdreg s2  }
0xa9: {  	[dreg:$0x3] =	wrdreg s4  }
0xaa: {  	[dreg:$0x4] =	wrdreg $0xC0  }
0xab: {  	_ =	task [dreg:s6], $0x5FFFF  }
0xac: {  	[dreg:$0x1] =	wrdreg $0xFFFFFFFF  }
0xad: {  	[dreg:$0x0] =	wrdreg $0x60  }
0xae: {  	[dreg:$0x2] =	wrdreg s24  }
0xaf: {  	[dreg:$0x3] =	wrdreg $0x9  }
0xb0: {  	_ =	task.clear_ibuf [dreg:s6], $0x4FFFF;
	_ =	strace $0x90000046  }
0xb1: {  	s29 =	simm.s32 $0x9;
	_ =	strace $0x80000048  }
0xb2: {  	_ =	swait.ge [sflag:s29], $0x1  }
0xb3: {  	[sflag:s29] =	ssyncadd.s32 $0xFFFFFFFF  }
0xb4: {  	_ =	strace $0x90000048  }
0xb5: {  	_ =	sfence  }
0xb6: {  	s30 =	sld [smem:$0x0];
	_ =	sdelay $0x2  }
0xb7: {  	s31 =	sshll.u32 s1, $0xD;
	s1 =	sshrl.u32 s1, $0x2  }
0xb8: {  	s3 =	sand.u32 $0x4000, s31;
	s1 =	sadd.s32 s1, s30  }
0xb9: {  	s0 =	sor.u32 s3, s0;
	s1 =	sshll.u32 s1, $0x11  }
0xba: {  	s0 =	sor.u32 s1, s0  }
0xbb: {  	s0 =	sadd.s32 $0x8F2B, s0  }
0xbc: {  	[sflag:s0] =	ssyncadd.remote.s32 $0x1  }
0xbd: {  	_ =	sfence.sel $0xFFFF  }
0xbe: {  	[dreg:$0x0] =	wrdreg $0xFFFFFFFF;
	(pc) =	sbr.abs _section_cstart, $3  }
0xbf: {  	[dreg:$0x1] =	wrdreg $0xFFFFFFFF  }
0xc0: {  	_ =	task.clear_ibuf [dreg:s6], $0x2FFFF;
	_ =	strace $0x9FFFFFFF  }
0xc1: {  	(tm) =	ssettm $0x7FFFFFFF  }
tec
execute0_lowered:
.L_overlay_start_1:
0x0: {  	(tag) =	ssettag $0x1  }
0x1: {  	s1 =	srdreg.scid;
	s0 =	stileid.u32  }
0x2: {  	s6 =	rddreg [dreg:$0x0];
	s16 =	simm.s32 $0x1;
	s17 =	simm.s32 $0x18000  }
0x3: {  	s18 =	simm.s32 $0x1A000;
	s19 =	simm.s32 $0x19000;
	s20 =	simm.s32 $0x1B000  }
0x4: {  	s21 =	simm.s32 $0x2;
	s22 =	simm.s32 $0x1C000;
	s23 =	simm.s32 $0x1D000  }
0x5: {  	s24 =	simm.s32 $0x3;
	s1 =	sand.u32 $0x1, s1;
	s2 =	sshll.u32 s0, $0x1  }
0x6: {  	s25 =	simm.s32 $0x0;
	s5 =	sshrl.u32 s0, $0x2;
	s3 =	sor.u32 s1, s2  }
0x7: {  	s2 =	simm.s32 $0x0;
	s5 =	smul.u32 $0x300000, s5;
	s1 =	ssub.s32 $0x2, s1  }
0x8: {  	s4 =	smul.u32 $0x3000, s3;
	s3 =	sand.u32 $0x7, s3;
	[smem:$0x7FF] =	sst s2  }
0x9: {  	s31 =	sshrl.u32 s1, $0x1;
	s7 =	smul.u32 $0x60000, s3;
	_ =	strace $0x80000047  }
0xa: {  	v0 =	vlaneseq.u32;
	v1 =	vimm.s32 $0x0;
	v3 =	vimm.s32 $0x1;
	s3 =	sadd.s32 $0x2A1800, s6;
	s8 =	sadd.s32 s4, s6;
	s4 =	sadd.s32 $0x121800, s6  }
.Ltmp0:
0xb: {  	v4 =	vimm.s32 $0x2;
	v5 =	vimm.s32 $0x3;
	v6 =	vimm.s32 $0x4;
	s1 =	ssub.s32 s1, s31;
	s6 =	sadd.s32 $0x421800, s6;
	(pc) =	sbr.rel .LBB2_1-.Ltmp0, $4  }
0xc: {  	v7 =	vimm.s32 $0x5;
	v8 =	vimm.s32 $0x6;
	v9 =	vimm.s32 $0x7;
	s15 =	smax.u32 s1, $0x1;
	s5 =	sadd.s32 s5, s7;
	s7 =	sadd.s32 $0x1800, s8  }
0xd: {  	v10 =	vimm.s32 $0x8;
	v11 =	vimm.s32 $0x9;
	v12 =	vimm.s32 $0xA;
	s9 =	sshrl.u32 s5, $0x3;
	s12 =	sor.u32 $0x2000, s5;
	s13 =	sor.u32 $0x1000, s5  }
0xe: {  	v13 =	vimm.s32 $0xB;
	v14 =	vimm.s32 $0xC;
	v15 =	vimm.s32 $0xD;
	s14 =	sor.u32 $0x3000, s5;
	s11 =	sor.u32 $0x200, s9;
	s8 =	sadd.s32 s3, s9  }
0xf: {  	v16 =	vimm.s32 $0xE;
	v17 =	vimm.s32 $0xF;
	v2 =	vor.u32 $0x10, v0;
	s9 =	sadd.s32 s4, s9;
	s10 =	sadd.s32 s3, s11;
	s11 =	sadd.s32 s4, s11  }
.LBB2_8:
0x10: {  	s25 =	sadd.s32 $0x1, s25  }
0x11: {  	_ =	swait.ge [sflag:s24], $0x1000;
	p0 =	sne.s32 s25, s15  }
.Ltmp1:
0x12: {  	[sflag:s24] =	ssyncset.done $0x0;
	(pc) =	sbr.rel @!p0 .LBB2_9-.Ltmp1, $4  }
0x13: {  	[sflag:s24] =	ssyncadd.s32 $0xFFFFF000  }
0x14: {  	_ =	swait.ge [sflag:s24], $0x1000  }
0x15: {  	[sflag:s24] =	ssyncset.done $0x0  }
0x16: {  	[sflag:s24] =	ssyncadd.s32 $0xFFFFF000  }
.LBB2_1:
0x17: {  	[tilespmem:s2], [sflag:$0x1] =	stream.linear.gather [hbm4b:s7+s2], $0x18000, $0x38;
	[tilespmem:$0x1E000] =	vst v63  }
0x18: {  	_ =	swait.ge [sflag:s16], $0x18000  }
0x19: {  	[sflag:s16] =	ssyncset.done $0x0  }
0x1a: {  	[sflag:s16] =	ssyncadd.s32 $0xFFFE8000  }
0x1b: {  	[tilespmem:s17], [sflag:$0x2] =	stream.linear.gather [hbm4b:s8+s2], $0x1000, $0x38;
	[tilespmem:$0x1E000] =	vst v63  }
0x1c: {  	_ = 	snop  }
0x1d: {  	[tilespmem:s18], [sflag:$0x2] =	stream.linear.gather [hbm4b:s9+s2], $0x1000, $0x38;
	[tilespmem:$0x1E000] =	vst v63  }
0x1e: {  	_ = 	snop  }
0x1f: {  	[tilespmem:s19], [sflag:$0x2] =	stream.linear.gather [hbm4b:s10+s2], $0x1000, $0x38;
	[tilespmem:$0x1E000] =	vst v63  }
0x20: {  	s26 =	simm.s32 $0x0  }
0x21: {  	[tilespmem:s20], [sflag:$0x2] =	stream.linear.gather [hbm4b:s11+s2], $0x1000, $0x38;
	[tilespmem:$0x1E000] =	vst v63  }
.LBB2_2:
0x22: {  	_ =	swait.ge [sflag:s21], $0x1000  }
0x23: {  	[sflag:s21] =	ssyncset.done $0x0  }
0x24: {  	[sflag:s21] =	ssyncadd.s32 $0xFFFFF000  }
0x25: {  	_ =	swait.ge [sflag:s21], $0x1000  }
0x26: {  	p0 =	seq.s32 s26, $0x0;
	[sflag:s21] =	ssyncset.done $0x0  }
0x27: {  	s1 =	simm.s32 @!p0 $0x3;
	[sflag:s21] =	ssyncadd.s32 $0xFFFFF000  }
0x28: {  	s28 =	sshll.u32 s26, $0xD;
	_ =	swait.ge @!p0 [sflag:s1], $0x1000  }
0x29: {  	s29 =	simm.s32 $0xFFFFFFFE;
	s30 =	simm.s32 $0x1C090;
	[sflag:s1] =	ssyncset.done @!p0 $0x0  }
0x2a: {  	s31 =	simm.s32 $0x1A080;
	[sflag:s1] =	ssyncadd.s32 @!p0 $0xFFFFF000;
	s1 =	simm.s32 $0x18080  }
.LBB2_3:
0x2b: {  	v18 =	vld [tilespmem:s1+$0xFFFFFF80];
	_ =	sdelay $0x4  }
0x2c: {  	v19 =	vperm.xlane v18, v1;
	_ =	sdelay $0x1  }
0x2d: {  	v21 =	vperm.xlane v18, v3;
	v20 =	vadd.s32 v0, v19  }
0x2e: {  	v22 =	vadd.s32 v2, v19  }
0x2f: {  	v24 =	vperm.xlane v18, v4;
	v23 =	vadd.s32 v0, v21  }
0x30: {  	v21 =	vadd.s32 v2, v21  }
0x31: {  	v26 =	vperm.xlane v18, v5;
	v19 =	vld [tilespmem:s31+$0xFFFFFF80];
	v25 =	vadd.s32 v0, v24  }
0x32: {  	v29 =	vperm.xlane v18, v6;
	v31 =	vperm.xlane v18, v7;
	v24 =	vadd.s32 v2, v24;
	v20 =	vld.idx.msk [tilespmem:v20+s2+$0x0], $0xffff  }
0x33: {  	v61 =	vperm.xlane v18, v8;
	v32 =	vperm.xlane v18, v9;
	v28 =	vadd.s32 v0, v26;
	v22 =	vld.idx.msk [tilespmem:v22+s2+$0x0], $0xffff  }
0x34: {  	v40 =	vperm.xlane v18, v10;
	v47 =	vperm.xlane v18, v11;
	v26 =	vadd.s32 v2, v26;
	v23 =	vld.idx.msk [tilespmem:v23+s2+$0x0], $0xffff  }
0x35: {  	v34 =	vperm.xlane v18, v12;
	v56 =	vadd.s32 v0, v29;
	v29 =	vadd.s32 v2, v29;
	v21 =	vld.idx.msk [tilespmem:v21+s2+$0x0], $0xffff  }
0x36: {  	v35 =	vperm.xlane v18, v14;
	v59 =	vadd.s32 v0, v31;
	v27 =	vperm.xlane v19, v1;
	v25 =	vld.idx.msk [tilespmem:v25+s2+$0x0], $0xffff  }
0x37: {  	v31 =	vadd.s32 v2, v31;
	v30 =	vperm.xlane v19, v3;
	v24 =	vld.idx.msk [tilespmem:v24+s2+$0x0], $0xffff;
	v57 =	vperm.xlane v19, v4  }
0x38: {  	v36 =	vadd.s32 v0, v61;
	v28 =	vld.idx.msk [tilespmem:v28+s2+$0x0], $0xffff;
	v62 =	vperm.xlane v19, v5;
	v38 =	vperm.xlane v19, v6  }
0x39: {  	v39 =	vadd.s32 v0, v32;
	v58 =	vld.idx.msk [tilespmem:v26+s2+$0x0], $0xffff;
	v44 =	vperm.xlane v19, v7;
	v50 =	vperm.xlane v19, v8  }
0x3a: {  	v43 =	vadd.s32 v2, v32;
	v63 =	vld.idx.msk [tilespmem:v29+s2+$0x0], $0xffff;
	v54 =	vperm.xlane v19, v9;
	v20 =	vmul.f32 v20, v27  }
0x3b: {  	v26 =	vld.idx.msk [tilespmem:v59+s2+$0x0], $0xffff;
	v22 =	vmul.f32 v22, v27;
	v60 =	vmul.f32 v25, v57;
	v25 =	vadd.s32 v2, v61  }
0x3c: {  	v45 =	vadd.s32 v0, v40;
	v59 =	vperm.xlane v19, v10;
	v23 =	vmul.f32 v23, v30;
	v27 =	vld.idx.msk [tilespmem:v56+s2+$0x0], $0xffff  }
0x3d: {  	v42 =	vld.idx.msk [tilespmem:v31+s2+$0x0], $0xffff;
	v21 =	vmul.f32 v21, v30;
	v20 =	vadd.f32 $0.0e+00, v20;
	v22 =	vadd.f32 $0.0e+00, v22  }
0x3e: {  	v33 =	vadd.s32 v0, v47;
	v29 =	vld.idx.msk [tilespmem:v36+s2+$0x0], $0xffff;
	v24 =	vmul.f32 v24, v57;
	v37 =	vmul.f32 v28, v62  }
0x3f: {  	v49 =	vld.idx.msk [tilespmem:v39+s2+$0x0], $0xffff;
	v56 =	vadd.s32 v0, v34;
	v20 =	vadd.f32 v23, v20;
	v21 =	vadd.f32 v21, v22  }
0x40: {  	v23 =	vmul.f32 v58, v62;
	v22 =	vmul.f32 v63, v38;
	v46 =	vld.idx.msk [tilespmem:v25+s2+$0x0], $0xffff;
	v25 =	vadd.s32 v2, v47  }
0x41: {  	v52 =	vld.idx.msk [tilespmem:v43+s2+$0x0], $0xffff;
	v57 =	vadd.s32 v2, v34;
	v58 =	vperm.xlane v18, v13;
	v41 =	vmul.f32 v27, v38  }
0x42: {  	v55 =	vld.idx.msk [tilespmem:v45+s2+$0x0], $0xffff;
	v38 =	vadd.s32 v0, v35;
	v20 =	vadd.f32 v60, v20;
	v21 =	vadd.f32 v24, v21  }
0x43: {  	v39 =	vperm.xlane v19, v11;
	v24 =	vadd.s32 v2, v40;
	v60 =	vld.idx.msk [tilespmem:v33+s2+$0x0], $0xffff;
	v61 =	vadd.s32 v0, v58  }
0x44: {  	v40 =	vperm.xlane v18, v15;
	v20 =	vadd.f32 v37, v20;
	v21 =	vadd.f32 v23, v21;
	v37 =	vld.idx.msk [tilespmem:v56+s2+$0x0], $0xffff  }
0x45: {  	v43 =	vperm.xlane v18, v16;
	v48 =	vmul.f32 v26, v44;
	v63 =	vadd.s32 v2, v58;
	v25 =	vld.idx.msk [tilespmem:v25+s2+$0x0], $0xffff  }
0x46: {  	v51 =	vmul.f32 v42, v44;
	v42 =	vadd.s32 v0, v40;
	v21 =	vadd.f32 v22, v21;
	v22 =	vld.idx.msk [tilespmem:v57+s2+$0x0], $0xffff  }
0x47: {  	v53 =	vmul.f32 v29, v50;
	v32 =	vadd.s32 v2, v40;
	v20 =	vadd.f32 v41, v20;
	v45 =	vld.idx.msk [tilespmem:v38+s2+$0x0], $0xffff  }
0x48: {  	v26 =	vmul.f32 v49, v54;
	v36 =	vmul.f32 v55, v59;
	v41 =	vadd.s32 v2, v35;
	v24 =	vld.idx.msk [tilespmem:v24+s2+$0x0], $0xffff  }
0x49: {  	v23 =	vmul.f32 v46, v50;
	v46 =	vadd.s32 v0, v43;
	v33 =	vld.idx.msk [tilespmem:v61+s2+$0x0], $0xffff;
	v20 =	vadd.f32 v48, v20  }
0x4a: {  	v44 =	vperm.xlane v19, v12;
	v62 =	vmul.f32 v52, v54;
	v27 =	vld.idx.msk [tilespmem:v63+s2+$0x0], $0xffff  }
0x4b: {  	v47 =	vperm.xlane v19, v13;
	v35 =	vadd.s32 v2, v43;
	v52 =	vld.idx.msk [tilespmem:v42+s2+$0x0], $0xffff;
	v20 =	vadd.f32 v53, v20  }
0x4c: {  	v58 =	vperm.xlane v19, v15;
	v18 =	vperm.xlane v18, v17;
	v21 =	vadd.f32 v51, v21;
	v54 =	vld.idx.msk [tilespmem:v32+s2+$0x0], $0xffff  }
0x4d: {  	v30 =	vmul.f32 v60, v39;
	v63 =	vperm.xlane v19, v16;
	v48 =	vld.idx.msk [tilespmem:v41+s2+$0x0], $0xffff;
	v20 =	vadd.f32 v26, v20  }
0x4e: {  	v51 =	vperm.xlane v19, v14;
	v19 =	vperm.xlane v19, v17;
	v21 =	vadd.f32 v23, v21;
	v56 =	vld.idx.msk [tilespmem:v46+s2+$0x0], $0xffff  }
0x4f: {  	v29 =	vmul.f32 v37, v44;
	v23 =	vmul.f32 v25, v39;
	v26 =	vadd.f32 v36, v20;
	v20 =	vld [tilespmem:s1+$0xFFFFFF90]  }
0x50: {  	v22 =	vmul.f32 v22, v44;
	v21 =	vadd.f32 v62, v21;
	v24 =	vmul.f32 v24, v59;
	v59 =	vld.idx.msk [tilespmem:v35+s2+$0x0], $0xffff  }
0x51: {  	v25 =	vmul.f32 v45, v51;
	v46 =	vadd.s32 v0, v18;
	v18 =	vadd.s32 v2, v18  }
0x52: {  	v50 =	vmul.f32 v33, v47;
	v53 =	vmul.f32 v27, v47;
	v21 =	vadd.f32 v24, v21  }
0x53: {  	v62 =	vmul.f32 v52, v58;
	v27 =	vmul.f32 v54, v58;
	v26 =	vadd.f32 v30, v26  }
0x54: {  	v21 =	vadd.f32 v23, v21;
	v23 =	vmul.f32 v48, v51;
	v49 =	vperm.xlane v20, v1  }
0x55: {  	v28 =	vmul.f32 v56, v63;
	v32 =	vmul.f32 v59, v63  }
0x56: {  	v26 =	vadd.f32 v29, v26;
	v57 =	vperm.xlane v20, v3;
	v55 =	vadd.s32 v0, v49  }
0x57: {  	v21 =	vadd.f32 v22, v21;
	v61 =	vperm.xlane v20, v4;
	v24 =	vadd.s32 v2, v49  }
0x58: {  	v18 =	vld.idx.msk [tilespmem:v18+s2+$0x0], $0xffff;
	v39 =	vperm.xlane v20, v5;
	v44 =	vperm.xlane v20, v6;
	v60 =	vadd.s32 v0, v57  }
0x59: {  	v47 =	vperm.xlane v20, v7;
	v54 =	vperm.xlane v20, v10;
	v30 =	vadd.s32 v2, v57  }
0x5a: {  	v26 =	vadd.f32 v50, v26;
	v22 =	vadd.f32 v53, v21;
	v21 =	vld [tilespmem:s31+$0xFFFFFF90];
	v36 =	vadd.s32 v0, v61  }
0x5b: {  	v50 =	vperm.xlane v20, v8;
	v40 =	vadd.s32 v2, v61;
	v42 =	vadd.s32 v0, v39;
	v31 =	vld.idx.msk [tilespmem:v55+s2+$0x0], $0xffff  }
0x5c: {  	v38 =	vadd.s32 v0, v44;
	v48 =	vadd.s32 v0, v47;
	v33 =	vadd.s32 v2, v47;
	v24 =	vld.idx.msk [tilespmem:v24+s2+$0x0], $0xffff  }
0x5d: {  	v58 =	vadd.s32 v0, v54;
	v18 =	vmul.f32 v18, v19;
	v25 =	vadd.f32 v25, v26;
	v26 =	vld.idx.msk [tilespmem:v60+s2+$0x0], $0xffff  }
0x5e: {  	v22 =	vadd.f32 v23, v22;
	v52 =	vadd.s32 v0, v50;
	v35 =	vadd.s32 v2, v50;
	v43 =	vld.idx.msk [tilespmem:v30+s2+$0x0], $0xffff  }
0x5f: {  	v23 =	vadd.f32 v62, v25;
	v41 =	vperm.xlane v21, v1;
	v37 =	vperm.xlane v21, v3;
	v45 =	vld.idx.msk [tilespmem:v36+s2+$0x0], $0xffff  }
0x60: {  	v25 =	vadd.s32 v2, v39;
	v39 =	vperm.xlane v21, v4;
	v51 =	vperm.xlane v21, v5;
	v29 =	vld.idx.msk [tilespmem:v40+s2+$0x0], $0xffff  }
0x61: {  	v27 =	vadd.f32 v27, v22;
	v53 =	vperm.xlane v21, v6;
	v57 =	vperm.xlane v21, v7;
	v34 =	vld.idx.msk [tilespmem:v42+s2+$0x0], $0xffff  }
0x62: {  	v30 =	vadd.s32 v2, v44;
	v38 =	vld.idx.msk [tilespmem:v38+s2+$0x0], $0xffff;
	v40 =	vperm.xlane v20, v9;
	v42 =	vperm.xlane v20, v11  }
0x63: {  	v33 =	vld.idx.msk [tilespmem:v33+s2+$0x0], $0xffff;
	v44 =	vperm.xlane v21, v8;
	v23 =	vadd.f32 v28, v23;
	v27 =	vadd.f32 v32, v27  }
0x64: {  	v36 =	vld.idx.msk [tilespmem:v46+s2+$0x0], $0xffff;
	v56 =	vadd.s32 v2, v40;
	v31 =	vmul.f32 v31, v41;
	v24 =	vmul.f32 v24, v41  }
0x65: {  	v63 =	vadd.s32 v0, v42;
	v26 =	vmul.f32 v26, v37;
	v22 =	vmul.f32 v43, v37  }
0x66: {  	v18 =	vadd.f32 v18, v27;
	v25 =	vld.idx.msk [tilespmem:v25+s2+$0x0], $0xffff;
	v49 =	vmul.f32 v45, v39;
	v29 =	vmul.f32 v29, v39  }
0x67: {  	v34 =	vmul.f32 v34, v51;
	v30 =	vld.idx.msk [tilespmem:v30+s2+$0x0], $0xffff;
	v41 =	vadd.s32 v0, v40;
	v55 =	vmul.f32 v38, v53  }
0x68: {  	v37 =	vld.idx.msk [tilespmem:v48+s2+$0x0], $0xffff;
	v45 =	vperm.xlane v20, v12;
	v46 =	vmul.f32 v33, v57;
	v24 =	vadd.f32 $0.0e+00, v24  }
0x69: {  	v48 =	vadd.s32 v2, v42;
	v36 =	vmul.f32 v36, v19;
	v31 =	vadd.f32 $0.0e+00, v31  }
0x6a: {  	v60 =	vld.idx.msk [tilespmem:v35+s2+$0x0], $0xffff;
	v19 =	vperm.xlane v21, v12;
	v50 =	vadd.s32 v0, v45;
	v22 =	vadd.f32 v22, v24  }
0x6b: {  	v47 =	vld.idx.msk [tilespmem:v56+s2+$0x0], $0xffff;
	v56 =	vperm.xlane v21, v10;
	v26 =	vadd.f32 v26, v31;
	v24 =	vmul.f32 v25, v51  }
0x6c: {  	v31 =	vld.idx.msk [tilespmem:v52+s2+$0x0], $0xffff;
	v52 =	vperm.xlane v20, v13;
	v22 =	vadd.f32 v29, v22;
	v29 =	vadd.s32 v2, v54  }
0x6d: {  	v59 =	vmul.f32 v30, v53;
	v61 =	vmul.f32 v37, v57;
	v62 =	vld.idx.msk [tilespmem:v41+s2+$0x0], $0xffff;
	v26 =	vadd.f32 v49, v26  }
0x6e: {  	v49 =	vperm.xlane v21, v9;
	v54 =	vld.idx.msk [tilespmem:v63+s2+$0x0], $0xffff;
	v57 =	vadd.s32 v0, v52;
	v22 =	vadd.f32 v24, v22  }
0x6f: {  	v63 =	vld.idx.msk [tilespmem:v50+s2+$0x0], $0xffff;
	v50 =	vperm.xlane v21, v13;
	v26 =	vadd.f32 v34, v26;
	v24 =	vmul.f32 v60, v44  }
0x70: {  	v40 =	vld.idx.msk [tilespmem:v58+s2+$0x0], $0xffff;
	v58 =	vmul.f32 v47, v49;
	v60 =	vperm.xlane v20, v14;
	v22 =	vadd.f32 v59, v22  }
0x71: {  	v31 =	vmul.f32 v31, v44;
	v25 =	vadd.f32 v55, v26;
	v55 =	vadd.s32 v2, v45;
	v51 =	vld.idx.msk [tilespmem:v29+s2+$0x0], $0xffff  }
0x72: {  	v53 =	vmul.f32 v62, v49;
	v44 =	vadd.s32 v0, v60;
	v22 =	vadd.f32 v46, v22  }
0x73: {  	v59 =	vld.idx.msk [tilespmem:v48+s2+$0x0], $0xffff;
	v62 =	vperm.xlane v21, v11;
	v48 =	vperm.xlane v20, v15;
	v29 =	vadd.s32 v2, v52  }
0x74: {  	v52 =	vperm.xlane v20, v16;
	v25 =	vadd.f32 v61, v25;
	v22 =	vadd.f32 v24, v22  }
0x75: {  	v34 =	vadd.s32 v2, v60;
	v47 =	vld.idx.msk [tilespmem:v57+s2+$0x0], $0xffff;
	v20 =	vperm.xlane v20, v17;
	v61 =	vmul.f32 v40, v56  }
0x76: {  	v25 =	vadd.f32 v31, v25;
	v46 =	vld.idx.msk [tilespmem:v55+s2+$0x0], $0xffff;
	v22 =	vadd.f32 v58, v22;
	v24 =	vmul.f32 v51, v56  }
0x77: {  	v45 =	vmul.f32 v54, v62;
	v49 =	vmul.f32 v63, v19;
	v26 =	vadd.s32 v2, v48;
	v30 =	vld.idx.msk [tilespmem:v44+s2+$0x0], $0xffff  }
0x78: {  	v54 =	vperm.xlane v21, v14;
	v25 =	vadd.f32 v53, v25;
	v24 =	vadd.f32 v24, v22;
	v22 =	vld [tilespmem:s1+$0xFFFFFFA0]  }
0x79: {  	v63 =	vperm.xlane v21, v15;
	v57 =	vadd.s32 v2, v52;
	v33 =	vmul.f32 v59, v62;
	v29 =	vld.idx.msk [tilespmem:v29+s2+$0x0], $0xffff  }
0x7a: {  	v44 =	vperm.xlane v21, v16;
	v21 =	vperm.xlane v21, v17;
	v25 =	vadd.f32 v61, v25  }
0x7b: {  	v51 =	vadd.s32 v0, v48;
	v28 =	vmul.f32 v47, v50;
	v53 =	vadd.s32 v0, v52  }
0x7c: {  	v56 =	vld.idx.msk [tilespmem:v34+s2+$0x0], $0xffff;
	v25 =	vadd.f32 v45, v25;
	v24 =	vadd.f32 v33, v24;
	v19 =	vmul.f32 v46, v19  }
0x7d: {  	v26 =	vld.idx.msk [tilespmem:v26+s2+$0x0], $0xffff;
	v30 =	vmul.f32 v30, v54;
	v46 =	vadd.s32 v0, v20;
	v55 =	vperm.xlane v22, v1  }
0x7e: {  	v29 =	vmul.f32 v29, v50;
	v25 =	vadd.f32 v49, v25;
	v24 =	vadd.f32 v19, v24  }
0x7f: {  	v42 =	vld.idx.msk [tilespmem:v57+s2+$0x0], $0xffff;
	v19 =	vadd.f32 v36, v23;
	v60 =	vperm.xlane v22, v3;
	v59 =	vadd.s32 v0, v55  }
0x80: {  	v58 =	vld.idx.msk [tilespmem:v51+s2+$0x0], $0xffff;
	v41 =	vperm.xlane v22, v4;
	v25 =	vadd.f32 v28, v25;
	v62 =	vadd.s32 v2, v55  }
0x81: {  	v61 =	vld.idx.msk [tilespmem:v53+s2+$0x0], $0xffff;
	v24 =	vadd.f32 v29, v24;
	v28 =	vmul.f32 v56, v54;
	v40 =	vadd.s32 v0, v60  }
0x82: {  	v23 =	vld [tilespmem:s31+$0xFFFFFFA0];
	v26 =	vmul.f32 v26, v63;
	v47 =	vperm.xlane v22, v5;
	v27 =	vadd.s32 v2, v60  }
0x83: {  	v51 =	vperm.xlane v22, v6;
	v45 =	vadd.s32 v0, v41;
	v24 =	vadd.f32 v28, v24;
	v28 =	vld.idx.msk [tilespmem:v46+s2+$0x0], $0xffff  }
0x84: {  	v32 =	vmul.f32 v42, v44;
	v56 =	vperm.xlane v22, v7;
	v49 =	vadd.s32 v2, v41;
	v37 =	vld.idx.msk [tilespmem:v59+s2+$0x0], $0xffff  }
0x85: {  	v50 =	vadd.s32 v0, v47;
	v31 =	vadd.s32 v2, v47;
	v25 =	vadd.f32 v30, v25;
	v30 =	vld.idx.msk [tilespmem:v62+s2+$0x0], $0xffff  }
0x86: {  	v55 =	vadd.s32 v0, v51;
	v43 =	vmul.f32 v58, v63;
	v29 =	vmul.f32 v61, v44;
	v33 =	vld.idx.msk [tilespmem:v40+s2+$0x0], $0xffff  }
0x87: {  	v36 =	vadd.s32 v2, v51;
	v48 =	vperm.xlane v23, v1;
	v54 =	vperm.xlane v23, v3;
	v27 =	vld.idx.msk [tilespmem:v27+s2+$0x0], $0xffff  }
0x88: {  	v57 =	vperm.xlane v23, v4;
	v63 =	vperm.xlane v23, v5;
	v25 =	vadd.f32 v43, v25;
	v53 =	vld.idx.msk [tilespmem:v45+s2+$0x0], $0xffff  }
0x89: {  	v58 =	vadd.s32 v0, v56;
	v46 =	vperm.xlane v23, v6;
	v42 =	vperm.xlane v23, v13;
	v34 =	vld.idx.msk [tilespmem:v49+s2+$0x0], $0xffff  }
0x8a: {  	v25 =	vadd.f32 v29, v25;
	v29 =	vld.idx.msk [tilespmem:v50+s2+$0x0], $0xffff;
	v62 =	vperm.xlane v22, v8;
	v45 =	vperm.xlane v22, v9  }
0x8b: {  	v31 =	vld.idx.msk [tilespmem:v31+s2+$0x0], $0xffff;
	v49 =	vperm.xlane v23, v7;
	v28 =	vmul.f32 v28, v21  }
0x8c: {  	v36 =	vld.idx.msk [tilespmem:v36+s2+$0x0], $0xffff;
	v47 =	vadd.s32 v0, v45;
	v50 =	vadd.s32 v2, v45;
	v45 =	vperm.xlane v22, v13  }
0x8d: {  	v24 =	vadd.f32 v26, v24;
	v52 =	vmul.f32 v37, v48;
	v26 =	vmul.f32 v30, v48  }
0x8e: {  	v61 =	vld.idx.msk [tilespmem:v55+s2+$0x0], $0xffff;
	v55 =	vadd.s32 v2, v20;
	v33 =	vmul.f32 v33, v54;
	v27 =	vmul.f32 v27, v54  }
0x8f: {  	v24 =	vadd.f32 v32, v24;
	v38 =	vld.idx.msk [tilespmem:v58+s2+$0x0], $0xffff;
	v60 =	vmul.f32 v53, v57;
	v34 =	vmul.f32 v34, v57  }
0x90: {  	v44 =	vadd.s32 v0, v62;
	v29 =	vmul.f32 v29, v63;
	v31 =	vmul.f32 v31, v63  }
0x91: {  	v20 =	vadd.f32 v28, v25;
	v48 =	vperm.xlane v22, v10;
	v51 =	vmul.f32 v36, v46  }
0x92: {  	v30 =	vadd.s32 v2, v56;
	v54 =	vperm.xlane v22, v11;
	v63 =	vperm.xlane v23, v9;
	v57 =	vld.idx.msk [tilespmem:v47+s2+$0x0], $0xffff  }
0x93: {  	v35 =	vadd.f32 $0.0e+00, v52;
	v26 =	vadd.f32 $0.0e+00, v26;
	v53 =	vadd.s32 v0, v48;
	v47 =	vld.idx.msk [tilespmem:v55+s2+$0x0], $0xffff  }
0x94: {  	v19 =	vadd.f32 v20, v19;
	v38 =	vmul.f32 v38, v49;
	v58 =	vadd.s32 v0, v54  }
0x95: {  	v52 =	vld.idx.msk [tilespmem:v44+s2+$0x0], $0xffff;
	v59 =	vadd.f32 v33, v35;
	v26 =	vadd.f32 v27, v26;
	v35 =	vadd.s32 v2, v62  }
0x96: {  	v27 =	vmul.f32 v61, v46;
	v61 =	vld.idx.msk [tilespmem:v50+s2+$0x0], $0xffff;
	v62 =	vadd.s32 v2, v54;
	v50 =	vperm.xlane v22, v14  }
0x97: {  	v30 =	vld.idx.msk [tilespmem:v30+s2+$0x0], $0xffff;
	v32 =	vadd.f32 v60, v59;
	v26 =	vadd.f32 v34, v26;
	v59 =	vperm.xlane v22, v12  }
0x98: {  	v60 =	vperm.xlane v23, v8;
	v37 =	vld.idx.msk [tilespmem:v53+s2+$0x0], $0xffff;
	v53 =	vadd.s32 v2, v45;
	v21 =	vmul.f32 v47, v21  }
0x99: {  	v29 =	vadd.f32 v29, v32;
	v26 =	vadd.f32 v31, v26;
	v32 =	vadd.s32 v2, v48  }
0x9a: {  	v44 =	vadd.s32 v0, v59;
	v46 =	vmul.f32 v52, v60;
	v48 =	vadd.s32 v0, v45;
	v35 =	vld.idx.msk [tilespmem:v35+s2+$0x0], $0xffff  }
0x9b: {  	v28 =	vld.idx.msk [tilespmem:v58+s2+$0x0], $0xffff;
	v45 =	vperm.xlane v23, v14;
	v21 =	vadd.f32 v21, v24;
	v27 =	vadd.f32 v27, v29  }
0x9c: {  	v52 =	vld.idx.msk [tilespmem:v62+s2+$0x0], $0xffff;
	v56 =	vadd.f32 v51, v26;
	v30 =	vmul.f32 v30, v49;
	v26 =	vmul.f32 v57, v63  }
0x9d: {  	v24 =	vld [tilespmem:s31+$0xFFFFFFB0];
	v29 =	vadd.s32 v2, v59;
	v49 =	vperm.xlane v23, v10;
	v59 =	vperm.xlane v22, v15  }
0x9e: {  	v51 =	vmul.f32 v61, v63;
	v25 =	vadd.f32 v30, v56;
	v56 =	vadd.s32 v0, v50;
	v32 =	vld.idx.msk [tilespmem:v32+s2+$0x0], $0xffff  }
0x9f: {  	v57 =	vperm.xlane v23, v11;
	v34 =	vld.idx.msk [tilespmem:v53+s2+$0x0], $0xffff;
	v62 =	vadd.s32 v0, v59;
	v31 =	vmul.f32 v35, v60  }
0xa0: {  	v61 =	vperm.xlane v23, v12;
	v63 =	vperm.xlane v22, v16;
	v27 =	vadd.f32 v38, v27;
	v55 =	vld.idx.msk [tilespmem:v44+s2+$0x0], $0xffff  }
0xa1: {  	v22 =	vperm.xlane v22, v17;
	v58 =	vld.idx.msk [tilespmem:v48+s2+$0x0], $0xffff;
	v60 =	vadd.s32 v2, v50;
	v25 =	vadd.f32 v31, v25  }
0xa2: {  	v18 =	vadd.f32 v21, v18;
	v44 =	vadd.s32 v0, v63;
	v27 =	vadd.f32 v46, v27;
	v29 =	vld.idx.msk [tilespmem:v29+s2+$0x0], $0xffff  }
0xa3: {  	v50 =	vadd.s32 v2, v63;
	v38 =	vld.idx.msk [tilespmem:v56+s2+$0x0], $0xffff;
	v25 =	vadd.f32 v51, v25;
	v30 =	vmul.f32 v32, v49  }
0xa4: {  	v54 =	vmul.f32 v37, v49;
	v28 =	vmul.f32 v28, v57;
	v26 =	vadd.f32 v26, v27;
	v49 =	vld.idx.msk [tilespmem:v62+s2+$0x0], $0xffff  }
0xa5: {  	v31 =	vmul.f32 v52, v57;
	v48 =	vmul.f32 v34, v42;
	v30 =	vadd.f32 v30, v25;
	v25 =	vld [tilespmem:s1+$0xFFFFFFB0]  }
0xa6: {  	v26 =	vadd.f32 v54, v26;
	v43 =	vmul.f32 v55, v61;
	v27 =	vmul.f32 v58, v42;
	v46 =	vld.idx.msk [tilespmem:v60+s2+$0x0], $0xffff  }
0xa7: {  	v32 =	vadd.s32 v2, v59;
	v53 =	vld.idx.msk [tilespmem:v44+s2+$0x0], $0xffff;
	v55 =	vperm.xlane v23, v15;
	v58 =	vperm.xlane v23, v16  }
0xa8: {  	v44 =	vperm.xlane v24, v1;
	v23 =	vperm.xlane v23, v17;
	v34 =	vld.idx.msk [tilespmem:v50+s2+$0x0], $0xffff;
	v26 =	vadd.f32 v28, v26  }
0xa9: {  	v29 =	vmul.f32 v29, v61;
	v30 =	vadd.f32 v31, v30;
	v51 =	vmul.f32 v38, v45  }
0xaa: {  	v26 =	vadd.f32 v43, v26;
	v33 =	vmul.f32 v49, v55;
	v47 =	vperm.xlane v25, v1  }
0xab: {  	v29 =	vadd.f32 v29, v30;
	v28 =	vmul.f32 v46, v45;
	v46 =	vadd.s32 v0, v22  }
0xac: {  	v26 =	vadd.f32 v27, v26;
	v54 =	vperm.xlane v25, v3;
	v52 =	vadd.s32 v0, v47  }
0xad: {  	v30 =	vmul.f32 v53, v58;
	v34 =	vmul.f32 v34, v58;
	v35 =	vadd.s32 v2, v47  }
0xae: {  	v32 =	vld.idx.msk [tilespmem:v32+s2+$0x0], $0xffff;
	v22 =	vadd.s32 v2, v22;
	v57 =	vperm.xlane v25, v4;
	v56 =	vadd.s32 v0, v54  }
0xaf: {  	v61 =	vperm.xlane v25, v5;
	v43 =	vperm.xlane v25, v9;
	v37 =	vadd.s32 v2, v54  }
0xb0: {  	v29 =	vadd.f32 v48, v29;
	v26 =	vadd.f32 v51, v26;
	v60 =	vadd.s32 v0, v57;
	v38 =	vld.idx.msk [tilespmem:v46+s2+$0x0], $0xffff  }
0xb1: {  	v48 =	vperm.xlane v24, v3;
	v51 =	vperm.xlane v25, v7;
	v63 =	vadd.s32 v2, v57;
	v59 =	vld.idx.msk [tilespmem:v52+s2+$0x0], $0xffff  }
0xb2: {  	v45 =	vadd.s32 v0, v61;
	v47 =	vperm.xlane v25, v6;
	v57 =	vperm.xlane v24, v5;
	v62 =	vld.idx.msk [tilespmem:v35+s2+$0x0], $0xffff  }
0xb3: {  	v28 =	vadd.f32 v28, v29;
	v27 =	vmul.f32 v32, v55;
	v53 =	vadd.s32 v0, v51;
	v31 =	vld.idx.msk [tilespmem:v56+s2+$0x0], $0xffff  }
0xb4: {  	v26 =	vadd.f32 v33, v26;
	v33 =	vadd.s32 v2, v61;
	v49 =	vadd.s32 v0, v47;
	v37 =	vld.idx.msk [tilespmem:v37+s2+$0x0], $0xffff  }
0xb5: {  	v39 =	vadd.s32 v2, v47;
	v47 =	vperm.xlane v25, v16;
	v27 =	vadd.f32 v27, v28;
	v32 =	vld.idx.msk [tilespmem:v60+s2+$0x0], $0xffff  }
0xb6: {  	v26 =	vadd.f32 v30, v26;
	v50 =	vld.idx.msk [tilespmem:v63+s2+$0x0], $0xffff;
	v52 =	vperm.xlane v24, v4;
	v56 =	vperm.xlane v25, v8  }
0xb7: {  	v36 =	vld.idx.msk [tilespmem:v45+s2+$0x0], $0xffff;
	v35 =	vadd.s32 v2, v51;
	v60 =	vperm.xlane v25, v10;
	v63 =	vperm.xlane v24, v7  }
0xb8: {  	v45 =	vperm.xlane v25, v11;
	v27 =	vadd.f32 v34, v27;
	v40 =	vld.idx.msk [tilespmem:v53+s2+$0x0], $0xffff;
	v53 =	vperm.xlane v24, v8  }
0xb9: {  	v55 =	vld.idx.msk [tilespmem:v33+s2+$0x0], $0xffff;
	v58 =	vadd.s32 v0, v56;
	v33 =	vadd.s32 v2, v56;
	v38 =	vmul.f32 v38, v23  }
0xba: {  	v56 =	vadd.s32 v2, v45;
	v29 =	vmul.f32 v59, v44;
	v28 =	vmul.f32 v62, v44  }
0xbb: {  	v41 =	vld.idx.msk [tilespmem:v49+s2+$0x0], $0xffff;
	v38 =	vadd.f32 v38, v26;
	v31 =	vmul.f32 v31, v48;
	v37 =	vmul.f32 v37, v48  }
0xbc: {  	v39 =	vld.idx.msk [tilespmem:v39+s2+$0x0], $0xffff;
	v54 =	vmul.f32 v32, v52;
	v30 =	vmul.f32 v50, v52;
	v62 =	vadd.s32 v2, v43  }
0xbd: {  	v36 =	vmul.f32 v36, v57;
	v44 =	vadd.s32 v0, v43;
	v35 =	vld.idx.msk [tilespmem:v35+s2+$0x0], $0xffff;
	v29 =	vadd.f32 $0.0e+00, v29  }
0xbe: {  	v59 =	vperm.xlane v24, v6;
	v48 =	vadd.s32 v0, v60;
	v28 =	vadd.f32 $0.0e+00, v28  }
0xbf: {  	v52 =	vadd.s32 v0, v45;
	v32 =	vmul.f32 v55, v57;
	v29 =	vadd.f32 v31, v29  }
0xc0: {  	v50 =	vmul.f32 v40, v63;
	v57 =	vperm.xlane v24, v9;
	v33 =	vld.idx.msk [tilespmem:v33+s2+$0x0], $0xffff;
	v28 =	vadd.f32 v37, v28  }
0xc1: {  	v61 =	vmul.f32 v41, v59;
	v49 =	vmul.f32 v39, v59;
	v55 =	vld.idx.msk [tilespmem:v62+s2+$0x0], $0xffff;
	v29 =	vadd.f32 v54, v29  }
0xc2: {  	v59 =	vperm.xlane v25, v13;
	v51 =	vld.idx.msk [tilespmem:v44+s2+$0x0], $0xffff;
	v35 =	vmul.f32 v35, v63;
	v28 =	vadd.f32 v30, v28  }
0xc3: {  	v31 =	vld.idx.msk [tilespmem:v58+s2+$0x0], $0xffff;
	v30 =	vadd.s32 v2, v60;
	v54 =	vperm.xlane v25, v12;
	v29 =	vadd.f32 v36, v29  }
0xc4: {  	v43 =	vld.idx.msk [tilespmem:v48+s2+$0x0], $0xffff;
	v63 =	vperm.xlane v24, v10;
	v48 =	vadd.s32 v0, v59;
	v28 =	vadd.f32 v32, v28  }
0xc5: {  	v58 =	vadd.s32 v0, v54;
	v32 =	vmul.f32 v33, v53;
	v29 =	vadd.f32 v61, v29;
	v61 =	vld.idx.msk [tilespmem:v52+s2+$0x0], $0xffff  }
0xc6: {  	v62 =	vadd.s32 v2, v54;
	v28 =	vadd.f32 v49, v28;
	v49 =	vmul.f32 v55, v57;
	v55 =	vld.idx.msk [tilespmem:v22+s2+$0x0], $0xffff  }
0xc7: {  	v33 =	vadd.s32 v2, v59;
	v60 =	vmul.f32 v51, v57;
	v51 =	vperm.xlane v25, v14;
	v22 =	vld [tilespmem:s1+$0x0]  }
0xc8: {  	v31 =	vmul.f32 v31, v53;
	v53 =	vperm.xlane v24, v11;
	v30 =	vld.idx.msk [tilespmem:v30+s2+$0x0], $0xffff;
	v29 =	vadd.f32 v50, v29  }
0xc9: {  	v52 =	vmul.f32 v43, v63;
	v28 =	vadd.f32 v35, v28;
	v50 =	vld.idx.msk [tilespmem:v56+s2+$0x0], $0xffff;
	v37 =	vadd.s32 v2, v51  }
0xca: {  	v54 =	vld.idx.msk [tilespmem:v58+s2+$0x0], $0xffff;
	v58 =	vadd.s32 v0, v51;
	v29 =	vadd.f32 v31, v29;
	v59 =	vmul.f32 v61, v53  }
0xcb: {  	v40 =	vld.idx.msk [tilespmem:v48+s2+$0x0], $0xffff;
	v28 =	vadd.f32 v32, v28;
	v61 =	vperm.xlane v25, v15;
	v48 =	vmul.f32 v55, v23  }
0xcc: {  	v33 =	vld.idx.msk [tilespmem:v33+s2+$0x0], $0xffff;
	v25 =	vperm.xlane v25, v17;
	v44 =	vperm.xlane v22, v4;
	v29 =	vadd.f32 v60, v29  }
0xcd: {  	v56 =	vadd.f32 v49, v28;
	v57 =	vmul.f32 v30, v63;
	v60 =	vld.idx.msk [tilespmem:v62+s2+$0x0], $0xffff;
	v62 =	vperm.xlane v24, v12  }
0xce: {  	v49 =	vperm.xlane v24, v13;
	v63 =	vmul.f32 v50, v53;
	v45 =	vadd.s32 v0, v61  }
0xcf: {  	v35 =	vadd.s32 v2, v61;
	v50 =	vadd.s32 v0, v47;
	v53 =	vperm.xlane v24, v14  }
0xd0: {  	v37 =	vld.idx.msk [tilespmem:v37+s2+$0x0], $0xffff;
	v29 =	vadd.f32 v52, v29;
	v28 =	vadd.f32 v57, v56;
	v46 =	vmul.f32 v54, v62  }
0xd1: {  	v51 =	vmul.f32 v40, v49;
	v52 =	vadd.s32 v2, v47;
	v54 =	vperm.xlane v22, v1  }
0xd2: {  	v30 =	vld.idx.msk [tilespmem:v58+s2+$0x0], $0xffff;
	v23 =	vmul.f32 v33, v49;
	v57 =	vperm.xlane v24, v15;
	v58 =	vadd.s32 v0, v25  }
0xd3: {  	v25 =	vadd.s32 v2, v25;
	v29 =	vadd.f32 v59, v29;
	v28 =	vadd.f32 v63, v28;
	v36 =	vld.idx.msk [tilespmem:v45+s2+$0x0], $0xffff  }
0xd4: {  	v56 =	vadd.s32 v0, v54;
	v59 =	vperm.xlane v22, v3;
	v61 =	vadd.s32 v2, v54;
	v55 =	vld.idx.msk [tilespmem:v35+s2+$0x0], $0xffff  }
0xd5: {  	v32 =	vmul.f32 v60, v62;
	v29 =	vadd.f32 v46, v29;
	v31 =	vld.idx.msk [tilespmem:v50+s2+$0x0], $0xffff;
	v26 =	vmul.f32 v37, v53  }
0xd6: {  	v63 =	vadd.s32 v0, v59;
	v45 =	vperm.xlane v24, v16;
	v46 =	vadd.s32 v2, v59;
	v60 =	vld.idx.msk [tilespmem:v52+s2+$0x0], $0xffff  }
0xd7: {  	v50 =	vperm.xlane v22, v5;
	v35 =	vadd.s32 v2, v44;
	v28 =	vadd.f32 v32, v28;
	v47 =	vld.idx.msk [tilespmem:v58+s2+$0x0], $0xffff  }
0xd8: {  	v30 =	vmul.f32 v30, v53;
	v25 =	vld.idx.msk [tilespmem:v25+s2+$0x0], $0xffff;
	v58 =	vperm.xlane v22, v7;
	v29 =	vadd.f32 v51, v29  }
0xd9: {  	v24 =	vperm.xlane v24, v17;
	v52 =	vadd.s32 v0, v50;
	v28 =	vadd.f32 v23, v28;
	v23 =	vld [tilespmem:s31+$0x0]  }
0xda: {  	v40 =	vadd.s32 v2, v50;
	v49 =	vld.idx.msk [tilespmem:v61+s2+$0x0], $0xffff;
	v61 =	vadd.s32 v0, v58;
	v29 =	vadd.f32 v30, v29  }
0xdb: {  	v62 =	vmul.f32 v36, v57;
	v28 =	vadd.f32 v26, v28;
	v32 =	vmul.f32 v55, v57  }
0xdc: {  	v33 =	vld.idx.msk [tilespmem:v56+s2+$0x0], $0xffff;
	v26 =	vadd.f32 v48, v27;
	v31 =	vmul.f32 v31, v45;
	v55 =	vperm.xlane v22, v6  }
0xdd: {  	v48 =	vadd.s32 v0, v44;
	v36 =	vld.idx.msk [tilespmem:v63+s2+$0x0], $0xffff;
	v63 =	vperm.xlane v22, v8;
	v27 =	vmul.f32 v60, v45  }
0xde: {  	v54 =	vld.idx.msk [tilespmem:v46+s2+$0x0], $0xffff;
	v30 =	vmul.f32 v47, v24;
	v24 =	vmul.f32 v25, v24;
	v29 =	vadd.f32 v62, v29  }
0xdf: {  	v35 =	vld.idx.msk [tilespmem:v35+s2+$0x0], $0xffff;
	v28 =	vadd.f32 v32, v28;
	v57 =	vadd.s32 v0, v55;
	v51 =	vperm.xlane v23, v1  }
0xe0: {  	v34 =	vadd.s32 v2, v55;
	v56 =	vperm.xlane v23, v3;
	v60 =	vperm.xlane v23, v4  }
0xe1: {  	v62 =	vadd.s32 v2, v58;
	v44 =	vperm.xlane v23, v5;
	v50 =	vperm.xlane v23, v6  }
0xe2: {  	v40 =	vld.idx.msk [tilespmem:v40+s2+$0x0], $0xffff;
	v47 =	vadd.s32 v0, v63;
	v55 =	vperm.xlane v23, v7;
	v53 =	vmul.f32 v33, v51  }
0xe3: {  	v29 =	vadd.f32 v31, v29;
	v37 =	vmul.f32 v49, v51;
	v36 =	vmul.f32 v36, v56  }
0xe4: {  	v27 =	vadd.f32 v27, v28;
	v31 =	vld.idx.msk [tilespmem:v52+s2+$0x0], $0xffff;
	v33 =	vmul.f32 v54, v56;
	v46 =	vmul.f32 v35, v60  }
0xe5: {  	v32 =	vld.idx.msk [tilespmem:v48+s2+$0x0], $0xffff;
	v48 =	vadd.s32 v2, v63;
	v49 =	vperm.xlane v22, v9;
	v29 =	vadd.f32 v30, v29  }
0xe6: {  	v51 =	vld.idx.msk [tilespmem:v61+s2+$0x0], $0xffff;
	v54 =	vperm.xlane v22, v10;
	v24 =	vadd.f32 v24, v27;
	v28 =	vadd.f32 $0.0e+00, v53  }
0xe7: {  	v59 =	vadd.f32 $0.0e+00, v37;
	v45 =	vld.idx.msk [tilespmem:v57+s2+$0x0], $0xffff;
	v30 =	vmul.f32 v40, v44;
	v53 =	vadd.s32 v0, v49  }
0xe8: {  	v52 =	vld.idx.msk [tilespmem:v62+s2+$0x0], $0xffff;
	v39 =	vadd.s32 v2, v49;
	v58 =	vadd.s32 v0, v54;
	v62 =	vperm.xlane v23, v8  }
0xe9: {  	v56 =	vld.idx.msk [tilespmem:v47+s2+$0x0], $0xffff;
	v61 =	vadd.s32 v2, v54;
	v47 =	vperm.xlane v23, v9;
	v54 =	vperm.xlane v23, v10  }
0xea: {  	v34 =	vld.idx.msk [tilespmem:v34+s2+$0x0], $0xffff;
	v29 =	vadd.f32 v29, v38;
	v24 =	vadd.f32 v24, v26;
	v31 =	vmul.f32 v31, v44  }
0xeb: {  	v43 =	vadd.f32 v33, v59;
	v59 =	vperm.xlane v22, v11;
	v44 =	vperm.xlane v22, v12  }
0xec: {  	v28 =	vadd.f32 v36, v28;
	v32 =	vmul.f32 v32, v60;
	v60 =	vmul.f32 v51, v55  }
0xed: {  	v57 =	vld.idx.msk [tilespmem:v48+s2+$0x0], $0xffff;
	v51 =	vperm.xlane v22, v13;
	v19 =	vadd.f32 v29, v19;
	v25 =	vadd.f32 v46, v43  }
0xee: {  	v63 =	vadd.s32 v0, v59;
	v37 =	vadd.s32 v2, v59;
	v49 =	vadd.s32 v0, v44;
	v36 =	vld.idx.msk [tilespmem:v53+s2+$0x0], $0xffff  }
0xef: {  	v28 =	vadd.f32 v32, v28;
	v33 =	vmul.f32 v45, v50;
	v27 =	vmul.f32 v34, v50;
	v43 =	vld.idx.msk [tilespmem:v39+s2+$0x0], $0xffff  }
0xf0: {  	v45 =	vmul.f32 v56, v62;
	v48 =	vld.idx.msk [tilespmem:v58+s2+$0x0], $0xffff;
	v50 =	vadd.s32 v2, v44;
	v58 =	vperm.xlane v22, v14  }
0xf1: {  	v32 =	vld.idx.msk [tilespmem:v61+s2+$0x0], $0xffff;
	v56 =	vadd.s32 v0, v51;
	v61 =	vperm.xlane v23, v11;
	v25 =	vadd.f32 v30, v25  }
0xf2: {  	v30 =	vmul.f32 v52, v55;
	v28 =	vadd.f32 v31, v28;
	v42 =	vadd.s32 v2, v58  }
0xf3: {  	v25 =	vadd.f32 v27, v25;
	v46 =	vmul.f32 v57, v62;
	v57 =	vadd.s32 v2, v51;
	v53 =	vld.idx.msk [tilespmem:v63+s2+$0x0], $0xffff  }
0xf4: {  	v28 =	vadd.f32 v33, v28;
	v55 =	vld.idx.msk [tilespmem:v37+s2+$0x0], $0xffff;
	v63 =	vadd.s32 v0, v58;
	v52 =	vmul.f32 v36, v47  }
0xf5: {  	v25 =	vadd.f32 v30, v25;
	v20 =	vmul.f32 v43, v47;
	v59 =	vmul.f32 v48, v54;
	v62 =	vld.idx.msk [tilespmem:v50+s2+$0x0], $0xffff  }
0xf6: {  	v31 =	vmul.f32 v32, v54;
	v43 =	vperm.xlane v22, v15;
	v27 =	vadd.f32 v60, v28;
	v60 =	vld.idx.msk [tilespmem:v49+s2+$0x0], $0xffff  }
0xf7: {  	v18 =	vadd.f32 v24, v18;
	v48 =	vperm.xlane v22, v16;
	v22 =	vperm.xlane v22, v17;
	v35 =	vld.idx.msk [tilespmem:v42+s2+$0x0], $0xffff  }
0xf8: {  	v25 =	vadd.f32 v46, v25;
	v46 =	vperm.xlane v23, v12;
	v27 =	vadd.f32 v45, v27;
	v45 =	vld.idx.msk [tilespmem:v56+s2+$0x0], $0xffff  }
0xf9: {  	v47 =	vadd.s32 v0, v43;
	v49 =	vadd.s32 v2, v43;
	v42 =	vperm.xlane v23, v15;
	v21 =	vld.idx.msk [tilespmem:v57+s2+$0x0], $0xffff  }
0xfa: {  	v20 =	vadd.f32 v20, v25;
	v25 =	vld [tilespmem:s1+$0x10];
	v30 =	vmul.f32 v53, v61;
	v44 =	vmul.f32 v55, v61  }
0xfb: {  	v51 =	vld.idx.msk [tilespmem:v63+s2+$0x0], $0xffff;
	v53 =	vperm.xlane v23, v13;
	v55 =	vadd.s32 v2, v48;
	v27 =	vadd.f32 v52, v27  }
0xfc: {  	v50 =	vmul.f32 v62, v46;
	v20 =	vadd.f32 v31, v20;
	v28 =	vmul.f32 v60, v46  }
0xfd: {  	v46 =	vperm.xlane v23, v16;
	v27 =	vadd.f32 v59, v27;
	v59 =	vperm.xlane v23, v14  }
0xfe: {  	v24 =	vld [tilespmem:s31+$0x10];
	v52 =	vadd.s32 v0, v48;
	v56 =	vmul.f32 v45, v53;
	v21 =	vmul.f32 v21, v53  }
0xff: {  	v20 =	vadd.f32 v44, v20;
	v54 =	vperm.xlane v25, v1;
	v62 =	vperm.xlane v25, v3  }
0x100: {  	v27 =	vadd.f32 v30, v27;
	v63 =	vmul.f32 v51, v59;
	v40 =	vmul.f32 v35, v59  }
0x101: {  	v60 =	vld.idx.msk [tilespmem:v49+s2+$0x0], $0xffff;
	v44 =	vperm.xlane v25, v4;
	v49 =	vperm.xlane v25, v5;
	v58 =	vadd.s32 v0, v54  }
0x102: {  	v57 =	vld.idx.msk [tilespmem:v47+s2+$0x0], $0xffff;
	v59 =	vperm.xlane v25, v7;
	v20 =	vadd.f32 v50, v20;
	v41 =	vadd.s32 v2, v54  }
0x103: {  	v50 =	vperm.xlane v24, v1;
	v27 =	vadd.f32 v28, v27;
	v43 =	vadd.s32 v0, v62  }
0x104: {  	v61 =	vld.idx.msk [tilespmem:v52+s2+$0x0], $0xffff;
	v30 =	vadd.s32 v2, v62;
	v47 =	vadd.s32 v0, v44;
	v48 =	vadd.s32 v2, v44  }
0x105: {  	v28 =	vld.idx.msk [tilespmem:v55+s2+$0x0], $0xffff;
	v52 =	vadd.s32 v0, v49;
	v37 =	vadd.s32 v2, v49;
	v54 =	vperm.xlane v25, v6  }
0x106: {  	v62 =	vadd.s32 v0, v59;
	v44 =	vperm.xlane v24, v5;
	v20 =	vadd.f32 v21, v20;
	v45 =	vld.idx.msk [tilespmem:v58+s2+$0x0], $0xffff  }
0x107: {  	v26 =	vmul.f32 v57, v42;
	v29 =	vmul.f32 v60, v42;
	v27 =	vadd.f32 v56, v27;
	v34 =	vld.idx.msk [tilespmem:v41+s2+$0x0], $0xffff  }
0x108: {  	v60 =	vperm.xlane v24, v4;
	v56 =	vperm.xlane v24, v3;
	v20 =	vadd.f32 v40, v20;
	v51 =	vld.idx.msk [tilespmem:v43+s2+$0x0], $0xffff  }
0x109: {  	v27 =	vadd.f32 v63, v27;
	v21 =	vmul.f32 v61, v46;
	v63 =	vadd.s32 v0, v22;
	v30 =	vld.idx.msk [tilespmem:v30+s2+$0x0], $0xffff  }
0x10a: {  	v22 =	vadd.s32 v2, v22;
	v29 =	vadd.f32 v29, v20;
	v28 =	vmul.f32 v28, v46;
	v53 =	vld.idx.msk [tilespmem:v47+s2+$0x0], $0xffff  }
0x10b: {  	v57 =	vld.idx.msk [tilespmem:v48+s2+$0x0], $0xffff;
	v58 =	vadd.s32 v0, v54;
	v43 =	vperm.xlane v25, v8;
	v26 =	vadd.f32 v26, v27  }
0x10c: {  	v36 =	vld.idx.msk [tilespmem:v52+s2+$0x0], $0xffff;
	v46 =	vadd.s32 v2, v59;
	v48 =	vperm.xlane v25, v9;
	v52 =	vperm.xlane v25, v10  }
0x10d: {  	v49 =	vld.idx.msk [tilespmem:v62+s2+$0x0], $0xffff;
	v59 =	vperm.xlane v24, v8;
	v62 =	vperm.xlane v24, v9;
	v20 =	vadd.f32 v21, v26  }
0x10e: {  	v21 =	vadd.f32 v28, v29;
	v26 =	vperm.xlane v23, v17;
	v31 =	vmul.f32 v45, v50  }
0x10f: {  	v29 =	vadd.s32 v2, v54;
	v27 =	vmul.f32 v34, v50;
	v32 =	vmul.f32 v51, v56  }
0x110: {  	v54 =	vadd.s32 v0, v52;
	v30 =	vmul.f32 v30, v56;
	v28 =	vmul.f32 v53, v60  }
0x111: {  	v61 =	vld.idx.msk [tilespmem:v37+s2+$0x0], $0xffff;
	v47 =	vadd.s32 v0, v43;
	v42 =	vmul.f32 v57, v60;
	v36 =	vmul.f32 v36, v44  }
0x112: {  	v35 =	vadd.s32 v2, v48;
	v45 =	vld.idx.msk [tilespmem:v58+s2+$0x0], $0xffff;
	v53 =	vperm.xlane v24, v7;
	v58 =	vperm.xlane v25, v12  }
0x113: {  	v39 =	vld.idx.msk [tilespmem:v63+s2+$0x0], $0xffff;
	v50 =	vperm.xlane v24, v6;
	v51 =	vadd.s32 v0, v48;
	v55 =	vadd.f32 $0.0e+00, v31  }
0x114: {  	v34 =	vld.idx.msk [tilespmem:v46+s2+$0x0], $0xffff;
	v27 =	vadd.f32 $0.0e+00, v27;
	v31 =	vmul.f32 v49, v53;
	v60 =	vadd.s32 v0, v58  }
0x115: {  	v38 =	vadd.s32 v2, v58;
	v37 =	vld.idx.msk [tilespmem:v54+s2+$0x0], $0xffff;
	v54 =	vperm.xlane v25, v15;
	v23 =	vadd.f32 v32, v55  }
0x116: {  	v29 =	vld.idx.msk [tilespmem:v29+s2+$0x0], $0xffff;
	v27 =	vadd.f32 v30, v27;
	v32 =	vadd.s32 v2, v43;
	v55 =	vperm.xlane v25, v11  }
0x117: {  	v30 =	vld.idx.msk [tilespmem:v47+s2+$0x0], $0xffff;
	v47 =	vperm.xlane v25, v14;
	v33 =	vmul.f32 v45, v50;
	v23 =	vadd.f32 v28, v23  }
0x118: {  	v35 =	vld.idx.msk [tilespmem:v35+s2+$0x0], $0xffff;
	v27 =	vadd.f32 v42, v27;
	v28 =	vmul.f32 v61, v44;
	v57 =	vadd.s32 v0, v55  }
0x119: {  	v56 =	vld.idx.msk [tilespmem:v51+s2+$0x0], $0xffff;
	v34 =	vmul.f32 v34, v53;
	v40 =	vadd.s32 v2, v55;
	v61 =	vperm.xlane v25, v13  }
0x11a: {  	v49 =	vld.idx.msk [tilespmem:v60+s2+$0x0], $0xffff;
	v23 =	vadd.f32 v36, v23;
	v27 =	vadd.f32 v28, v27;
	v28 =	vadd.s32 v2, v52  }
0x11b: {  	v45 =	vperm.xlane v24, v10;
	v51 =	vperm.xlane v24, v11;
	v38 =	vld.idx.msk [tilespmem:v38+s2+$0x0], $0xffff;
	v63 =	vadd.s32 v0, v61  }
0x11c: {  	v29 =	vmul.f32 v29, v50;
	v50 =	vadd.s32 v2, v61;
	v32 =	vld.idx.msk [tilespmem:v32+s2+$0x0], $0xffff;
	v23 =	vadd.f32 v33, v23  }
0x11d: {  	v58 =	vadd.s32 v0, v54;
	v48 =	vmul.f32 v35, v62;
	v52 =	vadd.s32 v0, v47;
	v44 =	vld.idx.msk [tilespmem:v57+s2+$0x0], $0xffff  }
0x11e: {  	v37 =	vmul.f32 v37, v45;
	v30 =	vmul.f32 v30, v59;
	v46 =	vld.idx.msk [tilespmem:v40+s2+$0x0], $0xffff;
	v23 =	vadd.f32 v31, v23  }
0x11f: {  	v61 =	vperm.xlane v25, v16;
	v25 =	vperm.xlane v25, v17;
	v27 =	vadd.f32 v29, v27;
	v28 =	vld.idx.msk [tilespmem:v28+s2+$0x0], $0xffff  }
0x120: {  	v29 =	vmul.f32 v56, v62;
	v56 =	vadd.s32 v2, v47;
	v53 =	vld.idx.msk [tilespmem:v63+s2+$0x0], $0xffff;
	v23 =	vadd.f32 v30, v23  }
0x121: {  	v57 =	vperm.xlane v24, v12;
	v27 =	vadd.f32 v34, v27;
	v60 =	vld.idx.msk [tilespmem:v50+s2+$0x0], $0xffff;
	v31 =	vmul.f32 v32, v59  }
0x122: {  	v62 =	vperm.xlane v24, v13;
	v34 =	vmul.f32 v39, v26;
	v41 =	vld.idx.msk [tilespmem:v52+s2+$0x0], $0xffff;
	v23 =	vadd.f32 v29, v23  }
0x123: {  	v47 =	vld.idx.msk [tilespmem:v58+s2+$0x0], $0xffff;
	v35 =	vmul.f32 v49, v57;
	v63 =	vadd.s32 v0, v61;
	v27 =	vadd.f32 v31, v27  }
0x124: {  	v30 =	vmul.f32 v44, v51;
	v59 =	vmul.f32 v46, v51;
	v55 =	vadd.f32 v37, v23;
	v23 =	vld [tilespmem:s1+$0x20]  }
0x125: {  	v31 =	vadd.s32 v2, v54;
	v46 =	vperm.xlane v24, v14;
	v54 =	vperm.xlane v24, v15  }
0x126: {  	v44 =	vld.idx.msk [tilespmem:v56+s2+$0x0], $0xffff;
	v27 =	vadd.f32 v48, v27;
	v28 =	vmul.f32 v28, v45;
	v29 =	vmul.f32 v53, v62  }
0x127: {  	v36 =	vadd.s32 v2, v61;
	v48 =	vld.idx.msk [tilespmem:v22+s2+$0x0], $0xffff;
	v50 =	vmul.f32 v60, v62;
	v52 =	vmul.f32 v41, v46  }
0x128: {  	v22 =	vld [tilespmem:s31+$0x20];
	v56 =	vmul.f32 v47, v54;
	v27 =	vadd.f32 v28, v27;
	v30 =	vadd.f32 v30, v55  }
0x129: {  	v20 =	vadd.f32 v34, v20;
	v28 =	vmul.f32 v38, v57;
	v45 =	vperm.xlane v23, v1  }
0x12a: {  	v32 =	vld.idx.msk [tilespmem:v63+s2+$0x0], $0xffff;
	v27 =	vadd.f32 v59, v27;
	v30 =	vadd.f32 v35, v30;
	v59 =	vperm.xlane v24, v16  }
0x12b: {  	v53 =	vperm.xlane v23, v3;
	v58 =	vperm.xlane v23, v4;
	v51 =	vadd.s32 v0, v45  }
0x12c: {  	v26 =	vmul.f32 v48, v26;
	v63 =	vperm.xlane v23, v5;
	v37 =	vadd.s32 v2, v45  }
0x12d: {  	v42 =	vperm.xlane v22, v1;
	v47 =	vperm.xlane v23, v6;
	v55 =	vadd.s32 v0, v53  }
0x12e: {  	v31 =	vld.idx.msk [tilespmem:v31+s2+$0x0], $0xffff;
	v27 =	vadd.f32 v28, v27;
	v49 =	vadd.f32 v29, v30;
	v57 =	vadd.s32 v2, v53  }
0x12f: {  	v36 =	vld.idx.msk [tilespmem:v36+s2+$0x0], $0xffff;
	v28 =	vmul.f32 v44, v46;
	v32 =	vmul.f32 v32, v59;
	v61 =	vadd.s32 v0, v58  }
0x130: {  	v62 =	vadd.s32 v2, v58;
	v21 =	vadd.f32 v26, v21;
	v45 =	vadd.s32 v0, v63;
	v30 =	vld.idx.msk [tilespmem:v51+s2+$0x0], $0xffff  }
0x131: {  	v46 =	vadd.s32 v2, v63;
	v53 =	vperm.xlane v23, v7;
	v38 =	vadd.s32 v2, v47;
	v60 =	vld.idx.msk [tilespmem:v37+s2+$0x0], $0xffff  }
0x132: {  	v63 =	vperm.xlane v23, v9;
	v27 =	vadd.f32 v50, v27;
	v33 =	vadd.f32 v52, v49;
	v43 =	vld.idx.msk [tilespmem:v55+s2+$0x0], $0xffff  }
0x133: {  	v29 =	vmul.f32 v31, v54;
	v49 =	vperm.xlane v22, v3;
	v52 =	vadd.s32 v0, v47;
	v44 =	vld.idx.msk [tilespmem:v57+s2+$0x0], $0xffff  }
0x134: {  	v54 =	vperm.xlane v22, v4;
	v47 =	vperm.xlane v22, v6;
	v27 =	vadd.f32 v28, v27;
	v50 =	vld.idx.msk [tilespmem:v61+s2+$0x0], $0xffff  }
0x135: {  	v28 =	vmul.f32 v36, v59;
	v59 =	vadd.s32 v2, v53;
	v51 =	vld.idx.msk [tilespmem:v62+s2+$0x0], $0xffff;
	v57 =	vperm.xlane v23, v8  }
0x136: {  	v33 =	vadd.f32 v56, v33;
	v56 =	vadd.s32 v0, v53;
	v34 =	vld.idx.msk [tilespmem:v45+s2+$0x0], $0xffff;
	v62 =	vadd.s32 v0, v25  }
0x137: {  	v41 =	vadd.f32 v29, v27;
	v55 =	vld.idx.msk [tilespmem:v46+s2+$0x0], $0xffff;
	v25 =	vadd.s32 v2, v25;
	v61 =	vadd.s32 v0, v57  }
0x138: {  	v46 =	vld.idx.msk [tilespmem:v38+s2+$0x0], $0xffff;
	v40 =	vadd.s32 v2, v57;
	v57 =	vperm.xlane v23, v11;
	v30 =	vmul.f32 v30, v42  }
0x139: {  	v32 =	vadd.f32 v32, v33;
	v37 =	vld.idx.msk [tilespmem:v52+s2+$0x0], $0xffff;
	v48 =	vmul.f32 v60, v42;
	v29 =	vmul.f32 v43, v49  }
0x13a: {  	v28 =	vadd.f32 v28, v41;
	v31 =	vld.idx.msk [tilespmem:v59+s2+$0x0], $0xffff;
	v27 =	vmul.f32 v44, v49;
	v58 =	vmul.f32 v50, v54  }
0x13b: {  	v33 =	vmul.f32 v51, v54;
	v60 =	vperm.xlane v22, v5;
	v49 =	vadd.s32 v0, v63;
	v41 =	vld.idx.msk [tilespmem:v62+s2+$0x0], $0xffff  }
0x13c: {  	v50 =	vadd.s32 v2, v63;
	v51 =	vperm.xlane v23, v10;
	v54 =	vperm.xlane v22, v7;
	v25 =	vld.idx.msk [tilespmem:v25+s2+$0x0], $0xffff  }
0x13d: {  	v63 =	vperm.xlane v24, v17;
	v30 =	vadd.f32 $0.0e+00, v30;
	v26 =	vadd.f32 $0.0e+00, v48;
	v48 =	vld.idx.msk [tilespmem:v56+s2+$0x0], $0xffff  }
0x13e: {  	v62 =	vadd.s32 v0, v57;
	v52 =	vmul.f32 v37, v47;
	v45 =	vmul.f32 v34, v60;
	v53 =	vld.idx.msk [tilespmem:v61+s2+$0x0], $0xffff  }
0x13f: {  	v56 =	vadd.s32 v0, v51;
	v29 =	vadd.f32 v29, v30;
	v30 =	vmul.f32 v55, v60;
	v55 =	vld.idx.msk [tilespmem:v40+s2+$0x0], $0xffff  }
0x140: {  	v59 =	vadd.s32 v2, v51;
	v61 =	vperm.xlane v22, v8;
	v26 =	vadd.f32 v27, v26;
	v36 =	vld.idx.msk [tilespmem:v49+s2+$0x0], $0xffff  }
0x141: {  	v49 =	vld.idx.msk [tilespmem:v50+s2+$0x0], $0xffff;
	v50 =	vadd.s32 v2, v57;
	v25 =	vmul.f32 v25, v63;
	v27 =	vadd.f32 v58, v29  }
0x142: {  	v26 =	vadd.f32 v33, v26;
	v58 =	vmul.f32 v46, v47;
	v60 =	vmul.f32 v48, v54  }
0x143: {  	v48 =	vmul.f32 v31, v54;
	v54 =	vmul.f32 v41, v63;
	v27 =	vadd.f32 v45, v27  }
0x144: {  	v26 =	vadd.f32 v30, v26;
	v30 =	vmul.f32 v53, v61;
	v53 =	vperm.xlane v23, v12  }
0x145: {  	v33 =	vld.idx.msk [tilespmem:v59+s2+$0x0], $0xffff;
	v59 =	vperm.xlane v22, v10;
	v63 =	vperm.xlane v22, v11  }
0x146: {  	v51 =	vmul.f32 v55, v61;
	v27 =	vadd.f32 v52, v27;
	v57 =	vadd.s32 v0, v53  }
0x147: {  	v55 =	vperm.xlane v22, v9;
	v61 =	vperm.xlane v23, v14;
	v52 =	vld.idx.msk [tilespmem:v56+s2+$0x0], $0xffff;
	v35 =	vadd.s32 v2, v53  }
0x148: {  	v47 =	vadd.f32 v58, v26;
	v56 =	vld.idx.msk [tilespmem:v62+s2+$0x0], $0xffff;
	v58 =	vperm.xlane v23, v13;
	v27 =	vadd.f32 v60, v27  }
0x149: {  	v25 =	vadd.f32 v25, v28;
	v31 =	vld.idx.msk [tilespmem:v50+s2+$0x0], $0xffff;
	v53 =	vperm.xlane v22, v13;
	v36 =	vmul.f32 v36, v55  }
0x14a: {  	v24 =	vadd.f32 v48, v47;
	v62 =	vadd.s32 v2, v58;
	v30 =	vadd.f32 v30, v27;
	v27 =	vld [tilespmem:s1+$0x30]  }
0x14b: {  	v29 =	vmul.f32 v49, v55;
	v44 =	vadd.s32 v0, v61;
	v49 =	vperm.xlane v22, v12;
	v39 =	vld.idx.msk [tilespmem:v57+s2+$0x0], $0xffff  }
0x14c: {  	v55 =	vperm.xlane v23, v15;
	v60 =	vadd.s32 v0, v58;
	v26 =	vadd.f32 v51, v24;
	v45 =	vld.idx.msk [tilespmem:v35+s2+$0x0], $0xffff  }
0x14d: {  	v24 =	vadd.f32 v54, v32;
	v32 =	vmul.f32 v33, v59;
	v34 =	vmul.f32 v52, v59  }
0x14e: {  	v47 =	vmul.f32 v56, v63;
	v31 =	vmul.f32 v31, v63;
	v26 =	vadd.f32 v29, v26  }
0x14f: {  	v59 =	vadd.s32 v0, v55;
	v30 =	vadd.f32 v36, v30;
	v29 =	vadd.s32 v2, v61;
	v33 =	vld.idx.msk [tilespmem:v62+s2+$0x0], $0xffff  }
0x150: {  	v62 =	vperm.xlane v22, v14;
	v26 =	vadd.f32 v32, v26;
	v46 =	vperm.xlane v27, v1  }
0x151: {  	v48 =	vld.idx.msk [tilespmem:v60+s2+$0x0], $0xffff;
	v52 =	vmul.f32 v39, v49;
	v32 =	vmul.f32 v45, v49;
	v49 =	vadd.s32 v2, v55  }
0x152: {  	v40 =	vld.idx.msk [tilespmem:v44+s2+$0x0], $0xffff;
	v51 =	vperm.xlane v27, v3;
	v31 =	vadd.f32 v31, v26;
	v50 =	vadd.s32 v0, v46  }
0x153: {  	v30 =	vadd.f32 v34, v30;
	v57 =	vperm.xlane v27, v4;
	v26 =	vld [tilespmem:s31+$0x30];
	v34 =	vadd.s32 v2, v46  }
0x154: {  	v54 =	vadd.s32 v0, v51;
	v29 =	vld.idx.msk [tilespmem:v29+s2+$0x0], $0xffff;
	v58 =	vadd.f32 v32, v31;
	v33 =	vmul.f32 v33, v53  }
0x155: {  	v30 =	vadd.f32 v47, v30;
	v41 =	vadd.s32 v2, v51;
	v61 =	vadd.s32 v0, v57;
	v31 =	vld.idx.msk [tilespmem:v59+s2+$0x0], $0xffff  }
0x156: {  	v56 =	vmul.f32 v48, v53;
	v48 =	vperm.xlane v27, v5;
	v28 =	vadd.f32 v33, v58;
	v33 =	vld.idx.msk [tilespmem:v49+s2+$0x0], $0xffff  }
0x157: {  	v36 =	vadd.s32 v2, v57;
	v30 =	vadd.f32 v52, v30;
	v52 =	vperm.xlane v27, v6;
	v60 =	vld.idx.msk [tilespmem:v50+s2+$0x0], $0xffff  }
0x158: {  	v51 =	vadd.s32 v0, v48;
	v34 =	vld.idx.msk [tilespmem:v34+s2+$0x0], $0xffff  }
0x159: {  	v40 =	vmul.f32 v40, v62;
	v57 =	vperm.xlane v27, v7;
	v43 =	vadd.s32 v2, v52;
	v63 =	vld.idx.msk [tilespmem:v54+s2+$0x0], $0xffff  }
0x15a: {  	v53 =	vperm.xlane v22, v15;
	v30 =	vadd.f32 v56, v30;
	v56 =	vperm.xlane v26, v4;
	v41 =	vld.idx.msk [tilespmem:v41+s2+$0x0], $0xffff  }
0x15b: {  	v55 =	vadd.s32 v0, v52;
	v46 =	vperm.xlane v26, v5;
	v29 =	vmul.f32 v29, v62;
	v35 =	vld.idx.msk [tilespmem:v61+s2+$0x0], $0xffff  }
0x15c: {  	v50 =	vperm.xlane v26, v1;
	v30 =	vadd.f32 v40, v30;
	v36 =	vld.idx.msk [tilespmem:v36+s2+$0x0], $0xffff;
	v58 =	vmul.f32 v31, v53  }
0x15d: {  	v54 =	vperm.xlane v26, v3;
	v28 =	vadd.f32 v29, v28;
	v38 =	vld.idx.msk [tilespmem:v51+s2+$0x0], $0xffff;
	v51 =	vperm.xlane v26, v6  }
0x15e: {  	v29 =	vadd.f32 v58, v30;
	v47 =	vld.idx.msk [tilespmem:v43+s2+$0x0], $0xffff;
	v58 =	vperm.xlane v26, v7;
	v43 =	vperm.xlane v22, v16  }
0x15f: {  	v42 =	vadd.s32 v2, v48;
	v22 =	vperm.xlane v22, v17;
	v45 =	vmul.f32 v33, v53  }
0x160: {  	v61 =	vadd.s32 v0, v57;
	v53 =	vperm.xlane v27, v9;
	v32 =	vmul.f32 v60, v50  }
0x161: {  	v34 =	vmul.f32 v34, v50;
	v39 =	vmul.f32 v63, v54  }
0x162: {  	v37 =	vld.idx.msk [tilespmem:v55+s2+$0x0], $0xffff;
	v41 =	vmul.f32 v41, v54;
	v35 =	vmul.f32 v35, v56  }
0x163: {  	v36 =	vmul.f32 v36, v56;
	v63 =	vperm.xlane v27, v8  }
0x164: {  	v62 =	vadd.s32 v2, v57;
	v60 =	vld.idx.msk [tilespmem:v42+s2+$0x0], $0xffff;
	v54 =	vperm.xlane v23, v16;
	v23 =	vperm.xlane v23, v17  }
0x165: {  	v52 =	vld.idx.msk [tilespmem:v61+s2+$0x0], $0xffff;
	v28 =	vadd.f32 v45, v28;
	v57 =	vadd.s32 v0, v53;
	v32 =	vadd.f32 $0.0e+00, v32  }
0x166: {  	v34 =	vadd.f32 $0.0e+00, v34;
	v48 =	vadd.s32 v0, v63;
	v49 =	vmul.f32 v38, v46  }
0x167: {  	v50 =	vadd.s32 v2, v63;
	v56 =	vmul.f32 v37, v51;
	v30 =	vmul.f32 v47, v51  }
0x168: {  	v47 =	vperm.xlane v27, v11;
	v59 =	vadd.f32 v39, v32;
	v34 =	vadd.f32 v41, v34  }
0x169: {  	v39 =	vadd.s32 v2, v53;
	v53 =	vperm.xlane v26, v9;
	v32 =	vmul.f32 v60, v46  }
0x16a: {  	v55 =	vld.idx.msk [tilespmem:v62+s2+$0x0], $0xffff;
	v60 =	vadd.s32 v0, v54;
	v61 =	vmul.f32 v52, v58;
	v51 =	vadd.s32 v0, v47  }
0x16b: {  	v40 =	vadd.s32 v2, v47;
	v52 =	vadd.s32 v0, v23;
	v46 =	vperm.xlane v27, v14;
	v37 =	vld.idx.msk [tilespmem:v57+s2+$0x0], $0xffff  }
0x16c: {  	v31 =	vadd.f32 v35, v59;
	v34 =	vadd.f32 v36, v34;
	v59 =	vperm.xlane v27, v10;
	v35 =	vld.idx.msk [tilespmem:v48+s2+$0x0], $0xffff  }
0x16d: {  	v23 =	vadd.s32 v2, v23;
	v47 =	vperm.xlane v27, v16;
	v57 =	vperm.xlane v27, v13;
	v33 =	vld.idx.msk [tilespmem:v50+s2+$0x0], $0xffff  }
0x16e: {  	v48 =	vadd.s32 v2, v54;
	v32 =	vadd.f32 v32, v34;
	v62 =	vadd.s32 v0, v59;
	v50 =	vld.idx.msk [tilespmem:v39+s2+$0x0], $0xffff  }
0x16f: {  	v54 =	vperm.xlane v27, v12;
	v31 =	vadd.f32 v49, v31;
	v63 =	vadd.s32 v2, v59;
	v39 =	vld.idx.msk [tilespmem:v60+s2+$0x0], $0xffff  }
0x170: {  	v34 =	vmul.f32 v55, v58;
	v49 =	vperm.xlane v26, v8;
	v30 =	vadd.f32 v30, v32;
	v59 =	vld.idx.msk [tilespmem:v40+s2+$0x0], $0xffff  }
0x171: {  	v58 =	vperm.xlane v26, v10;
	v45 =	vadd.s32 v2, v54;
	v31 =	vadd.f32 v56, v31;
	v42 =	vld.idx.msk [tilespmem:v52+s2+$0x0], $0xffff  }
0x172: {  	v56 =	vadd.s32 v0, v54;
	v52 =	vperm.xlane v26, v11;
	v30 =	vadd.f32 v34, v30;
	v34 =	vld.idx.msk [tilespmem:v51+s2+$0x0], $0xffff  }
0x173: {  	v60 =	vadd.s32 v0, v57;
	v37 =	vmul.f32 v37, v53;
	v35 =	vmul.f32 v35, v49;
	v36 =	vld.idx.msk [tilespmem:v62+s2+$0x0], $0xffff  }
0x174: {  	v31 =	vadd.f32 v61, v31;
	v33 =	vmul.f32 v33, v49;
	v51 =	vperm.xlane v27, v15;
	v55 =	vld.idx.msk [tilespmem:v63+s2+$0x0], $0xffff  }
0x175: {  	v23 =	vld.idx.msk [tilespmem:v23+s2+$0x0], $0xffff;
	v27 =	vperm.xlane v27, v17;
	v62 =	vadd.s32 v2, v57;
	v63 =	vadd.s32 v0, v46  }
0x176: {  	v46 =	vadd.s32 v2, v46;
	v57 =	vperm.xlane v26, v12;
	v31 =	vadd.f32 v35, v31;
	v35 =	vld.idx.msk [tilespmem:v48+s2+$0x0], $0xffff  }
0x177: {  	v30 =	vadd.f32 v33, v30;
	v32 =	vmul.f32 v50, v53;
	v54 =	vadd.s32 v0, v51;
	v38 =	vld.idx.msk [tilespmem:v56+s2+$0x0], $0xffff  }
0x178: {  	v53 =	vld.idx.msk [tilespmem:v45+s2+$0x0], $0xffff;
	v48 =	vadd.s32 v0, v47;
	v31 =	vadd.f32 v37, v31;
	v61 =	vmul.f32 v36, v58  }
0x179: {  	v56 =	vadd.s32 v2, v51;
	v30 =	vadd.f32 v32, v30;
	v33 =	vmul.f32 v55, v58;
	v55 =	vld.idx.msk [tilespmem:v60+s2+$0x0], $0xffff  }
0x17a: {  	v32 =	vmul.f32 v59, v52;
	v34 =	vmul.f32 v34, v52;
	v36 =	vld.idx.msk [tilespmem:v62+s2+$0x0], $0xffff;
	v31 =	vadd.f32 v61, v31  }
0x17b: {  	v59 =	vadd.s32 v2, v47;
	v58 =	vld.idx.msk [tilespmem:v63+s2+$0x0], $0xffff;
	v60 =	vperm.xlane v26, v13;
	v30 =	vadd.f32 v33, v30  }
0x17c: {  	v46 =	vld.idx.msk [tilespmem:v46+s2+$0x0], $0xffff;
	v38 =	vmul.f32 v38, v57;
	v61 =	vadd.s32 v0, v27;
	v31 =	vadd.f32 v34, v31  }
0x17d: {  	v62 =	vld.idx.msk [tilespmem:v54+s2+$0x0], $0xffff;
	v33 =	vmul.f32 v53, v57;
	v27 =	vadd.s32 v2, v27;
	v30 =	vadd.f32 v32, v30  }
0x17e: {  	v63 =	vperm.xlane v26, v14;
	v40 =	vld.idx.msk [tilespmem:v56+s2+$0x0], $0xffff;
	v37 =	vmul.f32 v55, v60;
	v31 =	vadd.f32 v38, v31  }
0x17f: {  	v39 =	vmul.f32 v39, v43;
	v49 =	vld.idx.msk [tilespmem:v48+s2+$0x0], $0xffff;
	v45 =	vmul.f32 v36, v60;
	v30 =	vadd.f32 v33, v30  }
0x180: {  	v50 =	vperm.xlane v26, v15;
	v34 =	vld.idx.msk [tilespmem:v59+s2+$0x0], $0xffff;
	v32 =	vmul.f32 v58, v63;
	v31 =	vadd.f32 v37, v31  }
0x181: {  	v29 =	vadd.f32 v39, v29;
	v51 =	vmul.f32 v46, v63;
	v52 =	vld.idx.msk [tilespmem:v61+s2+$0x0], $0xffff;
	v30 =	vadd.f32 v45, v30  }
0x182: {  	v54 =	vperm.xlane v26, v16;
	v53 =	vmul.f32 v62, v50;
	v27 =	vld.idx.msk [tilespmem:v27+s2+$0x0], $0xffff;
	v31 =	vadd.f32 v32, v31  }
0x183: {  	v35 =	vmul.f32 v35, v43;
	v55 =	vmul.f32 v40, v50;
	v30 =	vadd.f32 v51, v30  }
0x184: {  	v26 =	vperm.xlane v26, v17;
	v56 =	vmul.f32 v49, v54;
	v31 =	vadd.f32 v53, v31  }
0x185: {  	v28 =	vadd.f32 v35, v28;
	v57 =	vmul.f32 v34, v54;
	v30 =	vadd.f32 v55, v30  }
0x186: {  	v58 =	vmul.f32 v42, v22;
	v59 =	vmul.f32 v52, v26;
	v31 =	vadd.f32 v56, v31  }
0x187: {  	v22 =	vmul.f32 v23, v22;
	v26 =	vmul.f32 v27, v26;
	v60 =	vadd.f32 v57, v30  }
0x188: {  	v61 =	vadd.f32 v58, v29;
	v62 =	vadd.f32 v59, v31  }
0x189: {  	s29 =	sadd.s32 $0x2, s29;
	v22 =	vadd.f32 v22, v28;
	v23 =	vadd.f32 v26, v60  }
0x18a: {  	p1 =	slt.u32 s29, $0x1E;
	v20 =	vadd.f32 v24, v20;
	v63 =	vadd.f32 v62, v61  }
.Ltmp2:
0x18b: {  	v21 =	vadd.f32 v25, v21;
	v22 =	vadd.f32 v23, v22;
	(pc) =	sbr.rel @p1 .LBB2_3-.Ltmp2, $4  }
0x18c: {  	[tilespmem:s30+$0xFFFFFF70] =	vst v19;
	v19 =	vadd.f32 v63, v20  }
0x18d: {  	[tilespmem:s30+$0xFFFFFF80] =	vst v18;
	v18 =	vadd.f32 v22, v21  }
0x18e: {  	[tilespmem:s30+$0xFFFFFFF0] =	vst v19  }
0x18f: {  	s1 =	sadd.s32 $0x100, s1;
	s31 =	sadd.s32 $0x100, s31;
	[tilespmem:s30+$0x0] =	vst v18;
	s30 =	sadd.s32 $0x100, s30  }
0x190: {  	s1 =	sadd.s32 s5, s28  }
0x191: {  	s1 =	sshrl.u32 s1, $0x3  }
0x192: {  	p1 =	seq.s32 s26, $0x2F;
	s1 =	sadd.s32 s6, s1  }
0x193: {  	[hbm4b:s1+s2] =	stream.linear.scatter [tilespmem:s22], [sflag:$0x3], $0x1000, $0x38;
	[tilespmem:$0x1E000] =	vst v63  }
0x194: {  	s1 =	sadd.s32 @!p1 s28, s12  }
0x195: {  	s1 =	sshrl.u32 @!p1 s1, $0x3  }
0x196: {  	s30 =	simm.s32 @!p1 $0x0;
	s31 =	simm.s32 @!p1 $0x18000;
	s29 =	sadd.s32 @!p1 s3, s1  }
0x197: {  	[tilespmem:s31], [sflag:$0x2] =	stream.linear.gather @!p1 [hbm4b:s29+s30], $0x1000, $0x38;
	[tilespmem:$0x1E000] =	vst v63  }
0x198: {  	s1 =	sadd.s32 @!p1 s4, s1;
	s29 =	simm.s32 @!p1 $0x1A000  }
0x199: {  	[tilespmem:s29], [sflag:$0x2] =	stream.linear.gather @!p1 [hbm4b:s1+s30], $0x1000, $0x38;
	[tilespmem:$0x1E000] =	vst v63  }
0x19a: {  	_ =	swait.ge [sflag:s21], $0x1000  }
0x19b: {  	[sflag:s21] =	ssyncset.done $0x0  }
0x19c: {  	[sflag:s21] =	ssyncadd.s32 $0xFFFFF000  }
0x19d: {  	_ =	swait.ge [sflag:s21], $0x1000  }
0x19e: {  	[sflag:s21] =	ssyncset.done $0x0  }
0x19f: {  	s1 =	simm.s32 @!p0 $0x3;
	[sflag:s21] =	ssyncadd.s32 $0xFFFFF000  }
0x1a0: {  	_ =	swait.ge @!p0 [sflag:s1], $0x1000  }
0x1a1: {  	s31 =	simm.s32 $0x190B0;
	s29 =	simm.s32 $0xFFFFFFFE;
	[sflag:s1] =	ssyncset.done @!p0 $0x0  }
0x1a2: {  	s30 =	simm.s32 $0x1B0B0;
	[sflag:s1] =	ssyncadd.s32 @!p0 $0xFFFFF000;
	s1 =	simm.s32 $0x1D090  }
.LBB2_5:
0x1a3: {  	v18 =	vld [tilespmem:s31+$0xFFFFFF50];
	_ =	sdelay $0x4  }
0x1a4: {  	v19 =	vperm.xlane v18, v1;
	_ =	sdelay $0x1  }
0x1a5: {  	v21 =	vperm.xlane v18, v3;
	v20 =	vadd.s32 v0, v19  }
0x1a6: {  	v22 =	vadd.s32 v2, v19  }
0x1a7: {  	v24 =	vperm.xlane v18, v4;
	v23 =	vadd.s32 v0, v21  }
0x1a8: {  	v21 =	vadd.s32 v2, v21  }
0x1a9: {  	v26 =	vperm.xlane v18, v5;
	v19 =	vld [tilespmem:s30+$0xFFFFFF50];
	v25 =	vadd.s32 v0, v24  }
0x1aa: {  	v29 =	vperm.xlane v18, v6;
	v31 =	vperm.xlane v18, v7;
	v24 =	vadd.s32 v2, v24;
	v20 =	vld.idx.msk [tilespmem:v20+s2+$0x0], $0xffff  }
0x1ab: {  	v61 =	vperm.xlane v18, v8;
	v32 =	vperm.xlane v18, v9;
	v28 =	vadd.s32 v0, v26;
	v22 =	vld.idx.msk [tilespmem:v22+s2+$0x0], $0xffff  }
0x1ac: {  	v40 =	vperm.xlane v18, v10;
	v47 =	vperm.xlane v18, v11;
	v26 =	vadd.s32 v2, v26;
	v23 =	vld.idx.msk [tilespmem:v23+s2+$0x0], $0xffff  }
0x1ad: {  	v34 =	vperm.xlane v18, v12;
	v56 =	vadd.s32 v0, v29;
	v29 =	vadd.s32 v2, v29;
	v21 =	vld.idx.msk [tilespmem:v21+s2+$0x0], $0xffff  }
0x1ae: {  	v35 =	vperm.xlane v18, v14;
	v59 =	vadd.s32 v0, v31;
	v27 =	vperm.xlane v19, v1;
	v25 =	vld.idx.msk [tilespmem:v25+s2+$0x0], $0xffff  }
0x1af: {  	v31 =	vadd.s32 v2, v31;
	v30 =	vperm.xlane v19, v3;
	v24 =	vld.idx.msk [tilespmem:v24+s2+$0x0], $0xffff;
	v57 =	vperm.xlane v19, v4  }
0x1b0: {  	v36 =	vadd.s32 v0, v61;
	v28 =	vld.idx.msk [tilespmem:v28+s2+$0x0], $0xffff;
	v62 =	vperm.xlane v19, v5;
	v38 =	vperm.xlane v19, v6  }
0x1b1: {  	v39 =	vadd.s32 v0, v32;
	v58 =	vld.idx.msk [tilespmem:v26+s2+$0x0], $0xffff;
	v44 =	vperm.xlane v19, v7;
	v50 =	vperm.xlane v19, v8  }
0x1b2: {  	v43 =	vadd.s32 v2, v32;
	v63 =	vld.idx.msk [tilespmem:v29+s2+$0x0], $0xffff;
	v54 =	vperm.xlane v19, v9;
	v20 =	vmul.f32 v20, v27  }
0x1b3: {  	v26 =	vld.idx.msk [tilespmem:v59+s2+$0x0], $0xffff;
	v22 =	vmul.f32 v22, v27;
	v60 =	vmul.f32 v25, v57;
	v25 =	vadd.s32 v2, v61  }
0x1b4: {  	v45 =	vadd.s32 v0, v40;
	v59 =	vperm.xlane v19, v10;
	v23 =	vmul.f32 v23, v30;
	v27 =	vld.idx.msk [tilespmem:v56+s2+$0x0], $0xffff  }
0x1b5: {  	v42 =	vld.idx.msk [tilespmem:v31+s2+$0x0], $0xffff;
	v21 =	vmul.f32 v21, v30;
	v20 =	vadd.f32 $0.0e+00, v20;
	v22 =	vadd.f32 $0.0e+00, v22  }
0x1b6: {  	v33 =	vadd.s32 v0, v47;
	v29 =	vld.idx.msk [tilespmem:v36+s2+$0x0], $0xffff;
	v24 =	vmul.f32 v24, v57;
	v37 =	vmul.f32 v28, v62  }
0x1b7: {  	v49 =	vld.idx.msk [tilespmem:v39+s2+$0x0], $0xffff;
	v56 =	vadd.s32 v0, v34;
	v20 =	vadd.f32 v23, v20;
	v21 =	vadd.f32 v21, v22  }
0x1b8: {  	v23 =	vmul.f32 v58, v62;
	v22 =	vmul.f32 v63, v38;
	v46 =	vld.idx.msk [tilespmem:v25+s2+$0x0], $0xffff;
	v25 =	vadd.s32 v2, v47  }
0x1b9: {  	v52 =	vld.idx.msk [tilespmem:v43+s2+$0x0], $0xffff;
	v57 =	vadd.s32 v2, v34;
	v58 =	vperm.xlane v18, v13;
	v41 =	vmul.f32 v27, v38  }
0x1ba: {  	v55 =	vld.idx.msk [tilespmem:v45+s2+$0x0], $0xffff;
	v38 =	vadd.s32 v0, v35;
	v20 =	vadd.f32 v60, v20;
	v21 =	vadd.f32 v24, v21  }
0x1bb: {  	v39 =	vperm.xlane v19, v11;
	v24 =	vadd.s32 v2, v40;
	v60 =	vld.idx.msk [tilespmem:v33+s2+$0x0], $0xffff;
	v61 =	vadd.s32 v0, v58  }
0x1bc: {  	v40 =	vperm.xlane v18, v15;
	v20 =	vadd.f32 v37, v20;
	v21 =	vadd.f32 v23, v21;
	v37 =	vld.idx.msk [tilespmem:v56+s2+$0x0], $0xffff  }
0x1bd: {  	v43 =	vperm.xlane v18, v16;
	v48 =	vmul.f32 v26, v44;
	v63 =	vadd.s32 v2, v58;
	v25 =	vld.idx.msk [tilespmem:v25+s2+$0x0], $0xffff  }
0x1be: {  	v51 =	vmul.f32 v42, v44;
	v42 =	vadd.s32 v0, v40;
	v21 =	vadd.f32 v22, v21;
	v22 =	vld.idx.msk [tilespmem:v57+s2+$0x0], $0xffff  }
0x1bf: {  	v53 =	vmul.f32 v29, v50;
	v32 =	vadd.s32 v2, v40;
	v20 =	vadd.f32 v41, v20;
	v45 =	vld.idx.msk [tilespmem:v38+s2+$0x0], $0xffff  }
0x1c0: {  	v26 =	vmul.f32 v49, v54;
	v36 =	vmul.f32 v55, v59;
	v41 =	vadd.s32 v2, v35;
	v24 =	vld.idx.msk [tilespmem:v24+s2+$0x0], $0xffff  }
0x1c1: {  	v23 =	vmul.f32 v46, v50;
	v46 =	vadd.s32 v0, v43;
	v33 =	vld.idx.msk [tilespmem:v61+s2+$0x0], $0xffff;
	v20 =	vadd.f32 v48, v20  }
0x1c2: {  	v44 =	vperm.xlane v19, v12;
	v62 =	vmul.f32 v52, v54;
	v27 =	vld.idx.msk [tilespmem:v63+s2+$0x0], $0xffff  }
0x1c3: {  	v47 =	vperm.xlane v19, v13;
	v35 =	vadd.s32 v2, v43;
	v52 =	vld.idx.msk [tilespmem:v42+s2+$0x0], $0xffff;
	v20 =	vadd.f32 v53, v20  }
0x1c4: {  	v58 =	vperm.xlane v19, v15;
	v18 =	vperm.xlane v18, v17;
	v21 =	vadd.f32 v51, v21;
	v54 =	vld.idx.msk [tilespmem:v32+s2+$0x0], $0xffff  }
0x1c5: {  	v30 =	vmul.f32 v60, v39;
	v63 =	vperm.xlane v19, v16;
	v48 =	vld.idx.msk [tilespmem:v41+s2+$0x0], $0xffff;
	v20 =	vadd.f32 v26, v20  }
0x1c6: {  	v51 =	vperm.xlane v19, v14;
	v19 =	vperm.xlane v19, v17;
	v21 =	vadd.f32 v23, v21;
	v56 =	vld.idx.msk [tilespmem:v46+s2+$0x0], $0xffff  }
0x1c7: {  	v29 =	vmul.f32 v37, v44;
	v23 =	vmul.f32 v25, v39;
	v26 =	vadd.f32 v36, v20;
	v20 =	vld [tilespmem:s31+$0xFFFFFF60]  }
0x1c8: {  	v22 =	vmul.f32 v22, v44;
	v21 =	vadd.f32 v62, v21;
	v24 =	vmul.f32 v24, v59;
	v59 =	vld.idx.msk [tilespmem:v35+s2+$0x0], $0xffff  }
0x1c9: {  	v25 =	vmul.f32 v45, v51;
	v46 =	vadd.s32 v0, v18;
	v18 =	vadd.s32 v2, v18  }
0x1ca: {  	v50 =	vmul.f32 v33, v47;
	v53 =	vmul.f32 v27, v47;
	v21 =	vadd.f32 v24, v21  }
0x1cb: {  	v62 =	vmul.f32 v52, v58;
	v27 =	vmul.f32 v54, v58;
	v26 =	vadd.f32 v30, v26  }
0x1cc: {  	v21 =	vadd.f32 v23, v21;
	v23 =	vmul.f32 v48, v51;
	v49 =	vperm.xlane v20, v1  }
0x1cd: {  	v28 =	vmul.f32 v56, v63;
	v32 =	vmul.f32 v59, v63  }
0x1ce: {  	v26 =	vadd.f32 v29, v26;
	v57 =	vperm.xlane v20, v3;
	v55 =	vadd.s32 v0, v49  }
0x1cf: {  	v21 =	vadd.f32 v22, v21;
	v61 =	vperm.xlane v20, v4;
	v24 =	vadd.s32 v2, v49  }
0x1d0: {  	v18 =	vld.idx.msk [tilespmem:v18+s2+$0x0], $0xffff;
	v39 =	vperm.xlane v20, v5;
	v44 =	vperm.xlane v20, v6;
	v60 =	vadd.s32 v0, v57  }
0x1d1: {  	v47 =	vperm.xlane v20, v7;
	v54 =	vperm.xlane v20, v10;
	v30 =	vadd.s32 v2, v57  }
0x1d2: {  	v26 =	vadd.f32 v50, v26;
	v22 =	vadd.f32 v53, v21;
	v21 =	vld [tilespmem:s30+$0xFFFFFF60];
	v36 =	vadd.s32 v0, v61  }
0x1d3: {  	v50 =	vperm.xlane v20, v8;
	v40 =	vadd.s32 v2, v61;
	v42 =	vadd.s32 v0, v39;
	v31 =	vld.idx.msk [tilespmem:v55+s2+$0x0], $0xffff  }
0x1d4: {  	v38 =	vadd.s32 v0, v44;
	v48 =	vadd.s32 v0, v47;
	v33 =	vadd.s32 v2, v47;
	v24 =	vld.idx.msk [tilespmem:v24+s2+$0x0], $0xffff  }
0x1d5: {  	v58 =	vadd.s32 v0, v54;
	v18 =	vmul.f32 v18, v19;
	v25 =	vadd.f32 v25, v26;
	v26 =	vld.idx.msk [tilespmem:v60+s2+$0x0], $0xffff  }
0x1d6: {  	v22 =	vadd.f32 v23, v22;
	v52 =	vadd.s32 v0, v50;
	v35 =	vadd.s32 v2, v50;
	v43 =	vld.idx.msk [tilespmem:v30+s2+$0x0], $0xffff  }
0x1d7: {  	v23 =	vadd.f32 v62, v25;
	v41 =	vperm.xlane v21, v1;
	v37 =	vperm.xlane v21, v3;
	v45 =	vld.idx.msk [tilespmem:v36+s2+$0x0], $0xffff  }
0x1d8: {  	v25 =	vadd.s32 v2, v39;
	v39 =	vperm.xlane v21, v4;
	v51 =	vperm.xlane v21, v5;
	v29 =	vld.idx.msk [tilespmem:v40+s2+$0x0], $0xffff  }
0x1d9: {  	v27 =	vadd.f32 v27, v22;
	v53 =	vperm.xlane v21, v6;
	v57 =	vperm.xlane v21, v7;
	v34 =	vld.idx.msk [tilespmem:v42+s2+$0x0], $0xffff  }
0x1da: {  	v30 =	vadd.s32 v2, v44;
	v38 =	vld.idx.msk [tilespmem:v38+s2+$0x0], $0xffff;
	v40 =	vperm.xlane v20, v9;
	v42 =	vperm.xlane v20, v11  }
0x1db: {  	v33 =	vld.idx.msk [tilespmem:v33+s2+$0x0], $0xffff;
	v44 =	vperm.xlane v21, v8;
	v23 =	vadd.f32 v28, v23;
	v27 =	vadd.f32 v32, v27  }
0x1dc: {  	v36 =	vld.idx.msk [tilespmem:v46+s2+$0x0], $0xffff;
	v56 =	vadd.s32 v2, v40;
	v31 =	vmul.f32 v31, v41;
	v24 =	vmul.f32 v24, v41  }
0x1dd: {  	v63 =	vadd.s32 v0, v42;
	v26 =	vmul.f32 v26, v37;
	v22 =	vmul.f32 v43, v37  }
0x1de: {  	v18 =	vadd.f32 v18, v27;
	v25 =	vld.idx.msk [tilespmem:v25+s2+$0x0], $0xffff;
	v49 =	vmul.f32 v45, v39;
	v29 =	vmul.f32 v29, v39  }
0x1df: {  	v34 =	vmul.f32 v34, v51;
	v30 =	vld.idx.msk [tilespmem:v30+s2+$0x0], $0xffff;
	v41 =	vadd.s32 v0, v40;
	v55 =	vmul.f32 v38, v53  }
0x1e0: {  	v37 =	vld.idx.msk [tilespmem:v48+s2+$0x0], $0xffff;
	v45 =	vperm.xlane v20, v12;
	v46 =	vmul.f32 v33, v57;
	v24 =	vadd.f32 $0.0e+00, v24  }
0x1e1: {  	v48 =	vadd.s32 v2, v42;
	v36 =	vmul.f32 v36, v19;
	v31 =	vadd.f32 $0.0e+00, v31  }
0x1e2: {  	v60 =	vld.idx.msk [tilespmem:v35+s2+$0x0], $0xffff;
	v19 =	vperm.xlane v21, v12;
	v50 =	vadd.s32 v0, v45;
	v22 =	vadd.f32 v22, v24  }
0x1e3: {  	v47 =	vld.idx.msk [tilespmem:v56+s2+$0x0], $0xffff;
	v56 =	vperm.xlane v21, v10;
	v26 =	vadd.f32 v26, v31;
	v24 =	vmul.f32 v25, v51  }
0x1e4: {  	v31 =	vld.idx.msk [tilespmem:v52+s2+$0x0], $0xffff;
	v52 =	vperm.xlane v20, v13;
	v22 =	vadd.f32 v29, v22;
	v29 =	vadd.s32 v2, v54  }
0x1e5: {  	v59 =	vmul.f32 v30, v53;
	v61 =	vmul.f32 v37, v57;
	v62 =	vld.idx.msk [tilespmem:v41+s2+$0x0], $0xffff;
	v26 =	vadd.f32 v49, v26  }
0x1e6: {  	v49 =	vperm.xlane v21, v9;
	v54 =	vld.idx.msk [tilespmem:v63+s2+$0x0], $0xffff;
	v57 =	vadd.s32 v0, v52;
	v22 =	vadd.f32 v24, v22  }
0x1e7: {  	v63 =	vld.idx.msk [tilespmem:v50+s2+$0x0], $0xffff;
	v50 =	vperm.xlane v21, v13;
	v26 =	vadd.f32 v34, v26;
	v24 =	vmul.f32 v60, v44  }
0x1e8: {  	v40 =	vld.idx.msk [tilespmem:v58+s2+$0x0], $0xffff;
	v58 =	vmul.f32 v47, v49;
	v60 =	vperm.xlane v20, v14;
	v22 =	vadd.f32 v59, v22  }
0x1e9: {  	v31 =	vmul.f32 v31, v44;
	v25 =	vadd.f32 v55, v26;
	v55 =	vadd.s32 v2, v45;
	v51 =	vld.idx.msk [tilespmem:v29+s2+$0x0], $0xffff  }
0x1ea: {  	v53 =	vmul.f32 v62, v49;
	v44 =	vadd.s32 v0, v60;
	v22 =	vadd.f32 v46, v22  }
0x1eb: {  	v59 =	vld.idx.msk [tilespmem:v48+s2+$0x0], $0xffff;
	v62 =	vperm.xlane v21, v11;
	v48 =	vperm.xlane v20, v15;
	v29 =	vadd.s32 v2, v52  }
0x1ec: {  	v52 =	vperm.xlane v20, v16;
	v25 =	vadd.f32 v61, v25;
	v22 =	vadd.f32 v24, v22  }
0x1ed: {  	v34 =	vadd.s32 v2, v60;
	v47 =	vld.idx.msk [tilespmem:v57+s2+$0x0], $0xffff;
	v20 =	vperm.xlane v20, v17;
	v61 =	vmul.f32 v40, v56  }
0x1ee: {  	v25 =	vadd.f32 v31, v25;
	v46 =	vld.idx.msk [tilespmem:v55+s2+$0x0], $0xffff;
	v22 =	vadd.f32 v58, v22;
	v24 =	vmul.f32 v51, v56  }
0x1ef: {  	v45 =	vmul.f32 v54, v62;
	v49 =	vmul.f32 v63, v19;
	v26 =	vadd.s32 v2, v48;
	v30 =	vld.idx.msk [tilespmem:v44+s2+$0x0], $0xffff  }
0x1f0: {  	v54 =	vperm.xlane v21, v14;
	v25 =	vadd.f32 v53, v25;
	v24 =	vadd.f32 v24, v22;
	v22 =	vld [tilespmem:s31+$0xFFFFFF70]  }
0x1f1: {  	v63 =	vperm.xlane v21, v15;
	v57 =	vadd.s32 v2, v52;
	v33 =	vmul.f32 v59, v62;
	v29 =	vld.idx.msk [tilespmem:v29+s2+$0x0], $0xffff  }
0x1f2: {  	v44 =	vperm.xlane v21, v16;
	v21 =	vperm.xlane v21, v17;
	v25 =	vadd.f32 v61, v25  }
0x1f3: {  	v51 =	vadd.s32 v0, v48;
	v28 =	vmul.f32 v47, v50;
	v53 =	vadd.s32 v0, v52  }
0x1f4: {  	v56 =	vld.idx.msk [tilespmem:v34+s2+$0x0], $0xffff;
	v25 =	vadd.f32 v45, v25;
	v24 =	vadd.f32 v33, v24;
	v19 =	vmul.f32 v46, v19  }
0x1f5: {  	v26 =	vld.idx.msk [tilespmem:v26+s2+$0x0], $0xffff;
	v30 =	vmul.f32 v30, v54;
	v46 =	vadd.s32 v0, v20;
	v55 =	vperm.xlane v22, v1  }
0x1f6: {  	v29 =	vmul.f32 v29, v50;
	v25 =	vadd.f32 v49, v25;
	v24 =	vadd.f32 v19, v24  }
0x1f7: {  	v42 =	vld.idx.msk [tilespmem:v57+s2+$0x0], $0xffff;
	v19 =	vadd.f32 v36, v23;
	v60 =	vperm.xlane v22, v3;
	v59 =	vadd.s32 v0, v55  }
0x1f8: {  	v58 =	vld.idx.msk [tilespmem:v51+s2+$0x0], $0xffff;
	v41 =	vperm.xlane v22, v4;
	v25 =	vadd.f32 v28, v25;
	v62 =	vadd.s32 v2, v55  }
0x1f9: {  	v61 =	vld.idx.msk [tilespmem:v53+s2+$0x0], $0xffff;
	v24 =	vadd.f32 v29, v24;
	v28 =	vmul.f32 v56, v54;
	v40 =	vadd.s32 v0, v60  }
0x1fa: {  	v23 =	vld [tilespmem:s30+$0xFFFFFF70];
	v26 =	vmul.f32 v26, v63;
	v47 =	vperm.xlane v22, v5;
	v27 =	vadd.s32 v2, v60  }
0x1fb: {  	v51 =	vperm.xlane v22, v6;
	v45 =	vadd.s32 v0, v41;
	v24 =	vadd.f32 v28, v24;
	v28 =	vld.idx.msk [tilespmem:v46+s2+$0x0], $0xffff  }
0x1fc: {  	v32 =	vmul.f32 v42, v44;
	v56 =	vperm.xlane v22, v7;
	v49 =	vadd.s32 v2, v41;
	v37 =	vld.idx.msk [tilespmem:v59+s2+$0x0], $0xffff  }
0x1fd: {  	v50 =	vadd.s32 v0, v47;
	v31 =	vadd.s32 v2, v47;
	v25 =	vadd.f32 v30, v25;
	v30 =	vld.idx.msk [tilespmem:v62+s2+$0x0], $0xffff  }
0x1fe: {  	v55 =	vadd.s32 v0, v51;
	v43 =	vmul.f32 v58, v63;
	v29 =	vmul.f32 v61, v44;
	v33 =	vld.idx.msk [tilespmem:v40+s2+$0x0], $0xffff  }
0x1ff: {  	v36 =	vadd.s32 v2, v51;
	v48 =	vperm.xlane v23, v1;
	v54 =	vperm.xlane v23, v3;
	v27 =	vld.idx.msk [tilespmem:v27+s2+$0x0], $0xffff  }
0x200: {  	v57 =	vperm.xlane v23, v4;
	v63 =	vperm.xlane v23, v5;
	v25 =	vadd.f32 v43, v25;
	v53 =	vld.idx.msk [tilespmem:v45+s2+$0x0], $0xffff  }
0x201: {  	v58 =	vadd.s32 v0, v56;
	v46 =	vperm.xlane v23, v6;
	v42 =	vperm.xlane v23, v13;
	v34 =	vld.idx.msk [tilespmem:v49+s2+$0x0], $0xffff  }
0x202: {  	v25 =	vadd.f32 v29, v25;
	v29 =	vld.idx.msk [tilespmem:v50+s2+$0x0], $0xffff;
	v62 =	vperm.xlane v22, v8;
	v45 =	vperm.xlane v22, v9  }
0x203: {  	v31 =	vld.idx.msk [tilespmem:v31+s2+$0x0], $0xffff;
	v49 =	vperm.xlane v23, v7;
	v28 =	vmul.f32 v28, v21  }
0x204: {  	v36 =	vld.idx.msk [tilespmem:v36+s2+$0x0], $0xffff;
	v47 =	vadd.s32 v0, v45;
	v50 =	vadd.s32 v2, v45;
	v45 =	vperm.xlane v22, v13  }
0x205: {  	v24 =	vadd.f32 v26, v24;
	v52 =	vmul.f32 v37, v48;
	v26 =	vmul.f32 v30, v48  }
0x206: {  	v61 =	vld.idx.msk [tilespmem:v55+s2+$0x0], $0xffff;
	v55 =	vadd.s32 v2, v20;
	v33 =	vmul.f32 v33, v54;
	v27 =	vmul.f32 v27, v54  }
0x207: {  	v24 =	vadd.f32 v32, v24;
	v38 =	vld.idx.msk [tilespmem:v58+s2+$0x0], $0xffff;
	v60 =	vmul.f32 v53, v57;
	v34 =	vmul.f32 v34, v57  }
0x208: {  	v44 =	vadd.s32 v0, v62;
	v29 =	vmul.f32 v29, v63;
	v31 =	vmul.f32 v31, v63  }
0x209: {  	v20 =	vadd.f32 v28, v25;
	v48 =	vperm.xlane v22, v10;
	v51 =	vmul.f32 v36, v46  }
0x20a: {  	v30 =	vadd.s32 v2, v56;
	v54 =	vperm.xlane v22, v11;
	v63 =	vperm.xlane v23, v9;
	v57 =	vld.idx.msk [tilespmem:v47+s2+$0x0], $0xffff  }
0x20b: {  	v35 =	vadd.f32 $0.0e+00, v52;
	v26 =	vadd.f32 $0.0e+00, v26;
	v53 =	vadd.s32 v0, v48;
	v47 =	vld.idx.msk [tilespmem:v55+s2+$0x0], $0xffff  }
0x20c: {  	v19 =	vadd.f32 v20, v19;
	v38 =	vmul.f32 v38, v49;
	v58 =	vadd.s32 v0, v54  }
0x20d: {  	v52 =	vld.idx.msk [tilespmem:v44+s2+$0x0], $0xffff;
	v59 =	vadd.f32 v33, v35;
	v26 =	vadd.f32 v27, v26;
	v35 =	vadd.s32 v2, v62  }
0x20e: {  	v27 =	vmul.f32 v61, v46;
	v61 =	vld.idx.msk [tilespmem:v50+s2+$0x0], $0xffff;
	v62 =	vadd.s32 v2, v54;
	v50 =	vperm.xlane v22, v14  }
0x20f: {  	v30 =	vld.idx.msk [tilespmem:v30+s2+$0x0], $0xffff;
	v32 =	vadd.f32 v60, v59;
	v26 =	vadd.f32 v34, v26;
	v59 =	vperm.xlane v22, v12  }
0x210: {  	v60 =	vperm.xlane v23, v8;
	v37 =	vld.idx.msk [tilespmem:v53+s2+$0x0], $0xffff;
	v53 =	vadd.s32 v2, v45;
	v21 =	vmul.f32 v47, v21  }
0x211: {  	v29 =	vadd.f32 v29, v32;
	v26 =	vadd.f32 v31, v26;
	v32 =	vadd.s32 v2, v48  }
0x212: {  	v44 =	vadd.s32 v0, v59;
	v46 =	vmul.f32 v52, v60;
	v48 =	vadd.s32 v0, v45;
	v35 =	vld.idx.msk [tilespmem:v35+s2+$0x0], $0xffff  }
0x213: {  	v28 =	vld.idx.msk [tilespmem:v58+s2+$0x0], $0xffff;
	v45 =	vperm.xlane v23, v14;
	v21 =	vadd.f32 v21, v24;
	v27 =	vadd.f32 v27, v29  }
0x214: {  	v52 =	vld.idx.msk [tilespmem:v62+s2+$0x0], $0xffff;
	v56 =	vadd.f32 v51, v26;
	v30 =	vmul.f32 v30, v49;
	v26 =	vmul.f32 v57, v63  }
0x215: {  	v24 =	vld [tilespmem:s30+$0xFFFFFF80];
	v29 =	vadd.s32 v2, v59;
	v49 =	vperm.xlane v23, v10;
	v59 =	vperm.xlane v22, v15  }
0x216: {  	v51 =	vmul.f32 v61, v63;
	v25 =	vadd.f32 v30, v56;
	v56 =	vadd.s32 v0, v50;
	v32 =	vld.idx.msk [tilespmem:v32+s2+$0x0], $0xffff  }
0x217: {  	v57 =	vperm.xlane v23, v11;
	v34 =	vld.idx.msk [tilespmem:v53+s2+$0x0], $0xffff;
	v62 =	vadd.s32 v0, v59;
	v31 =	vmul.f32 v35, v60  }
0x218: {  	v61 =	vperm.xlane v23, v12;
	v63 =	vperm.xlane v22, v16;
	v27 =	vadd.f32 v38, v27;
	v55 =	vld.idx.msk [tilespmem:v44+s2+$0x0], $0xffff  }
0x219: {  	v22 =	vperm.xlane v22, v17;
	v58 =	vld.idx.msk [tilespmem:v48+s2+$0x0], $0xffff;
	v60 =	vadd.s32 v2, v50;
	v25 =	vadd.f32 v31, v25  }
0x21a: {  	v18 =	vadd.f32 v21, v18;
	v44 =	vadd.s32 v0, v63;
	v27 =	vadd.f32 v46, v27;
	v29 =	vld.idx.msk [tilespmem:v29+s2+$0x0], $0xffff  }
0x21b: {  	v50 =	vadd.s32 v2, v63;
	v38 =	vld.idx.msk [tilespmem:v56+s2+$0x0], $0xffff;
	v25 =	vadd.f32 v51, v25;
	v30 =	vmul.f32 v32, v49  }
0x21c: {  	v54 =	vmul.f32 v37, v49;
	v28 =	vmul.f32 v28, v57;
	v26 =	vadd.f32 v26, v27;
	v49 =	vld.idx.msk [tilespmem:v62+s2+$0x0], $0xffff  }
0x21d: {  	v31 =	vmul.f32 v52, v57;
	v48 =	vmul.f32 v34, v42;
	v30 =	vadd.f32 v30, v25;
	v25 =	vld [tilespmem:s31+$0xFFFFFF80]  }
0x21e: {  	v26 =	vadd.f32 v54, v26;
	v43 =	vmul.f32 v55, v61;
	v27 =	vmul.f32 v58, v42;
	v46 =	vld.idx.msk [tilespmem:v60+s2+$0x0], $0xffff  }
0x21f: {  	v32 =	vadd.s32 v2, v59;
	v53 =	vld.idx.msk [tilespmem:v44+s2+$0x0], $0xffff;
	v55 =	vperm.xlane v23, v15;
	v58 =	vperm.xlane v23, v16  }
0x220: {  	v44 =	vperm.xlane v24, v1;
	v23 =	vperm.xlane v23, v17;
	v34 =	vld.idx.msk [tilespmem:v50+s2+$0x0], $0xffff;
	v26 =	vadd.f32 v28, v26  }
0x221: {  	v29 =	vmul.f32 v29, v61;
	v30 =	vadd.f32 v31, v30;
	v51 =	vmul.f32 v38, v45  }
0x222: {  	v26 =	vadd.f32 v43, v26;
	v33 =	vmul.f32 v49, v55;
	v47 =	vperm.xlane v25, v1  }
0x223: {  	v29 =	vadd.f32 v29, v30;
	v28 =	vmul.f32 v46, v45;
	v46 =	vadd.s32 v0, v22  }
0x224: {  	v26 =	vadd.f32 v27, v26;
	v54 =	vperm.xlane v25, v3;
	v52 =	vadd.s32 v0, v47  }
0x225: {  	v30 =	vmul.f32 v53, v58;
	v34 =	vmul.f32 v34, v58;
	v35 =	vadd.s32 v2, v47  }
0x226: {  	v32 =	vld.idx.msk [tilespmem:v32+s2+$0x0], $0xffff;
	v22 =	vadd.s32 v2, v22;
	v57 =	vperm.xlane v25, v4;
	v56 =	vadd.s32 v0, v54  }
0x227: {  	v61 =	vperm.xlane v25, v5;
	v43 =	vperm.xlane v25, v9;
	v37 =	vadd.s32 v2, v54  }
0x228: {  	v29 =	vadd.f32 v48, v29;
	v26 =	vadd.f32 v51, v26;
	v60 =	vadd.s32 v0, v57;
	v38 =	vld.idx.msk [tilespmem:v46+s2+$0x0], $0xffff  }
0x229: {  	v48 =	vperm.xlane v24, v3;
	v51 =	vperm.xlane v25, v7;
	v63 =	vadd.s32 v2, v57;
	v59 =	vld.idx.msk [tilespmem:v52+s2+$0x0], $0xffff  }
0x22a: {  	v45 =	vadd.s32 v0, v61;
	v47 =	vperm.xlane v25, v6;
	v57 =	vperm.xlane v24, v5;
	v62 =	vld.idx.msk [tilespmem:v35+s2+$0x0], $0xffff  }
0x22b: {  	v28 =	vadd.f32 v28, v29;
	v27 =	vmul.f32 v32, v55;
	v53 =	vadd.s32 v0, v51;
	v31 =	vld.idx.msk [tilespmem:v56+s2+$0x0], $0xffff  }
0x22c: {  	v26 =	vadd.f32 v33, v26;
	v33 =	vadd.s32 v2, v61;
	v49 =	vadd.s32 v0, v47;
	v37 =	vld.idx.msk [tilespmem:v37+s2+$0x0], $0xffff  }
0x22d: {  	v39 =	vadd.s32 v2, v47;
	v47 =	vperm.xlane v25, v16;
	v27 =	vadd.f32 v27, v28;
	v32 =	vld.idx.msk [tilespmem:v60+s2+$0x0], $0xffff  }
0x22e: {  	v26 =	vadd.f32 v30, v26;
	v50 =	vld.idx.msk [tilespmem:v63+s2+$0x0], $0xffff;
	v52 =	vperm.xlane v24, v4;
	v56 =	vperm.xlane v25, v8  }
0x22f: {  	v36 =	vld.idx.msk [tilespmem:v45+s2+$0x0], $0xffff;
	v35 =	vadd.s32 v2, v51;
	v60 =	vperm.xlane v25, v10;
	v63 =	vperm.xlane v24, v7  }
0x230: {  	v45 =	vperm.xlane v25, v11;
	v27 =	vadd.f32 v34, v27;
	v40 =	vld.idx.msk [tilespmem:v53+s2+$0x0], $0xffff;
	v53 =	vperm.xlane v24, v8  }
0x231: {  	v55 =	vld.idx.msk [tilespmem:v33+s2+$0x0], $0xffff;
	v58 =	vadd.s32 v0, v56;
	v33 =	vadd.s32 v2, v56;
	v38 =	vmul.f32 v38, v23  }
0x232: {  	v56 =	vadd.s32 v2, v45;
	v29 =	vmul.f32 v59, v44;
	v28 =	vmul.f32 v62, v44  }
0x233: {  	v41 =	vld.idx.msk [tilespmem:v49+s2+$0x0], $0xffff;
	v38 =	vadd.f32 v38, v26;
	v31 =	vmul.f32 v31, v48;
	v37 =	vmul.f32 v37, v48  }
0x234: {  	v39 =	vld.idx.msk [tilespmem:v39+s2+$0x0], $0xffff;
	v54 =	vmul.f32 v32, v52;
	v30 =	vmul.f32 v50, v52;
	v62 =	vadd.s32 v2, v43  }
0x235: {  	v36 =	vmul.f32 v36, v57;
	v44 =	vadd.s32 v0, v43;
	v35 =	vld.idx.msk [tilespmem:v35+s2+$0x0], $0xffff;
	v29 =	vadd.f32 $0.0e+00, v29  }
0x236: {  	v59 =	vperm.xlane v24, v6;
	v48 =	vadd.s32 v0, v60;
	v28 =	vadd.f32 $0.0e+00, v28  }
0x237: {  	v52 =	vadd.s32 v0, v45;
	v32 =	vmul.f32 v55, v57;
	v29 =	vadd.f32 v31, v29  }
0x238: {  	v50 =	vmul.f32 v40, v63;
	v57 =	vperm.xlane v24, v9;
	v33 =	vld.idx.msk [tilespmem:v33+s2+$0x0], $0xffff;
	v28 =	vadd.f32 v37, v28  }
0x239: {  	v61 =	vmul.f32 v41, v59;
	v49 =	vmul.f32 v39, v59;
	v55 =	vld.idx.msk [tilespmem:v62+s2+$0x0], $0xffff;
	v29 =	vadd.f32 v54, v29  }
0x23a: {  	v59 =	vperm.xlane v25, v13;
	v51 =	vld.idx.msk [tilespmem:v44+s2+$0x0], $0xffff;
	v35 =	vmul.f32 v35, v63;
	v28 =	vadd.f32 v30, v28  }
0x23b: {  	v31 =	vld.idx.msk [tilespmem:v58+s2+$0x0], $0xffff;
	v30 =	vadd.s32 v2, v60;
	v54 =	vperm.xlane v25, v12;
	v29 =	vadd.f32 v36, v29  }
0x23c: {  	v43 =	vld.idx.msk [tilespmem:v48+s2+$0x0], $0xffff;
	v63 =	vperm.xlane v24, v10;
	v48 =	vadd.s32 v0, v59;
	v28 =	vadd.f32 v32, v28  }
0x23d: {  	v58 =	vadd.s32 v0, v54;
	v32 =	vmul.f32 v33, v53;
	v29 =	vadd.f32 v61, v29;
	v61 =	vld.idx.msk [tilespmem:v52+s2+$0x0], $0xffff  }
0x23e: {  	v62 =	vadd.s32 v2, v54;
	v28 =	vadd.f32 v49, v28;
	v49 =	vmul.f32 v55, v57;
	v55 =	vld.idx.msk [tilespmem:v22+s2+$0x0], $0xffff  }
0x23f: {  	v33 =	vadd.s32 v2, v59;
	v60 =	vmul.f32 v51, v57;
	v51 =	vperm.xlane v25, v14;
	v22 =	vld [tilespmem:s31+$0xFFFFFFD0]  }
0x240: {  	v31 =	vmul.f32 v31, v53;
	v53 =	vperm.xlane v24, v11;
	v30 =	vld.idx.msk [tilespmem:v30+s2+$0x0], $0xffff;
	v29 =	vadd.f32 v50, v29  }
0x241: {  	v52 =	vmul.f32 v43, v63;
	v28 =	vadd.f32 v35, v28;
	v50 =	vld.idx.msk [tilespmem:v56+s2+$0x0], $0xffff;
	v37 =	vadd.s32 v2, v51  }
0x242: {  	v54 =	vld.idx.msk [tilespmem:v58+s2+$0x0], $0xffff;
	v58 =	vadd.s32 v0, v51;
	v29 =	vadd.f32 v31, v29;
	v59 =	vmul.f32 v61, v53  }
0x243: {  	v40 =	vld.idx.msk [tilespmem:v48+s2+$0x0], $0xffff;
	v28 =	vadd.f32 v32, v28;
	v61 =	vperm.xlane v25, v15;
	v48 =	vmul.f32 v55, v23  }
0x244: {  	v33 =	vld.idx.msk [tilespmem:v33+s2+$0x0], $0xffff;
	v25 =	vperm.xlane v25, v17;
	v44 =	vperm.xlane v22, v4;
	v29 =	vadd.f32 v60, v29  }
0x245: {  	v56 =	vadd.f32 v49, v28;
	v57 =	vmul.f32 v30, v63;
	v60 =	vld.idx.msk [tilespmem:v62+s2+$0x0], $0xffff;
	v62 =	vperm.xlane v24, v12  }
0x246: {  	v49 =	vperm.xlane v24, v13;
	v63 =	vmul.f32 v50, v53;
	v45 =	vadd.s32 v0, v61  }
0x247: {  	v35 =	vadd.s32 v2, v61;
	v50 =	vadd.s32 v0, v47;
	v53 =	vperm.xlane v24, v14  }
0x248: {  	v37 =	vld.idx.msk [tilespmem:v37+s2+$0x0], $0xffff;
	v29 =	vadd.f32 v52, v29;
	v28 =	vadd.f32 v57, v56;
	v46 =	vmul.f32 v54, v62  }
0x249: {  	v51 =	vmul.f32 v40, v49;
	v52 =	vadd.s32 v2, v47;
	v54 =	vperm.xlane v22, v1  }
0x24a: {  	v30 =	vld.idx.msk [tilespmem:v58+s2+$0x0], $0xffff;
	v23 =	vmul.f32 v33, v49;
	v57 =	vperm.xlane v24, v15;
	v58 =	vadd.s32 v0, v25  }
0x24b: {  	v25 =	vadd.s32 v2, v25;
	v29 =	vadd.f32 v59, v29;
	v28 =	vadd.f32 v63, v28;
	v36 =	vld.idx.msk [tilespmem:v45+s2+$0x0], $0xffff  }
0x24c: {  	v56 =	vadd.s32 v0, v54;
	v59 =	vperm.xlane v22, v3;
	v61 =	vadd.s32 v2, v54;
	v55 =	vld.idx.msk [tilespmem:v35+s2+$0x0], $0xffff  }
0x24d: {  	v32 =	vmul.f32 v60, v62;
	v29 =	vadd.f32 v46, v29;
	v31 =	vld.idx.msk [tilespmem:v50+s2+$0x0], $0xffff;
	v26 =	vmul.f32 v37, v53  }
0x24e: {  	v63 =	vadd.s32 v0, v59;
	v45 =	vperm.xlane v24, v16;
	v46 =	vadd.s32 v2, v59;
	v60 =	vld.idx.msk [tilespmem:v52+s2+$0x0], $0xffff  }
0x24f: {  	v50 =	vperm.xlane v22, v5;
	v35 =	vadd.s32 v2, v44;
	v28 =	vadd.f32 v32, v28;
	v47 =	vld.idx.msk [tilespmem:v58+s2+$0x0], $0xffff  }
0x250: {  	v30 =	vmul.f32 v30, v53;
	v25 =	vld.idx.msk [tilespmem:v25+s2+$0x0], $0xffff;
	v58 =	vperm.xlane v22, v7;
	v29 =	vadd.f32 v51, v29  }
0x251: {  	v24 =	vperm.xlane v24, v17;
	v52 =	vadd.s32 v0, v50;
	v28 =	vadd.f32 v23, v28;
	v23 =	vld [tilespmem:s30+$0xFFFFFFD0]  }
0x252: {  	v40 =	vadd.s32 v2, v50;
	v49 =	vld.idx.msk [tilespmem:v61+s2+$0x0], $0xffff;
	v61 =	vadd.s32 v0, v58;
	v29 =	vadd.f32 v30, v29  }
0x253: {  	v62 =	vmul.f32 v36, v57;
	v28 =	vadd.f32 v26, v28;
	v32 =	vmul.f32 v55, v57  }
0x254: {  	v33 =	vld.idx.msk [tilespmem:v56+s2+$0x0], $0xffff;
	v26 =	vadd.f32 v48, v27;
	v31 =	vmul.f32 v31, v45;
	v55 =	vperm.xlane v22, v6  }
0x255: {  	v48 =	vadd.s32 v0, v44;
	v36 =	vld.idx.msk [tilespmem:v63+s2+$0x0], $0xffff;
	v63 =	vperm.xlane v22, v8;
	v27 =	vmul.f32 v60, v45  }
0x256: {  	v54 =	vld.idx.msk [tilespmem:v46+s2+$0x0], $0xffff;
	v30 =	vmul.f32 v47, v24;
	v24 =	vmul.f32 v25, v24;
	v29 =	vadd.f32 v62, v29  }
0x257: {  	v35 =	vld.idx.msk [tilespmem:v35+s2+$0x0], $0xffff;
	v28 =	vadd.f32 v32, v28;
	v57 =	vadd.s32 v0, v55;
	v51 =	vperm.xlane v23, v1  }
0x258: {  	v34 =	vadd.s32 v2, v55;
	v56 =	vperm.xlane v23, v3;
	v60 =	vperm.xlane v23, v4  }
0x259: {  	v62 =	vadd.s32 v2, v58;
	v44 =	vperm.xlane v23, v5;
	v50 =	vperm.xlane v23, v6  }
0x25a: {  	v40 =	vld.idx.msk [tilespmem:v40+s2+$0x0], $0xffff;
	v47 =	vadd.s32 v0, v63;
	v55 =	vperm.xlane v23, v7;
	v53 =	vmul.f32 v33, v51  }
0x25b: {  	v29 =	vadd.f32 v31, v29;
	v37 =	vmul.f32 v49, v51;
	v36 =	vmul.f32 v36, v56  }
0x25c: {  	v27 =	vadd.f32 v27, v28;
	v31 =	vld.idx.msk [tilespmem:v52+s2+$0x0], $0xffff;
	v33 =	vmul.f32 v54, v56;
	v46 =	vmul.f32 v35, v60  }
0x25d: {  	v32 =	vld.idx.msk [tilespmem:v48+s2+$0x0], $0xffff;
	v48 =	vadd.s32 v2, v63;
	v49 =	vperm.xlane v22, v9;
	v29 =	vadd.f32 v30, v29  }
0x25e: {  	v51 =	vld.idx.msk [tilespmem:v61+s2+$0x0], $0xffff;
	v54 =	vperm.xlane v22, v10;
	v24 =	vadd.f32 v24, v27;
	v28 =	vadd.f32 $0.0e+00, v53  }
0x25f: {  	v59 =	vadd.f32 $0.0e+00, v37;
	v45 =	vld.idx.msk [tilespmem:v57+s2+$0x0], $0xffff;
	v30 =	vmul.f32 v40, v44;
	v53 =	vadd.s32 v0, v49  }
0x260: {  	v52 =	vld.idx.msk [tilespmem:v62+s2+$0x0], $0xffff;
	v39 =	vadd.s32 v2, v49;
	v58 =	vadd.s32 v0, v54;
	v62 =	vperm.xlane v23, v8  }
0x261: {  	v56 =	vld.idx.msk [tilespmem:v47+s2+$0x0], $0xffff;
	v61 =	vadd.s32 v2, v54;
	v47 =	vperm.xlane v23, v9;
	v54 =	vperm.xlane v23, v10  }
0x262: {  	v34 =	vld.idx.msk [tilespmem:v34+s2+$0x0], $0xffff;
	v29 =	vadd.f32 v29, v38;
	v24 =	vadd.f32 v24, v26;
	v31 =	vmul.f32 v31, v44  }
0x263: {  	v43 =	vadd.f32 v33, v59;
	v59 =	vperm.xlane v22, v11;
	v44 =	vperm.xlane v22, v12  }
0x264: {  	v28 =	vadd.f32 v36, v28;
	v32 =	vmul.f32 v32, v60;
	v60 =	vmul.f32 v51, v55  }
0x265: {  	v57 =	vld.idx.msk [tilespmem:v48+s2+$0x0], $0xffff;
	v51 =	vperm.xlane v22, v13;
	v19 =	vadd.f32 v29, v19;
	v25 =	vadd.f32 v46, v43  }
0x266: {  	v63 =	vadd.s32 v0, v59;
	v37 =	vadd.s32 v2, v59;
	v49 =	vadd.s32 v0, v44;
	v36 =	vld.idx.msk [tilespmem:v53+s2+$0x0], $0xffff  }
0x267: {  	v28 =	vadd.f32 v32, v28;
	v33 =	vmul.f32 v45, v50;
	v27 =	vmul.f32 v34, v50;
	v43 =	vld.idx.msk [tilespmem:v39+s2+$0x0], $0xffff  }
0x268: {  	v45 =	vmul.f32 v56, v62;
	v48 =	vld.idx.msk [tilespmem:v58+s2+$0x0], $0xffff;
	v50 =	vadd.s32 v2, v44;
	v58 =	vperm.xlane v22, v14  }
0x269: {  	v32 =	vld.idx.msk [tilespmem:v61+s2+$0x0], $0xffff;
	v56 =	vadd.s32 v0, v51;
	v61 =	vperm.xlane v23, v11;
	v25 =	vadd.f32 v30, v25  }
0x26a: {  	v30 =	vmul.f32 v52, v55;
	v28 =	vadd.f32 v31, v28;
	v42 =	vadd.s32 v2, v58  }
0x26b: {  	v25 =	vadd.f32 v27, v25;
	v46 =	vmul.f32 v57, v62;
	v57 =	vadd.s32 v2, v51;
	v53 =	vld.idx.msk [tilespmem:v63+s2+$0x0], $0xffff  }
0x26c: {  	v28 =	vadd.f32 v33, v28;
	v55 =	vld.idx.msk [tilespmem:v37+s2+$0x0], $0xffff;
	v63 =	vadd.s32 v0, v58;
	v52 =	vmul.f32 v36, v47  }
0x26d: {  	v25 =	vadd.f32 v30, v25;
	v20 =	vmul.f32 v43, v47;
	v59 =	vmul.f32 v48, v54;
	v62 =	vld.idx.msk [tilespmem:v50+s2+$0x0], $0xffff  }
0x26e: {  	v31 =	vmul.f32 v32, v54;
	v43 =	vperm.xlane v22, v15;
	v27 =	vadd.f32 v60, v28;
	v60 =	vld.idx.msk [tilespmem:v49+s2+$0x0], $0xffff  }
0x26f: {  	v18 =	vadd.f32 v24, v18;
	v48 =	vperm.xlane v22, v16;
	v22 =	vperm.xlane v22, v17;
	v35 =	vld.idx.msk [tilespmem:v42+s2+$0x0], $0xffff  }
0x270: {  	v25 =	vadd.f32 v46, v25;
	v46 =	vperm.xlane v23, v12;
	v27 =	vadd.f32 v45, v27;
	v45 =	vld.idx.msk [tilespmem:v56+s2+$0x0], $0xffff  }
0x271: {  	v47 =	vadd.s32 v0, v43;
	v49 =	vadd.s32 v2, v43;
	v42 =	vperm.xlane v23, v15;
	v21 =	vld.idx.msk [tilespmem:v57+s2+$0x0], $0xffff  }
0x272: {  	v20 =	vadd.f32 v20, v25;
	v25 =	vld [tilespmem:s31+$0xFFFFFFE0];
	v30 =	vmul.f32 v53, v61;
	v44 =	vmul.f32 v55, v61  }
0x273: {  	v51 =	vld.idx.msk [tilespmem:v63+s2+$0x0], $0xffff;
	v53 =	vperm.xlane v23, v13;
	v55 =	vadd.s32 v2, v48;
	v27 =	vadd.f32 v52, v27  }
0x274: {  	v50 =	vmul.f32 v62, v46;
	v20 =	vadd.f32 v31, v20;
	v28 =	vmul.f32 v60, v46  }
0x275: {  	v46 =	vperm.xlane v23, v16;
	v27 =	vadd.f32 v59, v27;
	v59 =	vperm.xlane v23, v14  }
0x276: {  	v24 =	vld [tilespmem:s30+$0xFFFFFFE0];
	v52 =	vadd.s32 v0, v48;
	v56 =	vmul.f32 v45, v53;
	v21 =	vmul.f32 v21, v53  }
0x277: {  	v20 =	vadd.f32 v44, v20;
	v54 =	vperm.xlane v25, v1;
	v62 =	vperm.xlane v25, v3  }
0x278: {  	v27 =	vadd.f32 v30, v27;
	v63 =	vmul.f32 v51, v59;
	v40 =	vmul.f32 v35, v59  }
0x279: {  	v60 =	vld.idx.msk [tilespmem:v49+s2+$0x0], $0xffff;
	v44 =	vperm.xlane v25, v4;
	v49 =	vperm.xlane v25, v5;
	v58 =	vadd.s32 v0, v54  }
0x27a: {  	v57 =	vld.idx.msk [tilespmem:v47+s2+$0x0], $0xffff;
	v59 =	vperm.xlane v25, v7;
	v20 =	vadd.f32 v50, v20;
	v41 =	vadd.s32 v2, v54  }
0x27b: {  	v50 =	vperm.xlane v24, v1;
	v27 =	vadd.f32 v28, v27;
	v43 =	vadd.s32 v0, v62  }
0x27c: {  	v61 =	vld.idx.msk [tilespmem:v52+s2+$0x0], $0xffff;
	v30 =	vadd.s32 v2, v62;
	v47 =	vadd.s32 v0, v44;
	v48 =	vadd.s32 v2, v44  }
0x27d: {  	v28 =	vld.idx.msk [tilespmem:v55+s2+$0x0], $0xffff;
	v52 =	vadd.s32 v0, v49;
	v37 =	vadd.s32 v2, v49;
	v54 =	vperm.xlane v25, v6  }
0x27e: {  	v62 =	vadd.s32 v0, v59;
	v44 =	vperm.xlane v24, v5;
	v20 =	vadd.f32 v21, v20;
	v45 =	vld.idx.msk [tilespmem:v58+s2+$0x0], $0xffff  }
0x27f: {  	v26 =	vmul.f32 v57, v42;
	v29 =	vmul.f32 v60, v42;
	v27 =	vadd.f32 v56, v27;
	v34 =	vld.idx.msk [tilespmem:v41+s2+$0x0], $0xffff  }
0x280: {  	v60 =	vperm.xlane v24, v4;
	v56 =	vperm.xlane v24, v3;
	v20 =	vadd.f32 v40, v20;
	v51 =	vld.idx.msk [tilespmem:v43+s2+$0x0], $0xffff  }
0x281: {  	v27 =	vadd.f32 v63, v27;
	v21 =	vmul.f32 v61, v46;
	v63 =	vadd.s32 v0, v22;
	v30 =	vld.idx.msk [tilespmem:v30+s2+$0x0], $0xffff  }
0x282: {  	v22 =	vadd.s32 v2, v22;
	v29 =	vadd.f32 v29, v20;
	v28 =	vmul.f32 v28, v46;
	v53 =	vld.idx.msk [tilespmem:v47+s2+$0x0], $0xffff  }
0x283: {  	v57 =	vld.idx.msk [tilespmem:v48+s2+$0x0], $0xffff;
	v58 =	vadd.s32 v0, v54;
	v43 =	vperm.xlane v25, v8;
	v26 =	vadd.f32 v26, v27  }
0x284: {  	v36 =	vld.idx.msk [tilespmem:v52+s2+$0x0], $0xffff;
	v46 =	vadd.s32 v2, v59;
	v48 =	vperm.xlane v25, v9;
	v52 =	vperm.xlane v25, v10  }
0x285: {  	v49 =	vld.idx.msk [tilespmem:v62+s2+$0x0], $0xffff;
	v59 =	vperm.xlane v24, v8;
	v62 =	vperm.xlane v24, v9;
	v20 =	vadd.f32 v21, v26  }
0x286: {  	v21 =	vadd.f32 v28, v29;
	v26 =	vperm.xlane v23, v17;
	v31 =	vmul.f32 v45, v50  }
0x287: {  	v29 =	vadd.s32 v2, v54;
	v27 =	vmul.f32 v34, v50;
	v32 =	vmul.f32 v51, v56  }
0x288: {  	v54 =	vadd.s32 v0, v52;
	v30 =	vmul.f32 v30, v56;
	v28 =	vmul.f32 v53, v60  }
0x289: {  	v61 =	vld.idx.msk [tilespmem:v37+s2+$0x0], $0xffff;
	v47 =	vadd.s32 v0, v43;
	v42 =	vmul.f32 v57, v60;
	v36 =	vmul.f32 v36, v44  }
0x28a: {  	v35 =	vadd.s32 v2, v48;
	v45 =	vld.idx.msk [tilespmem:v58+s2+$0x0], $0xffff;
	v53 =	vperm.xlane v24, v7;
	v58 =	vperm.xlane v25, v12  }
0x28b: {  	v39 =	vld.idx.msk [tilespmem:v63+s2+$0x0], $0xffff;
	v50 =	vperm.xlane v24, v6;
	v51 =	vadd.s32 v0, v48;
	v55 =	vadd.f32 $0.0e+00, v31  }
0x28c: {  	v34 =	vld.idx.msk [tilespmem:v46+s2+$0x0], $0xffff;
	v27 =	vadd.f32 $0.0e+00, v27;
	v31 =	vmul.f32 v49, v53;
	v60 =	vadd.s32 v0, v58  }
0x28d: {  	v38 =	vadd.s32 v2, v58;
	v37 =	vld.idx.msk [tilespmem:v54+s2+$0x0], $0xffff;
	v54 =	vperm.xlane v25, v15;
	v23 =	vadd.f32 v32, v55  }
0x28e: {  	v29 =	vld.idx.msk [tilespmem:v29+s2+$0x0], $0xffff;
	v27 =	vadd.f32 v30, v27;
	v32 =	vadd.s32 v2, v43;
	v55 =	vperm.xlane v25, v11  }
0x28f: {  	v30 =	vld.idx.msk [tilespmem:v47+s2+$0x0], $0xffff;
	v47 =	vperm.xlane v25, v14;
	v33 =	vmul.f32 v45, v50;
	v23 =	vadd.f32 v28, v23  }
0x290: {  	v35 =	vld.idx.msk [tilespmem:v35+s2+$0x0], $0xffff;
	v27 =	vadd.f32 v42, v27;
	v28 =	vmul.f32 v61, v44;
	v57 =	vadd.s32 v0, v55  }
0x291: {  	v56 =	vld.idx.msk [tilespmem:v51+s2+$0x0], $0xffff;
	v34 =	vmul.f32 v34, v53;
	v40 =	vadd.s32 v2, v55;
	v61 =	vperm.xlane v25, v13  }
0x292: {  	v49 =	vld.idx.msk [tilespmem:v60+s2+$0x0], $0xffff;
	v23 =	vadd.f32 v36, v23;
	v27 =	vadd.f32 v28, v27;
	v28 =	vadd.s32 v2, v52  }
0x293: {  	v45 =	vperm.xlane v24, v10;
	v51 =	vperm.xlane v24, v11;
	v38 =	vld.idx.msk [tilespmem:v38+s2+$0x0], $0xffff;
	v63 =	vadd.s32 v0, v61  }
0x294: {  	v29 =	vmul.f32 v29, v50;
	v50 =	vadd.s32 v2, v61;
	v32 =	vld.idx.msk [tilespmem:v32+s2+$0x0], $0xffff;
	v23 =	vadd.f32 v33, v23  }
0x295: {  	v58 =	vadd.s32 v0, v54;
	v48 =	vmul.f32 v35, v62;
	v52 =	vadd.s32 v0, v47;
	v44 =	vld.idx.msk [tilespmem:v57+s2+$0x0], $0xffff  }
0x296: {  	v37 =	vmul.f32 v37, v45;
	v30 =	vmul.f32 v30, v59;
	v46 =	vld.idx.msk [tilespmem:v40+s2+$0x0], $0xffff;
	v23 =	vadd.f32 v31, v23  }
0x297: {  	v61 =	vperm.xlane v25, v16;
	v25 =	vperm.xlane v25, v17;
	v27 =	vadd.f32 v29, v27;
	v28 =	vld.idx.msk [tilespmem:v28+s2+$0x0], $0xffff  }
0x298: {  	v29 =	vmul.f32 v56, v62;
	v56 =	vadd.s32 v2, v47;
	v53 =	vld.idx.msk [tilespmem:v63+s2+$0x0], $0xffff;
	v23 =	vadd.f32 v30, v23  }
0x299: {  	v57 =	vperm.xlane v24, v12;
	v27 =	vadd.f32 v34, v27;
	v60 =	vld.idx.msk [tilespmem:v50+s2+$0x0], $0xffff;
	v31 =	vmul.f32 v32, v59  }
0x29a: {  	v62 =	vperm.xlane v24, v13;
	v34 =	vmul.f32 v39, v26;
	v41 =	vld.idx.msk [tilespmem:v52+s2+$0x0], $0xffff;
	v23 =	vadd.f32 v29, v23  }
0x29b: {  	v47 =	vld.idx.msk [tilespmem:v58+s2+$0x0], $0xffff;
	v35 =	vmul.f32 v49, v57;
	v63 =	vadd.s32 v0, v61;
	v27 =	vadd.f32 v31, v27  }
0x29c: {  	v30 =	vmul.f32 v44, v51;
	v59 =	vmul.f32 v46, v51;
	v55 =	vadd.f32 v37, v23;
	v23 =	vld [tilespmem:s31+$0xFFFFFFF0]  }
0x29d: {  	v31 =	vadd.s32 v2, v54;
	v46 =	vperm.xlane v24, v14;
	v54 =	vperm.xlane v24, v15  }
0x29e: {  	v44 =	vld.idx.msk [tilespmem:v56+s2+$0x0], $0xffff;
	v27 =	vadd.f32 v48, v27;
	v28 =	vmul.f32 v28, v45;
	v29 =	vmul.f32 v53, v62  }
0x29f: {  	v36 =	vadd.s32 v2, v61;
	v48 =	vld.idx.msk [tilespmem:v22+s2+$0x0], $0xffff;
	v50 =	vmul.f32 v60, v62;
	v52 =	vmul.f32 v41, v46  }
0x2a0: {  	v22 =	vld [tilespmem:s30+$0xFFFFFFF0];
	v56 =	vmul.f32 v47, v54;
	v27 =	vadd.f32 v28, v27;
	v30 =	vadd.f32 v30, v55  }
0x2a1: {  	v20 =	vadd.f32 v34, v20;
	v28 =	vmul.f32 v38, v57;
	v45 =	vperm.xlane v23, v1  }
0x2a2: {  	v32 =	vld.idx.msk [tilespmem:v63+s2+$0x0], $0xffff;
	v27 =	vadd.f32 v59, v27;
	v30 =	vadd.f32 v35, v30;
	v59 =	vperm.xlane v24, v16  }
0x2a3: {  	v53 =	vperm.xlane v23, v3;
	v58 =	vperm.xlane v23, v4;
	v51 =	vadd.s32 v0, v45  }
0x2a4: {  	v26 =	vmul.f32 v48, v26;
	v63 =	vperm.xlane v23, v5;
	v37 =	vadd.s32 v2, v45  }
0x2a5: {  	v42 =	vperm.xlane v22, v1;
	v47 =	vperm.xlane v23, v6;
	v55 =	vadd.s32 v0, v53  }
0x2a6: {  	v31 =	vld.idx.msk [tilespmem:v31+s2+$0x0], $0xffff;
	v27 =	vadd.f32 v28, v27;
	v49 =	vadd.f32 v29, v30;
	v57 =	vadd.s32 v2, v53  }
0x2a7: {  	v36 =	vld.idx.msk [tilespmem:v36+s2+$0x0], $0xffff;
	v28 =	vmul.f32 v44, v46;
	v32 =	vmul.f32 v32, v59;
	v61 =	vadd.s32 v0, v58  }
0x2a8: {  	v62 =	vadd.s32 v2, v58;
	v21 =	vadd.f32 v26, v21;
	v45 =	vadd.s32 v0, v63;
	v30 =	vld.idx.msk [tilespmem:v51+s2+$0x0], $0xffff  }
0x2a9: {  	v46 =	vadd.s32 v2, v63;
	v53 =	vperm.xlane v23, v7;
	v38 =	vadd.s32 v2, v47;
	v60 =	vld.idx.msk [tilespmem:v37+s2+$0x0], $0xffff  }
0x2aa: {  	v63 =	vperm.xlane v23, v9;
	v27 =	vadd.f32 v50, v27;
	v33 =	vadd.f32 v52, v49;
	v43 =	vld.idx.msk [tilespmem:v55+s2+$0x0], $0xffff  }
0x2ab: {  	v29 =	vmul.f32 v31, v54;
	v49 =	vperm.xlane v22, v3;
	v52 =	vadd.s32 v0, v47;
	v44 =	vld.idx.msk [tilespmem:v57+s2+$0x0], $0xffff  }
0x2ac: {  	v54 =	vperm.xlane v22, v4;
	v47 =	vperm.xlane v22, v6;
	v27 =	vadd.f32 v28, v27;
	v50 =	vld.idx.msk [tilespmem:v61+s2+$0x0], $0xffff  }
0x2ad: {  	v28 =	vmul.f32 v36, v59;
	v59 =	vadd.s32 v2, v53;
	v51 =	vld.idx.msk [tilespmem:v62+s2+$0x0], $0xffff;
	v57 =	vperm.xlane v23, v8  }
0x2ae: {  	v33 =	vadd.f32 v56, v33;
	v56 =	vadd.s32 v0, v53;
	v34 =	vld.idx.msk [tilespmem:v45+s2+$0x0], $0xffff;
	v62 =	vadd.s32 v0, v25  }
0x2af: {  	v41 =	vadd.f32 v29, v27;
	v55 =	vld.idx.msk [tilespmem:v46+s2+$0x0], $0xffff;
	v25 =	vadd.s32 v2, v25;
	v61 =	vadd.s32 v0, v57  }
0x2b0: {  	v46 =	vld.idx.msk [tilespmem:v38+s2+$0x0], $0xffff;
	v40 =	vadd.s32 v2, v57;
	v57 =	vperm.xlane v23, v11;
	v30 =	vmul.f32 v30, v42  }
0x2b1: {  	v32 =	vadd.f32 v32, v33;
	v37 =	vld.idx.msk [tilespmem:v52+s2+$0x0], $0xffff;
	v48 =	vmul.f32 v60, v42;
	v29 =	vmul.f32 v43, v49  }
0x2b2: {  	v28 =	vadd.f32 v28, v41;
	v31 =	vld.idx.msk [tilespmem:v59+s2+$0x0], $0xffff;
	v27 =	vmul.f32 v44, v49;
	v58 =	vmul.f32 v50, v54  }
0x2b3: {  	v33 =	vmul.f32 v51, v54;
	v60 =	vperm.xlane v22, v5;
	v49 =	vadd.s32 v0, v63;
	v41 =	vld.idx.msk [tilespmem:v62+s2+$0x0], $0xffff  }
0x2b4: {  	v50 =	vadd.s32 v2, v63;
	v51 =	vperm.xlane v23, v10;
	v54 =	vperm.xlane v22, v7;
	v25 =	vld.idx.msk [tilespmem:v25+s2+$0x0], $0xffff  }
0x2b5: {  	v63 =	vperm.xlane v24, v17;
	v30 =	vadd.f32 $0.0e+00, v30;
	v26 =	vadd.f32 $0.0e+00, v48;
	v48 =	vld.idx.msk [tilespmem:v56+s2+$0x0], $0xffff  }
0x2b6: {  	v62 =	vadd.s32 v0, v57;
	v52 =	vmul.f32 v37, v47;
	v45 =	vmul.f32 v34, v60;
	v53 =	vld.idx.msk [tilespmem:v61+s2+$0x0], $0xffff  }
0x2b7: {  	v56 =	vadd.s32 v0, v51;
	v29 =	vadd.f32 v29, v30;
	v30 =	vmul.f32 v55, v60;
	v55 =	vld.idx.msk [tilespmem:v40+s2+$0x0], $0xffff  }
0x2b8: {  	v59 =	vadd.s32 v2, v51;
	v61 =	vperm.xlane v22, v8;
	v26 =	vadd.f32 v27, v26;
	v36 =	vld.idx.msk [tilespmem:v49+s2+$0x0], $0xffff  }
0x2b9: {  	v49 =	vld.idx.msk [tilespmem:v50+s2+$0x0], $0xffff;
	v50 =	vadd.s32 v2, v57;
	v25 =	vmul.f32 v25, v63;
	v27 =	vadd.f32 v58, v29  }
0x2ba: {  	v26 =	vadd.f32 v33, v26;
	v58 =	vmul.f32 v46, v47;
	v60 =	vmul.f32 v48, v54  }
0x2bb: {  	v48 =	vmul.f32 v31, v54;
	v54 =	vmul.f32 v41, v63;
	v27 =	vadd.f32 v45, v27  }
0x2bc: {  	v26 =	vadd.f32 v30, v26;
	v30 =	vmul.f32 v53, v61;
	v53 =	vperm.xlane v23, v12  }
0x2bd: {  	v33 =	vld.idx.msk [tilespmem:v59+s2+$0x0], $0xffff;
	v59 =	vperm.xlane v22, v10;
	v63 =	vperm.xlane v22, v11  }
0x2be: {  	v51 =	vmul.f32 v55, v61;
	v27 =	vadd.f32 v52, v27;
	v57 =	vadd.s32 v0, v53  }
0x2bf: {  	v55 =	vperm.xlane v22, v9;
	v61 =	vperm.xlane v23, v14;
	v52 =	vld.idx.msk [tilespmem:v56+s2+$0x0], $0xffff;
	v35 =	vadd.s32 v2, v53  }
0x2c0: {  	v47 =	vadd.f32 v58, v26;
	v56 =	vld.idx.msk [tilespmem:v62+s2+$0x0], $0xffff;
	v58 =	vperm.xlane v23, v13;
	v27 =	vadd.f32 v60, v27  }
0x2c1: {  	v25 =	vadd.f32 v25, v28;
	v31 =	vld.idx.msk [tilespmem:v50+s2+$0x0], $0xffff;
	v53 =	vperm.xlane v22, v13;
	v36 =	vmul.f32 v36, v55  }
0x2c2: {  	v24 =	vadd.f32 v48, v47;
	v62 =	vadd.s32 v2, v58;
	v30 =	vadd.f32 v30, v27;
	v27 =	vld [tilespmem:s31+$0x0]  }
0x2c3: {  	v29 =	vmul.f32 v49, v55;
	v44 =	vadd.s32 v0, v61;
	v49 =	vperm.xlane v22, v12;
	v39 =	vld.idx.msk [tilespmem:v57+s2+$0x0], $0xffff  }
0x2c4: {  	v55 =	vperm.xlane v23, v15;
	v60 =	vadd.s32 v0, v58;
	v26 =	vadd.f32 v51, v24;
	v45 =	vld.idx.msk [tilespmem:v35+s2+$0x0], $0xffff  }
0x2c5: {  	v24 =	vadd.f32 v54, v32;
	v32 =	vmul.f32 v33, v59;
	v34 =	vmul.f32 v52, v59  }
0x2c6: {  	v47 =	vmul.f32 v56, v63;
	v31 =	vmul.f32 v31, v63;
	v26 =	vadd.f32 v29, v26  }
0x2c7: {  	v59 =	vadd.s32 v0, v55;
	v30 =	vadd.f32 v36, v30;
	v29 =	vadd.s32 v2, v61;
	v33 =	vld.idx.msk [tilespmem:v62+s2+$0x0], $0xffff  }
0x2c8: {  	v62 =	vperm.xlane v22, v14;
	v26 =	vadd.f32 v32, v26;
	v46 =	vperm.xlane v27, v1  }
0x2c9: {  	v48 =	vld.idx.msk [tilespmem:v60+s2+$0x0], $0xffff;
	v52 =	vmul.f32 v39, v49;
	v32 =	vmul.f32 v45, v49;
	v49 =	vadd.s32 v2, v55  }
0x2ca: {  	v40 =	vld.idx.msk [tilespmem:v44+s2+$0x0], $0xffff;
	v51 =	vperm.xlane v27, v3;
	v31 =	vadd.f32 v31, v26;
	v50 =	vadd.s32 v0, v46  }
0x2cb: {  	v30 =	vadd.f32 v34, v30;
	v57 =	vperm.xlane v27, v4;
	v26 =	vld [tilespmem:s30+$0x0];
	v34 =	vadd.s32 v2, v46  }
0x2cc: {  	v54 =	vadd.s32 v0, v51;
	v29 =	vld.idx.msk [tilespmem:v29+s2+$0x0], $0xffff;
	v58 =	vadd.f32 v32, v31;
	v33 =	vmul.f32 v33, v53  }
0x2cd: {  	v30 =	vadd.f32 v47, v30;
	v41 =	vadd.s32 v2, v51;
	v61 =	vadd.s32 v0, v57;
	v31 =	vld.idx.msk [tilespmem:v59+s2+$0x0], $0xffff  }
0x2ce: {  	v56 =	vmul.f32 v48, v53;
	v48 =	vperm.xlane v27, v5;
	v28 =	vadd.f32 v33, v58;
	v33 =	vld.idx.msk [tilespmem:v49+s2+$0x0], $0xffff  }
0x2cf: {  	v36 =	vadd.s32 v2, v57;
	v30 =	vadd.f32 v52, v30;
	v52 =	vperm.xlane v27, v6;
	v60 =	vld.idx.msk [tilespmem:v50+s2+$0x0], $0xffff  }
0x2d0: {  	v51 =	vadd.s32 v0, v48;
	v34 =	vld.idx.msk [tilespmem:v34+s2+$0x0], $0xffff  }
0x2d1: {  	v40 =	vmul.f32 v40, v62;
	v57 =	vperm.xlane v27, v7;
	v43 =	vadd.s32 v2, v52;
	v63 =	vld.idx.msk [tilespmem:v54+s2+$0x0], $0xffff  }
0x2d2: {  	v53 =	vperm.xlane v22, v15;
	v30 =	vadd.f32 v56, v30;
	v56 =	vperm.xlane v26, v4;
	v41 =	vld.idx.msk [tilespmem:v41+s2+$0x0], $0xffff  }
0x2d3: {  	v55 =	vadd.s32 v0, v52;
	v46 =	vperm.xlane v26, v5;
	v29 =	vmul.f32 v29, v62;
	v35 =	vld.idx.msk [tilespmem:v61+s2+$0x0], $0xffff  }
0x2d4: {  	v50 =	vperm.xlane v26, v1;
	v30 =	vadd.f32 v40, v30;
	v36 =	vld.idx.msk [tilespmem:v36+s2+$0x0], $0xffff;
	v58 =	vmul.f32 v31, v53  }
0x2d5: {  	v54 =	vperm.xlane v26, v3;
	v28 =	vadd.f32 v29, v28;
	v38 =	vld.idx.msk [tilespmem:v51+s2+$0x0], $0xffff;
	v51 =	vperm.xlane v26, v6  }
0x2d6: {  	v29 =	vadd.f32 v58, v30;
	v47 =	vld.idx.msk [tilespmem:v43+s2+$0x0], $0xffff;
	v58 =	vperm.xlane v26, v7;
	v43 =	vperm.xlane v22, v16  }
0x2d7: {  	v42 =	vadd.s32 v2, v48;
	v22 =	vperm.xlane v22, v17;
	v45 =	vmul.f32 v33, v53  }
0x2d8: {  	v61 =	vadd.s32 v0, v57;
	v53 =	vperm.xlane v27, v9;
	v32 =	vmul.f32 v60, v50  }
0x2d9: {  	v34 =	vmul.f32 v34, v50;
	v39 =	vmul.f32 v63, v54  }
0x2da: {  	v37 =	vld.idx.msk [tilespmem:v55+s2+$0x0], $0xffff;
	v41 =	vmul.f32 v41, v54;
	v35 =	vmul.f32 v35, v56  }
0x2db: {  	v36 =	vmul.f32 v36, v56;
	v63 =	vperm.xlane v27, v8  }
0x2dc: {  	v62 =	vadd.s32 v2, v57;
	v60 =	vld.idx.msk [tilespmem:v42+s2+$0x0], $0xffff;
	v54 =	vperm.xlane v23, v16;
	v23 =	vperm.xlane v23, v17  }
0x2dd: {  	v52 =	vld.idx.msk [tilespmem:v61+s2+$0x0], $0xffff;
	v28 =	vadd.f32 v45, v28;
	v57 =	vadd.s32 v0, v53;
	v32 =	vadd.f32 $0.0e+00, v32  }
0x2de: {  	v34 =	vadd.f32 $0.0e+00, v34;
	v48 =	vadd.s32 v0, v63;
	v49 =	vmul.f32 v38, v46  }
0x2df: {  	v50 =	vadd.s32 v2, v63;
	v56 =	vmul.f32 v37, v51;
	v30 =	vmul.f32 v47, v51  }
0x2e0: {  	v47 =	vperm.xlane v27, v11;
	v59 =	vadd.f32 v39, v32;
	v34 =	vadd.f32 v41, v34  }
0x2e1: {  	v39 =	vadd.s32 v2, v53;
	v53 =	vperm.xlane v26, v9;
	v32 =	vmul.f32 v60, v46  }
0x2e2: {  	v55 =	vld.idx.msk [tilespmem:v62+s2+$0x0], $0xffff;
	v60 =	vadd.s32 v0, v54;
	v61 =	vmul.f32 v52, v58;
	v51 =	vadd.s32 v0, v47  }
0x2e3: {  	v40 =	vadd.s32 v2, v47;
	v52 =	vadd.s32 v0, v23;
	v46 =	vperm.xlane v27, v14;
	v37 =	vld.idx.msk [tilespmem:v57+s2+$0x0], $0xffff  }
0x2e4: {  	v31 =	vadd.f32 v35, v59;
	v34 =	vadd.f32 v36, v34;
	v59 =	vperm.xlane v27, v10;
	v35 =	vld.idx.msk [tilespmem:v48+s2+$0x0], $0xffff  }
0x2e5: {  	v23 =	vadd.s32 v2, v23;
	v47 =	vperm.xlane v27, v16;
	v57 =	vperm.xlane v27, v13;
	v33 =	vld.idx.msk [tilespmem:v50+s2+$0x0], $0xffff  }
0x2e6: {  	v48 =	vadd.s32 v2, v54;
	v32 =	vadd.f32 v32, v34;
	v62 =	vadd.s32 v0, v59;
	v50 =	vld.idx.msk [tilespmem:v39+s2+$0x0], $0xffff  }
0x2e7: {  	v54 =	vperm.xlane v27, v12;
	v31 =	vadd.f32 v49, v31;
	v63 =	vadd.s32 v2, v59;
	v39 =	vld.idx.msk [tilespmem:v60+s2+$0x0], $0xffff  }
0x2e8: {  	v34 =	vmul.f32 v55, v58;
	v49 =	vperm.xlane v26, v8;
	v30 =	vadd.f32 v30, v32;
	v59 =	vld.idx.msk [tilespmem:v40+s2+$0x0], $0xffff  }
0x2e9: {  	v58 =	vperm.xlane v26, v10;
	v45 =	vadd.s32 v2, v54;
	v31 =	vadd.f32 v56, v31;
	v42 =	vld.idx.msk [tilespmem:v52+s2+$0x0], $0xffff  }
0x2ea: {  	v56 =	vadd.s32 v0, v54;
	v52 =	vperm.xlane v26, v11;
	v30 =	vadd.f32 v34, v30;
	v34 =	vld.idx.msk [tilespmem:v51+s2+$0x0], $0xffff  }
0x2eb: {  	v60 =	vadd.s32 v0, v57;
	v37 =	vmul.f32 v37, v53;
	v35 =	vmul.f32 v35, v49;
	v36 =	vld.idx.msk [tilespmem:v62+s2+$0x0], $0xffff  }
0x2ec: {  	v31 =	vadd.f32 v61, v31;
	v33 =	vmul.f32 v33, v49;
	v51 =	vperm.xlane v27, v15;
	v55 =	vld.idx.msk [tilespmem:v63+s2+$0x0], $0xffff  }
0x2ed: {  	v23 =	vld.idx.msk [tilespmem:v23+s2+$0x0], $0xffff;
	v27 =	vperm.xlane v27, v17;
	v62 =	vadd.s32 v2, v57;
	v63 =	vadd.s32 v0, v46  }
0x2ee: {  	v46 =	vadd.s32 v2, v46;
	v57 =	vperm.xlane v26, v12;
	v31 =	vadd.f32 v35, v31;
	v35 =	vld.idx.msk [tilespmem:v48+s2+$0x0], $0xffff  }
0x2ef: {  	v30 =	vadd.f32 v33, v30;
	v32 =	vmul.f32 v50, v53;
	v54 =	vadd.s32 v0, v51;
	v38 =	vld.idx.msk [tilespmem:v56+s2+$0x0], $0xffff  }
0x2f0: {  	v53 =	vld.idx.msk [tilespmem:v45+s2+$0x0], $0xffff;
	v48 =	vadd.s32 v0, v47;
	v31 =	vadd.f32 v37, v31;
	v61 =	vmul.f32 v36, v58  }
0x2f1: {  	v56 =	vadd.s32 v2, v51;
	v30 =	vadd.f32 v32, v30;
	v33 =	vmul.f32 v55, v58;
	v55 =	vld.idx.msk [tilespmem:v60+s2+$0x0], $0xffff  }
0x2f2: {  	v32 =	vmul.f32 v59, v52;
	v34 =	vmul.f32 v34, v52;
	v36 =	vld.idx.msk [tilespmem:v62+s2+$0x0], $0xffff;
	v31 =	vadd.f32 v61, v31  }
0x2f3: {  	v59 =	vadd.s32 v2, v47;
	v58 =	vld.idx.msk [tilespmem:v63+s2+$0x0], $0xffff;
	v60 =	vperm.xlane v26, v13;
	v30 =	vadd.f32 v33, v30  }
0x2f4: {  	v46 =	vld.idx.msk [tilespmem:v46+s2+$0x0], $0xffff;
	v38 =	vmul.f32 v38, v57;
	v61 =	vadd.s32 v0, v27;
	v31 =	vadd.f32 v34, v31  }
0x2f5: {  	v62 =	vld.idx.msk [tilespmem:v54+s2+$0x0], $0xffff;
	v33 =	vmul.f32 v53, v57;
	v27 =	vadd.s32 v2, v27;
	v30 =	vadd.f32 v32, v30  }
0x2f6: {  	v63 =	vperm.xlane v26, v14;
	v40 =	vld.idx.msk [tilespmem:v56+s2+$0x0], $0xffff;
	v37 =	vmul.f32 v55, v60;
	v31 =	vadd.f32 v38, v31  }
0x2f7: {  	v39 =	vmul.f32 v39, v43;
	v49 =	vld.idx.msk [tilespmem:v48+s2+$0x0], $0xffff;
	v45 =	vmul.f32 v36, v60;
	v30 =	vadd.f32 v33, v30  }
0x2f8: {  	v50 =	vperm.xlane v26, v15;
	v34 =	vld.idx.msk [tilespmem:v59+s2+$0x0], $0xffff;
	v32 =	vmul.f32 v58, v63;
	v31 =	vadd.f32 v37, v31  }
0x2f9: {  	v29 =	vadd.f32 v39, v29;
	v51 =	vmul.f32 v46, v63;
	v52 =	vld.idx.msk [tilespmem:v61+s2+$0x0], $0xffff;
	v30 =	vadd.f32 v45, v30  }
0x2fa: {  	v54 =	vperm.xlane v26, v16;
	v53 =	vmul.f32 v62, v50;
	v27 =	vld.idx.msk [tilespmem:v27+s2+$0x0], $0xffff;
	v31 =	vadd.f32 v32, v31  }
0x2fb: {  	v35 =	vmul.f32 v35, v43;
	v55 =	vmul.f32 v40, v50;
	v30 =	vadd.f32 v51, v30  }
0x2fc: {  	v26 =	vperm.xlane v26, v17;
	v56 =	vmul.f32 v49, v54;
	v31 =	vadd.f32 v53, v31  }
0x2fd: {  	v28 =	vadd.f32 v35, v28;
	v57 =	vmul.f32 v34, v54;
	v30 =	vadd.f32 v55, v30  }
0x2fe: {  	v58 =	vmul.f32 v42, v22;
	v59 =	vmul.f32 v52, v26;
	v31 =	vadd.f32 v56, v31  }
0x2ff: {  	v22 =	vmul.f32 v23, v22;
	v26 =	vmul.f32 v27, v26;
	v60 =	vadd.f32 v57, v30  }
0x300: {  	v61 =	vadd.f32 v58, v29;
	v62 =	vadd.f32 v59, v31  }
0x301: {  	s29 =	sadd.s32 $0x2, s29;
	v22 =	vadd.f32 v22, v28;
	v23 =	vadd.f32 v26, v60  }
0x302: {  	p0 =	slt.u32 s29, $0x1E;
	v20 =	vadd.f32 v24, v20;
	v63 =	vadd.f32 v62, v61  }
.Ltmp3:
0x303: {  	v21 =	vadd.f32 v25, v21;
	v22 =	vadd.f32 v23, v22;
	(pc) =	sbr.rel @p0 .LBB2_5-.Ltmp3, $4  }
0x304: {  	[tilespmem:s1+$0xFFFFFF70] =	vst v19;
	v19 =	vadd.f32 v63, v20  }
0x305: {  	[tilespmem:s1+$0xFFFFFF80] =	vst v18;
	v18 =	vadd.f32 v22, v21  }
0x306: {  	[tilespmem:s1+$0xFFFFFFF0] =	vst v19  }
0x307: {  	s31 =	sadd.s32 $0x100, s31;
	s30 =	sadd.s32 $0x100, s30;
	[tilespmem:s1+$0x0] =	vst v18;
	s1 =	sadd.s32 $0x100, s1  }
.Ltmp4:
0x308: {  	(pc) =	sbr.rel @p1 .LBB2_8-.Ltmp4, $4  }
0x309: {  	s1 =	sadd.s32 s28, s13  }
0x30a: {  	s1 =	sshrl.u32 s1, $0x3  }
0x30b: {  	s1 =	sadd.s32 s6, s1  }
0x30c: {  	[hbm4b:s1+s2] =	stream.linear.scatter [tilespmem:s23], [sflag:$0x3], $0x1000, $0x38;
	[tilespmem:$0x1E000] =	vst v63  }
0x30d: {  	s1 =	sadd.s32 s28, s14  }
.Ltmp5:
0x30e: {  	s1 =	sshrl.u32 s1, $0x3;
	(pc) =	sbr.rel .LBB2_2-.Ltmp5, $4  }
0x30f: {  	s31 =	sadd.s32 s3, s1  }
0x310: {  	[tilespmem:s19], [sflag:$0x2] =	stream.linear.gather [hbm4b:s31+s2], $0x1000, $0x38;
	[tilespmem:$0x1E000] =	vst v63  }
0x311: {  	s26 =	sadd.s32 $0x1, s26;
	s1 =	sadd.s32 s4, s1  }
0x312: {  	[tilespmem:s20], [sflag:$0x2] =	stream.linear.gather [hbm4b:s1+s2], $0x1000, $0x38;
	[tilespmem:$0x1E000] =	vst v63  }
.LBB2_9:
0x313: {  	_ =	sfence.sel $0x180000  }
0x314: {  	[bflag:$0x0] =	sbarrier.arrive $0xFFFF  }
0x315: {  	_ =	strace $0x90000047  }
0x316: {  	[bflag:$0x2] =	sbarrier.arrive $0xFFFF  }
0x317: {  	p0 =	sne.s32 s0, $0x0;
	s0 =	rddreg [dreg:$0x1]  }
0x318: {  	s0 =	sadd.s32 @!p0 $0x100000, s0  }
0x319: {  	[sflag:s0] =	ssyncadd.tile.s32 @!p0 $0x1;
	_ =	shalt  }
.Lfunc_end2:
_tile_overlayer_lowered:
.L_overlay_start_2:
0x31a: {  	(tag) =	ssettag $0x2  }
0x31b: {  	s0 =	rddreg [dreg:$0x0];
	s2 =	stileid.u32  }
0x31c: {  	s1 =	rddreg [dreg:$0x1];
	p0 =	sne.s32 s2, $0x0  }
0x31d: {  	s3 =	rddreg [dreg:$0x2];
	[bflag:$0x3] =	sbarrier.arrive $0xFFFF;
	s2 =	simm.s32 @!p0 $0x1C04  }
0x31e: {  	[timem:s3], [sflag:s2] =	dma.local @!p0 [hbm:s0], s1  }
0x31f: {  	s0 =	simm.s32 @!p0 $0x4  }
0x320: {  	_ =	swait.ge @!p0 [sflag:s0], s1  }
0x321: {  	s1 =	ssub.s32 @!p0 $0x0, s1;
	[sflag:s0] =	ssyncset.done @!p0 $0x0  }
0x322: {  	[sflag:s0] =	ssyncadd.s32 @!p0 s1  }
0x323: {  	[bflag:$0x3] =	sbarrier.arrive $0xFFFF  }
0x324: {  	_ =	shalt  }

</sc_bundles>
